<compile_context>
chip_gen: v7x
topology: tpu7x:2x2x1
jax: 0.10.2.dev20260603
libtpu: 0.0.44.dev20260713+nightly
codegen_flags: <defaults>
</compile_context>

<pallas_src>
import functools

import jax
import jax.numpy as jnp
from jax import lax
from jax.experimental import pallas as pl
from jax.experimental.pallas import tpu as pltpu
from jax.experimental.pallas import tpu_sc as plsc

_RHO = 0.5
_BETA = float(1.0 + (1.0 / 99.0) * (0.1 - 1.0))

_N, _K, _D = 4096, 32, 64
_H = 2
_NH = _N // _H
_B = _NH * _K
_NW = 32
_CH = 128
_NCHT = _N // _CH
_NCH = _NH // _CH
_NBUF = 4


def _make_gather_body(h):
    def _gather_body(idx_hbm, table_hbm, out_hbm, idx_v, rows_v,
                     in_sems, out_sems):
        cid = lax.axis_index("c")
        sid = lax.axis_index("s")
        wid = sid * 2 + cid

        pltpu.sync_copy(idx_hbm.at[pl.ds(wid * _NCHT + h * _NCH, _NCH)], idx_v)

        def g_start(chunk, slot):
            pltpu.make_async_copy(
                table_hbm.at[idx_v.at[chunk]], rows_v.at[slot],
                in_sems.at[slot]
            ).start()

        def g_wait(slot):
            pltpu.make_async_copy(
                table_hbm.at[idx_v.at[0]], rows_v.at[slot], in_sems.at[slot]
            ).wait()

        def o_start(chunk, slot):
            pltpu.make_async_copy(
                rows_v.at[slot],
                out_hbm.at[pl.ds(chunk * _CH, _CH), wid, pl.ds(0, _D)],
                out_sems.at[slot]
            ).start()

        def o_wait(slot):
            pltpu.make_async_copy(
                rows_v.at[slot],
                out_hbm.at[pl.ds(0, _CH), wid, pl.ds(0, _D)],
                out_sems.at[slot]
            ).wait()

        for c in range(_NBUF):
            g_start(c, c)
        for c in range(_NCH):
            b = c % _NBUF
            g_wait(b)
            o_start(c, b)
            nxt = c + _NBUF
            if nxt < _NCH:
                o_wait(b)
                g_start(nxt, b)
        for c in range(_NCH - _NBUF, _NCH):
            o_wait(c % _NBUF)

    return _gather_body


def _sc_gather(h, idx3, table):
    mesh = plsc.VectorSubcoreMesh(core_axis_name="c", subcore_axis_name="s")
    fn = pl.kernel(
        _make_gather_body(h),
        mesh=mesh,
        out_type=jax.ShapeDtypeStruct((_NH, _K, 2 * _D), jnp.float32),
        scratch_types=[
            pltpu.VMEM((_NCH, _CH), jnp.int32),
            pltpu.VMEM((_NBUF, _CH, _D), jnp.float32),
            pltpu.SemaphoreType.DMA((_NBUF,)),
            pltpu.SemaphoreType.DMA((_NBUF,)),
        ],
        compiler_params=pltpu.CompilerParams(use_tc_tiling_on_sc=False),
    )
    return fn(idx3, table)


_BMT = 8192


def _mcompact_body(mt_ref, out_ref):
    tt = jnp.transpose(mt_ref[...])
    m3 = tt.reshape(_BMT // 2, 2, _D)
    out_ref[...] = jnp.concatenate([m3[:, 0, :], m3[:, 1, :]], axis=1)


def _mcompact(MT):
    V = MT.shape[1]
    return pl.pallas_call(
        _mcompact_body,
        grid=((V + _BMT - 1) // _BMT,),
        in_specs=[pl.BlockSpec((_D, _BMT), lambda i: (0, i))],
        out_specs=pl.BlockSpec((_BMT // 2, 2 * _D), lambda i: (i, 0)),
        out_shape=jax.ShapeDtypeStruct((V // 2, 2 * _D), jnp.float32),
    )(MT)


def _idxcopy_body(i_ref, o_ref):
    o_ref[...] = i_ref[...]


def _idxcopy(idx2):
    return pl.pallas_call(
        _idxcopy_body,
        out_shape=jax.ShapeDtypeStruct(idx2.shape, jnp.int32),
    )(idx2)


_BN = 512
_GRID = _NH // _BN


def _dense_body(p_ref, y_ref, lam_ref, x_ref, w_ref, t_ref,
                pn_ref, yn_ref, lamn_ref, en_ref):
    p = jnp.transpose(p_ref[...])
    y = jnp.transpose(y_ref[...])
    lam = jnp.transpose(lam_ref[...])
    t = t_ref[...][:, :_D].reshape(_BN, _K, _D)
    xw = jax.lax.dot_general(x_ref[...], w_ref[...], (((0,), (0,)), ((), ())),
                             preferred_element_type=jnp.float32)
    y_new = y + jnp.tanh(xw)
    y_from_p = jnp.sum(p[:, :, None] * t, axis=1)
    xi = lam + _RHO * (y_new - y_from_p)
    scores = jnp.sum(t * xi[:, None, :], axis=2)
    logits = jnp.log(p + 1e-9) - _BETA * scores
    m = jnp.max(logits, axis=1, keepdims=True)
    e = jnp.exp(logits - m)
    p_new = e / jnp.sum(e, axis=1, keepdims=True)
    resid2 = y_new - jnp.sum(p_new[:, :, None] * t, axis=1)
    lam_new = lam + _RHO * resid2
    pn_ref[...] = p_new
    yn_ref[...] = y_new
    lamn_ref[...] = lam_new

    @pl.when(pl.program_id(0) == 0)
    def _():
        en_ref[0, 0] = 0.0

    en_ref[0, 0] += (0.5 * _RHO * jnp.sum(resid2 * resid2)
                     + jnp.sum(lam_new * resid2))


def _dense(h, PT, YT, LamT, XT, W_field, T2):
    off = h * _GRID
    return pl.pallas_call(
        _dense_body,
        grid=(_GRID,),
        in_specs=[
            pl.BlockSpec((_K, _BN), lambda i: (0, i + off)),
            pl.BlockSpec((_D, _BN), lambda i: (0, i + off)),
            pl.BlockSpec((_D, _BN), lambda i: (0, i + off)),
            pl.BlockSpec((_D, _BN), lambda i: (0, i + off)),
            pl.BlockSpec((_D, _D), lambda i: (0, 0)),
            pl.BlockSpec((_BN * _K, 2 * _D), lambda i: (i, 0)),
        ],
        out_specs=[
            pl.BlockSpec((_BN, _K), lambda i: (i, 0)),
            pl.BlockSpec((_BN, _D), lambda i: (i, 0)),
            pl.BlockSpec((_BN, _D), lambda i: (i, 0)),
            pl.BlockSpec((1, 1), lambda i: (0, 0),
                         memory_space=pltpu.SMEM),
        ],
        out_shape=[
            jax.ShapeDtypeStruct((_NH, _K), jnp.float32),
            jax.ShapeDtypeStruct((_NH, _D), jnp.float32),
            jax.ShapeDtypeStruct((_NH, _D), jnp.float32),
            jax.ShapeDtypeStruct((1, 1), jnp.float32),
        ],
    )(PT, YT, LamT, XT, W_field, T2)


def kernel(P, Y, Lam, X, M, W_field, Kset):
    idx3 = _idxcopy(Kset.astype(jnp.int32).T.reshape(_NW * _NCHT, _CH))
    table = _mcompact(M.T).reshape(M.shape[0], _D)
    PT, YT, LamT, XT = P.T, Y.T, Lam.T, X.T
    outs = []
    for h in range(_H):
        T2 = _sc_gather(h, idx3, table).reshape(_B, 2 * _D)
        outs.append(_dense(h, PT, YT, LamT, XT, W_field, T2))
    p_new = jnp.concatenate([o[0] for o in outs], axis=0)
    y_new = jnp.concatenate([o[1] for o in outs], axis=0)
    lam_new = jnp.concatenate([o[2] for o in outs], axis=0)
    energy = sum(o[3][0, 0] for o in outs)
    return (p_new, y_new, lam_new, energy)

# --- scband reference (transcript-rebuilt; emitter-appended) ---
"""Pipeline reference for scband-mirror-pdhg-53377853555449 (READ-ONLY COPY).

The authoritative reference and input builder live on the scoring server;
editing this copy changes nothing except your own understanding.
"""

import jax, jax.numpy as jnp
import numpy as np

RHO = 0.5
BETA_START, BETA_END = 1.0, 0.1
T_TRAIN = 100

def _interp(start, end, step=1, total=T_TRAIN):
    # mirrors MirrorPDHG._interp after the first self._iter += 1 (step=1)
    alpha = 0.0 if total == 1 else min(step, total) / (total - 1)
    return float(start + alpha * (end - start))

def setup_inputs(seed: int = 0) -> dict:
    key = jax.random.key(seed)
    ks = jax.random.split(key, 7)
    n, k, d, V = 4096, 32, 64, 100000
    P = jax.random.uniform(ks[0], (n, k), dtype=jnp.float32)
    P = P / P.sum(axis=-1, keepdims=True)  # transport plan rows on the simplex
    Y = jax.random.normal(ks[1], (n, d), dtype=jnp.float32)
    Lam = jax.random.normal(ks[2], (n, d), dtype=jnp.float32)
    X = jax.random.normal(ks[3], (n, d), dtype=jnp.float32)  # Path / control signal
    Kset = jax.random.randint(ks[4], (n, k), 0, V)  # retrieved neighbor ids per token
    M = jax.random.normal(ks[5], (V, d), dtype=jnp.float32)  # memory / key table
    W_field = jax.random.normal(ks[6], (d, d), dtype=jnp.float32) / np.sqrt(d)  # BandedField weights
    return {"P": P, "Y": Y, "Lam": Lam, "X": X, "M": M, "W_field": W_field, "Kset": Kset}

def reference(P, Y, Lam, X, M, W_field, Kset):
    beta = _interp(BETA_START, BETA_END)
    rho = RHO
    # cde_split_step(st.Y, X, field, step=1.0): one explicit CDE-style update
    Y_new = Y + 1.0 * jnp.tanh(X @ W_field)
    # batched_gather_rows: gather Kset rows of M -> (n, k, d)
    T = jnp.take(M, Kset, axis=0)
    # M_T_P: bmm(P.unsqueeze(1), T).squeeze(1)
    Y_from_P = jnp.einsum('nk,nkd->nd', P, T)
    resid = Y_new - Y_from_P
    Xi = Lam + rho * resid
    # scores = bmm(T, Xi.unsqueeze(-1)).squeeze(-1)
    scores = jnp.einsum('nkd,nd->nk', T, Xi)
    # kl_masked_softmax (use_wmf=False, mask all ones): KL-prox / mirror step
    logits = jnp.log(P + 1e-9) - beta * scores
    P_new = jax.nn.softmax(logits, axis=-1)
    resid2 = Y_new - jnp.einsum('nk,nkd->nd', P_new, T)
    Lam_new = Lam + rho * resid2
    # total_energy: augmented-Lagrangian residual energy
    energy = 0.5 * rho * jnp.sum(resid2 ** 2) + jnp.sum(Lam_new * resid2)
    return (P_new, Y_new, Lam_new, energy)

if __name__ == "__main__":
    import jax
    _d = setup_inputs()
    print(jax.jit(kernel)(*tuple(_d.values())))

</pallas_src>

<mosaic_0001>
#map = affine_map<(d0, d1) -> (0, 0)>
#map1 = affine_map<(d0, d1) -> (0, 0, 0)>
module attributes {stable_mosaic.version = 14 : i64} {
  func.func @_gather_body(%arg0: i32, %arg1: i32, %arg2: memref<1024x128xi32, #tpu.memory_space<hbm>>, %arg3: memref<100000x64xf32, #tpu.memory_space<hbm>>, %arg4: memref<2048x32x128xf32, #tpu.memory_space<hbm>>, %arg5: memref<16x128xi32, #tpu.memory_space<vmem>>, %arg6: memref<4x128x64xf32, #tpu.memory_space<vmem>>, %arg7: memref<4x!tpu.dma_semaphore, #tpu.memory_space<semaphore_mem>>, %arg8: memref<4x!tpu.dma_semaphore, #tpu.memory_space<semaphore_mem>>) attributes {dimension_semantics = [#tpu.dimension_semantics<core_parallel>, #tpu.dimension_semantics<subcore_parallel>], iteration_bounds = array<i64: 2, 16>, scalar_prefetch = 0 : i64, scratch_operands = 4 : i64, tpu.core_type = #tpu.core_type<sc_vector_subcore>, window_params = [{transform_indices = #map}, {transform_indices = #map}, {transform_indices = #map1}]} {
    %mul3A = arith.constant 2 : i32
    %mul3A_0 = arith.muli %arg1, %mul3A : i32
    %add3A = arith.addi %mul3A_0, %arg0 : i32
    %mul3A_1 = arith.constant 32 : i32
    %mul3A_2 = arith.muli %add3A, %mul3A_1 : i32
    %add3A_3 = arith.constant 0 : i32
    %add3A_4 = arith.addi %mul3A_2, %add3A_3 : i32
    "tpu.region"() ({
      %run_scoped3A = tpu.sem_alloc : memref<!tpu.dma_semaphore, #tpu.memory_space<semaphore_mem>>
      %dma_start3A_1123 = arith.constant 0 : i32
      %dma_start3A_1124 = tpu.memref_slice %arg2[%add3A_4, %dma_start3A_1123] : memref<1024x128xi32, #tpu.memory_space<hbm>> -> memref<16x128xi32, #tpu.memory_space<hbm>>
      %dma_start3A_1125 = arith.constant 0 : i32
      %dma_start3A_1126 = tpu.memref_slice %arg2[%add3A_4, %dma_start3A_1125] : memref<1024x128xi32, #tpu.memory_space<hbm>> -> memref<16x128xi32, #tpu.memory_space<hbm>>
      tpu.enqueue_dma source(%dma_start3A_1126 : memref<16x128xi32, #tpu.memory_space<hbm>>) target(%arg5 : memref<16x128xi32, #tpu.memory_space<vmem>>) target_semaphore(%run_scoped3A : memref<!tpu.dma_semaphore, #tpu.memory_space<semaphore_mem>>)
      %dma_wait3A_1127 = arith.constant 0 : i32
      %dma_wait3A_1128 = tpu.memref_slice %arg2[%add3A_4, %dma_wait3A_1127] : memref<1024x128xi32, #tpu.memory_space<hbm>> -> memref<16x128xi32, #tpu.memory_space<hbm>>
      %dma_wait3A_1129 = arith.constant 0 : i32
      %dma_wait3A_1130 = tpu.memref_slice %arg2[%add3A_4, %dma_wait3A_1129] : memref<1024x128xi32, #tpu.memory_space<hbm>> -> memref<16x128xi32, #tpu.memory_space<hbm>>
      tpu.wait_dma2 semaphore(%run_scoped3A : memref<!tpu.dma_semaphore, #tpu.memory_space<semaphore_mem>>) src(%dma_wait3A_1130 : memref<16x128xi32, #tpu.memory_space<hbm>>) dst(%arg5 : memref<16x128xi32, #tpu.memory_space<vmem>>)
      tpu.yield
    }) : () -> ()
    %dma_start3A = arith.constant 0 : i32
    %dma_start3A_5 = arith.constant 0 : i32
    %dma_start3A_6 = arith.constant 0 : i32
    %dma_start3A_7 = arith.constant 0 : i32
    %dma_start3A_8 = arith.constant 0 : i32
    %dma_start3A_9 = tpu.memref_slice %arg6[%dma_start3A_5, %dma_start3A_7, %dma_start3A_8] : memref<4x128x64xf32, #tpu.memory_space<vmem>> -> memref<1x128x64xf32, #tpu.memory_space<vmem>>
    %dma_start3A_10 = tpu.memref_squeeze %dma_start3A_9 : memref<1x128x64xf32, #tpu.memory_space<vmem>> -> memref<128x64xf32, #tpu.memory_space<vmem>>
    %dma_start3A_11 = arith.constant 0 : i32
    %dma_start3A_12 = tpu.memref_slice %arg5[%dma_start3A, %dma_start3A_11] : memref<16x128xi32, #tpu.memory_space<vmem>> -> memref<1x128xi32, #tpu.memory_space<vmem>>
    %dma_start3A_13 = tpu.memref_squeeze %dma_start3A_12 : memref<1x128xi32, #tpu.memory_space<vmem>> -> memref<128xi32, #tpu.memory_space<vmem>>
    %dma_start3A_14 = arith.constant 0 : i32
    %dma_start3A_15 = arith.constant 0 : i32
    %dma_start3A_16 = tpu.memref_slice %arg3[%dma_start3A_14, %dma_start3A_15] : memref<100000x64xf32, #tpu.memory_space<hbm>> -> memref<100000x64xf32, #tpu.memory_space<hbm>>
    %dma_start3A_17 = tpu.memref_slice %arg7[%dma_start3A_6] : memref<4x!tpu.dma_semaphore, #tpu.memory_space<semaphore_mem>> -> memref<1x!tpu.dma_semaphore, #tpu.memory_space<semaphore_mem>>
    %dma_start3A_18 = tpu.memref_squeeze %dma_start3A_17 : memref<1x!tpu.dma_semaphore, #tpu.memory_space<semaphore_mem>> -> memref<!tpu.dma_semaphore, #tpu.memory_space<semaphore_mem>>
    tpu.enqueue_indirect_dma source(%dma_start3A_16 : memref<100000x64xf32, #tpu.memory_space<hbm>>) target(%dma_start3A_10 : memref<128x64xf32, #tpu.memory_space<vmem>>) offsets(%dma_start3A_13 : memref<128xi32, #tpu.memory_space<vmem>>) semaphore(%dma_start3A_18 : memref<!tpu.dma_semaphore, #tpu.memory_space<semaphore_mem>>)
    %dma_start3A_19 = arith.constant 1 : i32
    %dma_start3A_20 = arith.constant 1 : i32
    %dma_start3A_21 = arith.constant 1 : i32
    %dma_start3A_22 = arith.constant 0 : i32
    %dma_start3A_23 = arith.constant 0 : i32
    %dma_start3A_24 = tpu.memref_slice %arg6[%dma_start3A_20, %dma_start3A_22, %dma_start3A_23] : memref<4x128x64xf32, #tpu.memory_space<vmem>> -> memref<1x128x64xf32, #tpu.memory_space<vmem>>
    %dma_start3A_25 = tpu.memref_squeeze %dma_start3A_24 : memref<1x128x64xf32, #tpu.memory_space<vmem>> -> memref<128x64xf32, #tpu.memory_space<vmem>>
    %dma_start3A_26 = arith.constant 0 : i32
    %dma_start3A_27 = tpu.memref_slice %arg5[%dma_start3A_19, %dma_start3A_26] : memref<16x128xi32, #tpu.memory_space<vmem>> -> memref<1x128xi32, #tpu.memory_space<vmem>>
    %dma_start3A_28 = tpu.memref_squeeze %dma_start3A_27 : memref<1x128xi32, #tpu.memory_space<vmem>> -> memref<128xi32, #tpu.memory_space<vmem>>
    %dma_start3A_29 = arith.constant 0 : i32
    %dma_start3A_30 = arith.constant 0 : i32
    %dma_start3A_31 = tpu.memref_slice %arg3[%dma_start3A_29, %dma_start3A_30] : memref<100000x64xf32, #tpu.memory_space<hbm>> -> memref<100000x64xf32, #tpu.memory_space<hbm>>
    %dma_start3A_32 = tpu.memref_slice %arg7[%dma_start3A_21] : memref<4x!tpu.dma_semaphore, #tpu.memory_space<semaphore_mem>> -> memref<1x!tpu.dma_semaphore, #tpu.memory_space<semaphore_mem>>
    %dma_start3A_33 = tpu.memref_squeeze %dma_start3A_32 : memref<1x!tpu.dma_semaphore, #tpu.memory_space<semaphore_mem>> -> memref<!tpu.dma_semaphore, #tpu.memory_space<semaphore_mem>>
    tpu.enqueue_indirect_dma source(%dma_start3A_31 : memref<100000x64xf32, #tpu.memory_space<hbm>>) target(%dma_start3A_25 : memref<128x64xf32, #tpu.memory_space<vmem>>) offsets(%dma_start3A_28 : memref<128xi32, #tpu.memory_space<vmem>>) semaphore(%dma_start3A_33 : memref<!tpu.dma_semaphore, #tpu.memory_space<semaphore_mem>>)
    %dma_start3A_34 = arith.constant 2 : i32
    %dma_start3A_35 = arith.constant 2 : i32
    %dma_start3A_36 = arith.constant 2 : i32
    %dma_start3A_37 = arith.constant 0 : i32
    %dma_start3A_38 = arith.constant 0 : i32
    %dma_start3A_39 = tpu.memref_slice %arg6[%dma_start3A_35, %dma_start3A_37, %dma_start3A_38] : memref<4x128x64xf32, #tpu.memory_space<vmem>> -> memref<1x128x64xf32, #tpu.memory_space<vmem>>
    %dma_start3A_40 = tpu.memref_squeeze %dma_start3A_39 : memref<1x128x64xf32, #tpu.memory_space<vmem>> -> memref<128x64xf32, #tpu.memory_space<vmem>>
    %dma_start3A_41 = arith.constant 0 : i32
    %dma_start3A_42 = tpu.memref_slice %arg5[%dma_start3A_34, %dma_start3A_41] : memref<16x128xi32, #tpu.memory_space<vmem>> -> memref<1x128xi32, #tpu.memory_space<vmem>>
    %dma_start3A_43 = tpu.memref_squeeze %dma_start3A_42 : memref<1x128xi32, #tpu.memory_space<vmem>> -> memref<128xi32, #tpu.memory_space<vmem>>
    %dma_start3A_44 = arith.constant 0 : i32
    %dma_start3A_45 = arith.constant 0 : i32
    %dma_start3A_46 = tpu.memref_slice %arg3[%dma_start3A_44, %dma_start3A_45] : memref<100000x64xf32, #tpu.memory_space<hbm>> -> memref<100000x64xf32, #tpu.memory_space<hbm>>
    %dma_start3A_47 = tpu.memref_slice %arg7[%dma_start3A_36] : memref<4x!tpu.dma_semaphore, #tpu.memory_space<semaphore_mem>> -> memref<1x!tpu.dma_semaphore, #tpu.memory_space<semaphore_mem>>
    %dma_start3A_48 = tpu.memref_squeeze %dma_start3A_47 : memref<1x!tpu.dma_semaphore, #tpu.memory_space<semaphore_mem>> -> memref<!tpu.dma_semaphore, #tpu.memory_space<semaphore_mem>>
    tpu.enqueue_indirect_dma source(%dma_start3A_46 : memref<100000x64xf32, #tpu.memory_space<hbm>>) target(%dma_start3A_40 : memref<128x64xf32, #tpu.memory_space<vmem>>) offsets(%dma_start3A_43 : memref<128xi32, #tpu.memory_space<vmem>>) semaphore(%dma_start3A_48 : memref<!tpu.dma_semaphore, #tpu.memory_space<semaphore_mem>>)
    %dma_start3A_49 = arith.constant 3 : i32
    %dma_start3A_50 = arith.constant 3 : i32
    %dma_start3A_51 = arith.constant 3 : i32
    %dma_start3A_52 = arith.constant 0 : i32
    %dma_start3A_53 = arith.constant 0 : i32
    %dma_start3A_54 = tpu.memref_slice %arg6[%dma_start3A_50, %dma_start3A_52, %dma_start3A_53] : memref<4x128x64xf32, #tpu.memory_space<vmem>> -> memref<1x128x64xf32, #tpu.memory_space<vmem>>
    %dma_start3A_55 = tpu.memref_squeeze %dma_start3A_54 : memref<1x128x64xf32, #tpu.memory_space<vmem>> -> memref<128x64xf32, #tpu.memory_space<vmem>>
    %dma_start3A_56 = arith.constant 0 : i32
    %dma_start3A_57 = tpu.memref_slice %arg5[%dma_start3A_49, %dma_start3A_56] : memref<16x128xi32, #tpu.memory_space<vmem>> -> memref<1x128xi32, #tpu.memory_space<vmem>>
    %dma_start3A_58 = tpu.memref_squeeze %dma_start3A_57 : memref<1x128xi32, #tpu.memory_space<vmem>> -> memref<128xi32, #tpu.memory_space<vmem>>
    %dma_start3A_59 = arith.constant 0 : i32
    %dma_start3A_60 = arith.constant 0 : i32
    %dma_start3A_61 = tpu.memref_slice %arg3[%dma_start3A_59, %dma_start3A_60] : memref<100000x64xf32, #tpu.memory_space<hbm>> -> memref<100000x64xf32, #tpu.memory_space<hbm>>
    %dma_start3A_62 = tpu.memref_slice %arg7[%dma_start3A_51] : memref<4x!tpu.dma_semaphore, #tpu.memory_space<semaphore_mem>> -> memref<1x!tpu.dma_semaphore, #tpu.memory_space<semaphore_mem>>
    %dma_start3A_63 = tpu.memref_squeeze %dma_start3A_62 : memref<1x!tpu.dma_semaphore, #tpu.memory_space<semaphore_mem>> -> memref<!tpu.dma_semaphore, #tpu.memory_space<semaphore_mem>>
    tpu.enqueue_indirect_dma source(%dma_start3A_61 : memref<100000x64xf32, #tpu.memory_space<hbm>>) target(%dma_start3A_55 : memref<128x64xf32, #tpu.memory_space<vmem>>) offsets(%dma_start3A_58 : memref<128xi32, #tpu.memory_space<vmem>>) semaphore(%dma_start3A_63 : memref<!tpu.dma_semaphore, #tpu.memory_space<semaphore_mem>>)
    %dma_wait3A = arith.constant 0 : i32
    %dma_wait3A_64 = arith.constant 0 : i32
    %dma_wait3A_65 = arith.constant 0 : i32
    %dma_wait3A_66 = arith.constant 0 : i32
    %dma_wait3A_67 = arith.constant 0 : i32
    %dma_wait3A_68 = tpu.memref_slice %arg6[%dma_wait3A_64, %dma_wait3A_66, %dma_wait3A_67] : memref<4x128x64xf32, #tpu.memory_space<vmem>> -> memref<1x128x64xf32, #tpu.memory_space<vmem>>
    %dma_wait3A_69 = tpu.memref_squeeze %dma_wait3A_68 : memref<1x128x64xf32, #tpu.memory_space<vmem>> -> memref<128x64xf32, #tpu.memory_space<vmem>>
    %dma_wait3A_70 = arith.constant 0 : i32
    %dma_wait3A_71 = tpu.memref_slice %arg5[%dma_wait3A, %dma_wait3A_70] : memref<16x128xi32, #tpu.memory_space<vmem>> -> memref<1x128xi32, #tpu.memory_space<vmem>>
    %dma_wait3A_72 = tpu.memref_squeeze %dma_wait3A_71 : memref<1x128xi32, #tpu.memory_space<vmem>> -> memref<128xi32, #tpu.memory_space<vmem>>
    %dma_wait3A_73 = arith.constant 0 : i32
    %dma_wait3A_74 = arith.constant 0 : i32
    %dma_wait3A_75 = tpu.memref_slice %arg3[%dma_wait3A_73, %dma_wait3A_74] : memref<100000x64xf32, #tpu.memory_space<hbm>> -> memref<100000x64xf32, #tpu.memory_space<hbm>>
    %dma_wait3A_76 = tpu.memref_slice %arg7[%dma_wait3A_65] : memref<4x!tpu.dma_semaphore, #tpu.memory_space<semaphore_mem>> -> memref<1x!tpu.dma_semaphore, #tpu.memory_space<semaphore_mem>>
    %dma_wait3A_77 = tpu.memref_squeeze %dma_wait3A_76 : memref<1x!tpu.dma_semaphore, #tpu.memory_space<semaphore_mem>> -> memref<!tpu.dma_semaphore, #tpu.memory_space<semaphore_mem>>
    tpu.wait_indirect_dma semaphore(%dma_wait3A_77 : memref<!tpu.dma_semaphore, #tpu.memory_space<semaphore_mem>>) src(%dma_wait3A_75 : memref<100000x64xf32, #tpu.memory_space<hbm>>) dst(%dma_wait3A_69 : memref<128x64xf32, #tpu.memory_space<vmem>>)
    %dma_start3A_78 = arith.constant 0 : i32
    %dma_start3A_79 = arith.constant 0 : i32
    %dma_start3A_80 = arith.constant 0 : i32
    %dma_start3A_81 = arith.constant 0 : i32
    %dma_start3A_82 = tpu.memref_slice %arg6[%dma_start3A_78, %dma_start3A_80, %dma_start3A_81] : memref<4x128x64xf32, #tpu.memory_space<vmem>> -> memref<1x128x64xf32, #tpu.memory_space<vmem>>
    %dma_start3A_83 = tpu.memref_squeeze %dma_start3A_82 : memref<1x128x64xf32, #tpu.memory_space<vmem>> -> memref<128x64xf32, #tpu.memory_space<vmem>>
    %dma_start3A_84 = arith.constant 0 : i32
    %dma_start3A_85 = arith.constant 0 : i32
    %dma_start3A_86 = tpu.memref_slice %arg4[%dma_start3A_84, %add3A, %dma_start3A_85] : memref<2048x32x128xf32, #tpu.memory_space<hbm>> -> memref<128x1x64xf32, #tpu.memory_space<hbm>>
    %dma_start3A_87 = tpu.memref_squeeze %dma_start3A_86 : memref<128x1x64xf32, #tpu.memory_space<hbm>> -> memref<128x64xf32, #tpu.memory_space<hbm>>
    %dma_start3A_88 = tpu.memref_slice %arg8[%dma_start3A_79] : memref<4x!tpu.dma_semaphore, #tpu.memory_space<semaphore_mem>> -> memref<1x!tpu.dma_semaphore, #tpu.memory_space<semaphore_mem>>
    %dma_start3A_89 = tpu.memref_squeeze %dma_start3A_88 : memref<1x!tpu.dma_semaphore, #tpu.memory_space<semaphore_mem>> -> memref<!tpu.dma_semaphore, #tpu.memory_space<semaphore_mem>>
    %dma_start3A_90 = arith.constant 0 : i32
    %dma_start3A_91 = arith.constant 0 : i32
    %dma_start3A_92 = tpu.memref_slice %arg4[%dma_start3A_90, %add3A, %dma_start3A_91] : memref<2048x32x128xf32, #tpu.memory_space<hbm>> -> memref<128x1x64xf32, #tpu.memory_space<hbm>>
    %dma_start3A_93 = tpu.memref_squeeze %dma_start3A_92 : memref<128x1x64xf32, #tpu.memory_space<hbm>> -> memref<128x64xf32, #tpu.memory_space<hbm>>
    %dma_start3A_94 = arith.constant 0 : i32
    %dma_start3A_95 = arith.constant 0 : i32
    %dma_start3A_96 = tpu.memref_slice %arg6[%dma_start3A_78, %dma_start3A_94, %dma_start3A_95] : memref<4x128x64xf32, #tpu.memory_space<vmem>> -> memref<1x128x64xf32, #tpu.memory_space<vmem>>
    %dma_start3A_97 = tpu.memref_squeeze %dma_start3A_96 : memref<1x128x64xf32, #tpu.memory_space<vmem>> -> memref<128x64xf32, #tpu.memory_space<vmem>>
    tpu.enqueue_dma source(%dma_start3A_97 : memref<128x64xf32, #tpu.memory_space<vmem>>) target(%dma_start3A_93 : memref<128x64xf32, #tpu.memory_space<hbm>>) target_semaphore(%dma_start3A_89 : memref<!tpu.dma_semaphore, #tpu.memory_space<semaphore_mem>>)
    %dma_wait3A_98 = arith.constant 0 : i32
    %dma_wait3A_99 = arith.constant 0 : i32
    %dma_wait3A_100 = arith.constant 0 : i32
    %dma_wait3A_101 = arith.constant 0 : i32
    %dma_wait3A_102 = tpu.memref_slice %arg6[%dma_wait3A_98, %dma_wait3A_100, %dma_wait3A_101] : memref<4x128x64xf32, #tpu.memory_space<vmem>> -> memref<1x128x64xf32, #tpu.memory_space<vmem>>
    %dma_wait3A_103 = tpu.memref_squeeze %dma_wait3A_102 : memref<1x128x64xf32, #tpu.memory_space<vmem>> -> memref<128x64xf32, #tpu.memory_space<vmem>>
    %dma_wait3A_104 = arith.constant 0 : i32
    %dma_wait3A_105 = arith.constant 0 : i32
    %dma_wait3A_106 = tpu.memref_slice %arg4[%dma_wait3A_104, %add3A, %dma_wait3A_105] : memref<2048x32x128xf32, #tpu.memory_space<hbm>> -> memref<128x1x64xf32, #tpu.memory_space<hbm>>
    %dma_wait3A_107 = tpu.memref_squeeze %dma_wait3A_106 : memref<128x1x64xf32, #tpu.memory_space<hbm>> -> memref<128x64xf32, #tpu.memory_space<hbm>>
    %dma_wait3A_108 = tpu.memref_slice %arg8[%dma_wait3A_99] : memref<4x!tpu.dma_semaphore, #tpu.memory_space<semaphore_mem>> -> memref<1x!tpu.dma_semaphore, #tpu.memory_space<semaphore_mem>>
    %dma_wait3A_109 = tpu.memref_squeeze %dma_wait3A_108 : memref<1x!tpu.dma_semaphore, #tpu.memory_space<semaphore_mem>> -> memref<!tpu.dma_semaphore, #tpu.memory_space<semaphore_mem>>
    %dma_wait3A_110 = arith.constant 0 : i32
    %dma_wait3A_111 = arith.constant 0 : i32
    %dma_wait3A_112 = tpu.memref_slice %arg4[%dma_wait3A_110, %add3A, %dma_wait3A_111] : memref<2048x32x128xf32, #tpu.memory_space<hbm>> -> memref<128x1x64xf32, #tpu.memory_space<hbm>>
    %dma_wait3A_113 = tpu.memref_squeeze %dma_wait3A_112 : memref<128x1x64xf32, #tpu.memory_space<hbm>> -> memref<128x64xf32, #tpu.memory_space<hbm>>
    %dma_wait3A_114 = arith.constant 0 : i32
    %dma_wait3A_115 = arith.constant 0 : i32
    %dma_wait3A_116 = tpu.memref_slice %arg6[%dma_wait3A_98, %dma_wait3A_114, %dma_wait3A_115] : memref<4x128x64xf32, #tpu.memory_space<vmem>> -> memref<1x128x64xf32, #tpu.memory_space<vmem>>
    %dma_wait3A_117 = tpu.memref_squeeze %dma_wait3A_116 : memref<1x128x64xf32, #tpu.memory_space<vmem>> -> memref<128x64xf32, #tpu.memory_space<vmem>>
    tpu.wait_dma2 semaphore(%dma_wait3A_109 : memref<!tpu.dma_semaphore, #tpu.memory_space<semaphore_mem>>) src(%dma_wait3A_117 : memref<128x64xf32, #tpu.memory_space<vmem>>) dst(%dma_wait3A_113 : memref<128x64xf32, #tpu.memory_space<hbm>>)
    %dma_start3A_118 = arith.constant 4 : i32
    %dma_start3A_119 = arith.constant 0 : i32
    %dma_start3A_120 = arith.constant 0 : i32
    %dma_start3A_121 = arith.constant 0 : i32
    %dma_start3A_122 = arith.constant 0 : i32
    %dma_start3A_123 = tpu.memref_slice %arg6[%dma_start3A_119, %dma_start3A_121, %dma_start3A_122] : memref<4x128x64xf32, #tpu.memory_space<vmem>> -> memref<1x128x64xf32, #tpu.memory_space<vmem>>
    %dma_start3A_124 = tpu.memref_squeeze %dma_start3A_123 : memref<1x128x64xf32, #tpu.memory_space<vmem>> -> memref<128x64xf32, #tpu.memory_space<vmem>>
    %dma_start3A_125 = arith.constant 0 : i32
    %dma_start3A_126 = tpu.memref_slice %arg5[%dma_start3A_118, %dma_start3A_125] : memref<16x128xi32, #tpu.memory_space<vmem>> -> memref<1x128xi32, #tpu.memory_space<vmem>>
    %dma_start3A_127 = tpu.memref_squeeze %dma_start3A_126 : memref<1x128xi32, #tpu.memory_space<vmem>> -> memref<128xi32, #tpu.memory_space<vmem>>
    %dma_start3A_128 = arith.constant 0 : i32
    %dma_start3A_129 = arith.constant 0 : i32
    %dma_start3A_130 = tpu.memref_slice %arg3[%dma_start3A_128, %dma_start3A_129] : memref<100000x64xf32, #tpu.memory_space<hbm>> -> memref<100000x64xf32, #tpu.memory_space<hbm>>
    %dma_start3A_131 = tpu.memref_slice %arg7[%dma_start3A_120] : memref<4x!tpu.dma_semaphore, #tpu.memory_space<semaphore_mem>> -> memref<1x!tpu.dma_semaphore, #tpu.memory_space<semaphore_mem>>
    %dma_start3A_132 = tpu.memref_squeeze %dma_start3A_131 : memref<1x!tpu.dma_semaphore, #tpu.memory_space<semaphore_mem>> -> memref<!tpu.dma_semaphore, #tpu.memory_space<semaphore_mem>>
    tpu.enqueue_indirect_dma source(%dma_start3A_130 : memref<100000x64xf32, #tpu.memory_space<hbm>>) target(%dma_start3A_124 : memref<128x64xf32, #tpu.memory_space<vmem>>) offsets(%dma_start3A_127 : memref<128xi32, #tpu.memory_space<vmem>>) semaphore(%dma_start3A_132 : memref<!tpu.dma_semaphore, #tpu.memory_space<semaphore_mem>>)
    %dma_wait3A_133 = arith.constant 0 : i32
    %dma_wait3A_134 = arith.constant 1 : i32
    %dma_wait3A_135 = arith.constant 1 : i32
    %dma_wait3A_136 = arith.constant 0 : i32
    %dma_wait3A_137 = arith.constant 0 : i32
    %dma_wait3A_138 = tpu.memref_slice %arg6[%dma_wait3A_134, %dma_wait3A_136, %dma_wait3A_137] : memref<4x128x64xf32, #tpu.memory_space<vmem>> -> memref<1x128x64xf32, #tpu.memory_space<vmem>>
    %dma_wait3A_139 = tpu.memref_squeeze %dma_wait3A_138 : memref<1x128x64xf32, #tpu.memory_space<vmem>> -> memref<128x64xf32, #tpu.memory_space<vmem>>
    %dma_wait3A_140 = arith.constant 0 : i32
    %dma_wait3A_141 = tpu.memref_slice %arg5[%dma_wait3A_133, %dma_wait3A_140] : memref<16x128xi32, #tpu.memory_space<vmem>> -> memref<1x128xi32, #tpu.memory_space<vmem>>
    %dma_wait3A_142 = tpu.memref_squeeze %dma_wait3A_141 : memref<1x128xi32, #tpu.memory_space<vmem>> -> memref<128xi32, #tpu.memory_space<vmem>>
    %dma_wait3A_143 = arith.constant 0 : i32
    %dma_wait3A_144 = arith.constant 0 : i32
    %dma_wait3A_145 = tpu.memref_slice %arg3[%dma_wait3A_143, %dma_wait3A_144] : memref<100000x64xf32, #tpu.memory_space<hbm>> -> memref<100000x64xf32, #tpu.memory_space<hbm>>
    %dma_wait3A_146 = tpu.memref_slice %arg7[%dma_wait3A_135] : memref<4x!tpu.dma_semaphore, #tpu.memory_space<semaphore_mem>> -> memref<1x!tpu.dma_semaphore, #tpu.memory_space<semaphore_mem>>
    %dma_wait3A_147 = tpu.memref_squeeze %dma_wait3A_146 : memref<1x!tpu.dma_semaphore, #tpu.memory_space<semaphore_mem>> -> memref<!tpu.dma_semaphore, #tpu.memory_space<semaphore_mem>>
    tpu.wait_indirect_dma semaphore(%dma_wait3A_147 : memref<!tpu.dma_semaphore, #tpu.memory_space<semaphore_mem>>) src(%dma_wait3A_145 : memref<100000x64xf32, #tpu.memory_space<hbm>>) dst(%dma_wait3A_139 : memref<128x64xf32, #tpu.memory_space<vmem>>)
    %dma_start3A_148 = arith.constant 1 : i32
    %dma_start3A_149 = arith.constant 1 : i32
    %dma_start3A_150 = arith.constant 0 : i32
    %dma_start3A_151 = arith.constant 0 : i32
    %dma_start3A_152 = tpu.memref_slice %arg6[%dma_start3A_148, %dma_start3A_150, %dma_start3A_151] : memref<4x128x64xf32, #tpu.memory_space<vmem>> -> memref<1x128x64xf32, #tpu.memory_space<vmem>>
    %dma_start3A_153 = tpu.memref_squeeze %dma_start3A_152 : memref<1x128x64xf32, #tpu.memory_space<vmem>> -> memref<128x64xf32, #tpu.memory_space<vmem>>
    %dma_start3A_154 = arith.constant 128 : i32
    %dma_start3A_155 = arith.constant 0 : i32
    %dma_start3A_156 = tpu.memref_slice %arg4[%dma_start3A_154, %add3A, %dma_start3A_155] : memref<2048x32x128xf32, #tpu.memory_space<hbm>> -> memref<128x1x64xf32, #tpu.memory_space<hbm>>
    %dma_start3A_157 = tpu.memref_squeeze %dma_start3A_156 : memref<128x1x64xf32, #tpu.memory_space<hbm>> -> memref<128x64xf32, #tpu.memory_space<hbm>>
    %dma_start3A_158 = tpu.memref_slice %arg8[%dma_start3A_149] : memref<4x!tpu.dma_semaphore, #tpu.memory_space<semaphore_mem>> -> memref<1x!tpu.dma_semaphore, #tpu.memory_space<semaphore_mem>>
    %dma_start3A_159 = tpu.memref_squeeze %dma_start3A_158 : memref<1x!tpu.dma_semaphore, #tpu.memory_space<semaphore_mem>> -> memref<!tpu.dma_semaphore, #tpu.memory_space<semaphore_mem>>
    %dma_start3A_160 = arith.constant 128 : i32
    %dma_start3A_161 = arith.constant 0 : i32
    %dma_start3A_162 = tpu.memref_slice %arg4[%dma_start3A_160, %add3A, %dma_start3A_161] : memref<2048x32x128xf32, #tpu.memory_space<hbm>> -> memref<128x1x64xf32, #tpu.memory_space<hbm>>
    %dma_start3A_163 = tpu.memref_squeeze %dma_start3A_162 : memref<128x1x64xf32, #tpu.memory_space<hbm>> -> memref<128x64xf32, #tpu.memory_space<hbm>>
    %dma_start3A_164 = arith.constant 0 : i32
    %dma_start3A_165 = arith.constant 0 : i32
    %dma_start3A_166 = tpu.memref_slice %arg6[%dma_start3A_148, %dma_start3A_164, %dma_start3A_165] : memref<4x128x64xf32, #tpu.memory_space<vmem>> -> memref<1x128x64xf32, #tpu.memory_space<vmem>>
    %dma_start3A_167 = tpu.memref_squeeze %dma_start3A_166 : memref<1x128x64xf32, #tpu.memory_space<vmem>> -> memref<128x64xf32, #tpu.memory_space<vmem>>
    tpu.enqueue_dma source(%dma_start3A_167 : memref<128x64xf32, #tpu.memory_space<vmem>>) target(%dma_start3A_163 : memref<128x64xf32, #tpu.memory_space<hbm>>) target_semaphore(%dma_start3A_159 : memref<!tpu.dma_semaphore, #tpu.memory_space<semaphore_mem>>)
    %dma_wait3A_168 = arith.constant 1 : i32
    %dma_wait3A_169 = arith.constant 1 : i32
    %dma_wait3A_170 = arith.constant 0 : i32
    %dma_wait3A_171 = arith.constant 0 : i32
    %dma_wait3A_172 = tpu.memref_slice %arg6[%dma_wait3A_168, %dma_wait3A_170, %dma_wait3A_171] : memref<4x128x64xf32, #tpu.memory_space<vmem>> -> memref<1x128x64xf32, #tpu.memory_space<vmem>>
    %dma_wait3A_173 = tpu.memref_squeeze %dma_wait3A_172 : memref<1x128x64xf32, #tpu.memory_space<vmem>> -> memref<128x64xf32, #tpu.memory_space<vmem>>
    %dma_wait3A_174 = arith.constant 0 : i32
    %dma_wait3A_175 = arith.constant 0 : i32
    %dma_wait3A_176 = tpu.memref_slice %arg4[%dma_wait3A_174, %add3A, %dma_wait3A_175] : memref<2048x32x128xf32, #tpu.memory_space<hbm>> -> memref<128x1x64xf32, #tpu.memory_space<hbm>>
    %dma_wait3A_177 = tpu.memref_squeeze %dma_wait3A_176 : memref<128x1x64xf32, #tpu.memory_space<hbm>> -> memref<128x64xf32, #tpu.memory_space<hbm>>
    %dma_wait3A_178 = tpu.memref_slice %arg8[%dma_wait3A_169] : memref<4x!tpu.dma_semaphore, #tpu.memory_space<semaphore_mem>> -> memref<1x!tpu.dma_semaphore, #tpu.memory_space<semaphore_mem>>
    %dma_wait3A_179 = tpu.memref_squeeze %dma_wait3A_178 : memref<1x!tpu.dma_semaphore, #tpu.memory_space<semaphore_mem>> -> memref<!tpu.dma_semaphore, #tpu.memory_space<semaphore_mem>>
    %dma_wait3A_180 = arith.constant 0 : i32
    %dma_wait3A_181 = arith.constant 0 : i32
    %dma_wait3A_182 = tpu.memref_slice %arg4[%dma_wait3A_180, %add3A, %dma_wait3A_181] : memref<2048x32x128xf32, #tpu.memory_space<hbm>> -> memref<128x1x64xf32, #tpu.memory_space<hbm>>
    %dma_wait3A_183 = tpu.memref_squeeze %dma_wait3A_182 : memref<128x1x64xf32, #tpu.memory_space<hbm>> -> memref<128x64xf32, #tpu.memory_space<hbm>>
    %dma_wait3A_184 = arith.constant 0 : i32
    %dma_wait3A_185 = arith.constant 0 : i32
    %dma_wait3A_186 = tpu.memref_slice %arg6[%dma_wait3A_168, %dma_wait3A_184, %dma_wait3A_185] : memref<4x128x64xf32, #tpu.memory_space<vmem>> -> memref<1x128x64xf32, #tpu.memory_space<vmem>>
    %dma_wait3A_187 = tpu.memref_squeeze %dma_wait3A_186 : memref<1x128x64xf32, #tpu.memory_space<vmem>> -> memref<128x64xf32, #tpu.memory_space<vmem>>
    tpu.wait_dma2 semaphore(%dma_wait3A_179 : memref<!tpu.dma_semaphore, #tpu.memory_space<semaphore_mem>>) src(%dma_wait3A_187 : memref<128x64xf32, #tpu.memory_space<vmem>>) dst(%dma_wait3A_183 : memref<128x64xf32, #tpu.memory_space<hbm>>)
    %dma_start3A_188 = arith.constant 5 : i32
    %dma_start3A_189 = arith.constant 1 : i32
    %dma_start3A_190 = arith.constant 1 : i32
    %dma_start3A_191 = arith.constant 0 : i32
    %dma_start3A_192 = arith.constant 0 : i32
    %dma_start3A_193 = tpu.memref_slice %arg6[%dma_start3A_189, %dma_start3A_191, %dma_start3A_192] : memref<4x128x64xf32, #tpu.memory_space<vmem>> -> memref<1x128x64xf32, #tpu.memory_space<vmem>>
    %dma_start3A_194 = tpu.memref_squeeze %dma_start3A_193 : memref<1x128x64xf32, #tpu.memory_space<vmem>> -> memref<128x64xf32, #tpu.memory_space<vmem>>
    %dma_start3A_195 = arith.constant 0 : i32
    %dma_start3A_196 = tpu.memref_slice %arg5[%dma_start3A_188, %dma_start3A_195] : memref<16x128xi32, #tpu.memory_space<vmem>> -> memref<1x128xi32, #tpu.memory_space<vmem>>
    %dma_start3A_197 = tpu.memref_squeeze %dma_start3A_196 : memref<1x128xi32, #tpu.memory_space<vmem>> -> memref<128xi32, #tpu.memory_space<vmem>>
    %dma_start3A_198 = arith.constant 0 : i32
    %dma_start3A_199 = arith.constant 0 : i32
    %dma_start3A_200 = tpu.memref_slice %arg3[%dma_start3A_198, %dma_start3A_199] : memref<100000x64xf32, #tpu.memory_space<hbm>> -> memref<100000x64xf32, #tpu.memory_space<hbm>>
    %dma_start3A_201 = tpu.memref_slice %arg7[%dma_start3A_190] : memref<4x!tpu.dma_semaphore, #tpu.memory_space<semaphore_mem>> -> memref<1x!tpu.dma_semaphore, #tpu.memory_space<semaphore_mem>>
    %dma_start3A_202 = tpu.memref_squeeze %dma_start3A_201 : memref<1x!tpu.dma_semaphore, #tpu.memory_space<semaphore_mem>> -> memref<!tpu.dma_semaphore, #tpu.memory_space<semaphore_mem>>
    tpu.enqueue_indirect_dma source(%dma_start3A_200 : memref<100000x64xf32, #tpu.memory_space<hbm>>) target(%dma_start3A_194 : memref<128x64xf32, #tpu.memory_space<vmem>>) offsets(%dma_start3A_197 : memref<128xi32, #tpu.memory_space<vmem>>) semaphore(%dma_start3A_202 : memref<!tpu.dma_semaphore, #tpu.memory_space<semaphore_mem>>)
    %dma_wait3A_203 = arith.constant 0 : i32
    %dma_wait3A_204 = arith.constant 2 : i32
    %dma_wait3A_205 = arith.constant 2 : i32
    %dma_wait3A_206 = arith.constant 0 : i32
    %dma_wait3A_207 = arith.constant 0 : i32
    %dma_wait3A_208 = tpu.memref_slice %arg6[%dma_wait3A_204, %dma_wait3A_206, %dma_wait3A_207] : memref<4x128x64xf32, #tpu.memory_space<vmem>> -> memref<1x128x64xf32, #tpu.memory_space<vmem>>
    %dma_wait3A_209 = tpu.memref_squeeze %dma_wait3A_208 : memref<1x128x64xf32, #tpu.memory_space<vmem>> -> memref<128x64xf32, #tpu.memory_space<vmem>>
    %dma_wait3A_210 = arith.constant 0 : i32
    %dma_wait3A_211 = tpu.memref_slice %arg5[%dma_wait3A_203, %dma_wait3A_210] : memref<16x128xi32, #tpu.memory_space<vmem>> -> memref<1x128xi32, #tpu.memory_space<vmem>>
    %dma_wait3A_212 = tpu.memref_squeeze %dma_wait3A_211 : memref<1x128xi32, #tpu.memory_space<vmem>> -> memref<128xi32, #tpu.memory_space<vmem>>
    %dma_wait3A_213 = arith.constant 0 : i32
    %dma_wait3A_214 = arith.constant 0 : i32
    %dma_wait3A_215 = tpu.memref_slice %arg3[%dma_wait3A_213, %dma_wait3A_214] : memref<100000x64xf32, #tpu.memory_space<hbm>> -> memref<100000x64xf32, #tpu.memory_space<hbm>>
    %dma_wait3A_216 = tpu.memref_slice %arg7[%dma_wait3A_205] : memref<4x!tpu.dma_semaphore, #tpu.memory_space<semaphore_mem>> -> memref<1x!tpu.dma_semaphore, #tpu.memory_space<semaphore_mem>>
    %dma_wait3A_217 = tpu.memref_squeeze %dma_wait3A_216 : memref<1x!tpu.dma_semaphore, #tpu.memory_space<semaphore_mem>> -> memref<!tpu.dma_semaphore, #tpu.memory_space<semaphore_mem>>
    tpu.wait_indirect_dma semaphore(%dma_wait3A_217 : memref<!tpu.dma_semaphore, #tpu.memory_space<semaphore_mem>>) src(%dma_wait3A_215 : memref<100000x64xf32, #tpu.memory_space<hbm>>) dst(%dma_wait3A_209 : memref<128x64xf32, #tpu.memory_space<vmem>>)
    %dma_start3A_218 = arith.constant 2 : i32
    %dma_start3A_219 = arith.constant 2 : i32
    %dma_start3A_220 = arith.constant 0 : i32
    %dma_start3A_221 = arith.constant 0 : i32
    %dma_start3A_222 = tpu.memref_slice %arg6[%dma_start3A_218, %dma_start3A_220, %dma_start3A_221] : memref<4x128x64xf32, #tpu.memory_space<vmem>> -> memref<1x128x64xf32, #tpu.memory_space<vmem>>
    %dma_start3A_223 = tpu.memref_squeeze %dma_start3A_222 : memref<1x128x64xf32, #tpu.memory_space<vmem>> -> memref<128x64xf32, #tpu.memory_space<vmem>>
    %dma_start3A_224 = arith.constant 256 : i32
    %dma_start3A_225 = arith.constant 0 : i32
    %dma_start3A_226 = tpu.memref_slice %arg4[%dma_start3A_224, %add3A, %dma_start3A_225] : memref<2048x32x128xf32, #tpu.memory_space<hbm>> -> memref<128x1x64xf32, #tpu.memory_space<hbm>>
    %dma_start3A_227 = tpu.memref_squeeze %dma_start3A_226 : memref<128x1x64xf32, #tpu.memory_space<hbm>> -> memref<128x64xf32, #tpu.memory_space<hbm>>
    %dma_start3A_228 = tpu.memref_slice %arg8[%dma_start3A_219] : memref<4x!tpu.dma_semaphore, #tpu.memory_space<semaphore_mem>> -> memref<1x!tpu.dma_semaphore, #tpu.memory_space<semaphore_mem>>
    %dma_start3A_229 = tpu.memref_squeeze %dma_start3A_228 : memref<1x!tpu.dma_semaphore, #tpu.memory_space<semaphore_mem>> -> memref<!tpu.dma_semaphore, #tpu.memory_space<semaphore_mem>>
    %dma_start3A_230 = arith.constant 256 : i32
    %dma_start3A_231 = arith.constant 0 : i32
    %dma_start3A_232 = tpu.memref_slice %arg4[%dma_start3A_230, %add3A, %dma_start3A_231] : memref<2048x32x128xf32, #tpu.memory_space<hbm>> -> memref<128x1x64xf32, #tpu.memory_space<hbm>>
    %dma_start3A_233 = tpu.memref_squeeze %dma_start3A_232 : memref<128x1x64xf32, #tpu.memory_space<hbm>> -> memref<128x64xf32, #tpu.memory_space<hbm>>
    %dma_start3A_234 = arith.constant 0 : i32
    %dma_start3A_235 = arith.constant 0 : i32
    %dma_start3A_236 = tpu.memref_slice %arg6[%dma_start3A_218, %dma_start3A_234, %dma_start3A_235] : memref<4x128x64xf32, #tpu.memory_space<vmem>> -> memref<1x128x64xf32, #tpu.memory_space<vmem>>
    %dma_start3A_237 = tpu.memref_squeeze %dma_start3A_236 : memref<1x128x64xf32, #tpu.memory_space<vmem>> -> memref<128x64xf32, #tpu.memory_space<vmem>>
    tpu.enqueue_dma source(%dma_start3A_237 : memref<128x64xf32, #tpu.memory_space<vmem>>) target(%dma_start3A_233 : memref<128x64xf32, #tpu.memory_space<hbm>>) target_semaphore(%dma_start3A_229 : memref<!tpu.dma_semaphore, #tpu.memory_space<semaphore_mem>>)
    %dma_wait3A_238 = arith.constant 2 : i32
    %dma_wait3A_239 = arith.constant 2 : i32
    %dma_wait3A_240 = arith.constant 0 : i32
    %dma_wait3A_241 = arith.constant 0 : i32
    %dma_wait3A_242 = tpu.memref_slice %arg6[%dma_wait3A_238, %dma_wait3A_240, %dma_wait3A_241] : memref<4x128x64xf32, #tpu.memory_space<vmem>> -> memref<1x128x64xf32, #tpu.memory_space<vmem>>
    %dma_wait3A_243 = tpu.memref_squeeze %dma_wait3A_242 : memref<1x128x64xf32, #tpu.memory_space<vmem>> -> memref<128x64xf32, #tpu.memory_space<vmem>>
    %dma_wait3A_244 = arith.constant 0 : i32
    %dma_wait3A_245 = arith.constant 0 : i32
    %dma_wait3A_246 = tpu.memref_slice %arg4[%dma_wait3A_244, %add3A, %dma_wait3A_245] : memref<2048x32x128xf32, #tpu.memory_space<hbm>> -> memref<128x1x64xf32, #tpu.memory_space<hbm>>
    %dma_wait3A_247 = tpu.memref_squeeze %dma_wait3A_246 : memref<128x1x64xf32, #tpu.memory_space<hbm>> -> memref<128x64xf32, #tpu.memory_space<hbm>>
    %dma_wait3A_248 = tpu.memref_slice %arg8[%dma_wait3A_239] : memref<4x!tpu.dma_semaphore, #tpu.memory_space<semaphore_mem>> -> memref<1x!tpu.dma_semaphore, #tpu.memory_space<semaphore_mem>>
    %dma_wait3A_249 = tpu.memref_squeeze %dma_wait3A_248 : memref<1x!tpu.dma_semaphore, #tpu.memory_space<semaphore_mem>> -> memref<!tpu.dma_semaphore, #tpu.memory_space<semaphore_mem>>
    %dma_wait3A_250 = arith.constant 0 : i32
    %dma_wait3A_251 = arith.constant 0 : i32
    %dma_wait3A_252 = tpu.memref_slice %arg4[%dma_wait3A_250, %add3A, %dma_wait3A_251] : memref<2048x32x128xf32, #tpu.memory_space<hbm>> -> memref<128x1x64xf32, #tpu.memory_space<hbm>>
    %dma_wait3A_253 = tpu.memref_squeeze %dma_wait3A_252 : memref<128x1x64xf32, #tpu.memory_space<hbm>> -> memref<128x64xf32, #tpu.memory_space<hbm>>
    %dma_wait3A_254 = arith.constant 0 : i32
    %dma_wait3A_255 = arith.constant 0 : i32
    %dma_wait3A_256 = tpu.memref_slice %arg6[%dma_wait3A_238, %dma_wait3A_254, %dma_wait3A_255] : memref<4x128x64xf32, #tpu.memory_space<vmem>> -> memref<1x128x64xf32, #tpu.memory_space<vmem>>
    %dma_wait3A_257 = tpu.memref_squeeze %dma_wait3A_256 : memref<1x128x64xf32, #tpu.memory_space<vmem>> -> memref<128x64xf32, #tpu.memory_space<vmem>>
    tpu.wait_dma2 semaphore(%dma_wait3A_249 : memref<!tpu.dma_semaphore, #tpu.memory_space<semaphore_mem>>) src(%dma_wait3A_257 : memref<128x64xf32, #tpu.memory_space<vmem>>) dst(%dma_wait3A_253 : memref<128x64xf32, #tpu.memory_space<hbm>>)
    %dma_start3A_258 = arith.constant 6 : i32
    %dma_start3A_259 = arith.constant 2 : i32
    %dma_start3A_260 = arith.constant 2 : i32
    %dma_start3A_261 = arith.constant 0 : i32
    %dma_start3A_262 = arith.constant 0 : i32
    %dma_start3A_263 = tpu.memref_slice %arg6[%dma_start3A_259, %dma_start3A_261, %dma_start3A_262] : memref<4x128x64xf32, #tpu.memory_space<vmem>> -> memref<1x128x64xf32, #tpu.memory_space<vmem>>
    %dma_start3A_264 = tpu.memref_squeeze %dma_start3A_263 : memref<1x128x64xf32, #tpu.memory_space<vmem>> -> memref<128x64xf32, #tpu.memory_space<vmem>>
    %dma_start3A_265 = arith.constant 0 : i32
    %dma_start3A_266 = tpu.memref_slice %arg5[%dma_start3A_258, %dma_start3A_265] : memref<16x128xi32, #tpu.memory_space<vmem>> -> memref<1x128xi32, #tpu.memory_space<vmem>>
    %dma_start3A_267 = tpu.memref_squeeze %dma_start3A_266 : memref<1x128xi32, #tpu.memory_space<vmem>> -> memref<128xi32, #tpu.memory_space<vmem>>
    %dma_start3A_268 = arith.constant 0 : i32
    %dma_start3A_269 = arith.constant 0 : i32
    %dma_start3A_270 = tpu.memref_slice %arg3[%dma_start3A_268, %dma_start3A_269] : memref<100000x64xf32, #tpu.memory_space<hbm>> -> memref<100000x64xf32, #tpu.memory_space<hbm>>
    %dma_start3A_271 = tpu.memref_slice %arg7[%dma_start3A_260] : memref<4x!tpu.dma_semaphore, #tpu.memory_space<semaphore_mem>> -> memref<1x!tpu.dma_semaphore, #tpu.memory_space<semaphore_mem>>
    %dma_start3A_272 = tpu.memref_squeeze %dma_start3A_271 : memref<1x!tpu.dma_semaphore, #tpu.memory_space<semaphore_mem>> -> memref<!tpu.dma_semaphore, #tpu.memory_space<semaphore_mem>>
    tpu.enqueue_indirect_dma source(%dma_start3A_270 : memref<100000x64xf32, #tpu.memory_space<hbm>>) target(%dma_start3A_264 : memref<128x64xf32, #tpu.memory_space<vmem>>) offsets(%dma_start3A_267 : memref<128xi32, #tpu.memory_space<vmem>>) semaphore(%dma_start3A_272 : memref<!tpu.dma_semaphore, #tpu.memory_space<semaphore_mem>>)
    %dma_wait3A_273 = arith.constant 0 : i32
    %dma_wait3A_274 = arith.constant 3 : i32
    %dma_wait3A_275 = arith.constant 3 : i32
    %dma_wait3A_276 = arith.constant 0 : i32
    %dma_wait3A_277 = arith.constant 0 : i32
    %dma_wait3A_278 = tpu.memref_slice %arg6[%dma_wait3A_274, %dma_wait3A_276, %dma_wait3A_277] : memref<4x128x64xf32, #tpu.memory_space<vmem>> -> memref<1x128x64xf32, #tpu.memory_space<vmem>>
    %dma_wait3A_279 = tpu.memref_squeeze %dma_wait3A_278 : memref<1x128x64xf32, #tpu.memory_space<vmem>> -> memref<128x64xf32, #tpu.memory_space<vmem>>
    %dma_wait3A_280 = arith.constant 0 : i32
    %dma_wait3A_281 = tpu.memref_slice %arg5[%dma_wait3A_273, %dma_wait3A_280] : memref<16x128xi32, #tpu.memory_space<vmem>> -> memref<1x128xi32, #tpu.memory_space<vmem>>
    %dma_wait3A_282 = tpu.memref_squeeze %dma_wait3A_281 : memref<1x128xi32, #tpu.memory_space<vmem>> -> memref<128xi32, #tpu.memory_space<vmem>>
    %dma_wait3A_283 = arith.constant 0 : i32
    %dma_wait3A_284 = arith.constant 0 : i32
    %dma_wait3A_285 = tpu.memref_slice %arg3[%dma_wait3A_283, %dma_wait3A_284] : memref<100000x64xf32, #tpu.memory_space<hbm>> -> memref<100000x64xf32, #tpu.memory_space<hbm>>
    %dma_wait3A_286 = tpu.memref_slice %arg7[%dma_wait3A_275] : memref<4x!tpu.dma_semaphore, #tpu.memory_space<semaphore_mem>> -> memref<1x!tpu.dma_semaphore, #tpu.memory_space<semaphore_mem>>
    %dma_wait3A_287 = tpu.memref_squeeze %dma_wait3A_286 : memref<1x!tpu.dma_semaphore, #tpu.memory_space<semaphore_mem>> -> memref<!tpu.dma_semaphore, #tpu.memory_space<semaphore_mem>>
    tpu.wait_indirect_dma semaphore(%dma_wait3A_287 : memref<!tpu.dma_semaphore, #tpu.memory_space<semaphore_mem>>) src(%dma_wait3A_285 : memref<100000x64xf32, #tpu.memory_space<hbm>>) dst(%dma_wait3A_279 : memref<128x64xf32, #tpu.memory_space<vmem>>)
    %dma_start3A_288 = arith.constant 3 : i32
    %dma_start3A_289 = arith.constant 3 : i32
    %dma_start3A_290 = arith.constant 0 : i32
    %dma_start3A_291 = arith.constant 0 : i32
    %dma_start3A_292 = tpu.memref_slice %arg6[%dma_start3A_288, %dma_start3A_290, %dma_start3A_291] : memref<4x128x64xf32, #tpu.memory_space<vmem>> -> memref<1x128x64xf32, #tpu.memory_space<vmem>>
    %dma_start3A_293 = tpu.memref_squeeze %dma_start3A_292 : memref<1x128x64xf32, #tpu.memory_space<vmem>> -> memref<128x64xf32, #tpu.memory_space<vmem>>
    %dma_start3A_294 = arith.constant 384 : i32
    %dma_start3A_295 = arith.constant 0 : i32
    %dma_start3A_296 = tpu.memref_slice %arg4[%dma_start3A_294, %add3A, %dma_start3A_295] : memref<2048x32x128xf32, #tpu.memory_space<hbm>> -> memref<128x1x64xf32, #tpu.memory_space<hbm>>
    %dma_start3A_297 = tpu.memref_squeeze %dma_start3A_296 : memref<128x1x64xf32, #tpu.memory_space<hbm>> -> memref<128x64xf32, #tpu.memory_space<hbm>>
    %dma_start3A_298 = tpu.memref_slice %arg8[%dma_start3A_289] : memref<4x!tpu.dma_semaphore, #tpu.memory_space<semaphore_mem>> -> memref<1x!tpu.dma_semaphore, #tpu.memory_space<semaphore_mem>>
    %dma_start3A_299 = tpu.memref_squeeze %dma_start3A_298 : memref<1x!tpu.dma_semaphore, #tpu.memory_space<semaphore_mem>> -> memref<!tpu.dma_semaphore, #tpu.memory_space<semaphore_mem>>
    %dma_start3A_300 = arith.constant 384 : i32
    %dma_start3A_301 = arith.constant 0 : i32
    %dma_start3A_302 = tpu.memref_slice %arg4[%dma_start3A_300, %add3A, %dma_start3A_301] : memref<2048x32x128xf32, #tpu.memory_space<hbm>> -> memref<128x1x64xf32, #tpu.memory_space<hbm>>
    %dma_start3A_303 = tpu.memref_squeeze %dma_start3A_302 : memref<128x1x64xf32, #tpu.memory_space<hbm>> -> memref<128x64xf32, #tpu.memory_space<hbm>>
    %dma_start3A_304 = arith.constant 0 : i32
    %dma_start3A_305 = arith.constant 0 : i32
    %dma_start3A_306 = tpu.memref_slice %arg6[%dma_start3A_288, %dma_start3A_304, %dma_start3A_305] : memref<4x128x64xf32, #tpu.memory_space<vmem>> -> memref<1x128x64xf32, #tpu.memory_space<vmem>>
    %dma_start3A_307 = tpu.memref_squeeze %dma_start3A_306 : memref<1x128x64xf32, #tpu.memory_space<vmem>> -> memref<128x64xf32, #tpu.memory_space<vmem>>
    tpu.enqueue_dma source(%dma_start3A_307 : memref<128x64xf32, #tpu.memory_space<vmem>>) target(%dma_start3A_303 : memref<128x64xf32, #tpu.memory_space<hbm>>) target_semaphore(%dma_start3A_299 : memref<!tpu.dma_semaphore, #tpu.memory_space<semaphore_mem>>)
    %dma_wait3A_308 = arith.constant 3 : i32
    %dma_wait3A_309 = arith.constant 3 : i32
    %dma_wait3A_310 = arith.constant 0 : i32
    %dma_wait3A_311 = arith.constant 0 : i32
    %dma_wait3A_312 = tpu.memref_slice %arg6[%dma_wait3A_308, %dma_wait3A_310, %dma_wait3A_311] : memref<4x128x64xf32, #tpu.memory_space<vmem>> -> memref<1x128x64xf32, #tpu.memory_space<vmem>>
    %dma_wait3A_313 = tpu.memref_squeeze %dma_wait3A_312 : memref<1x128x64xf32, #tpu.memory_space<vmem>> -> memref<128x64xf32, #tpu.memory_space<vmem>>
    %dma_wait3A_314 = arith.constant 0 : i32
    %dma_wait3A_315 = arith.constant 0 : i32
    %dma_wait3A_316 = tpu.memref_slice %arg4[%dma_wait3A_314, %add3A, %dma_wait3A_315] : memref<2048x32x128xf32, #tpu.memory_space<hbm>> -> memref<128x1x64xf32, #tpu.memory_space<hbm>>
    %dma_wait3A_317 = tpu.memref_squeeze %dma_wait3A_316 : memref<128x1x64xf32, #tpu.memory_space<hbm>> -> memref<128x64xf32, #tpu.memory_space<hbm>>
    %dma_wait3A_318 = tpu.memref_slice %arg8[%dma_wait3A_309] : memref<4x!tpu.dma_semaphore, #tpu.memory_space<semaphore_mem>> -> memref<1x!tpu.dma_semaphore, #tpu.memory_space<semaphore_mem>>
    %dma_wait3A_319 = tpu.memref_squeeze %dma_wait3A_318 : memref<1x!tpu.dma_semaphore, #tpu.memory_space<semaphore_mem>> -> memref<!tpu.dma_semaphore, #tpu.memory_space<semaphore_mem>>
    %dma_wait3A_320 = arith.constant 0 : i32
    %dma_wait3A_321 = arith.constant 0 : i32
    %dma_wait3A_322 = tpu.memref_slice %arg4[%dma_wait3A_320, %add3A, %dma_wait3A_321] : memref<2048x32x128xf32, #tpu.memory_space<hbm>> -> memref<128x1x64xf32, #tpu.memory_space<hbm>>
    %dma_wait3A_323 = tpu.memref_squeeze %dma_wait3A_322 : memref<128x1x64xf32, #tpu.memory_space<hbm>> -> memref<128x64xf32, #tpu.memory_space<hbm>>
    %dma_wait3A_324 = arith.constant 0 : i32
    %dma_wait3A_325 = arith.constant 0 : i32
    %dma_wait3A_326 = tpu.memref_slice %arg6[%dma_wait3A_308, %dma_wait3A_324, %dma_wait3A_325] : memref<4x128x64xf32, #tpu.memory_space<vmem>> -> memref<1x128x64xf32, #tpu.memory_space<vmem>>
    %dma_wait3A_327 = tpu.memref_squeeze %dma_wait3A_326 : memref<1x128x64xf32, #tpu.memory_space<vmem>> -> memref<128x64xf32, #tpu.memory_space<vmem>>
    tpu.wait_dma2 semaphore(%dma_wait3A_319 : memref<!tpu.dma_semaphore, #tpu.memory_space<semaphore_mem>>) src(%dma_wait3A_327 : memref<128x64xf32, #tpu.memory_space<vmem>>) dst(%dma_wait3A_323 : memref<128x64xf32, #tpu.memory_space<hbm>>)
    %dma_start3A_328 = arith.constant 7 : i32
    %dma_start3A_329 = arith.constant 3 : i32
    %dma_start3A_330 = arith.constant 3 : i32
    %dma_start3A_331 = arith.constant 0 : i32
    %dma_start3A_332 = arith.constant 0 : i32
    %dma_start3A_333 = tpu.memref_slice %arg6[%dma_start3A_329, %dma_start3A_331, %dma_start3A_332] : memref<4x128x64xf32, #tpu.memory_space<vmem>> -> memref<1x128x64xf32, #tpu.memory_space<vmem>>
    %dma_start3A_334 = tpu.memref_squeeze %dma_start3A_333 : memref<1x128x64xf32, #tpu.memory_space<vmem>> -> memref<128x64xf32, #tpu.memory_space<vmem>>
    %dma_start3A_335 = arith.constant 0 : i32
    %dma_start3A_336 = tpu.memref_slice %arg5[%dma_start3A_328, %dma_start3A_335] : memref<16x128xi32, #tpu.memory_space<vmem>> -> memref<1x128xi32, #tpu.memory_space<vmem>>
    %dma_start3A_337 = tpu.memref_squeeze %dma_start3A_336 : memref<1x128xi32, #tpu.memory_space<vmem>> -> memref<128xi32, #tpu.memory_space<vmem>>
    %dma_start3A_338 = arith.constant 0 : i32
    %dma_start3A_339 = arith.constant 0 : i32
    %dma_start3A_340 = tpu.memref_slice %arg3[%dma_start3A_338, %dma_start3A_339] : memref<100000x64xf32, #tpu.memory_space<hbm>> -> memref<100000x64xf32, #tpu.memory_space<hbm>>
    %dma_start3A_341 = tpu.memref_slice %arg7[%dma_start3A_330] : memref<4x!tpu.dma_semaphore, #tpu.memory_space<semaphore_mem>> -> memref<1x!tpu.dma_semaphore, #tpu.memory_space<semaphore_mem>>
    %dma_start3A_342 = tpu.memref_squeeze %dma_start3A_341 : memref<1x!tpu.dma_semaphore, #tpu.memory_space<semaphore_mem>> -> memref<!tpu.dma_semaphore, #tpu.memory_space<semaphore_mem>>
    tpu.enqueue_indirect_dma source(%dma_start3A_340 : memref<100000x64xf32, #tpu.memory_space<hbm>>) target(%dma_start3A_334 : memref<128x64xf32, #tpu.memory_space<vmem>>) offsets(%dma_start3A_337 : memref<128xi32, #tpu.memory_space<vmem>>) semaphore(%dma_start3A_342 : memref<!tpu.dma_semaphore, #tpu.memory_space<semaphore_mem>>)
    %dma_wait3A_343 = arith.constant 0 : i32
    %dma_wait3A_344 = arith.constant 0 : i32
    %dma_wait3A_345 = arith.constant 0 : i32
    %dma_wait3A_346 = arith.constant 0 : i32
    %dma_wait3A_347 = arith.constant 0 : i32
    %dma_wait3A_348 = tpu.memref_slice %arg6[%dma_wait3A_344, %dma_wait3A_346, %dma_wait3A_347] : memref<4x128x64xf32, #tpu.memory_space<vmem>> -> memref<1x128x64xf32, #tpu.memory_space<vmem>>
    %dma_wait3A_349 = tpu.memref_squeeze %dma_wait3A_348 : memref<1x128x64xf32, #tpu.memory_space<vmem>> -> memref<128x64xf32, #tpu.memory_space<vmem>>
    %dma_wait3A_350 = arith.constant 0 : i32
    %dma_wait3A_351 = tpu.memref_slice %arg5[%dma_wait3A_343, %dma_wait3A_350] : memref<16x128xi32, #tpu.memory_space<vmem>> -> memref<1x128xi32, #tpu.memory_space<vmem>>
    %dma_wait3A_352 = tpu.memref_squeeze %dma_wait3A_351 : memref<1x128xi32, #tpu.memory_space<vmem>> -> memref<128xi32, #tpu.memory_space<vmem>>
    %dma_wait3A_353 = arith.constant 0 : i32
    %dma_wait3A_354 = arith.constant 0 : i32
    %dma_wait3A_355 = tpu.memref_slice %arg3[%dma_wait3A_353, %dma_wait3A_354] : memref<100000x64xf32, #tpu.memory_space<hbm>> -> memref<100000x64xf32, #tpu.memory_space<hbm>>
    %dma_wait3A_356 = tpu.memref_slice %arg7[%dma_wait3A_345] : memref<4x!tpu.dma_semaphore, #tpu.memory_space<semaphore_mem>> -> memref<1x!tpu.dma_semaphore, #tpu.memory_space<semaphore_mem>>
    %dma_wait3A_357 = tpu.memref_squeeze %dma_wait3A_356 : memref<1x!tpu.dma_semaphore, #tpu.memory_space<semaphore_mem>> -> memref<!tpu.dma_semaphore, #tpu.memory_space<semaphore_mem>>
    tpu.wait_indirect_dma semaphore(%dma_wait3A_357 : memref<!tpu.dma_semaphore, #tpu.memory_space<semaphore_mem>>) src(%dma_wait3A_355 : memref<100000x64xf32, #tpu.memory_space<hbm>>) dst(%dma_wait3A_349 : memref<128x64xf32, #tpu.memory_space<vmem>>)
    %dma_start3A_358 = arith.constant 0 : i32
    %dma_start3A_359 = arith.constant 0 : i32
    %dma_start3A_360 = arith.constant 0 : i32
    %dma_start3A_361 = arith.constant 0 : i32
    %dma_start3A_362 = tpu.memref_slice %arg6[%dma_start3A_358, %dma_start3A_360, %dma_start3A_361] : memref<4x128x64xf32, #tpu.memory_space<vmem>> -> memref<1x128x64xf32, #tpu.memory_space<vmem>>
    %dma_start3A_363 = tpu.memref_squeeze %dma_start3A_362 : memref<1x128x64xf32, #tpu.memory_space<vmem>> -> memref<128x64xf32, #tpu.memory_space<vmem>>
    %dma_start3A_364 = arith.constant 512 : i32
    %dma_start3A_365 = arith.constant 0 : i32
    %dma_start3A_366 = tpu.memref_slice %arg4[%dma_start3A_364, %add3A, %dma_start3A_365] : memref<2048x32x128xf32, #tpu.memory_space<hbm>> -> memref<128x1x64xf32, #tpu.memory_space<hbm>>
    %dma_start3A_367 = tpu.memref_squeeze %dma_start3A_366 : memref<128x1x64xf32, #tpu.memory_space<hbm>> -> memref<128x64xf32, #tpu.memory_space<hbm>>
    %dma_start3A_368 = tpu.memref_slice %arg8[%dma_start3A_359] : memref<4x!tpu.dma_semaphore, #tpu.memory_space<semaphore_mem>> -> memref<1x!tpu.dma_semaphore, #tpu.memory_space<semaphore_mem>>
    %dma_start3A_369 = tpu.memref_squeeze %dma_start3A_368 : memref<1x!tpu.dma_semaphore, #tpu.memory_space<semaphore_mem>> -> memref<!tpu.dma_semaphore, #tpu.memory_space<semaphore_mem>>
    %dma_start3A_370 = arith.constant 512 : i32
    %dma_start3A_371 = arith.constant 0 : i32
    %dma_start3A_372 = tpu.memref_slice %arg4[%dma_start3A_370, %add3A, %dma_start3A_371] : memref<2048x32x128xf32, #tpu.memory_space<hbm>> -> memref<128x1x64xf32, #tpu.memory_space<hbm>>
    %dma_start3A_373 = tpu.memref_squeeze %dma_start3A_372 : memref<128x1x64xf32, #tpu.memory_space<hbm>> -> memref<128x64xf32, #tpu.memory_space<hbm>>
    %dma_start3A_374 = arith.constant 0 : i32
    %dma_start3A_375 = arith.constant 0 : i32
    %dma_start3A_376 = tpu.memref_slice %arg6[%dma_start3A_358, %dma_start3A_374, %dma_start3A_375] : memref<4x128x64xf32, #tpu.memory_space<vmem>> -> memref<1x128x64xf32, #tpu.memory_space<vmem>>
    %dma_start3A_377 = tpu.memref_squeeze %dma_start3A_376 : memref<1x128x64xf32, #tpu.memory_space<vmem>> -> memref<128x64xf32, #tpu.memory_space<vmem>>
    tpu.enqueue_dma source(%dma_start3A_377 : memref<128x64xf32, #tpu.memory_space<vmem>>) target(%dma_start3A_373 : memref<128x64xf32, #tpu.memory_space<hbm>>) target_semaphore(%dma_start3A_369 : memref<!tpu.dma_semaphore, #tpu.memory_space<semaphore_mem>>)
    %dma_wait3A_378 = arith.constant 0 : i32
    %dma_wait3A_379 = arith.constant 0 : i32
    %dma_wait3A_380 = arith.constant 0 : i32
    %dma_wait3A_381 = arith.constant 0 : i32
    %dma_wait3A_382 = tpu.memref_slice %arg6[%dma_wait3A_378, %dma_wait3A_380, %dma_wait3A_381] : memref<4x128x64xf32, #tpu.memory_space<vmem>> -> memref<1x128x64xf32, #tpu.memory_space<vmem>>
    %dma_wait3A_383 = tpu.memref_squeeze %dma_wait3A_382 : memref<1x128x64xf32, #tpu.memory_space<vmem>> -> memref<128x64xf32, #tpu.memory_space<vmem>>
    %dma_wait3A_384 = arith.constant 0 : i32
    %dma_wait3A_385 = arith.constant 0 : i32
    %dma_wait3A_386 = tpu.memref_slice %arg4[%dma_wait3A_384, %add3A, %dma_wait3A_385] : memref<2048x32x128xf32, #tpu.memory_space<hbm>> -> memref<128x1x64xf32, #tpu.memory_space<hbm>>
    %dma_wait3A_387 = tpu.memref_squeeze %dma_wait3A_386 : memref<128x1x64xf32, #tpu.memory_space<hbm>> -> memref<128x64xf32, #tpu.memory_space<hbm>>
    %dma_wait3A_388 = tpu.memref_slice %arg8[%dma_wait3A_379] : memref<4x!tpu.dma_semaphore, #tpu.memory_space<semaphore_mem>> -> memref<1x!tpu.dma_semaphore, #tpu.memory_space<semaphore_mem>>
    %dma_wait3A_389 = tpu.memref_squeeze %dma_wait3A_388 : memref<1x!tpu.dma_semaphore, #tpu.memory_space<semaphore_mem>> -> memref<!tpu.dma_semaphore, #tpu.memory_space<semaphore_mem>>
    %dma_wait3A_390 = arith.constant 0 : i32
    %dma_wait3A_391 = arith.constant 0 : i32
    %dma_wait3A_392 = tpu.memref_slice %arg4[%dma_wait3A_390, %add3A, %dma_wait3A_391] : memref<2048x32x128xf32, #tpu.memory_space<hbm>> -> memref<128x1x64xf32, #tpu.memory_space<hbm>>
    %dma_wait3A_393 = tpu.memref_squeeze %dma_wait3A_392 : memref<128x1x64xf32, #tpu.memory_space<hbm>> -> memref<128x64xf32, #tpu.memory_space<hbm>>
    %dma_wait3A_394 = arith.constant 0 : i32
    %dma_wait3A_395 = arith.constant 0 : i32
    %dma_wait3A_396 = tpu.memref_slice %arg6[%dma_wait3A_378, %dma_wait3A_394, %dma_wait3A_395] : memref<4x128x64xf32, #tpu.memory_space<vmem>> -> memref<1x128x64xf32, #tpu.memory_space<vmem>>
    %dma_wait3A_397 = tpu.memref_squeeze %dma_wait3A_396 : memref<1x128x64xf32, #tpu.memory_space<vmem>> -> memref<128x64xf32, #tpu.memory_space<vmem>>
    tpu.wait_dma2 semaphore(%dma_wait3A_389 : memref<!tpu.dma_semaphore, #tpu.memory_space<semaphore_mem>>) src(%dma_wait3A_397 : memref<128x64xf32, #tpu.memory_space<vmem>>) dst(%dma_wait3A_393 : memref<128x64xf32, #tpu.memory_space<hbm>>)
    %dma_start3A_398 = arith.constant 8 : i32
    %dma_start3A_399 = arith.constant 0 : i32
    %dma_start3A_400 = arith.constant 0 : i32
    %dma_start3A_401 = arith.constant 0 : i32
    %dma_start3A_402 = arith.constant 0 : i32
    %dma_start3A_403 = tpu.memref_slice %arg6[%dma_start3A_399, %dma_start3A_401, %dma_start3A_402] : memref<4x128x64xf32, #tpu.memory_space<vmem>> -> memref<1x128x64xf32, #tpu.memory_space<vmem>>
    %dma_start3A_404 = tpu.memref_squeeze %dma_start3A_403 : memref<1x128x64xf32, #tpu.memory_space<vmem>> -> memref<128x64xf32, #tpu.memory_space<vmem>>
    %dma_start3A_405 = arith.constant 0 : i32
    %dma_start3A_406 = tpu.memref_slice %arg5[%dma_start3A_398, %dma_start3A_405] : memref<16x128xi32, #tpu.memory_space<vmem>> -> memref<1x128xi32, #tpu.memory_space<vmem>>
    %dma_start3A_407 = tpu.memref_squeeze %dma_start3A_406 : memref<1x128xi32, #tpu.memory_space<vmem>> -> memref<128xi32, #tpu.memory_space<vmem>>
    %dma_start3A_408 = arith.constant 0 : i32
    %dma_start3A_409 = arith.constant 0 : i32
    %dma_start3A_410 = tpu.memref_slice %arg3[%dma_start3A_408, %dma_start3A_409] : memref<100000x64xf32, #tpu.memory_space<hbm>> -> memref<100000x64xf32, #tpu.memory_space<hbm>>
    %dma_start3A_411 = tpu.memref_slice %arg7[%dma_start3A_400] : memref<4x!tpu.dma_semaphore, #tpu.memory_space<semaphore_mem>> -> memref<1x!tpu.dma_semaphore, #tpu.memory_space<semaphore_mem>>
    %dma_start3A_412 = tpu.memref_squeeze %dma_start3A_411 : memref<1x!tpu.dma_semaphore, #tpu.memory_space<semaphore_mem>> -> memref<!tpu.dma_semaphore, #tpu.memory_space<semaphore_mem>>
    tpu.enqueue_indirect_dma source(%dma_start3A_410 : memref<100000x64xf32, #tpu.memory_space<hbm>>) target(%dma_start3A_404 : memref<128x64xf32, #tpu.memory_space<vmem>>) offsets(%dma_start3A_407 : memref<128xi32, #tpu.memory_space<vmem>>) semaphore(%dma_start3A_412 : memref<!tpu.dma_semaphore, #tpu.memory_space<semaphore_mem>>)
    %dma_wait3A_413 = arith.constant 0 : i32
    %dma_wait3A_414 = arith.constant 1 : i32
    %dma_wait3A_415 = arith.constant 1 : i32
    %dma_wait3A_416 = arith.constant 0 : i32
    %dma_wait3A_417 = arith.constant 0 : i32
    %dma_wait3A_418 = tpu.memref_slice %arg6[%dma_wait3A_414, %dma_wait3A_416, %dma_wait3A_417] : memref<4x128x64xf32, #tpu.memory_space<vmem>> -> memref<1x128x64xf32, #tpu.memory_space<vmem>>
    %dma_wait3A_419 = tpu.memref_squeeze %dma_wait3A_418 : memref<1x128x64xf32, #tpu.memory_space<vmem>> -> memref<128x64xf32, #tpu.memory_space<vmem>>
    %dma_wait3A_420 = arith.constant 0 : i32
    %dma_wait3A_421 = tpu.memref_slice %arg5[%dma_wait3A_413, %dma_wait3A_420] : memref<16x128xi32, #tpu.memory_space<vmem>> -> memref<1x128xi32, #tpu.memory_space<vmem>>
    %dma_wait3A_422 = tpu.memref_squeeze %dma_wait3A_421 : memref<1x128xi32, #tpu.memory_space<vmem>> -> memref<128xi32, #tpu.memory_space<vmem>>
    %dma_wait3A_423 = arith.constant 0 : i32
    %dma_wait3A_424 = arith.constant 0 : i32
    %dma_wait3A_425 = tpu.memref_slice %arg3[%dma_wait3A_423, %dma_wait3A_424] : memref<100000x64xf32, #tpu.memory_space<hbm>> -> memref<100000x64xf32, #tpu.memory_space<hbm>>
    %dma_wait3A_426 = tpu.memref_slice %arg7[%dma_wait3A_415] : memref<4x!tpu.dma_semaphore, #tpu.memory_space<semaphore_mem>> -> memref<1x!tpu.dma_semaphore, #tpu.memory_space<semaphore_mem>>
    %dma_wait3A_427 = tpu.memref_squeeze %dma_wait3A_426 : memref<1x!tpu.dma_semaphore, #tpu.memory_space<semaphore_mem>> -> memref<!tpu.dma_semaphore, #tpu.memory_space<semaphore_mem>>
    tpu.wait_indirect_dma semaphore(%dma_wait3A_427 : memref<!tpu.dma_semaphore, #tpu.memory_space<semaphore_mem>>) src(%dma_wait3A_425 : memref<100000x64xf32, #tpu.memory_space<hbm>>) dst(%dma_wait3A_419 : memref<128x64xf32, #tpu.memory_space<vmem>>)
    %dma_start3A_428 = arith.constant 1 : i32
    %dma_start3A_429 = arith.constant 1 : i32
    %dma_start3A_430 = arith.constant 0 : i32
    %dma_start3A_431 = arith.constant 0 : i32
    %dma_start3A_432 = tpu.memref_slice %arg6[%dma_start3A_428, %dma_start3A_430, %dma_start3A_431] : memref<4x128x64xf32, #tpu.memory_space<vmem>> -> memref<1x128x64xf32, #tpu.memory_space<vmem>>
    %dma_start3A_433 = tpu.memref_squeeze %dma_start3A_432 : memref<1x128x64xf32, #tpu.memory_space<vmem>> -> memref<128x64xf32, #tpu.memory_space<vmem>>
    %dma_start3A_434 = arith.constant 640 : i32
    %dma_start3A_435 = arith.constant 0 : i32
    %dma_start3A_436 = tpu.memref_slice %arg4[%dma_start3A_434, %add3A, %dma_start3A_435] : memref<2048x32x128xf32, #tpu.memory_space<hbm>> -> memref<128x1x64xf32, #tpu.memory_space<hbm>>
    %dma_start3A_437 = tpu.memref_squeeze %dma_start3A_436 : memref<128x1x64xf32, #tpu.memory_space<hbm>> -> memref<128x64xf32, #tpu.memory_space<hbm>>
    %dma_start3A_438 = tpu.memref_slice %arg8[%dma_start3A_429] : memref<4x!tpu.dma_semaphore, #tpu.memory_space<semaphore_mem>> -> memref<1x!tpu.dma_semaphore, #tpu.memory_space<semaphore_mem>>
    %dma_start3A_439 = tpu.memref_squeeze %dma_start3A_438 : memref<1x!tpu.dma_semaphore, #tpu.memory_space<semaphore_mem>> -> memref<!tpu.dma_semaphore, #tpu.memory_space<semaphore_mem>>
    %dma_start3A_440 = arith.constant 640 : i32
    %dma_start3A_441 = arith.constant 0 : i32
    %dma_start3A_442 = tpu.memref_slice %arg4[%dma_start3A_440, %add3A, %dma_start3A_441] : memref<2048x32x128xf32, #tpu.memory_space<hbm>> -> memref<128x1x64xf32, #tpu.memory_space<hbm>>
    %dma_start3A_443 = tpu.memref_squeeze %dma_start3A_442 : memref<128x1x64xf32, #tpu.memory_space<hbm>> -> memref<128x64xf32, #tpu.memory_space<hbm>>
    %dma_start3A_444 = arith.constant 0 : i32
    %dma_start3A_445 = arith.constant 0 : i32
    %dma_start3A_446 = tpu.memref_slice %arg6[%dma_start3A_428, %dma_start3A_444, %dma_start3A_445] : memref<4x128x64xf32, #tpu.memory_space<vmem>> -> memref<1x128x64xf32, #tpu.memory_space<vmem>>
    %dma_start3A_447 = tpu.memref_squeeze %dma_start3A_446 : memref<1x128x64xf32, #tpu.memory_space<vmem>> -> memref<128x64xf32, #tpu.memory_space<vmem>>
    tpu.enqueue_dma source(%dma_start3A_447 : memref<128x64xf32, #tpu.memory_space<vmem>>) target(%dma_start3A_443 : memref<128x64xf32, #tpu.memory_space<hbm>>) target_semaphore(%dma_start3A_439 : memref<!tpu.dma_semaphore, #tpu.memory_space<semaphore_mem>>)
    %dma_wait3A_448 = arith.constant 1 : i32
    %dma_wait3A_449 = arith.constant 1 : i32
    %dma_wait3A_450 = arith.constant 0 : i32
    %dma_wait3A_451 = arith.constant 0 : i32
    %dma_wait3A_452 = tpu.memref_slice %arg6[%dma_wait3A_448, %dma_wait3A_450, %dma_wait3A_451] : memref<4x128x64xf32, #tpu.memory_space<vmem>> -> memref<1x128x64xf32, #tpu.memory_space<vmem>>
    %dma_wait3A_453 = tpu.memref_squeeze %dma_wait3A_452 : memref<1x128x64xf32, #tpu.memory_space<vmem>> -> memref<128x64xf32, #tpu.memory_space<vmem>>
    %dma_wait3A_454 = arith.constant 0 : i32
    %dma_wait3A_455 = arith.constant 0 : i32
    %dma_wait3A_456 = tpu.memref_slice %arg4[%dma_wait3A_454, %add3A, %dma_wait3A_455] : memref<2048x32x128xf32, #tpu.memory_space<hbm>> -> memref<128x1x64xf32, #tpu.memory_space<hbm>>
    %dma_wait3A_457 = tpu.memref_squeeze %dma_wait3A_456 : memref<128x1x64xf32, #tpu.memory_space<hbm>> -> memref<128x64xf32, #tpu.memory_space<hbm>>
    %dma_wait3A_458 = tpu.memref_slice %arg8[%dma_wait3A_449] : memref<4x!tpu.dma_semaphore, #tpu.memory_space<semaphore_mem>> -> memref<1x!tpu.dma_semaphore, #tpu.memory_space<semaphore_mem>>
    %dma_wait3A_459 = tpu.memref_squeeze %dma_wait3A_458 : memref<1x!tpu.dma_semaphore, #tpu.memory_space<semaphore_mem>> -> memref<!tpu.dma_semaphore, #tpu.memory_space<semaphore_mem>>
    %dma_wait3A_460 = arith.constant 0 : i32
    %dma_wait3A_461 = arith.constant 0 : i32
    %dma_wait3A_462 = tpu.memref_slice %arg4[%dma_wait3A_460, %add3A, %dma_wait3A_461] : memref<2048x32x128xf32, #tpu.memory_space<hbm>> -> memref<128x1x64xf32, #tpu.memory_space<hbm>>
    %dma_wait3A_463 = tpu.memref_squeeze %dma_wait3A_462 : memref<128x1x64xf32, #tpu.memory_space<hbm>> -> memref<128x64xf32, #tpu.memory_space<hbm>>
    %dma_wait3A_464 = arith.constant 0 : i32
    %dma_wait3A_465 = arith.constant 0 : i32
    %dma_wait3A_466 = tpu.memref_slice %arg6[%dma_wait3A_448, %dma_wait3A_464, %dma_wait3A_465] : memref<4x128x64xf32, #tpu.memory_space<vmem>> -> memref<1x128x64xf32, #tpu.memory_space<vmem>>
    %dma_wait3A_467 = tpu.memref_squeeze %dma_wait3A_466 : memref<1x128x64xf32, #tpu.memory_space<vmem>> -> memref<128x64xf32, #tpu.memory_space<vmem>>
    tpu.wait_dma2 semaphore(%dma_wait3A_459 : memref<!tpu.dma_semaphore, #tpu.memory_space<semaphore_mem>>) src(%dma_wait3A_467 : memref<128x64xf32, #tpu.memory_space<vmem>>) dst(%dma_wait3A_463 : memref<128x64xf32, #tpu.memory_space<hbm>>)
    %dma_start3A_468 = arith.constant 9 : i32
    %dma_start3A_469 = arith.constant 1 : i32
    %dma_start3A_470 = arith.constant 1 : i32
    %dma_start3A_471 = arith.constant 0 : i32
    %dma_start3A_472 = arith.constant 0 : i32
    %dma_start3A_473 = tpu.memref_slice %arg6[%dma_start3A_469, %dma_start3A_471, %dma_start3A_472] : memref<4x128x64xf32, #tpu.memory_space<vmem>> -> memref<1x128x64xf32, #tpu.memory_space<vmem>>
    %dma_start3A_474 = tpu.memref_squeeze %dma_start3A_473 : memref<1x128x64xf32, #tpu.memory_space<vmem>> -> memref<128x64xf32, #tpu.memory_space<vmem>>
    %dma_start3A_475 = arith.constant 0 : i32
    %dma_start3A_476 = tpu.memref_slice %arg5[%dma_start3A_468, %dma_start3A_475] : memref<16x128xi32, #tpu.memory_space<vmem>> -> memref<1x128xi32, #tpu.memory_space<vmem>>
    %dma_start3A_477 = tpu.memref_squeeze %dma_start3A_476 : memref<1x128xi32, #tpu.memory_space<vmem>> -> memref<128xi32, #tpu.memory_space<vmem>>
    %dma_start3A_478 = arith.constant 0 : i32
    %dma_start3A_479 = arith.constant 0 : i32
    %dma_start3A_480 = tpu.memref_slice %arg3[%dma_start3A_478, %dma_start3A_479] : memref<100000x64xf32, #tpu.memory_space<hbm>> -> memref<100000x64xf32, #tpu.memory_space<hbm>>
    %dma_start3A_481 = tpu.memref_slice %arg7[%dma_start3A_470] : memref<4x!tpu.dma_semaphore, #tpu.memory_space<semaphore_mem>> -> memref<1x!tpu.dma_semaphore, #tpu.memory_space<semaphore_mem>>
    %dma_start3A_482 = tpu.memref_squeeze %dma_start3A_481 : memref<1x!tpu.dma_semaphore, #tpu.memory_space<semaphore_mem>> -> memref<!tpu.dma_semaphore, #tpu.memory_space<semaphore_mem>>
    tpu.enqueue_indirect_dma source(%dma_start3A_480 : memref<100000x64xf32, #tpu.memory_space<hbm>>) target(%dma_start3A_474 : memref<128x64xf32, #tpu.memory_space<vmem>>) offsets(%dma_start3A_477 : memref<128xi32, #tpu.memory_space<vmem>>) semaphore(%dma_start3A_482 : memref<!tpu.dma_semaphore, #tpu.memory_space<semaphore_mem>>)
    %dma_wait3A_483 = arith.constant 0 : i32
    %dma_wait3A_484 = arith.constant 2 : i32
    %dma_wait3A_485 = arith.constant 2 : i32
    %dma_wait3A_486 = arith.constant 0 : i32
    %dma_wait3A_487 = arith.constant 0 : i32
    %dma_wait3A_488 = tpu.memref_slice %arg6[%dma_wait3A_484, %dma_wait3A_486, %dma_wait3A_487] : memref<4x128x64xf32, #tpu.memory_space<vmem>> -> memref<1x128x64xf32, #tpu.memory_space<vmem>>
    %dma_wait3A_489 = tpu.memref_squeeze %dma_wait3A_488 : memref<1x128x64xf32, #tpu.memory_space<vmem>> -> memref<128x64xf32, #tpu.memory_space<vmem>>
    %dma_wait3A_490 = arith.constant 0 : i32
    %dma_wait3A_491 = tpu.memref_slice %arg5[%dma_wait3A_483, %dma_wait3A_490] : memref<16x128xi32, #tpu.memory_space<vmem>> -> memref<1x128xi32, #tpu.memory_space<vmem>>
    %dma_wait3A_492 = tpu.memref_squeeze %dma_wait3A_491 : memref<1x128xi32, #tpu.memory_space<vmem>> -> memref<128xi32, #tpu.memory_space<vmem>>
    %dma_wait3A_493 = arith.constant 0 : i32
    %dma_wait3A_494 = arith.constant 0 : i32
    %dma_wait3A_495 = tpu.memref_slice %arg3[%dma_wait3A_493, %dma_wait3A_494] : memref<100000x64xf32, #tpu.memory_space<hbm>> -> memref<100000x64xf32, #tpu.memory_space<hbm>>
    %dma_wait3A_496 = tpu.memref_slice %arg7[%dma_wait3A_485] : memref<4x!tpu.dma_semaphore, #tpu.memory_space<semaphore_mem>> -> memref<1x!tpu.dma_semaphore, #tpu.memory_space<semaphore_mem>>
    %dma_wait3A_497 = tpu.memref_squeeze %dma_wait3A_496 : memref<1x!tpu.dma_semaphore, #tpu.memory_space<semaphore_mem>> -> memref<!tpu.dma_semaphore, #tpu.memory_space<semaphore_mem>>
    tpu.wait_indirect_dma semaphore(%dma_wait3A_497 : memref<!tpu.dma_semaphore, #tpu.memory_space<semaphore_mem>>) src(%dma_wait3A_495 : memref<100000x64xf32, #tpu.memory_space<hbm>>) dst(%dma_wait3A_489 : memref<128x64xf32, #tpu.memory_space<vmem>>)
    %dma_start3A_498 = arith.constant 2 : i32
    %dma_start3A_499 = arith.constant 2 : i32
    %dma_start3A_500 = arith.constant 0 : i32
    %dma_start3A_501 = arith.constant 0 : i32
    %dma_start3A_502 = tpu.memref_slice %arg6[%dma_start3A_498, %dma_start3A_500, %dma_start3A_501] : memref<4x128x64xf32, #tpu.memory_space<vmem>> -> memref<1x128x64xf32, #tpu.memory_space<vmem>>
    %dma_start3A_503 = tpu.memref_squeeze %dma_start3A_502 : memref<1x128x64xf32, #tpu.memory_space<vmem>> -> memref<128x64xf32, #tpu.memory_space<vmem>>
    %dma_start3A_504 = arith.constant 768 : i32
    %dma_start3A_505 = arith.constant 0 : i32
    %dma_start3A_506 = tpu.memref_slice %arg4[%dma_start3A_504, %add3A, %dma_start3A_505] : memref<2048x32x128xf32, #tpu.memory_space<hbm>> -> memref<128x1x64xf32, #tpu.memory_space<hbm>>
    %dma_start3A_507 = tpu.memref_squeeze %dma_start3A_506 : memref<128x1x64xf32, #tpu.memory_space<hbm>> -> memref<128x64xf32, #tpu.memory_space<hbm>>
    %dma_start3A_508 = tpu.memref_slice %arg8[%dma_start3A_499] : memref<4x!tpu.dma_semaphore, #tpu.memory_space<semaphore_mem>> -> memref<1x!tpu.dma_semaphore, #tpu.memory_space<semaphore_mem>>
    %dma_start3A_509 = tpu.memref_squeeze %dma_start3A_508 : memref<1x!tpu.dma_semaphore, #tpu.memory_space<semaphore_mem>> -> memref<!tpu.dma_semaphore, #tpu.memory_space<semaphore_mem>>
    %dma_start3A_510 = arith.constant 768 : i32
    %dma_start3A_511 = arith.constant 0 : i32
    %dma_start3A_512 = tpu.memref_slice %arg4[%dma_start3A_510, %add3A, %dma_start3A_511] : memref<2048x32x128xf32, #tpu.memory_space<hbm>> -> memref<128x1x64xf32, #tpu.memory_space<hbm>>
    %dma_start3A_513 = tpu.memref_squeeze %dma_start3A_512 : memref<128x1x64xf32, #tpu.memory_space<hbm>> -> memref<128x64xf32, #tpu.memory_space<hbm>>
    %dma_start3A_514 = arith.constant 0 : i32
    %dma_start3A_515 = arith.constant 0 : i32
    %dma_start3A_516 = tpu.memref_slice %arg6[%dma_start3A_498, %dma_start3A_514, %dma_start3A_515] : memref<4x128x64xf32, #tpu.memory_space<vmem>> -> memref<1x128x64xf32, #tpu.memory_space<vmem>>
    %dma_start3A_517 = tpu.memref_squeeze %dma_start3A_516 : memref<1x128x64xf32, #tpu.memory_space<vmem>> -> memref<128x64xf32, #tpu.memory_space<vmem>>
    tpu.enqueue_dma source(%dma_start3A_517 : memref<128x64xf32, #tpu.memory_space<vmem>>) target(%dma_start3A_513 : memref<128x64xf32, #tpu.memory_space<hbm>>) target_semaphore(%dma_start3A_509 : memref<!tpu.dma_semaphore, #tpu.memory_space<semaphore_mem>>)
    %dma_wait3A_518 = arith.constant 2 : i32
    %dma_wait3A_519 = arith.constant 2 : i32
    %dma_wait3A_520 = arith.constant 0 : i32
    %dma_wait3A_521 = arith.constant 0 : i32
    %dma_wait3A_522 = tpu.memref_slice %arg6[%dma_wait3A_518, %dma_wait3A_520, %dma_wait3A_521] : memref<4x128x64xf32, #tpu.memory_space<vmem>> -> memref<1x128x64xf32, #tpu.memory_space<vmem>>
    %dma_wait3A_523 = tpu.memref_squeeze %dma_wait3A_522 : memref<1x128x64xf32, #tpu.memory_space<vmem>> -> memref<128x64xf32, #tpu.memory_space<vmem>>
    %dma_wait3A_524 = arith.constant 0 : i32
    %dma_wait3A_525 = arith.constant 0 : i32
    %dma_wait3A_526 = tpu.memref_slice %arg4[%dma_wait3A_524, %add3A, %dma_wait3A_525] : memref<2048x32x128xf32, #tpu.memory_space<hbm>> -> memref<128x1x64xf32, #tpu.memory_space<hbm>>
    %dma_wait3A_527 = tpu.memref_squeeze %dma_wait3A_526 : memref<128x1x64xf32, #tpu.memory_space<hbm>> -> memref<128x64xf32, #tpu.memory_space<hbm>>
    %dma_wait3A_528 = tpu.memref_slice %arg8[%dma_wait3A_519] : memref<4x!tpu.dma_semaphore, #tpu.memory_space<semaphore_mem>> -> memref<1x!tpu.dma_semaphore, #tpu.memory_space<semaphore_mem>>
    %dma_wait3A_529 = tpu.memref_squeeze %dma_wait3A_528 : memref<1x!tpu.dma_semaphore, #tpu.memory_space<semaphore_mem>> -> memref<!tpu.dma_semaphore, #tpu.memory_space<semaphore_mem>>
    %dma_wait3A_530 = arith.constant 0 : i32
    %dma_wait3A_531 = arith.constant 0 : i32
    %dma_wait3A_532 = tpu.memref_slice %arg4[%dma_wait3A_530, %add3A, %dma_wait3A_531] : memref<2048x32x128xf32, #tpu.memory_space<hbm>> -> memref<128x1x64xf32, #tpu.memory_space<hbm>>
    %dma_wait3A_533 = tpu.memref_squeeze %dma_wait3A_532 : memref<128x1x64xf32, #tpu.memory_space<hbm>> -> memref<128x64xf32, #tpu.memory_space<hbm>>
    %dma_wait3A_534 = arith.constant 0 : i32
    %dma_wait3A_535 = arith.constant 0 : i32
    %dma_wait3A_536 = tpu.memref_slice %arg6[%dma_wait3A_518, %dma_wait3A_534, %dma_wait3A_535] : memref<4x128x64xf32, #tpu.memory_space<vmem>> -> memref<1x128x64xf32, #tpu.memory_space<vmem>>
    %dma_wait3A_537 = tpu.memref_squeeze %dma_wait3A_536 : memref<1x128x64xf32, #tpu.memory_space<vmem>> -> memref<128x64xf32, #tpu.memory_space<vmem>>
    tpu.wait_dma2 semaphore(%dma_wait3A_529 : memref<!tpu.dma_semaphore, #tpu.memory_space<semaphore_mem>>) src(%dma_wait3A_537 : memref<128x64xf32, #tpu.memory_space<vmem>>) dst(%dma_wait3A_533 : memref<128x64xf32, #tpu.memory_space<hbm>>)
    %dma_start3A_538 = arith.constant 10 : i32
    %dma_start3A_539 = arith.constant 2 : i32
    %dma_start3A_540 = arith.constant 2 : i32
    %dma_start3A_541 = arith.constant 0 : i32
    %dma_start3A_542 = arith.constant 0 : i32
    %dma_start3A_543 = tpu.memref_slice %arg6[%dma_start3A_539, %dma_start3A_541, %dma_start3A_542] : memref<4x128x64xf32, #tpu.memory_space<vmem>> -> memref<1x128x64xf32, #tpu.memory_space<vmem>>
    %dma_start3A_544 = tpu.memref_squeeze %dma_start3A_543 : memref<1x128x64xf32, #tpu.memory_space<vmem>> -> memref<128x64xf32, #tpu.memory_space<vmem>>
    %dma_start3A_545 = arith.constant 0 : i32
    %dma_start3A_546 = tpu.memref_slice %arg5[%dma_start3A_538, %dma_start3A_545] : memref<16x128xi32, #tpu.memory_space<vmem>> -> memref<1x128xi32, #tpu.memory_space<vmem>>
    %dma_start3A_547 = tpu.memref_squeeze %dma_start3A_546 : memref<1x128xi32, #tpu.memory_space<vmem>> -> memref<128xi32, #tpu.memory_space<vmem>>
    %dma_start3A_548 = arith.constant 0 : i32
    %dma_start3A_549 = arith.constant 0 : i32
    %dma_start3A_550 = tpu.memref_slice %arg3[%dma_start3A_548, %dma_start3A_549] : memref<100000x64xf32, #tpu.memory_space<hbm>> -> memref<100000x64xf32, #tpu.memory_space<hbm>>
    %dma_start3A_551 = tpu.memref_slice %arg7[%dma_start3A_540] : memref<4x!tpu.dma_semaphore, #tpu.memory_space<semaphore_mem>> -> memref<1x!tpu.dma_semaphore, #tpu.memory_space<semaphore_mem>>
    %dma_start3A_552 = tpu.memref_squeeze %dma_start3A_551 : memref<1x!tpu.dma_semaphore, #tpu.memory_space<semaphore_mem>> -> memref<!tpu.dma_semaphore, #tpu.memory_space<semaphore_mem>>
    tpu.enqueue_indirect_dma source(%dma_start3A_550 : memref<100000x64xf32, #tpu.memory_space<hbm>>) target(%dma_start3A_544 : memref<128x64xf32, #tpu.memory_space<vmem>>) offsets(%dma_start3A_547 : memref<128xi32, #tpu.memory_space<vmem>>) semaphore(%dma_start3A_552 : memref<!tpu.dma_semaphore, #tpu.memory_space<semaphore_mem>>)
    %dma_wait3A_553 = arith.constant 0 : i32
    %dma_wait3A_554 = arith.constant 3 : i32
    %dma_wait3A_555 = arith.constant 3 : i32
    %dma_wait3A_556 = arith.constant 0 : i32
    %dma_wait3A_557 = arith.constant 0 : i32
    %dma_wait3A_558 = tpu.memref_slice %arg6[%dma_wait3A_554, %dma_wait3A_556, %dma_wait3A_557] : memref<4x128x64xf32, #tpu.memory_space<vmem>> -> memref<1x128x64xf32, #tpu.memory_space<vmem>>
    %dma_wait3A_559 = tpu.memref_squeeze %dma_wait3A_558 : memref<1x128x64xf32, #tpu.memory_space<vmem>> -> memref<128x64xf32, #tpu.memory_space<vmem>>
    %dma_wait3A_560 = arith.constant 0 : i32
    %dma_wait3A_561 = tpu.memref_slice %arg5[%dma_wait3A_553, %dma_wait3A_560] : memref<16x128xi32, #tpu.memory_space<vmem>> -> memref<1x128xi32, #tpu.memory_space<vmem>>
    %dma_wait3A_562 = tpu.memref_squeeze %dma_wait3A_561 : memref<1x128xi32, #tpu.memory_space<vmem>> -> memref<128xi32, #tpu.memory_space<vmem>>
    %dma_wait3A_563 = arith.constant 0 : i32
    %dma_wait3A_564 = arith.constant 0 : i32
    %dma_wait3A_565 = tpu.memref_slice %arg3[%dma_wait3A_563, %dma_wait3A_564] : memref<100000x64xf32, #tpu.memory_space<hbm>> -> memref<100000x64xf32, #tpu.memory_space<hbm>>
    %dma_wait3A_566 = tpu.memref_slice %arg7[%dma_wait3A_555] : memref<4x!tpu.dma_semaphore, #tpu.memory_space<semaphore_mem>> -> memref<1x!tpu.dma_semaphore, #tpu.memory_space<semaphore_mem>>
    %dma_wait3A_567 = tpu.memref_squeeze %dma_wait3A_566 : memref<1x!tpu.dma_semaphore, #tpu.memory_space<semaphore_mem>> -> memref<!tpu.dma_semaphore, #tpu.memory_space<semaphore_mem>>
    tpu.wait_indirect_dma semaphore(%dma_wait3A_567 : memref<!tpu.dma_semaphore, #tpu.memory_space<semaphore_mem>>) src(%dma_wait3A_565 : memref<100000x64xf32, #tpu.memory_space<hbm>>) dst(%dma_wait3A_559 : memref<128x64xf32, #tpu.memory_space<vmem>>)
    %dma_start3A_568 = arith.constant 3 : i32
    %dma_start3A_569 = arith.constant 3 : i32
    %dma_start3A_570 = arith.constant 0 : i32
    %dma_start3A_571 = arith.constant 0 : i32
    %dma_start3A_572 = tpu.memref_slice %arg6[%dma_start3A_568, %dma_start3A_570, %dma_start3A_571] : memref<4x128x64xf32, #tpu.memory_space<vmem>> -> memref<1x128x64xf32, #tpu.memory_space<vmem>>
    %dma_start3A_573 = tpu.memref_squeeze %dma_start3A_572 : memref<1x128x64xf32, #tpu.memory_space<vmem>> -> memref<128x64xf32, #tpu.memory_space<vmem>>
    %dma_start3A_574 = arith.constant 896 : i32
    %dma_start3A_575 = arith.constant 0 : i32
    %dma_start3A_576 = tpu.memref_slice %arg4[%dma_start3A_574, %add3A, %dma_start3A_575] : memref<2048x32x128xf32, #tpu.memory_space<hbm>> -> memref<128x1x64xf32, #tpu.memory_space<hbm>>
    %dma_start3A_577 = tpu.memref_squeeze %dma_start3A_576 : memref<128x1x64xf32, #tpu.memory_space<hbm>> -> memref<128x64xf32, #tpu.memory_space<hbm>>
    %dma_start3A_578 = tpu.memref_slice %arg8[%dma_start3A_569] : memref<4x!tpu.dma_semaphore, #tpu.memory_space<semaphore_mem>> -> memref<1x!tpu.dma_semaphore, #tpu.memory_space<semaphore_mem>>
    %dma_start3A_579 = tpu.memref_squeeze %dma_start3A_578 : memref<1x!tpu.dma_semaphore, #tpu.memory_space<semaphore_mem>> -> memref<!tpu.dma_semaphore, #tpu.memory_space<semaphore_mem>>
    %dma_start3A_580 = arith.constant 896 : i32
    %dma_start3A_581 = arith.constant 0 : i32
    %dma_start3A_582 = tpu.memref_slice %arg4[%dma_start3A_580, %add3A, %dma_start3A_581] : memref<2048x32x128xf32, #tpu.memory_space<hbm>> -> memref<128x1x64xf32, #tpu.memory_space<hbm>>
    %dma_start3A_583 = tpu.memref_squeeze %dma_start3A_582 : memref<128x1x64xf32, #tpu.memory_space<hbm>> -> memref<128x64xf32, #tpu.memory_space<hbm>>
    %dma_start3A_584 = arith.constant 0 : i32
    %dma_start3A_585 = arith.constant 0 : i32
    %dma_start3A_586 = tpu.memref_slice %arg6[%dma_start3A_568, %dma_start3A_584, %dma_start3A_585] : memref<4x128x64xf32, #tpu.memory_space<vmem>> -> memref<1x128x64xf32, #tpu.memory_space<vmem>>
    %dma_start3A_587 = tpu.memref_squeeze %dma_start3A_586 : memref<1x128x64xf32, #tpu.memory_space<vmem>> -> memref<128x64xf32, #tpu.memory_space<vmem>>
    tpu.enqueue_dma source(%dma_start3A_587 : memref<128x64xf32, #tpu.memory_space<vmem>>) target(%dma_start3A_583 : memref<128x64xf32, #tpu.memory_space<hbm>>) target_semaphore(%dma_start3A_579 : memref<!tpu.dma_semaphore, #tpu.memory_space<semaphore_mem>>)
    %dma_wait3A_588 = arith.constant 3 : i32
    %dma_wait3A_589 = arith.constant 3 : i32
    %dma_wait3A_590 = arith.constant 0 : i32
    %dma_wait3A_591 = arith.constant 0 : i32
    %dma_wait3A_592 = tpu.memref_slice %arg6[%dma_wait3A_588, %dma_wait3A_590, %dma_wait3A_591] : memref<4x128x64xf32, #tpu.memory_space<vmem>> -> memref<1x128x64xf32, #tpu.memory_space<vmem>>
    %dma_wait3A_593 = tpu.memref_squeeze %dma_wait3A_592 : memref<1x128x64xf32, #tpu.memory_space<vmem>> -> memref<128x64xf32, #tpu.memory_space<vmem>>
    %dma_wait3A_594 = arith.constant 0 : i32
    %dma_wait3A_595 = arith.constant 0 : i32
    %dma_wait3A_596 = tpu.memref_slice %arg4[%dma_wait3A_594, %add3A, %dma_wait3A_595] : memref<2048x32x128xf32, #tpu.memory_space<hbm>> -> memref<128x1x64xf32, #tpu.memory_space<hbm>>
    %dma_wait3A_597 = tpu.memref_squeeze %dma_wait3A_596 : memref<128x1x64xf32, #tpu.memory_space<hbm>> -> memref<128x64xf32, #tpu.memory_space<hbm>>
    %dma_wait3A_598 = tpu.memref_slice %arg8[%dma_wait3A_589] : memref<4x!tpu.dma_semaphore, #tpu.memory_space<semaphore_mem>> -> memref<1x!tpu.dma_semaphore, #tpu.memory_space<semaphore_mem>>
    %dma_wait3A_599 = tpu.memref_squeeze %dma_wait3A_598 : memref<1x!tpu.dma_semaphore, #tpu.memory_space<semaphore_mem>> -> memref<!tpu.dma_semaphore, #tpu.memory_space<semaphore_mem>>
    %dma_wait3A_600 = arith.constant 0 : i32
    %dma_wait3A_601 = arith.constant 0 : i32
    %dma_wait3A_602 = tpu.memref_slice %arg4[%dma_wait3A_600, %add3A, %dma_wait3A_601] : memref<2048x32x128xf32, #tpu.memory_space<hbm>> -> memref<128x1x64xf32, #tpu.memory_space<hbm>>
    %dma_wait3A_603 = tpu.memref_squeeze %dma_wait3A_602 : memref<128x1x64xf32, #tpu.memory_space<hbm>> -> memref<128x64xf32, #tpu.memory_space<hbm>>
    %dma_wait3A_604 = arith.constant 0 : i32
    %dma_wait3A_605 = arith.constant 0 : i32
    %dma_wait3A_606 = tpu.memref_slice %arg6[%dma_wait3A_588, %dma_wait3A_604, %dma_wait3A_605] : memref<4x128x64xf32, #tpu.memory_space<vmem>> -> memref<1x128x64xf32, #tpu.memory_space<vmem>>
    %dma_wait3A_607 = tpu.memref_squeeze %dma_wait3A_606 : memref<1x128x64xf32, #tpu.memory_space<vmem>> -> memref<128x64xf32, #tpu.memory_space<vmem>>
    tpu.wait_dma2 semaphore(%dma_wait3A_599 : memref<!tpu.dma_semaphore, #tpu.memory_space<semaphore_mem>>) src(%dma_wait3A_607 : memref<128x64xf32, #tpu.memory_space<vmem>>) dst(%dma_wait3A_603 : memref<128x64xf32, #tpu.memory_space<hbm>>)
    %dma_start3A_608 = arith.constant 11 : i32
    %dma_start3A_609 = arith.constant 3 : i32
    %dma_start3A_610 = arith.constant 3 : i32
    %dma_start3A_611 = arith.constant 0 : i32
    %dma_start3A_612 = arith.constant 0 : i32
    %dma_start3A_613 = tpu.memref_slice %arg6[%dma_start3A_609, %dma_start3A_611, %dma_start3A_612] : memref<4x128x64xf32, #tpu.memory_space<vmem>> -> memref<1x128x64xf32, #tpu.memory_space<vmem>>
    %dma_start3A_614 = tpu.memref_squeeze %dma_start3A_613 : memref<1x128x64xf32, #tpu.memory_space<vmem>> -> memref<128x64xf32, #tpu.memory_space<vmem>>
    %dma_start3A_615 = arith.constant 0 : i32
    %dma_start3A_616 = tpu.memref_slice %arg5[%dma_start3A_608, %dma_start3A_615] : memref<16x128xi32, #tpu.memory_space<vmem>> -> memref<1x128xi32, #tpu.memory_space<vmem>>
    %dma_start3A_617 = tpu.memref_squeeze %dma_start3A_616 : memref<1x128xi32, #tpu.memory_space<vmem>> -> memref<128xi32, #tpu.memory_space<vmem>>
    %dma_start3A_618 = arith.constant 0 : i32
    %dma_start3A_619 = arith.constant 0 : i32
    %dma_start3A_620 = tpu.memref_slice %arg3[%dma_start3A_618, %dma_start3A_619] : memref<100000x64xf32, #tpu.memory_space<hbm>> -> memref<100000x64xf32, #tpu.memory_space<hbm>>
    %dma_start3A_621 = tpu.memref_slice %arg7[%dma_start3A_610] : memref<4x!tpu.dma_semaphore, #tpu.memory_space<semaphore_mem>> -> memref<1x!tpu.dma_semaphore, #tpu.memory_space<semaphore_mem>>
    %dma_start3A_622 = tpu.memref_squeeze %dma_start3A_621 : memref<1x!tpu.dma_semaphore, #tpu.memory_space<semaphore_mem>> -> memref<!tpu.dma_semaphore, #tpu.memory_space<semaphore_mem>>
    tpu.enqueue_indirect_dma source(%dma_start3A_620 : memref<100000x64xf32, #tpu.memory_space<hbm>>) target(%dma_start3A_614 : memref<128x64xf32, #tpu.memory_space<vmem>>) offsets(%dma_start3A_617 : memref<128xi32, #tpu.memory_space<vmem>>) semaphore(%dma_start3A_622 : memref<!tpu.dma_semaphore, #tpu.memory_space<semaphore_mem>>)
    %dma_wait3A_623 = arith.constant 0 : i32
    %dma_wait3A_624 = arith.constant 0 : i32
    %dma_wait3A_625 = arith.constant 0 : i32
    %dma_wait3A_626 = arith.constant 0 : i32
    %dma_wait3A_627 = arith.constant 0 : i32
    %dma_wait3A_628 = tpu.memref_slice %arg6[%dma_wait3A_624, %dma_wait3A_626, %dma_wait3A_627] : memref<4x128x64xf32, #tpu.memory_space<vmem>> -> memref<1x128x64xf32, #tpu.memory_space<vmem>>
    %dma_wait3A_629 = tpu.memref_squeeze %dma_wait3A_628 : memref<1x128x64xf32, #tpu.memory_space<vmem>> -> memref<128x64xf32, #tpu.memory_space<vmem>>
    %dma_wait3A_630 = arith.constant 0 : i32
    %dma_wait3A_631 = tpu.memref_slice %arg5[%dma_wait3A_623, %dma_wait3A_630] : memref<16x128xi32, #tpu.memory_space<vmem>> -> memref<1x128xi32, #tpu.memory_space<vmem>>
    %dma_wait3A_632 = tpu.memref_squeeze %dma_wait3A_631 : memref<1x128xi32, #tpu.memory_space<vmem>> -> memref<128xi32, #tpu.memory_space<vmem>>
    %dma_wait3A_633 = arith.constant 0 : i32
    %dma_wait3A_634 = arith.constant 0 : i32
    %dma_wait3A_635 = tpu.memref_slice %arg3[%dma_wait3A_633, %dma_wait3A_634] : memref<100000x64xf32, #tpu.memory_space<hbm>> -> memref<100000x64xf32, #tpu.memory_space<hbm>>
    %dma_wait3A_636 = tpu.memref_slice %arg7[%dma_wait3A_625] : memref<4x!tpu.dma_semaphore, #tpu.memory_space<semaphore_mem>> -> memref<1x!tpu.dma_semaphore, #tpu.memory_space<semaphore_mem>>
    %dma_wait3A_637 = tpu.memref_squeeze %dma_wait3A_636 : memref<1x!tpu.dma_semaphore, #tpu.memory_space<semaphore_mem>> -> memref<!tpu.dma_semaphore, #tpu.memory_space<semaphore_mem>>
    tpu.wait_indirect_dma semaphore(%dma_wait3A_637 : memref<!tpu.dma_semaphore, #tpu.memory_space<semaphore_mem>>) src(%dma_wait3A_635 : memref<100000x64xf32, #tpu.memory_space<hbm>>) dst(%dma_wait3A_629 : memref<128x64xf32, #tpu.memory_space<vmem>>)
    %dma_start3A_638 = arith.constant 0 : i32
    %dma_start3A_639 = arith.constant 0 : i32
    %dma_start3A_640 = arith.constant 0 : i32
    %dma_start3A_641 = arith.constant 0 : i32
    %dma_start3A_642 = tpu.memref_slice %arg6[%dma_start3A_638, %dma_start3A_640, %dma_start3A_641] : memref<4x128x64xf32, #tpu.memory_space<vmem>> -> memref<1x128x64xf32, #tpu.memory_space<vmem>>
    %dma_start3A_643 = tpu.memref_squeeze %dma_start3A_642 : memref<1x128x64xf32, #tpu.memory_space<vmem>> -> memref<128x64xf32, #tpu.memory_space<vmem>>
    %dma_start3A_644 = arith.constant 1024 : i32
    %dma_start3A_645 = arith.constant 0 : i32
    %dma_start3A_646 = tpu.memref_slice %arg4[%dma_start3A_644, %add3A, %dma_start3A_645] : memref<2048x32x128xf32, #tpu.memory_space<hbm>> -> memref<128x1x64xf32, #tpu.memory_space<hbm>>
    %dma_start3A_647 = tpu.memref_squeeze %dma_start3A_646 : memref<128x1x64xf32, #tpu.memory_space<hbm>> -> memref<128x64xf32, #tpu.memory_space<hbm>>
    %dma_start3A_648 = tpu.memref_slice %arg8[%dma_start3A_639] : memref<4x!tpu.dma_semaphore, #tpu.memory_space<semaphore_mem>> -> memref<1x!tpu.dma_semaphore, #tpu.memory_space<semaphore_mem>>
    %dma_start3A_649 = tpu.memref_squeeze %dma_start3A_648 : memref<1x!tpu.dma_semaphore, #tpu.memory_space<semaphore_mem>> -> memref<!tpu.dma_semaphore, #tpu.memory_space<semaphore_mem>>
    %dma_start3A_650 = arith.constant 1024 : i32
    %dma_start3A_651 = arith.constant 0 : i32
    %dma_start3A_652 = tpu.memref_slice %arg4[%dma_start3A_650, %add3A, %dma_start3A_651] : memref<2048x32x128xf32, #tpu.memory_space<hbm>> -> memref<128x1x64xf32, #tpu.memory_space<hbm>>
    %dma_start3A_653 = tpu.memref_squeeze %dma_start3A_652 : memref<128x1x64xf32, #tpu.memory_space<hbm>> -> memref<128x64xf32, #tpu.memory_space<hbm>>
    %dma_start3A_654 = arith.constant 0 : i32
    %dma_start3A_655 = arith.constant 0 : i32
    %dma_start3A_656 = tpu.memref_slice %arg6[%dma_start3A_638, %dma_start3A_654, %dma_start3A_655] : memref<4x128x64xf32, #tpu.memory_space<vmem>> -> memref<1x128x64xf32, #tpu.memory_space<vmem>>
    %dma_start3A_657 = tpu.memref_squeeze %dma_start3A_656 : memref<1x128x64xf32, #tpu.memory_space<vmem>> -> memref<128x64xf32, #tpu.memory_space<vmem>>
    tpu.enqueue_dma source(%dma_start3A_657 : memref<128x64xf32, #tpu.memory_space<vmem>>) target(%dma_start3A_653 : memref<128x64xf32, #tpu.memory_space<hbm>>) target_semaphore(%dma_start3A_649 : memref<!tpu.dma_semaphore, #tpu.memory_space<semaphore_mem>>)
    %dma_wait3A_658 = arith.constant 0 : i32
    %dma_wait3A_659 = arith.constant 0 : i32
    %dma_wait3A_660 = arith.constant 0 : i32
    %dma_wait3A_661 = arith.constant 0 : i32
    %dma_wait3A_662 = tpu.memref_slice %arg6[%dma_wait3A_658, %dma_wait3A_660, %dma_wait3A_661] : memref<4x128x64xf32, #tpu.memory_space<vmem>> -> memref<1x128x64xf32, #tpu.memory_space<vmem>>
    %dma_wait3A_663 = tpu.memref_squeeze %dma_wait3A_662 : memref<1x128x64xf32, #tpu.memory_space<vmem>> -> memref<128x64xf32, #tpu.memory_space<vmem>>
    %dma_wait3A_664 = arith.constant 0 : i32
    %dma_wait3A_665 = arith.constant 0 : i32
    %dma_wait3A_666 = tpu.memref_slice %arg4[%dma_wait3A_664, %add3A, %dma_wait3A_665] : memref<2048x32x128xf32, #tpu.memory_space<hbm>> -> memref<128x1x64xf32, #tpu.memory_space<hbm>>
    %dma_wait3A_667 = tpu.memref_squeeze %dma_wait3A_666 : memref<128x1x64xf32, #tpu.memory_space<hbm>> -> memref<128x64xf32, #tpu.memory_space<hbm>>
    %dma_wait3A_668 = tpu.memref_slice %arg8[%dma_wait3A_659] : memref<4x!tpu.dma_semaphore, #tpu.memory_space<semaphore_mem>> -> memref<1x!tpu.dma_semaphore, #tpu.memory_space<semaphore_mem>>
    %dma_wait3A_669 = tpu.memref_squeeze %dma_wait3A_668 : memref<1x!tpu.dma_semaphore, #tpu.memory_space<semaphore_mem>> -> memref<!tpu.dma_semaphore, #tpu.memory_space<semaphore_mem>>
    %dma_wait3A_670 = arith.constant 0 : i32
    %dma_wait3A_671 = arith.constant 0 : i32
    %dma_wait3A_672 = tpu.memref_slice %arg4[%dma_wait3A_670, %add3A, %dma_wait3A_671] : memref<2048x32x128xf32, #tpu.memory_space<hbm>> -> memref<128x1x64xf32, #tpu.memory_space<hbm>>
    %dma_wait3A_673 = tpu.memref_squeeze %dma_wait3A_672 : memref<128x1x64xf32, #tpu.memory_space<hbm>> -> memref<128x64xf32, #tpu.memory_space<hbm>>
    %dma_wait3A_674 = arith.constant 0 : i32
    %dma_wait3A_675 = arith.constant 0 : i32
    %dma_wait3A_676 = tpu.memref_slice %arg6[%dma_wait3A_658, %dma_wait3A_674, %dma_wait3A_675] : memref<4x128x64xf32, #tpu.memory_space<vmem>> -> memref<1x128x64xf32, #tpu.memory_space<vmem>>
    %dma_wait3A_677 = tpu.memref_squeeze %dma_wait3A_676 : memref<1x128x64xf32, #tpu.memory_space<vmem>> -> memref<128x64xf32, #tpu.memory_space<vmem>>
    tpu.wait_dma2 semaphore(%dma_wait3A_669 : memref<!tpu.dma_semaphore, #tpu.memory_space<semaphore_mem>>) src(%dma_wait3A_677 : memref<128x64xf32, #tpu.memory_space<vmem>>) dst(%dma_wait3A_673 : memref<128x64xf32, #tpu.memory_space<hbm>>)
    %dma_start3A_678 = arith.constant 12 : i32
    %dma_start3A_679 = arith.constant 0 : i32
    %dma_start3A_680 = arith.constant 0 : i32
    %dma_start3A_681 = arith.constant 0 : i32
    %dma_start3A_682 = arith.constant 0 : i32
    %dma_start3A_683 = tpu.memref_slice %arg6[%dma_start3A_679, %dma_start3A_681, %dma_start3A_682] : memref<4x128x64xf32, #tpu.memory_space<vmem>> -> memref<1x128x64xf32, #tpu.memory_space<vmem>>
    %dma_start3A_684 = tpu.memref_squeeze %dma_start3A_683 : memref<1x128x64xf32, #tpu.memory_space<vmem>> -> memref<128x64xf32, #tpu.memory_space<vmem>>
    %dma_start3A_685 = arith.constant 0 : i32
    %dma_start3A_686 = tpu.memref_slice %arg5[%dma_start3A_678, %dma_start3A_685] : memref<16x128xi32, #tpu.memory_space<vmem>> -> memref<1x128xi32, #tpu.memory_space<vmem>>
    %dma_start3A_687 = tpu.memref_squeeze %dma_start3A_686 : memref<1x128xi32, #tpu.memory_space<vmem>> -> memref<128xi32, #tpu.memory_space<vmem>>
    %dma_start3A_688 = arith.constant 0 : i32
    %dma_start3A_689 = arith.constant 0 : i32
    %dma_start3A_690 = tpu.memref_slice %arg3[%dma_start3A_688, %dma_start3A_689] : memref<100000x64xf32, #tpu.memory_space<hbm>> -> memref<100000x64xf32, #tpu.memory_space<hbm>>
    %dma_start3A_691 = tpu.memref_slice %arg7[%dma_start3A_680] : memref<4x!tpu.dma_semaphore, #tpu.memory_space<semaphore_mem>> -> memref<1x!tpu.dma_semaphore, #tpu.memory_space<semaphore_mem>>
    %dma_start3A_692 = tpu.memref_squeeze %dma_start3A_691 : memref<1x!tpu.dma_semaphore, #tpu.memory_space<semaphore_mem>> -> memref<!tpu.dma_semaphore, #tpu.memory_space<semaphore_mem>>
    tpu.enqueue_indirect_dma source(%dma_start3A_690 : memref<100000x64xf32, #tpu.memory_space<hbm>>) target(%dma_start3A_684 : memref<128x64xf32, #tpu.memory_space<vmem>>) offsets(%dma_start3A_687 : memref<128xi32, #tpu.memory_space<vmem>>) semaphore(%dma_start3A_692 : memref<!tpu.dma_semaphore, #tpu.memory_space<semaphore_mem>>)
    %dma_wait3A_693 = arith.constant 0 : i32
    %dma_wait3A_694 = arith.constant 1 : i32
    %dma_wait3A_695 = arith.constant 1 : i32
    %dma_wait3A_696 = arith.constant 0 : i32
    %dma_wait3A_697 = arith.constant 0 : i32
    %dma_wait3A_698 = tpu.memref_slice %arg6[%dma_wait3A_694, %dma_wait3A_696, %dma_wait3A_697] : memref<4x128x64xf32, #tpu.memory_space<vmem>> -> memref<1x128x64xf32, #tpu.memory_space<vmem>>
    %dma_wait3A_699 = tpu.memref_squeeze %dma_wait3A_698 : memref<1x128x64xf32, #tpu.memory_space<vmem>> -> memref<128x64xf32, #tpu.memory_space<vmem>>
    %dma_wait3A_700 = arith.constant 0 : i32
    %dma_wait3A_701 = tpu.memref_slice %arg5[%dma_wait3A_693, %dma_wait3A_700] : memref<16x128xi32, #tpu.memory_space<vmem>> -> memref<1x128xi32, #tpu.memory_space<vmem>>
    %dma_wait3A_702 = tpu.memref_squeeze %dma_wait3A_701 : memref<1x128xi32, #tpu.memory_space<vmem>> -> memref<128xi32, #tpu.memory_space<vmem>>
    %dma_wait3A_703 = arith.constant 0 : i32
    %dma_wait3A_704 = arith.constant 0 : i32
    %dma_wait3A_705 = tpu.memref_slice %arg3[%dma_wait3A_703, %dma_wait3A_704] : memref<100000x64xf32, #tpu.memory_space<hbm>> -> memref<100000x64xf32, #tpu.memory_space<hbm>>
    %dma_wait3A_706 = tpu.memref_slice %arg7[%dma_wait3A_695] : memref<4x!tpu.dma_semaphore, #tpu.memory_space<semaphore_mem>> -> memref<1x!tpu.dma_semaphore, #tpu.memory_space<semaphore_mem>>
    %dma_wait3A_707 = tpu.memref_squeeze %dma_wait3A_706 : memref<1x!tpu.dma_semaphore, #tpu.memory_space<semaphore_mem>> -> memref<!tpu.dma_semaphore, #tpu.memory_space<semaphore_mem>>
    tpu.wait_indirect_dma semaphore(%dma_wait3A_707 : memref<!tpu.dma_semaphore, #tpu.memory_space<semaphore_mem>>) src(%dma_wait3A_705 : memref<100000x64xf32, #tpu.memory_space<hbm>>) dst(%dma_wait3A_699 : memref<128x64xf32, #tpu.memory_space<vmem>>)
    %dma_start3A_708 = arith.constant 1 : i32
    %dma_start3A_709 = arith.constant 1 : i32
    %dma_start3A_710 = arith.constant 0 : i32
    %dma_start3A_711 = arith.constant 0 : i32
    %dma_start3A_712 = tpu.memref_slice %arg6[%dma_start3A_708, %dma_start3A_710, %dma_start3A_711] : memref<4x128x64xf32, #tpu.memory_space<vmem>> -> memref<1x128x64xf32, #tpu.memory_space<vmem>>
    %dma_start3A_713 = tpu.memref_squeeze %dma_start3A_712 : memref<1x128x64xf32, #tpu.memory_space<vmem>> -> memref<128x64xf32, #tpu.memory_space<vmem>>
    %dma_start3A_714 = arith.constant 1152 : i32
    %dma_start3A_715 = arith.constant 0 : i32
    %dma_start3A_716 = tpu.memref_slice %arg4[%dma_start3A_714, %add3A, %dma_start3A_715] : memref<2048x32x128xf32, #tpu.memory_space<hbm>> -> memref<128x1x64xf32, #tpu.memory_space<hbm>>
    %dma_start3A_717 = tpu.memref_squeeze %dma_start3A_716 : memref<128x1x64xf32, #tpu.memory_space<hbm>> -> memref<128x64xf32, #tpu.memory_space<hbm>>
    %dma_start3A_718 = tpu.memref_slice %arg8[%dma_start3A_709] : memref<4x!tpu.dma_semaphore, #tpu.memory_space<semaphore_mem>> -> memref<1x!tpu.dma_semaphore, #tpu.memory_space<semaphore_mem>>
    %dma_start3A_719 = tpu.memref_squeeze %dma_start3A_718 : memref<1x!tpu.dma_semaphore, #tpu.memory_space<semaphore_mem>> -> memref<!tpu.dma_semaphore, #tpu.memory_space<semaphore_mem>>
    %dma_start3A_720 = arith.constant 1152 : i32
    %dma_start3A_721 = arith.constant 0 : i32
    %dma_start3A_722 = tpu.memref_slice %arg4[%dma_start3A_720, %add3A, %dma_start3A_721] : memref<2048x32x128xf32, #tpu.memory_space<hbm>> -> memref<128x1x64xf32, #tpu.memory_space<hbm>>
    %dma_start3A_723 = tpu.memref_squeeze %dma_start3A_722 : memref<128x1x64xf32, #tpu.memory_space<hbm>> -> memref<128x64xf32, #tpu.memory_space<hbm>>
    %dma_start3A_724 = arith.constant 0 : i32
    %dma_start3A_725 = arith.constant 0 : i32
    %dma_start3A_726 = tpu.memref_slice %arg6[%dma_start3A_708, %dma_start3A_724, %dma_start3A_725] : memref<4x128x64xf32, #tpu.memory_space<vmem>> -> memref<1x128x64xf32, #tpu.memory_space<vmem>>
    %dma_start3A_727 = tpu.memref_squeeze %dma_start3A_726 : memref<1x128x64xf32, #tpu.memory_space<vmem>> -> memref<128x64xf32, #tpu.memory_space<vmem>>
    tpu.enqueue_dma source(%dma_start3A_727 : memref<128x64xf32, #tpu.memory_space<vmem>>) target(%dma_start3A_723 : memref<128x64xf32, #tpu.memory_space<hbm>>) target_semaphore(%dma_start3A_719 : memref<!tpu.dma_semaphore, #tpu.memory_space<semaphore_mem>>)
    %dma_wait3A_728 = arith.constant 1 : i32
    %dma_wait3A_729 = arith.constant 1 : i32
    %dma_wait3A_730 = arith.constant 0 : i32
    %dma_wait3A_731 = arith.constant 0 : i32
    %dma_wait3A_732 = tpu.memref_slice %arg6[%dma_wait3A_728, %dma_wait3A_730, %dma_wait3A_731] : memref<4x128x64xf32, #tpu.memory_space<vmem>> -> memref<1x128x64xf32, #tpu.memory_space<vmem>>
    %dma_wait3A_733 = tpu.memref_squeeze %dma_wait3A_732 : memref<1x128x64xf32, #tpu.memory_space<vmem>> -> memref<128x64xf32, #tpu.memory_space<vmem>>
    %dma_wait3A_734 = arith.constant 0 : i32
    %dma_wait3A_735 = arith.constant 0 : i32
    %dma_wait3A_736 = tpu.memref_slice %arg4[%dma_wait3A_734, %add3A, %dma_wait3A_735] : memref<2048x32x128xf32, #tpu.memory_space<hbm>> -> memref<128x1x64xf32, #tpu.memory_space<hbm>>
    %dma_wait3A_737 = tpu.memref_squeeze %dma_wait3A_736 : memref<128x1x64xf32, #tpu.memory_space<hbm>> -> memref<128x64xf32, #tpu.memory_space<hbm>>
    %dma_wait3A_738 = tpu.memref_slice %arg8[%dma_wait3A_729] : memref<4x!tpu.dma_semaphore, #tpu.memory_space<semaphore_mem>> -> memref<1x!tpu.dma_semaphore, #tpu.memory_space<semaphore_mem>>
    %dma_wait3A_739 = tpu.memref_squeeze %dma_wait3A_738 : memref<1x!tpu.dma_semaphore, #tpu.memory_space<semaphore_mem>> -> memref<!tpu.dma_semaphore, #tpu.memory_space<semaphore_mem>>
    %dma_wait3A_740 = arith.constant 0 : i32
    %dma_wait3A_741 = arith.constant 0 : i32
    %dma_wait3A_742 = tpu.memref_slice %arg4[%dma_wait3A_740, %add3A, %dma_wait3A_741] : memref<2048x32x128xf32, #tpu.memory_space<hbm>> -> memref<128x1x64xf32, #tpu.memory_space<hbm>>
    %dma_wait3A_743 = tpu.memref_squeeze %dma_wait3A_742 : memref<128x1x64xf32, #tpu.memory_space<hbm>> -> memref<128x64xf32, #tpu.memory_space<hbm>>
    %dma_wait3A_744 = arith.constant 0 : i32
    %dma_wait3A_745 = arith.constant 0 : i32
    %dma_wait3A_746 = tpu.memref_slice %arg6[%dma_wait3A_728, %dma_wait3A_744, %dma_wait3A_745] : memref<4x128x64xf32, #tpu.memory_space<vmem>> -> memref<1x128x64xf32, #tpu.memory_space<vmem>>
    %dma_wait3A_747 = tpu.memref_squeeze %dma_wait3A_746 : memref<1x128x64xf32, #tpu.memory_space<vmem>> -> memref<128x64xf32, #tpu.memory_space<vmem>>
    tpu.wait_dma2 semaphore(%dma_wait3A_739 : memref<!tpu.dma_semaphore, #tpu.memory_space<semaphore_mem>>) src(%dma_wait3A_747 : memref<128x64xf32, #tpu.memory_space<vmem>>) dst(%dma_wait3A_743 : memref<128x64xf32, #tpu.memory_space<hbm>>)
    %dma_start3A_748 = arith.constant 13 : i32
    %dma_start3A_749 = arith.constant 1 : i32
    %dma_start3A_750 = arith.constant 1 : i32
    %dma_start3A_751 = arith.constant 0 : i32
    %dma_start3A_752 = arith.constant 0 : i32
    %dma_start3A_753 = tpu.memref_slice %arg6[%dma_start3A_749, %dma_start3A_751, %dma_start3A_752] : memref<4x128x64xf32, #tpu.memory_space<vmem>> -> memref<1x128x64xf32, #tpu.memory_space<vmem>>
    %dma_start3A_754 = tpu.memref_squeeze %dma_start3A_753 : memref<1x128x64xf32, #tpu.memory_space<vmem>> -> memref<128x64xf32, #tpu.memory_space<vmem>>
    %dma_start3A_755 = arith.constant 0 : i32
    %dma_start3A_756 = tpu.memref_slice %arg5[%dma_start3A_748, %dma_start3A_755] : memref<16x128xi32, #tpu.memory_space<vmem>> -> memref<1x128xi32, #tpu.memory_space<vmem>>
    %dma_start3A_757 = tpu.memref_squeeze %dma_start3A_756 : memref<1x128xi32, #tpu.memory_space<vmem>> -> memref<128xi32, #tpu.memory_space<vmem>>
    %dma_start3A_758 = arith.constant 0 : i32
    %dma_start3A_759 = arith.constant 0 : i32
    %dma_start3A_760 = tpu.memref_slice %arg3[%dma_start3A_758, %dma_start3A_759] : memref<100000x64xf32, #tpu.memory_space<hbm>> -> memref<100000x64xf32, #tpu.memory_space<hbm>>
    %dma_start3A_761 = tpu.memref_slice %arg7[%dma_start3A_750] : memref<4x!tpu.dma_semaphore, #tpu.memory_space<semaphore_mem>> -> memref<1x!tpu.dma_semaphore, #tpu.memory_space<semaphore_mem>>
    %dma_start3A_762 = tpu.memref_squeeze %dma_start3A_761 : memref<1x!tpu.dma_semaphore, #tpu.memory_space<semaphore_mem>> -> memref<!tpu.dma_semaphore, #tpu.memory_space<semaphore_mem>>
    tpu.enqueue_indirect_dma source(%dma_start3A_760 : memref<100000x64xf32, #tpu.memory_space<hbm>>) target(%dma_start3A_754 : memref<128x64xf32, #tpu.memory_space<vmem>>) offsets(%dma_start3A_757 : memref<128xi32, #tpu.memory_space<vmem>>) semaphore(%dma_start3A_762 : memref<!tpu.dma_semaphore, #tpu.memory_space<semaphore_mem>>)
    %dma_wait3A_763 = arith.constant 0 : i32
    %dma_wait3A_764 = arith.constant 2 : i32
    %dma_wait3A_765 = arith.constant 2 : i32
    %dma_wait3A_766 = arith.constant 0 : i32
    %dma_wait3A_767 = arith.constant 0 : i32
    %dma_wait3A_768 = tpu.memref_slice %arg6[%dma_wait3A_764, %dma_wait3A_766, %dma_wait3A_767] : memref<4x128x64xf32, #tpu.memory_space<vmem>> -> memref<1x128x64xf32, #tpu.memory_space<vmem>>
    %dma_wait3A_769 = tpu.memref_squeeze %dma_wait3A_768 : memref<1x128x64xf32, #tpu.memory_space<vmem>> -> memref<128x64xf32, #tpu.memory_space<vmem>>
    %dma_wait3A_770 = arith.constant 0 : i32
    %dma_wait3A_771 = tpu.memref_slice %arg5[%dma_wait3A_763, %dma_wait3A_770] : memref<16x128xi32, #tpu.memory_space<vmem>> -> memref<1x128xi32, #tpu.memory_space<vmem>>
    %dma_wait3A_772 = tpu.memref_squeeze %dma_wait3A_771 : memref<1x128xi32, #tpu.memory_space<vmem>> -> memref<128xi32, #tpu.memory_space<vmem>>
    %dma_wait3A_773 = arith.constant 0 : i32
    %dma_wait3A_774 = arith.constant 0 : i32
    %dma_wait3A_775 = tpu.memref_slice %arg3[%dma_wait3A_773, %dma_wait3A_774] : memref<100000x64xf32, #tpu.memory_space<hbm>> -> memref<100000x64xf32, #tpu.memory_space<hbm>>
    %dma_wait3A_776 = tpu.memref_slice %arg7[%dma_wait3A_765] : memref<4x!tpu.dma_semaphore, #tpu.memory_space<semaphore_mem>> -> memref<1x!tpu.dma_semaphore, #tpu.memory_space<semaphore_mem>>
    %dma_wait3A_777 = tpu.memref_squeeze %dma_wait3A_776 : memref<1x!tpu.dma_semaphore, #tpu.memory_space<semaphore_mem>> -> memref<!tpu.dma_semaphore, #tpu.memory_space<semaphore_mem>>
    tpu.wait_indirect_dma semaphore(%dma_wait3A_777 : memref<!tpu.dma_semaphore, #tpu.memory_space<semaphore_mem>>) src(%dma_wait3A_775 : memref<100000x64xf32, #tpu.memory_space<hbm>>) dst(%dma_wait3A_769 : memref<128x64xf32, #tpu.memory_space<vmem>>)
    %dma_start3A_778 = arith.constant 2 : i32
    %dma_start3A_779 = arith.constant 2 : i32
    %dma_start3A_780 = arith.constant 0 : i32
    %dma_start3A_781 = arith.constant 0 : i32
    %dma_start3A_782 = tpu.memref_slice %arg6[%dma_start3A_778, %dma_start3A_780, %dma_start3A_781] : memref<4x128x64xf32, #tpu.memory_space<vmem>> -> memref<1x128x64xf32, #tpu.memory_space<vmem>>
    %dma_start3A_783 = tpu.memref_squeeze %dma_start3A_782 : memref<1x128x64xf32, #tpu.memory_space<vmem>> -> memref<128x64xf32, #tpu.memory_space<vmem>>
    %dma_start3A_784 = arith.constant 1280 : i32
    %dma_start3A_785 = arith.constant 0 : i32
    %dma_start3A_786 = tpu.memref_slice %arg4[%dma_start3A_784, %add3A, %dma_start3A_785] : memref<2048x32x128xf32, #tpu.memory_space<hbm>> -> memref<128x1x64xf32, #tpu.memory_space<hbm>>
    %dma_start3A_787 = tpu.memref_squeeze %dma_start3A_786 : memref<128x1x64xf32, #tpu.memory_space<hbm>> -> memref<128x64xf32, #tpu.memory_space<hbm>>
    %dma_start3A_788 = tpu.memref_slice %arg8[%dma_start3A_779] : memref<4x!tpu.dma_semaphore, #tpu.memory_space<semaphore_mem>> -> memref<1x!tpu.dma_semaphore, #tpu.memory_space<semaphore_mem>>
    %dma_start3A_789 = tpu.memref_squeeze %dma_start3A_788 : memref<1x!tpu.dma_semaphore, #tpu.memory_space<semaphore_mem>> -> memref<!tpu.dma_semaphore, #tpu.memory_space<semaphore_mem>>
    %dma_start3A_790 = arith.constant 1280 : i32
    %dma_start3A_791 = arith.constant 0 : i32
    %dma_start3A_792 = tpu.memref_slice %arg4[%dma_start3A_790, %add3A, %dma_start3A_791] : memref<2048x32x128xf32, #tpu.memory_space<hbm>> -> memref<128x1x64xf32, #tpu.memory_space<hbm>>
    %dma_start3A_793 = tpu.memref_squeeze %dma_start3A_792 : memref<128x1x64xf32, #tpu.memory_space<hbm>> -> memref<128x64xf32, #tpu.memory_space<hbm>>
    %dma_start3A_794 = arith.constant 0 : i32
    %dma_start3A_795 = arith.constant 0 : i32
    %dma_start3A_796 = tpu.memref_slice %arg6[%dma_start3A_778, %dma_start3A_794, %dma_start3A_795] : memref<4x128x64xf32, #tpu.memory_space<vmem>> -> memref<1x128x64xf32, #tpu.memory_space<vmem>>
    %dma_start3A_797 = tpu.memref_squeeze %dma_start3A_796 : memref<1x128x64xf32, #tpu.memory_space<vmem>> -> memref<128x64xf32, #tpu.memory_space<vmem>>
    tpu.enqueue_dma source(%dma_start3A_797 : memref<128x64xf32, #tpu.memory_space<vmem>>) target(%dma_start3A_793 : memref<128x64xf32, #tpu.memory_space<hbm>>) target_semaphore(%dma_start3A_789 : memref<!tpu.dma_semaphore, #tpu.memory_space<semaphore_mem>>)
    %dma_wait3A_798 = arith.constant 2 : i32
    %dma_wait3A_799 = arith.constant 2 : i32
    %dma_wait3A_800 = arith.constant 0 : i32
    %dma_wait3A_801 = arith.constant 0 : i32
    %dma_wait3A_802 = tpu.memref_slice %arg6[%dma_wait3A_798, %dma_wait3A_800, %dma_wait3A_801] : memref<4x128x64xf32, #tpu.memory_space<vmem>> -> memref<1x128x64xf32, #tpu.memory_space<vmem>>
    %dma_wait3A_803 = tpu.memref_squeeze %dma_wait3A_802 : memref<1x128x64xf32, #tpu.memory_space<vmem>> -> memref<128x64xf32, #tpu.memory_space<vmem>>
    %dma_wait3A_804 = arith.constant 0 : i32
    %dma_wait3A_805 = arith.constant 0 : i32
    %dma_wait3A_806 = tpu.memref_slice %arg4[%dma_wait3A_804, %add3A, %dma_wait3A_805] : memref<2048x32x128xf32, #tpu.memory_space<hbm>> -> memref<128x1x64xf32, #tpu.memory_space<hbm>>
    %dma_wait3A_807 = tpu.memref_squeeze %dma_wait3A_806 : memref<128x1x64xf32, #tpu.memory_space<hbm>> -> memref<128x64xf32, #tpu.memory_space<hbm>>
    %dma_wait3A_808 = tpu.memref_slice %arg8[%dma_wait3A_799] : memref<4x!tpu.dma_semaphore, #tpu.memory_space<semaphore_mem>> -> memref<1x!tpu.dma_semaphore, #tpu.memory_space<semaphore_mem>>
    %dma_wait3A_809 = tpu.memref_squeeze %dma_wait3A_808 : memref<1x!tpu.dma_semaphore, #tpu.memory_space<semaphore_mem>> -> memref<!tpu.dma_semaphore, #tpu.memory_space<semaphore_mem>>
    %dma_wait3A_810 = arith.constant 0 : i32
    %dma_wait3A_811 = arith.constant 0 : i32
    %dma_wait3A_812 = tpu.memref_slice %arg4[%dma_wait3A_810, %add3A, %dma_wait3A_811] : memref<2048x32x128xf32, #tpu.memory_space<hbm>> -> memref<128x1x64xf32, #tpu.memory_space<hbm>>
    %dma_wait3A_813 = tpu.memref_squeeze %dma_wait3A_812 : memref<128x1x64xf32, #tpu.memory_space<hbm>> -> memref<128x64xf32, #tpu.memory_space<hbm>>
    %dma_wait3A_814 = arith.constant 0 : i32
    %dma_wait3A_815 = arith.constant 0 : i32
    %dma_wait3A_816 = tpu.memref_slice %arg6[%dma_wait3A_798, %dma_wait3A_814, %dma_wait3A_815] : memref<4x128x64xf32, #tpu.memory_space<vmem>> -> memref<1x128x64xf32, #tpu.memory_space<vmem>>
    %dma_wait3A_817 = tpu.memref_squeeze %dma_wait3A_816 : memref<1x128x64xf32, #tpu.memory_space<vmem>> -> memref<128x64xf32, #tpu.memory_space<vmem>>
    tpu.wait_dma2 semaphore(%dma_wait3A_809 : memref<!tpu.dma_semaphore, #tpu.memory_space<semaphore_mem>>) src(%dma_wait3A_817 : memref<128x64xf32, #tpu.memory_space<vmem>>) dst(%dma_wait3A_813 : memref<128x64xf32, #tpu.memory_space<hbm>>)
    %dma_start3A_818 = arith.constant 14 : i32
    %dma_start3A_819 = arith.constant 2 : i32
    %dma_start3A_820 = arith.constant 2 : i32
    %dma_start3A_821 = arith.constant 0 : i32
    %dma_start3A_822 = arith.constant 0 : i32
    %dma_start3A_823 = tpu.memref_slice %arg6[%dma_start3A_819, %dma_start3A_821, %dma_start3A_822] : memref<4x128x64xf32, #tpu.memory_space<vmem>> -> memref<1x128x64xf32, #tpu.memory_space<vmem>>
    %dma_start3A_824 = tpu.memref_squeeze %dma_start3A_823 : memref<1x128x64xf32, #tpu.memory_space<vmem>> -> memref<128x64xf32, #tpu.memory_space<vmem>>
    %dma_start3A_825 = arith.constant 0 : i32
    %dma_start3A_826 = tpu.memref_slice %arg5[%dma_start3A_818, %dma_start3A_825] : memref<16x128xi32, #tpu.memory_space<vmem>> -> memref<1x128xi32, #tpu.memory_space<vmem>>
    %dma_start3A_827 = tpu.memref_squeeze %dma_start3A_826 : memref<1x128xi32, #tpu.memory_space<vmem>> -> memref<128xi32, #tpu.memory_space<vmem>>
    %dma_start3A_828 = arith.constant 0 : i32
    %dma_start3A_829 = arith.constant 0 : i32
    %dma_start3A_830 = tpu.memref_slice %arg3[%dma_start3A_828, %dma_start3A_829] : memref<100000x64xf32, #tpu.memory_space<hbm>> -> memref<100000x64xf32, #tpu.memory_space<hbm>>
    %dma_start3A_831 = tpu.memref_slice %arg7[%dma_start3A_820] : memref<4x!tpu.dma_semaphore, #tpu.memory_space<semaphore_mem>> -> memref<1x!tpu.dma_semaphore, #tpu.memory_space<semaphore_mem>>
    %dma_start3A_832 = tpu.memref_squeeze %dma_start3A_831 : memref<1x!tpu.dma_semaphore, #tpu.memory_space<semaphore_mem>> -> memref<!tpu.dma_semaphore, #tpu.memory_space<semaphore_mem>>
    tpu.enqueue_indirect_dma source(%dma_start3A_830 : memref<100000x64xf32, #tpu.memory_space<hbm>>) target(%dma_start3A_824 : memref<128x64xf32, #tpu.memory_space<vmem>>) offsets(%dma_start3A_827 : memref<128xi32, #tpu.memory_space<vmem>>) semaphore(%dma_start3A_832 : memref<!tpu.dma_semaphore, #tpu.memory_space<semaphore_mem>>)
    %dma_wait3A_833 = arith.constant 0 : i32
    %dma_wait3A_834 = arith.constant 3 : i32
    %dma_wait3A_835 = arith.constant 3 : i32
    %dma_wait3A_836 = arith.constant 0 : i32
    %dma_wait3A_837 = arith.constant 0 : i32
    %dma_wait3A_838 = tpu.memref_slice %arg6[%dma_wait3A_834, %dma_wait3A_836, %dma_wait3A_837] : memref<4x128x64xf32, #tpu.memory_space<vmem>> -> memref<1x128x64xf32, #tpu.memory_space<vmem>>
    %dma_wait3A_839 = tpu.memref_squeeze %dma_wait3A_838 : memref<1x128x64xf32, #tpu.memory_space<vmem>> -> memref<128x64xf32, #tpu.memory_space<vmem>>
    %dma_wait3A_840 = arith.constant 0 : i32
    %dma_wait3A_841 = tpu.memref_slice %arg5[%dma_wait3A_833, %dma_wait3A_840] : memref<16x128xi32, #tpu.memory_space<vmem>> -> memref<1x128xi32, #tpu.memory_space<vmem>>
    %dma_wait3A_842 = tpu.memref_squeeze %dma_wait3A_841 : memref<1x128xi32, #tpu.memory_space<vmem>> -> memref<128xi32, #tpu.memory_space<vmem>>
    %dma_wait3A_843 = arith.constant 0 : i32
    %dma_wait3A_844 = arith.constant 0 : i32
    %dma_wait3A_845 = tpu.memref_slice %arg3[%dma_wait3A_843, %dma_wait3A_844] : memref<100000x64xf32, #tpu.memory_space<hbm>> -> memref<100000x64xf32, #tpu.memory_space<hbm>>
    %dma_wait3A_846 = tpu.memref_slice %arg7[%dma_wait3A_835] : memref<4x!tpu.dma_semaphore, #tpu.memory_space<semaphore_mem>> -> memref<1x!tpu.dma_semaphore, #tpu.memory_space<semaphore_mem>>
    %dma_wait3A_847 = tpu.memref_squeeze %dma_wait3A_846 : memref<1x!tpu.dma_semaphore, #tpu.memory_space<semaphore_mem>> -> memref<!tpu.dma_semaphore, #tpu.memory_space<semaphore_mem>>
    tpu.wait_indirect_dma semaphore(%dma_wait3A_847 : memref<!tpu.dma_semaphore, #tpu.memory_space<semaphore_mem>>) src(%dma_wait3A_845 : memref<100000x64xf32, #tpu.memory_space<hbm>>) dst(%dma_wait3A_839 : memref<128x64xf32, #tpu.memory_space<vmem>>)
    %dma_start3A_848 = arith.constant 3 : i32
    %dma_start3A_849 = arith.constant 3 : i32
    %dma_start3A_850 = arith.constant 0 : i32
    %dma_start3A_851 = arith.constant 0 : i32
    %dma_start3A_852 = tpu.memref_slice %arg6[%dma_start3A_848, %dma_start3A_850, %dma_start3A_851] : memref<4x128x64xf32, #tpu.memory_space<vmem>> -> memref<1x128x64xf32, #tpu.memory_space<vmem>>
    %dma_start3A_853 = tpu.memref_squeeze %dma_start3A_852 : memref<1x128x64xf32, #tpu.memory_space<vmem>> -> memref<128x64xf32, #tpu.memory_space<vmem>>
    %dma_start3A_854 = arith.constant 1408 : i32
    %dma_start3A_855 = arith.constant 0 : i32
    %dma_start3A_856 = tpu.memref_slice %arg4[%dma_start3A_854, %add3A, %dma_start3A_855] : memref<2048x32x128xf32, #tpu.memory_space<hbm>> -> memref<128x1x64xf32, #tpu.memory_space<hbm>>
    %dma_start3A_857 = tpu.memref_squeeze %dma_start3A_856 : memref<128x1x64xf32, #tpu.memory_space<hbm>> -> memref<128x64xf32, #tpu.memory_space<hbm>>
    %dma_start3A_858 = tpu.memref_slice %arg8[%dma_start3A_849] : memref<4x!tpu.dma_semaphore, #tpu.memory_space<semaphore_mem>> -> memref<1x!tpu.dma_semaphore, #tpu.memory_space<semaphore_mem>>
    %dma_start3A_859 = tpu.memref_squeeze %dma_start3A_858 : memref<1x!tpu.dma_semaphore, #tpu.memory_space<semaphore_mem>> -> memref<!tpu.dma_semaphore, #tpu.memory_space<semaphore_mem>>
    %dma_start3A_860 = arith.constant 1408 : i32
    %dma_start3A_861 = arith.constant 0 : i32
    %dma_start3A_862 = tpu.memref_slice %arg4[%dma_start3A_860, %add3A, %dma_start3A_861] : memref<2048x32x128xf32, #tpu.memory_space<hbm>> -> memref<128x1x64xf32, #tpu.memory_space<hbm>>
    %dma_start3A_863 = tpu.memref_squeeze %dma_start3A_862 : memref<128x1x64xf32, #tpu.memory_space<hbm>> -> memref<128x64xf32, #tpu.memory_space<hbm>>
    %dma_start3A_864 = arith.constant 0 : i32
    %dma_start3A_865 = arith.constant 0 : i32
    %dma_start3A_866 = tpu.memref_slice %arg6[%dma_start3A_848, %dma_start3A_864, %dma_start3A_865] : memref<4x128x64xf32, #tpu.memory_space<vmem>> -> memref<1x128x64xf32, #tpu.memory_space<vmem>>
    %dma_start3A_867 = tpu.memref_squeeze %dma_start3A_866 : memref<1x128x64xf32, #tpu.memory_space<vmem>> -> memref<128x64xf32, #tpu.memory_space<vmem>>
    tpu.enqueue_dma source(%dma_start3A_867 : memref<128x64xf32, #tpu.memory_space<vmem>>) target(%dma_start3A_863 : memref<128x64xf32, #tpu.memory_space<hbm>>) target_semaphore(%dma_start3A_859 : memref<!tpu.dma_semaphore, #tpu.memory_space<semaphore_mem>>)
    %dma_wait3A_868 = arith.constant 3 : i32
    %dma_wait3A_869 = arith.constant 3 : i32
    %dma_wait3A_870 = arith.constant 0 : i32
    %dma_wait3A_871 = arith.constant 0 : i32
    %dma_wait3A_872 = tpu.memref_slice %arg6[%dma_wait3A_868, %dma_wait3A_870, %dma_wait3A_871] : memref<4x128x64xf32, #tpu.memory_space<vmem>> -> memref<1x128x64xf32, #tpu.memory_space<vmem>>
    %dma_wait3A_873 = tpu.memref_squeeze %dma_wait3A_872 : memref<1x128x64xf32, #tpu.memory_space<vmem>> -> memref<128x64xf32, #tpu.memory_space<vmem>>
    %dma_wait3A_874 = arith.constant 0 : i32
    %dma_wait3A_875 = arith.constant 0 : i32
    %dma_wait3A_876 = tpu.memref_slice %arg4[%dma_wait3A_874, %add3A, %dma_wait3A_875] : memref<2048x32x128xf32, #tpu.memory_space<hbm>> -> memref<128x1x64xf32, #tpu.memory_space<hbm>>
    %dma_wait3A_877 = tpu.memref_squeeze %dma_wait3A_876 : memref<128x1x64xf32, #tpu.memory_space<hbm>> -> memref<128x64xf32, #tpu.memory_space<hbm>>
    %dma_wait3A_878 = tpu.memref_slice %arg8[%dma_wait3A_869] : memref<4x!tpu.dma_semaphore, #tpu.memory_space<semaphore_mem>> -> memref<1x!tpu.dma_semaphore, #tpu.memory_space<semaphore_mem>>
    %dma_wait3A_879 = tpu.memref_squeeze %dma_wait3A_878 : memref<1x!tpu.dma_semaphore, #tpu.memory_space<semaphore_mem>> -> memref<!tpu.dma_semaphore, #tpu.memory_space<semaphore_mem>>
    %dma_wait3A_880 = arith.constant 0 : i32
    %dma_wait3A_881 = arith.constant 0 : i32
    %dma_wait3A_882 = tpu.memref_slice %arg4[%dma_wait3A_880, %add3A, %dma_wait3A_881] : memref<2048x32x128xf32, #tpu.memory_space<hbm>> -> memref<128x1x64xf32, #tpu.memory_space<hbm>>
    %dma_wait3A_883 = tpu.memref_squeeze %dma_wait3A_882 : memref<128x1x64xf32, #tpu.memory_space<hbm>> -> memref<128x64xf32, #tpu.memory_space<hbm>>
    %dma_wait3A_884 = arith.constant 0 : i32
    %dma_wait3A_885 = arith.constant 0 : i32
    %dma_wait3A_886 = tpu.memref_slice %arg6[%dma_wait3A_868, %dma_wait3A_884, %dma_wait3A_885] : memref<4x128x64xf32, #tpu.memory_space<vmem>> -> memref<1x128x64xf32, #tpu.memory_space<vmem>>
    %dma_wait3A_887 = tpu.memref_squeeze %dma_wait3A_886 : memref<1x128x64xf32, #tpu.memory_space<vmem>> -> memref<128x64xf32, #tpu.memory_space<vmem>>
    tpu.wait_dma2 semaphore(%dma_wait3A_879 : memref<!tpu.dma_semaphore, #tpu.memory_space<semaphore_mem>>) src(%dma_wait3A_887 : memref<128x64xf32, #tpu.memory_space<vmem>>) dst(%dma_wait3A_883 : memref<128x64xf32, #tpu.memory_space<hbm>>)
    %dma_start3A_888 = arith.constant 15 : i32
    %dma_start3A_889 = arith.constant 3 : i32
    %dma_start3A_890 = arith.constant 3 : i32
    %dma_start3A_891 = arith.constant 0 : i32
    %dma_start3A_892 = arith.constant 0 : i32
    %dma_start3A_893 = tpu.memref_slice %arg6[%dma_start3A_889, %dma_start3A_891, %dma_start3A_892] : memref<4x128x64xf32, #tpu.memory_space<vmem>> -> memref<1x128x64xf32, #tpu.memory_space<vmem>>
    %dma_start3A_894 = tpu.memref_squeeze %dma_start3A_893 : memref<1x128x64xf32, #tpu.memory_space<vmem>> -> memref<128x64xf32, #tpu.memory_space<vmem>>
    %dma_start3A_895 = arith.constant 0 : i32
    %dma_start3A_896 = tpu.memref_slice %arg5[%dma_start3A_888, %dma_start3A_895] : memref<16x128xi32, #tpu.memory_space<vmem>> -> memref<1x128xi32, #tpu.memory_space<vmem>>
    %dma_start3A_897 = tpu.memref_squeeze %dma_start3A_896 : memref<1x128xi32, #tpu.memory_space<vmem>> -> memref<128xi32, #tpu.memory_space<vmem>>
    %dma_start3A_898 = arith.constant 0 : i32
    %dma_start3A_899 = arith.constant 0 : i32
    %dma_start3A_900 = tpu.memref_slice %arg3[%dma_start3A_898, %dma_start3A_899] : memref<100000x64xf32, #tpu.memory_space<hbm>> -> memref<100000x64xf32, #tpu.memory_space<hbm>>
    %dma_start3A_901 = tpu.memref_slice %arg7[%dma_start3A_890] : memref<4x!tpu.dma_semaphore, #tpu.memory_space<semaphore_mem>> -> memref<1x!tpu.dma_semaphore, #tpu.memory_space<semaphore_mem>>
    %dma_start3A_902 = tpu.memref_squeeze %dma_start3A_901 : memref<1x!tpu.dma_semaphore, #tpu.memory_space<semaphore_mem>> -> memref<!tpu.dma_semaphore, #tpu.memory_space<semaphore_mem>>
    tpu.enqueue_indirect_dma source(%dma_start3A_900 : memref<100000x64xf32, #tpu.memory_space<hbm>>) target(%dma_start3A_894 : memref<128x64xf32, #tpu.memory_space<vmem>>) offsets(%dma_start3A_897 : memref<128xi32, #tpu.memory_space<vmem>>) semaphore(%dma_start3A_902 : memref<!tpu.dma_semaphore, #tpu.memory_space<semaphore_mem>>)
    %dma_wait3A_903 = arith.constant 0 : i32
    %dma_wait3A_904 = arith.constant 0 : i32
    %dma_wait3A_905 = arith.constant 0 : i32
    %dma_wait3A_906 = arith.constant 0 : i32
    %dma_wait3A_907 = arith.constant 0 : i32
    %dma_wait3A_908 = tpu.memref_slice %arg6[%dma_wait3A_904, %dma_wait3A_906, %dma_wait3A_907] : memref<4x128x64xf32, #tpu.memory_space<vmem>> -> memref<1x128x64xf32, #tpu.memory_space<vmem>>
    %dma_wait3A_909 = tpu.memref_squeeze %dma_wait3A_908 : memref<1x128x64xf32, #tpu.memory_space<vmem>> -> memref<128x64xf32, #tpu.memory_space<vmem>>
    %dma_wait3A_910 = arith.constant 0 : i32
    %dma_wait3A_911 = tpu.memref_slice %arg5[%dma_wait3A_903, %dma_wait3A_910] : memref<16x128xi32, #tpu.memory_space<vmem>> -> memref<1x128xi32, #tpu.memory_space<vmem>>
    %dma_wait3A_912 = tpu.memref_squeeze %dma_wait3A_911 : memref<1x128xi32, #tpu.memory_space<vmem>> -> memref<128xi32, #tpu.memory_space<vmem>>
    %dma_wait3A_913 = arith.constant 0 : i32
    %dma_wait3A_914 = arith.constant 0 : i32
    %dma_wait3A_915 = tpu.memref_slice %arg3[%dma_wait3A_913, %dma_wait3A_914] : memref<100000x64xf32, #tpu.memory_space<hbm>> -> memref<100000x64xf32, #tpu.memory_space<hbm>>
    %dma_wait3A_916 = tpu.memref_slice %arg7[%dma_wait3A_905] : memref<4x!tpu.dma_semaphore, #tpu.memory_space<semaphore_mem>> -> memref<1x!tpu.dma_semaphore, #tpu.memory_space<semaphore_mem>>
    %dma_wait3A_917 = tpu.memref_squeeze %dma_wait3A_916 : memref<1x!tpu.dma_semaphore, #tpu.memory_space<semaphore_mem>> -> memref<!tpu.dma_semaphore, #tpu.memory_space<semaphore_mem>>
    tpu.wait_indirect_dma semaphore(%dma_wait3A_917 : memref<!tpu.dma_semaphore, #tpu.memory_space<semaphore_mem>>) src(%dma_wait3A_915 : memref<100000x64xf32, #tpu.memory_space<hbm>>) dst(%dma_wait3A_909 : memref<128x64xf32, #tpu.memory_space<vmem>>)
    %dma_start3A_918 = arith.constant 0 : i32
    %dma_start3A_919 = arith.constant 0 : i32
    %dma_start3A_920 = arith.constant 0 : i32
    %dma_start3A_921 = arith.constant 0 : i32
    %dma_start3A_922 = tpu.memref_slice %arg6[%dma_start3A_918, %dma_start3A_920, %dma_start3A_921] : memref<4x128x64xf32, #tpu.memory_space<vmem>> -> memref<1x128x64xf32, #tpu.memory_space<vmem>>
    %dma_start3A_923 = tpu.memref_squeeze %dma_start3A_922 : memref<1x128x64xf32, #tpu.memory_space<vmem>> -> memref<128x64xf32, #tpu.memory_space<vmem>>
    %dma_start3A_924 = arith.constant 1536 : i32
    %dma_start3A_925 = arith.constant 0 : i32
    %dma_start3A_926 = tpu.memref_slice %arg4[%dma_start3A_924, %add3A, %dma_start3A_925] : memref<2048x32x128xf32, #tpu.memory_space<hbm>> -> memref<128x1x64xf32, #tpu.memory_space<hbm>>
    %dma_start3A_927 = tpu.memref_squeeze %dma_start3A_926 : memref<128x1x64xf32, #tpu.memory_space<hbm>> -> memref<128x64xf32, #tpu.memory_space<hbm>>
    %dma_start3A_928 = tpu.memref_slice %arg8[%dma_start3A_919] : memref<4x!tpu.dma_semaphore, #tpu.memory_space<semaphore_mem>> -> memref<1x!tpu.dma_semaphore, #tpu.memory_space<semaphore_mem>>
    %dma_start3A_929 = tpu.memref_squeeze %dma_start3A_928 : memref<1x!tpu.dma_semaphore, #tpu.memory_space<semaphore_mem>> -> memref<!tpu.dma_semaphore, #tpu.memory_space<semaphore_mem>>
    %dma_start3A_930 = arith.constant 1536 : i32
    %dma_start3A_931 = arith.constant 0 : i32
    %dma_start3A_932 = tpu.memref_slice %arg4[%dma_start3A_930, %add3A, %dma_start3A_931] : memref<2048x32x128xf32, #tpu.memory_space<hbm>> -> memref<128x1x64xf32, #tpu.memory_space<hbm>>
    %dma_start3A_933 = tpu.memref_squeeze %dma_start3A_932 : memref<128x1x64xf32, #tpu.memory_space<hbm>> -> memref<128x64xf32, #tpu.memory_space<hbm>>
    %dma_start3A_934 = arith.constant 0 : i32
    %dma_start3A_935 = arith.constant 0 : i32
    %dma_start3A_936 = tpu.memref_slice %arg6[%dma_start3A_918, %dma_start3A_934, %dma_start3A_935] : memref<4x128x64xf32, #tpu.memory_space<vmem>> -> memref<1x128x64xf32, #tpu.memory_space<vmem>>
    %dma_start3A_937 = tpu.memref_squeeze %dma_start3A_936 : memref<1x128x64xf32, #tpu.memory_space<vmem>> -> memref<128x64xf32, #tpu.memory_space<vmem>>
    tpu.enqueue_dma source(%dma_start3A_937 : memref<128x64xf32, #tpu.memory_space<vmem>>) target(%dma_start3A_933 : memref<128x64xf32, #tpu.memory_space<hbm>>) target_semaphore(%dma_start3A_929 : memref<!tpu.dma_semaphore, #tpu.memory_space<semaphore_mem>>)
    %dma_wait3A_938 = arith.constant 0 : i32
    %dma_wait3A_939 = arith.constant 1 : i32
    %dma_wait3A_940 = arith.constant 1 : i32
    %dma_wait3A_941 = arith.constant 0 : i32
    %dma_wait3A_942 = arith.constant 0 : i32
    %dma_wait3A_943 = tpu.memref_slice %arg6[%dma_wait3A_939, %dma_wait3A_941, %dma_wait3A_942] : memref<4x128x64xf32, #tpu.memory_space<vmem>> -> memref<1x128x64xf32, #tpu.memory_space<vmem>>
    %dma_wait3A_944 = tpu.memref_squeeze %dma_wait3A_943 : memref<1x128x64xf32, #tpu.memory_space<vmem>> -> memref<128x64xf32, #tpu.memory_space<vmem>>
    %dma_wait3A_945 = arith.constant 0 : i32
    %dma_wait3A_946 = tpu.memref_slice %arg5[%dma_wait3A_938, %dma_wait3A_945] : memref<16x128xi32, #tpu.memory_space<vmem>> -> memref<1x128xi32, #tpu.memory_space<vmem>>
    %dma_wait3A_947 = tpu.memref_squeeze %dma_wait3A_946 : memref<1x128xi32, #tpu.memory_space<vmem>> -> memref<128xi32, #tpu.memory_space<vmem>>
    %dma_wait3A_948 = arith.constant 0 : i32
    %dma_wait3A_949 = arith.constant 0 : i32
    %dma_wait3A_950 = tpu.memref_slice %arg3[%dma_wait3A_948, %dma_wait3A_949] : memref<100000x64xf32, #tpu.memory_space<hbm>> -> memref<100000x64xf32, #tpu.memory_space<hbm>>
    %dma_wait3A_951 = tpu.memref_slice %arg7[%dma_wait3A_940] : memref<4x!tpu.dma_semaphore, #tpu.memory_space<semaphore_mem>> -> memref<1x!tpu.dma_semaphore, #tpu.memory_space<semaphore_mem>>
    %dma_wait3A_952 = tpu.memref_squeeze %dma_wait3A_951 : memref<1x!tpu.dma_semaphore, #tpu.memory_space<semaphore_mem>> -> memref<!tpu.dma_semaphore, #tpu.memory_space<semaphore_mem>>
    tpu.wait_indirect_dma semaphore(%dma_wait3A_952 : memref<!tpu.dma_semaphore, #tpu.memory_space<semaphore_mem>>) src(%dma_wait3A_950 : memref<100000x64xf32, #tpu.memory_space<hbm>>) dst(%dma_wait3A_944 : memref<128x64xf32, #tpu.memory_space<vmem>>)
    %dma_start3A_953 = arith.constant 1 : i32
    %dma_start3A_954 = arith.constant 1 : i32
    %dma_start3A_955 = arith.constant 0 : i32
    %dma_start3A_956 = arith.constant 0 : i32
    %dma_start3A_957 = tpu.memref_slice %arg6[%dma_start3A_953, %dma_start3A_955, %dma_start3A_956] : memref<4x128x64xf32, #tpu.memory_space<vmem>> -> memref<1x128x64xf32, #tpu.memory_space<vmem>>
    %dma_start3A_958 = tpu.memref_squeeze %dma_start3A_957 : memref<1x128x64xf32, #tpu.memory_space<vmem>> -> memref<128x64xf32, #tpu.memory_space<vmem>>
    %dma_start3A_959 = arith.constant 1664 : i32
    %dma_start3A_960 = arith.constant 0 : i32
    %dma_start3A_961 = tpu.memref_slice %arg4[%dma_start3A_959, %add3A, %dma_start3A_960] : memref<2048x32x128xf32, #tpu.memory_space<hbm>> -> memref<128x1x64xf32, #tpu.memory_space<hbm>>
    %dma_start3A_962 = tpu.memref_squeeze %dma_start3A_961 : memref<128x1x64xf32, #tpu.memory_space<hbm>> -> memref<128x64xf32, #tpu.memory_space<hbm>>
    %dma_start3A_963 = tpu.memref_slice %arg8[%dma_start3A_954] : memref<4x!tpu.dma_semaphore, #tpu.memory_space<semaphore_mem>> -> memref<1x!tpu.dma_semaphore, #tpu.memory_space<semaphore_mem>>
    %dma_start3A_964 = tpu.memref_squeeze %dma_start3A_963 : memref<1x!tpu.dma_semaphore, #tpu.memory_space<semaphore_mem>> -> memref<!tpu.dma_semaphore, #tpu.memory_space<semaphore_mem>>
    %dma_start3A_965 = arith.constant 1664 : i32
    %dma_start3A_966 = arith.constant 0 : i32
    %dma_start3A_967 = tpu.memref_slice %arg4[%dma_start3A_965, %add3A, %dma_start3A_966] : memref<2048x32x128xf32, #tpu.memory_space<hbm>> -> memref<128x1x64xf32, #tpu.memory_space<hbm>>
    %dma_start3A_968 = tpu.memref_squeeze %dma_start3A_967 : memref<128x1x64xf32, #tpu.memory_space<hbm>> -> memref<128x64xf32, #tpu.memory_space<hbm>>
    %dma_start3A_969 = arith.constant 0 : i32
    %dma_start3A_970 = arith.constant 0 : i32
    %dma_start3A_971 = tpu.memref_slice %arg6[%dma_start3A_953, %dma_start3A_969, %dma_start3A_970] : memref<4x128x64xf32, #tpu.memory_space<vmem>> -> memref<1x128x64xf32, #tpu.memory_space<vmem>>
    %dma_start3A_972 = tpu.memref_squeeze %dma_start3A_971 : memref<1x128x64xf32, #tpu.memory_space<vmem>> -> memref<128x64xf32, #tpu.memory_space<vmem>>
    tpu.enqueue_dma source(%dma_start3A_972 : memref<128x64xf32, #tpu.memory_space<vmem>>) target(%dma_start3A_968 : memref<128x64xf32, #tpu.memory_space<hbm>>) target_semaphore(%dma_start3A_964 : memref<!tpu.dma_semaphore, #tpu.memory_space<semaphore_mem>>)
    %dma_wait3A_973 = arith.constant 0 : i32
    %dma_wait3A_974 = arith.constant 2 : i32
    %dma_wait3A_975 = arith.constant 2 : i32
    %dma_wait3A_976 = arith.constant 0 : i32
    %dma_wait3A_977 = arith.constant 0 : i32
    %dma_wait3A_978 = tpu.memref_slice %arg6[%dma_wait3A_974, %dma_wait3A_976, %dma_wait3A_977] : memref<4x128x64xf32, #tpu.memory_space<vmem>> -> memref<1x128x64xf32, #tpu.memory_space<vmem>>
    %dma_wait3A_979 = tpu.memref_squeeze %dma_wait3A_978 : memref<1x128x64xf32, #tpu.memory_space<vmem>> -> memref<128x64xf32, #tpu.memory_space<vmem>>
    %dma_wait3A_980 = arith.constant 0 : i32
    %dma_wait3A_981 = tpu.memref_slice %arg5[%dma_wait3A_973, %dma_wait3A_980] : memref<16x128xi32, #tpu.memory_space<vmem>> -> memref<1x128xi32, #tpu.memory_space<vmem>>
    %dma_wait3A_982 = tpu.memref_squeeze %dma_wait3A_981 : memref<1x128xi32, #tpu.memory_space<vmem>> -> memref<128xi32, #tpu.memory_space<vmem>>
    %dma_wait3A_983 = arith.constant 0 : i32
    %dma_wait3A_984 = arith.constant 0 : i32
    %dma_wait3A_985 = tpu.memref_slice %arg3[%dma_wait3A_983, %dma_wait3A_984] : memref<100000x64xf32, #tpu.memory_space<hbm>> -> memref<100000x64xf32, #tpu.memory_space<hbm>>
    %dma_wait3A_986 = tpu.memref_slice %arg7[%dma_wait3A_975] : memref<4x!tpu.dma_semaphore, #tpu.memory_space<semaphore_mem>> -> memref<1x!tpu.dma_semaphore, #tpu.memory_space<semaphore_mem>>
    %dma_wait3A_987 = tpu.memref_squeeze %dma_wait3A_986 : memref<1x!tpu.dma_semaphore, #tpu.memory_space<semaphore_mem>> -> memref<!tpu.dma_semaphore, #tpu.memory_space<semaphore_mem>>
    tpu.wait_indirect_dma semaphore(%dma_wait3A_987 : memref<!tpu.dma_semaphore, #tpu.memory_space<semaphore_mem>>) src(%dma_wait3A_985 : memref<100000x64xf32, #tpu.memory_space<hbm>>) dst(%dma_wait3A_979 : memref<128x64xf32, #tpu.memory_space<vmem>>)
    %dma_start3A_988 = arith.constant 2 : i32
    %dma_start3A_989 = arith.constant 2 : i32
    %dma_start3A_990 = arith.constant 0 : i32
    %dma_start3A_991 = arith.constant 0 : i32
    %dma_start3A_992 = tpu.memref_slice %arg6[%dma_start3A_988, %dma_start3A_990, %dma_start3A_991] : memref<4x128x64xf32, #tpu.memory_space<vmem>> -> memref<1x128x64xf32, #tpu.memory_space<vmem>>
    %dma_start3A_993 = tpu.memref_squeeze %dma_start3A_992 : memref<1x128x64xf32, #tpu.memory_space<vmem>> -> memref<128x64xf32, #tpu.memory_space<vmem>>
    %dma_start3A_994 = arith.constant 1792 : i32
    %dma_start3A_995 = arith.constant 0 : i32
    %dma_start3A_996 = tpu.memref_slice %arg4[%dma_start3A_994, %add3A, %dma_start3A_995] : memref<2048x32x128xf32, #tpu.memory_space<hbm>> -> memref<128x1x64xf32, #tpu.memory_space<hbm>>
    %dma_start3A_997 = tpu.memref_squeeze %dma_start3A_996 : memref<128x1x64xf32, #tpu.memory_space<hbm>> -> memref<128x64xf32, #tpu.memory_space<hbm>>
    %dma_start3A_998 = tpu.memref_slice %arg8[%dma_start3A_989] : memref<4x!tpu.dma_semaphore, #tpu.memory_space<semaphore_mem>> -> memref<1x!tpu.dma_semaphore, #tpu.memory_space<semaphore_mem>>
    %dma_start3A_999 = tpu.memref_squeeze %dma_start3A_998 : memref<1x!tpu.dma_semaphore, #tpu.memory_space<semaphore_mem>> -> memref<!tpu.dma_semaphore, #tpu.memory_space<semaphore_mem>>
    %dma_start3A_1000 = arith.constant 1792 : i32
    %dma_start3A_1001 = arith.constant 0 : i32
    %dma_start3A_1002 = tpu.memref_slice %arg4[%dma_start3A_1000, %add3A, %dma_start3A_1001] : memref<2048x32x128xf32, #tpu.memory_space<hbm>> -> memref<128x1x64xf32, #tpu.memory_space<hbm>>
    %dma_start3A_1003 = tpu.memref_squeeze %dma_start3A_1002 : memref<128x1x64xf32, #tpu.memory_space<hbm>> -> memref<128x64xf32, #tpu.memory_space<hbm>>
    %dma_start3A_1004 = arith.constant 0 : i32
    %dma_start3A_1005 = arith.constant 0 : i32
    %dma_start3A_1006 = tpu.memref_slice %arg6[%dma_start3A_988, %dma_start3A_1004, %dma_start3A_1005] : memref<4x128x64xf32, #tpu.memory_space<vmem>> -> memref<1x128x64xf32, #tpu.memory_space<vmem>>
    %dma_start3A_1007 = tpu.memref_squeeze %dma_start3A_1006 : memref<1x128x64xf32, #tpu.memory_space<vmem>> -> memref<128x64xf32, #tpu.memory_space<vmem>>
    tpu.enqueue_dma source(%dma_start3A_1007 : memref<128x64xf32, #tpu.memory_space<vmem>>) target(%dma_start3A_1003 : memref<128x64xf32, #tpu.memory_space<hbm>>) target_semaphore(%dma_start3A_999 : memref<!tpu.dma_semaphore, #tpu.memory_space<semaphore_mem>>)
    %dma_wait3A_1008 = arith.constant 0 : i32
    %dma_wait3A_1009 = arith.constant 3 : i32
    %dma_wait3A_1010 = arith.constant 3 : i32
    %dma_wait3A_1011 = arith.constant 0 : i32
    %dma_wait3A_1012 = arith.constant 0 : i32
    %dma_wait3A_1013 = tpu.memref_slice %arg6[%dma_wait3A_1009, %dma_wait3A_1011, %dma_wait3A_1012] : memref<4x128x64xf32, #tpu.memory_space<vmem>> -> memref<1x128x64xf32, #tpu.memory_space<vmem>>
    %dma_wait3A_1014 = tpu.memref_squeeze %dma_wait3A_1013 : memref<1x128x64xf32, #tpu.memory_space<vmem>> -> memref<128x64xf32, #tpu.memory_space<vmem>>
    %dma_wait3A_1015 = arith.constant 0 : i32
    %dma_wait3A_1016 = tpu.memref_slice %arg5[%dma_wait3A_1008, %dma_wait3A_1015] : memref<16x128xi32, #tpu.memory_space<vmem>> -> memref<1x128xi32, #tpu.memory_space<vmem>>
    %dma_wait3A_1017 = tpu.memref_squeeze %dma_wait3A_1016 : memref<1x128xi32, #tpu.memory_space<vmem>> -> memref<128xi32, #tpu.memory_space<vmem>>
    %dma_wait3A_1018 = arith.constant 0 : i32
    %dma_wait3A_1019 = arith.constant 0 : i32
    %dma_wait3A_1020 = tpu.memref_slice %arg3[%dma_wait3A_1018, %dma_wait3A_1019] : memref<100000x64xf32, #tpu.memory_space<hbm>> -> memref<100000x64xf32, #tpu.memory_space<hbm>>
    %dma_wait3A_1021 = tpu.memref_slice %arg7[%dma_wait3A_1010] : memref<4x!tpu.dma_semaphore, #tpu.memory_space<semaphore_mem>> -> memref<1x!tpu.dma_semaphore, #tpu.memory_space<semaphore_mem>>
    %dma_wait3A_1022 = tpu.memref_squeeze %dma_wait3A_1021 : memref<1x!tpu.dma_semaphore, #tpu.memory_space<semaphore_mem>> -> memref<!tpu.dma_semaphore, #tpu.memory_space<semaphore_mem>>
    tpu.wait_indirect_dma semaphore(%dma_wait3A_1022 : memref<!tpu.dma_semaphore, #tpu.memory_space<semaphore_mem>>) src(%dma_wait3A_1020 : memref<100000x64xf32, #tpu.memory_space<hbm>>) dst(%dma_wait3A_1014 : memref<128x64xf32, #tpu.memory_space<vmem>>)
    %dma_start3A_1023 = arith.constant 3 : i32
    %dma_start3A_1024 = arith.constant 3 : i32
    %dma_start3A_1025 = arith.constant 0 : i32
    %dma_start3A_1026 = arith.constant 0 : i32
    %dma_start3A_1027 = tpu.memref_slice %arg6[%dma_start3A_1023, %dma_start3A_1025, %dma_start3A_1026] : memref<4x128x64xf32, #tpu.memory_space<vmem>> -> memref<1x128x64xf32, #tpu.memory_space<vmem>>
    %dma_start3A_1028 = tpu.memref_squeeze %dma_start3A_1027 : memref<1x128x64xf32, #tpu.memory_space<vmem>> -> memref<128x64xf32, #tpu.memory_space<vmem>>
    %dma_start3A_1029 = arith.constant 1920 : i32
    %dma_start3A_1030 = arith.constant 0 : i32
    %dma_start3A_1031 = tpu.memref_slice %arg4[%dma_start3A_1029, %add3A, %dma_start3A_1030] : memref<2048x32x128xf32, #tpu.memory_space<hbm>> -> memref<128x1x64xf32, #tpu.memory_space<hbm>>
    %dma_start3A_1032 = tpu.memref_squeeze %dma_start3A_1031 : memref<128x1x64xf32, #tpu.memory_space<hbm>> -> memref<128x64xf32, #tpu.memory_space<hbm>>
    %dma_start3A_1033 = tpu.memref_slice %arg8[%dma_start3A_1024] : memref<4x!tpu.dma_semaphore, #tpu.memory_space<semaphore_mem>> -> memref<1x!tpu.dma_semaphore, #tpu.memory_space<semaphore_mem>>
    %dma_start3A_1034 = tpu.memref_squeeze %dma_start3A_1033 : memref<1x!tpu.dma_semaphore, #tpu.memory_space<semaphore_mem>> -> memref<!tpu.dma_semaphore, #tpu.memory_space<semaphore_mem>>
    %dma_start3A_1035 = arith.constant 1920 : i32
    %dma_start3A_1036 = arith.constant 0 : i32
    %dma_start3A_1037 = tpu.memref_slice %arg4[%dma_start3A_1035, %add3A, %dma_start3A_1036] : memref<2048x32x128xf32, #tpu.memory_space<hbm>> -> memref<128x1x64xf32, #tpu.memory_space<hbm>>
    %dma_start3A_1038 = tpu.memref_squeeze %dma_start3A_1037 : memref<128x1x64xf32, #tpu.memory_space<hbm>> -> memref<128x64xf32, #tpu.memory_space<hbm>>
    %dma_start3A_1039 = arith.constant 0 : i32
    %dma_start3A_1040 = arith.constant 0 : i32
    %dma_start3A_1041 = tpu.memref_slice %arg6[%dma_start3A_1023, %dma_start3A_1039, %dma_start3A_1040] : memref<4x128x64xf32, #tpu.memory_space<vmem>> -> memref<1x128x64xf32, #tpu.memory_space<vmem>>
    %dma_start3A_1042 = tpu.memref_squeeze %dma_start3A_1041 : memref<1x128x64xf32, #tpu.memory_space<vmem>> -> memref<128x64xf32, #tpu.memory_space<vmem>>
    tpu.enqueue_dma source(%dma_start3A_1042 : memref<128x64xf32, #tpu.memory_space<vmem>>) target(%dma_start3A_1038 : memref<128x64xf32, #tpu.memory_space<hbm>>) target_semaphore(%dma_start3A_1034 : memref<!tpu.dma_semaphore, #tpu.memory_space<semaphore_mem>>)
    %dma_wait3A_1043 = arith.constant 0 : i32
    %dma_wait3A_1044 = arith.constant 0 : i32
    %dma_wait3A_1045 = arith.constant 0 : i32
    %dma_wait3A_1046 = arith.constant 0 : i32
    %dma_wait3A_1047 = tpu.memref_slice %arg6[%dma_wait3A_1043, %dma_wait3A_1045, %dma_wait3A_1046] : memref<4x128x64xf32, #tpu.memory_space<vmem>> -> memref<1x128x64xf32, #tpu.memory_space<vmem>>
    %dma_wait3A_1048 = tpu.memref_squeeze %dma_wait3A_1047 : memref<1x128x64xf32, #tpu.memory_space<vmem>> -> memref<128x64xf32, #tpu.memory_space<vmem>>
    %dma_wait3A_1049 = arith.constant 0 : i32
    %dma_wait3A_1050 = arith.constant 0 : i32
    %dma_wait3A_1051 = tpu.memref_slice %arg4[%dma_wait3A_1049, %add3A, %dma_wait3A_1050] : memref<2048x32x128xf32, #tpu.memory_space<hbm>> -> memref<128x1x64xf32, #tpu.memory_space<hbm>>
    %dma_wait3A_1052 = tpu.memref_squeeze %dma_wait3A_1051 : memref<128x1x64xf32, #tpu.memory_space<hbm>> -> memref<128x64xf32, #tpu.memory_space<hbm>>
    %dma_wait3A_1053 = tpu.memref_slice %arg8[%dma_wait3A_1044] : memref<4x!tpu.dma_semaphore, #tpu.memory_space<semaphore_mem>> -> memref<1x!tpu.dma_semaphore, #tpu.memory_space<semaphore_mem>>
    %dma_wait3A_1054 = tpu.memref_squeeze %dma_wait3A_1053 : memref<1x!tpu.dma_semaphore, #tpu.memory_space<semaphore_mem>> -> memref<!tpu.dma_semaphore, #tpu.memory_space<semaphore_mem>>
    %dma_wait3A_1055 = arith.constant 0 : i32
    %dma_wait3A_1056 = arith.constant 0 : i32
    %dma_wait3A_1057 = tpu.memref_slice %arg4[%dma_wait3A_1055, %add3A, %dma_wait3A_1056] : memref<2048x32x128xf32, #tpu.memory_space<hbm>> -> memref<128x1x64xf32, #tpu.memory_space<hbm>>
    %dma_wait3A_1058 = tpu.memref_squeeze %dma_wait3A_1057 : memref<128x1x64xf32, #tpu.memory_space<hbm>> -> memref<128x64xf32, #tpu.memory_space<hbm>>
    %dma_wait3A_1059 = arith.constant 0 : i32
    %dma_wait3A_1060 = arith.constant 0 : i32
    %dma_wait3A_1061 = tpu.memref_slice %arg6[%dma_wait3A_1043, %dma_wait3A_1059, %dma_wait3A_1060] : memref<4x128x64xf32, #tpu.memory_space<vmem>> -> memref<1x128x64xf32, #tpu.memory_space<vmem>>
    %dma_wait3A_1062 = tpu.memref_squeeze %dma_wait3A_1061 : memref<1x128x64xf32, #tpu.memory_space<vmem>> -> memref<128x64xf32, #tpu.memory_space<vmem>>
    tpu.wait_dma2 semaphore(%dma_wait3A_1054 : memref<!tpu.dma_semaphore, #tpu.memory_space<semaphore_mem>>) src(%dma_wait3A_1062 : memref<128x64xf32, #tpu.memory_space<vmem>>) dst(%dma_wait3A_1058 : memref<128x64xf32, #tpu.memory_space<hbm>>)
    %dma_wait3A_1063 = arith.constant 1 : i32
    %dma_wait3A_1064 = arith.constant 1 : i32
    %dma_wait3A_1065 = arith.constant 0 : i32
    %dma_wait3A_1066 = arith.constant 0 : i32
    %dma_wait3A_1067 = tpu.memref_slice %arg6[%dma_wait3A_1063, %dma_wait3A_1065, %dma_wait3A_1066] : memref<4x128x64xf32, #tpu.memory_space<vmem>> -> memref<1x128x64xf32, #tpu.memory_space<vmem>>
    %dma_wait3A_1068 = tpu.memref_squeeze %dma_wait3A_1067 : memref<1x128x64xf32, #tpu.memory_space<vmem>> -> memref<128x64xf32, #tpu.memory_space<vmem>>
    %dma_wait3A_1069 = arith.constant 0 : i32
    %dma_wait3A_1070 = arith.constant 0 : i32
    %dma_wait3A_1071 = tpu.memref_slice %arg4[%dma_wait3A_1069, %add3A, %dma_wait3A_1070] : memref<2048x32x128xf32, #tpu.memory_space<hbm>> -> memref<128x1x64xf32, #tpu.memory_space<hbm>>
    %dma_wait3A_1072 = tpu.memref_squeeze %dma_wait3A_1071 : memref<128x1x64xf32, #tpu.memory_space<hbm>> -> memref<128x64xf32, #tpu.memory_space<hbm>>
    %dma_wait3A_1073 = tpu.memref_slice %arg8[%dma_wait3A_1064] : memref<4x!tpu.dma_semaphore, #tpu.memory_space<semaphore_mem>> -> memref<1x!tpu.dma_semaphore, #tpu.memory_space<semaphore_mem>>
    %dma_wait3A_1074 = tpu.memref_squeeze %dma_wait3A_1073 : memref<1x!tpu.dma_semaphore, #tpu.memory_space<semaphore_mem>> -> memref<!tpu.dma_semaphore, #tpu.memory_space<semaphore_mem>>
    %dma_wait3A_1075 = arith.constant 0 : i32
    %dma_wait3A_1076 = arith.constant 0 : i32
    %dma_wait3A_1077 = tpu.memref_slice %arg4[%dma_wait3A_1075, %add3A, %dma_wait3A_1076] : memref<2048x32x128xf32, #tpu.memory_space<hbm>> -> memref<128x1x64xf32, #tpu.memory_space<hbm>>
    %dma_wait3A_1078 = tpu.memref_squeeze %dma_wait3A_1077 : memref<128x1x64xf32, #tpu.memory_space<hbm>> -> memref<128x64xf32, #tpu.memory_space<hbm>>
    %dma_wait3A_1079 = arith.constant 0 : i32
    %dma_wait3A_1080 = arith.constant 0 : i32
    %dma_wait3A_1081 = tpu.memref_slice %arg6[%dma_wait3A_1063, %dma_wait3A_1079, %dma_wait3A_1080] : memref<4x128x64xf32, #tpu.memory_space<vmem>> -> memref<1x128x64xf32, #tpu.memory_space<vmem>>
    %dma_wait3A_1082 = tpu.memref_squeeze %dma_wait3A_1081 : memref<1x128x64xf32, #tpu.memory_space<vmem>> -> memref<128x64xf32, #tpu.memory_space<vmem>>
    tpu.wait_dma2 semaphore(%dma_wait3A_1074 : memref<!tpu.dma_semaphore, #tpu.memory_space<semaphore_mem>>) src(%dma_wait3A_1082 : memref<128x64xf32, #tpu.memory_space<vmem>>) dst(%dma_wait3A_1078 : memref<128x64xf32, #tpu.memory_space<hbm>>)
    %dma_wait3A_1083 = arith.constant 2 : i32
    %dma_wait3A_1084 = arith.constant 2 : i32
    %dma_wait3A_1085 = arith.constant 0 : i32
    %dma_wait3A_1086 = arith.constant 0 : i32
    %dma_wait3A_1087 = tpu.memref_slice %arg6[%dma_wait3A_1083, %dma_wait3A_1085, %dma_wait3A_1086] : memref<4x128x64xf32, #tpu.memory_space<vmem>> -> memref<1x128x64xf32, #tpu.memory_space<vmem>>
    %dma_wait3A_1088 = tpu.memref_squeeze %dma_wait3A_1087 : memref<1x128x64xf32, #tpu.memory_space<vmem>> -> memref<128x64xf32, #tpu.memory_space<vmem>>
    %dma_wait3A_1089 = arith.constant 0 : i32
    %dma_wait3A_1090 = arith.constant 0 : i32
    %dma_wait3A_1091 = tpu.memref_slice %arg4[%dma_wait3A_1089, %add3A, %dma_wait3A_1090] : memref<2048x32x128xf32, #tpu.memory_space<hbm>> -> memref<128x1x64xf32, #tpu.memory_space<hbm>>
    %dma_wait3A_1092 = tpu.memref_squeeze %dma_wait3A_1091 : memref<128x1x64xf32, #tpu.memory_space<hbm>> -> memref<128x64xf32, #tpu.memory_space<hbm>>
    %dma_wait3A_1093 = tpu.memref_slice %arg8[%dma_wait3A_1084] : memref<4x!tpu.dma_semaphore, #tpu.memory_space<semaphore_mem>> -> memref<1x!tpu.dma_semaphore, #tpu.memory_space<semaphore_mem>>
    %dma_wait3A_1094 = tpu.memref_squeeze %dma_wait3A_1093 : memref<1x!tpu.dma_semaphore, #tpu.memory_space<semaphore_mem>> -> memref<!tpu.dma_semaphore, #tpu.memory_space<semaphore_mem>>
    %dma_wait3A_1095 = arith.constant 0 : i32
    %dma_wait3A_1096 = arith.constant 0 : i32
    %dma_wait3A_1097 = tpu.memref_slice %arg4[%dma_wait3A_1095, %add3A, %dma_wait3A_1096] : memref<2048x32x128xf32, #tpu.memory_space<hbm>> -> memref<128x1x64xf32, #tpu.memory_space<hbm>>
    %dma_wait3A_1098 = tpu.memref_squeeze %dma_wait3A_1097 : memref<128x1x64xf32, #tpu.memory_space<hbm>> -> memref<128x64xf32, #tpu.memory_space<hbm>>
    %dma_wait3A_1099 = arith.constant 0 : i32
    %dma_wait3A_1100 = arith.constant 0 : i32
    %dma_wait3A_1101 = tpu.memref_slice %arg6[%dma_wait3A_1083, %dma_wait3A_1099, %dma_wait3A_1100] : memref<4x128x64xf32, #tpu.memory_space<vmem>> -> memref<1x128x64xf32, #tpu.memory_space<vmem>>
    %dma_wait3A_1102 = tpu.memref_squeeze %dma_wait3A_1101 : memref<1x128x64xf32, #tpu.memory_space<vmem>> -> memref<128x64xf32, #tpu.memory_space<vmem>>
    tpu.wait_dma2 semaphore(%dma_wait3A_1094 : memref<!tpu.dma_semaphore, #tpu.memory_space<semaphore_mem>>) src(%dma_wait3A_1102 : memref<128x64xf32, #tpu.memory_space<vmem>>) dst(%dma_wait3A_1098 : memref<128x64xf32, #tpu.memory_space<hbm>>)
    %dma_wait3A_1103 = arith.constant 3 : i32
    %dma_wait3A_1104 = arith.constant 3 : i32
    %dma_wait3A_1105 = arith.constant 0 : i32
    %dma_wait3A_1106 = arith.constant 0 : i32
    %dma_wait3A_1107 = tpu.memref_slice %arg6[%dma_wait3A_1103, %dma_wait3A_1105, %dma_wait3A_1106] : memref<4x128x64xf32, #tpu.memory_space<vmem>> -> memref<1x128x64xf32, #tpu.memory_space<vmem>>
    %dma_wait3A_1108 = tpu.memref_squeeze %dma_wait3A_1107 : memref<1x128x64xf32, #tpu.memory_space<vmem>> -> memref<128x64xf32, #tpu.memory_space<vmem>>
    %dma_wait3A_1109 = arith.constant 0 : i32
    %dma_wait3A_1110 = arith.constant 0 : i32
    %dma_wait3A_1111 = tpu.memref_slice %arg4[%dma_wait3A_1109, %add3A, %dma_wait3A_1110] : memref<2048x32x128xf32, #tpu.memory_space<hbm>> -> memref<128x1x64xf32, #tpu.memory_space<hbm>>
    %dma_wait3A_1112 = tpu.memref_squeeze %dma_wait3A_1111 : memref<128x1x64xf32, #tpu.memory_space<hbm>> -> memref<128x64xf32, #tpu.memory_space<hbm>>
    %dma_wait3A_1113 = tpu.memref_slice %arg8[%dma_wait3A_1104] : memref<4x!tpu.dma_semaphore, #tpu.memory_space<semaphore_mem>> -> memref<1x!tpu.dma_semaphore, #tpu.memory_space<semaphore_mem>>
    %dma_wait3A_1114 = tpu.memref_squeeze %dma_wait3A_1113 : memref<1x!tpu.dma_semaphore, #tpu.memory_space<semaphore_mem>> -> memref<!tpu.dma_semaphore, #tpu.memory_space<semaphore_mem>>
    %dma_wait3A_1115 = arith.constant 0 : i32
    %dma_wait3A_1116 = arith.constant 0 : i32
    %dma_wait3A_1117 = tpu.memref_slice %arg4[%dma_wait3A_1115, %add3A, %dma_wait3A_1116] : memref<2048x32x128xf32, #tpu.memory_space<hbm>> -> memref<128x1x64xf32, #tpu.memory_space<hbm>>
    %dma_wait3A_1118 = tpu.memref_squeeze %dma_wait3A_1117 : memref<128x1x64xf32, #tpu.memory_space<hbm>> -> memref<128x64xf32, #tpu.memory_space<hbm>>
    %dma_wait3A_1119 = arith.constant 0 : i32
    %dma_wait3A_1120 = arith.constant 0 : i32
    %dma_wait3A_1121 = tpu.memref_slice %arg6[%dma_wait3A_1103, %dma_wait3A_1119, %dma_wait3A_1120] : memref<4x128x64xf32, #tpu.memory_space<vmem>> -> memref<1x128x64xf32, #tpu.memory_space<vmem>>
    %dma_wait3A_1122 = tpu.memref_squeeze %dma_wait3A_1121 : memref<1x128x64xf32, #tpu.memory_space<vmem>> -> memref<128x64xf32, #tpu.memory_space<vmem>>
    tpu.wait_dma2 semaphore(%dma_wait3A_1114 : memref<!tpu.dma_semaphore, #tpu.memory_space<semaphore_mem>>) src(%dma_wait3A_1122 : memref<128x64xf32, #tpu.memory_space<vmem>>) dst(%dma_wait3A_1118 : memref<128x64xf32, #tpu.memory_space<hbm>>)
    return
  }
}

#map = affine_map<(d0, d1) -> (0, 0)>
#map1 = affine_map<(d0, d1) -> (0, 0, 0)>
module attributes {stable_mosaic.version = 14 : i64} {
  func.func @_gather_body(%arg0: i32, %arg1: i32, %arg2: memref<1024x128xi32, #tpu.memory_space<hbm>>, %arg3: memref<100000x64xf32, #tpu.memory_space<hbm>>, %arg4: memref<2048x32x128xf32, #tpu.memory_space<hbm>>, %arg5: memref<16x128xi32, #tpu.memory_space<vmem>>, %arg6: memref<4x128x64xf32, #tpu.memory_space<vmem>>, %arg7: memref<4x!tpu.dma_semaphore, #tpu.memory_space<semaphore_mem>>, %arg8: memref<4x!tpu.dma_semaphore, #tpu.memory_space<semaphore_mem>>) attributes {dimension_semantics = [#tpu.dimension_semantics<core_parallel>, #tpu.dimension_semantics<subcore_parallel>], iteration_bounds = array<i64: 2, 16>, scalar_prefetch = 0 : i64, scratch_operands = 4 : i64, tpu.core_type = #tpu.core_type<sc_vector_subcore>, window_params = [{transform_indices = #map}, {transform_indices = #map}, {transform_indices = #map1}]} {
    %mul3A = arith.constant 2 : i32
    %mul3A_0 = arith.muli %arg1, %mul3A : i32
    %add3A = arith.addi %mul3A_0, %arg0 : i32
    %mul3A_1 = arith.constant 32 : i32
    %mul3A_2 = arith.muli %add3A, %mul3A_1 : i32
    %add3A_3 = arith.constant 16 : i32
    %add3A_4 = arith.addi %mul3A_2, %add3A_3 : i32
    "tpu.region"() ({
      %run_scoped3A = tpu.sem_alloc : memref<!tpu.dma_semaphore, #tpu.memory_space<semaphore_mem>>
      %dma_start3A_1123 = arith.constant 0 : i32
      %dma_start3A_1124 = tpu.memref_slice %arg2[%add3A_4, %dma_start3A_1123] : memref<1024x128xi32, #tpu.memory_space<hbm>> -> memref<16x128xi32, #tpu.memory_space<hbm>>
      %dma_start3A_1125 = arith.constant 0 : i32
      %dma_start3A_1126 = tpu.memref_slice %arg2[%add3A_4, %dma_start3A_1125] : memref<1024x128xi32, #tpu.memory_space<hbm>> -> memref<16x128xi32, #tpu.memory_space<hbm>>
      tpu.enqueue_dma source(%dma_start3A_1126 : memref<16x128xi32, #tpu.memory_space<hbm>>) target(%arg5 : memref<16x128xi32, #tpu.memory_space<vmem>>) target_semaphore(%run_scoped3A : memref<!tpu.dma_semaphore, #tpu.memory_space<semaphore_mem>>)
      %dma_wait3A_1127 = arith.constant 0 : i32
      %dma_wait3A_1128 = tpu.memref_slice %arg2[%add3A_4, %dma_wait3A_1127] : memref<1024x128xi32, #tpu.memory_space<hbm>> -> memref<16x128xi32, #tpu.memory_space<hbm>>
      %dma_wait3A_1129 = arith.constant 0 : i32
      %dma_wait3A_1130 = tpu.memref_slice %arg2[%add3A_4, %dma_wait3A_1129] : memref<1024x128xi32, #tpu.memory_space<hbm>> -> memref<16x128xi32, #tpu.memory_space<hbm>>
      tpu.wait_dma2 semaphore(%run_scoped3A : memref<!tpu.dma_semaphore, #tpu.memory_space<semaphore_mem>>) src(%dma_wait3A_1130 : memref<16x128xi32, #tpu.memory_space<hbm>>) dst(%arg5 : memref<16x128xi32, #tpu.memory_space<vmem>>)
      tpu.yield
    }) : () -> ()
    %dma_start3A = arith.constant 0 : i32
    %dma_start3A_5 = arith.constant 0 : i32
    %dma_start3A_6 = arith.constant 0 : i32
    %dma_start3A_7 = arith.constant 0 : i32
    %dma_start3A_8 = arith.constant 0 : i32
    %dma_start3A_9 = tpu.memref_slice %arg6[%dma_start3A_5, %dma_start3A_7, %dma_start3A_8] : memref<4x128x64xf32, #tpu.memory_space<vmem>> -> memref<1x128x64xf32, #tpu.memory_space<vmem>>
    %dma_start3A_10 = tpu.memref_squeeze %dma_start3A_9 : memref<1x128x64xf32, #tpu.memory_space<vmem>> -> memref<128x64xf32, #tpu.memory_space<vmem>>
    %dma_start3A_11 = arith.constant 0 : i32
    %dma_start3A_12 = tpu.memref_slice %arg5[%dma_start3A, %dma_start3A_11] : memref<16x128xi32, #tpu.memory_space<vmem>> -> memref<1x128xi32, #tpu.memory_space<vmem>>
    %dma_start3A_13 = tpu.memref_squeeze %dma_start3A_12 : memref<1x128xi32, #tpu.memory_space<vmem>> -> memref<128xi32, #tpu.memory_space<vmem>>
    %dma_start3A_14 = arith.constant 0 : i32
    %dma_start3A_15 = arith.constant 0 : i32
    %dma_start3A_16 = tpu.memref_slice %arg3[%dma_start3A_14, %dma_start3A_15] : memref<100000x64xf32, #tpu.memory_space<hbm>> -> memref<100000x64xf32, #tpu.memory_space<hbm>>
    %dma_start3A_17 = tpu.memref_slice %arg7[%dma_start3A_6] : memref<4x!tpu.dma_semaphore, #tpu.memory_space<semaphore_mem>> -> memref<1x!tpu.dma_semaphore, #tpu.memory_space<semaphore_mem>>
    %dma_start3A_18 = tpu.memref_squeeze %dma_start3A_17 : memref<1x!tpu.dma_semaphore, #tpu.memory_space<semaphore_mem>> -> memref<!tpu.dma_semaphore, #tpu.memory_space<semaphore_mem>>
    tpu.enqueue_indirect_dma source(%dma_start3A_16 : memref<100000x64xf32, #tpu.memory_space<hbm>>) target(%dma_start3A_10 : memref<128x64xf32, #tpu.memory_space<vmem>>) offsets(%dma_start3A_13 : memref<128xi32, #tpu.memory_space<vmem>>) semaphore(%dma_start3A_18 : memref<!tpu.dma_semaphore, #tpu.memory_space<semaphore_mem>>)
    %dma_start3A_19 = arith.constant 1 : i32
    %dma_start3A_20 = arith.constant 1 : i32
    %dma_start3A_21 = arith.constant 1 : i32
    %dma_start3A_22 = arith.constant 0 : i32
    %dma_start3A_23 = arith.constant 0 : i32
    %dma_start3A_24 = tpu.memref_slice %arg6[%dma_start3A_20, %dma_start3A_22, %dma_start3A_23] : memref<4x128x64xf32, #tpu.memory_space<vmem>> -> memref<1x128x64xf32, #tpu.memory_space<vmem>>
    %dma_start3A_25 = tpu.memref_squeeze %dma_start3A_24 : memref<1x128x64xf32, #tpu.memory_space<vmem>> -> memref<128x64xf32, #tpu.memory_space<vmem>>
    %dma_start3A_26 = arith.constant 0 : i32
    %dma_start3A_27 = tpu.memref_slice %arg5[%dma_start3A_19, %dma_start3A_26] : memref<16x128xi32, #tpu.memory_space<vmem>> -> memref<1x128xi32, #tpu.memory_space<vmem>>
    %dma_start3A_28 = tpu.memref_squeeze %dma_start3A_27 : memref<1x128xi32, #tpu.memory_space<vmem>> -> memref<128xi32, #tpu.memory_space<vmem>>
    %dma_start3A_29 = arith.constant 0 : i32
    %dma_start3A_30 = arith.constant 0 : i32
    %dma_start3A_31 = tpu.memref_slice %arg3[%dma_start3A_29, %dma_start3A_30] : memref<100000x64xf32, #tpu.memory_space<hbm>> -> memref<100000x64xf32, #tpu.memory_space<hbm>>
    %dma_start3A_32 = tpu.memref_slice %arg7[%dma_start3A_21] : memref<4x!tpu.dma_semaphore, #tpu.memory_space<semaphore_mem>> -> memref<1x!tpu.dma_semaphore, #tpu.memory_space<semaphore_mem>>
    %dma_start3A_33 = tpu.memref_squeeze %dma_start3A_32 : memref<1x!tpu.dma_semaphore, #tpu.memory_space<semaphore_mem>> -> memref<!tpu.dma_semaphore, #tpu.memory_space<semaphore_mem>>
    tpu.enqueue_indirect_dma source(%dma_start3A_31 : memref<100000x64xf32, #tpu.memory_space<hbm>>) target(%dma_start3A_25 : memref<128x64xf32, #tpu.memory_space<vmem>>) offsets(%dma_start3A_28 : memref<128xi32, #tpu.memory_space<vmem>>) semaphore(%dma_start3A_33 : memref<!tpu.dma_semaphore, #tpu.memory_space<semaphore_mem>>)
    %dma_start3A_34 = arith.constant 2 : i32
    %dma_start3A_35 = arith.constant 2 : i32
    %dma_start3A_36 = arith.constant 2 : i32
    %dma_start3A_37 = arith.constant 0 : i32
    %dma_start3A_38 = arith.constant 0 : i32
    %dma_start3A_39 = tpu.memref_slice %arg6[%dma_start3A_35, %dma_start3A_37, %dma_start3A_38] : memref<4x128x64xf32, #tpu.memory_space<vmem>> -> memref<1x128x64xf32, #tpu.memory_space<vmem>>
    %dma_start3A_40 = tpu.memref_squeeze %dma_start3A_39 : memref<1x128x64xf32, #tpu.memory_space<vmem>> -> memref<128x64xf32, #tpu.memory_space<vmem>>
    %dma_start3A_41 = arith.constant 0 : i32
    %dma_start3A_42 = tpu.memref_slice %arg5[%dma_start3A_34, %dma_start3A_41] : memref<16x128xi32, #tpu.memory_space<vmem>> -> memref<1x128xi32, #tpu.memory_space<vmem>>
    %dma_start3A_43 = tpu.memref_squeeze %dma_start3A_42 : memref<1x128xi32, #tpu.memory_space<vmem>> -> memref<128xi32, #tpu.memory_space<vmem>>
    %dma_start3A_44 = arith.constant 0 : i32
    %dma_start3A_45 = arith.constant 0 : i32
    %dma_start3A_46 = tpu.memref_slice %arg3[%dma_start3A_44, %dma_start3A_45] : memref<100000x64xf32, #tpu.memory_space<hbm>> -> memref<100000x64xf32, #tpu.memory_space<hbm>>
    %dma_start3A_47 = tpu.memref_slice %arg7[%dma_start3A_36] : memref<4x!tpu.dma_semaphore, #tpu.memory_space<semaphore_mem>> -> memref<1x!tpu.dma_semaphore, #tpu.memory_space<semaphore_mem>>
    %dma_start3A_48 = tpu.memref_squeeze %dma_start3A_47 : memref<1x!tpu.dma_semaphore, #tpu.memory_space<semaphore_mem>> -> memref<!tpu.dma_semaphore, #tpu.memory_space<semaphore_mem>>
    tpu.enqueue_indirect_dma source(%dma_start3A_46 : memref<100000x64xf32, #tpu.memory_space<hbm>>) target(%dma_start3A_40 : memref<128x64xf32, #tpu.memory_space<vmem>>) offsets(%dma_start3A_43 : memref<128xi32, #tpu.memory_space<vmem>>) semaphore(%dma_start3A_48 : memref<!tpu.dma_semaphore, #tpu.memory_space<semaphore_mem>>)
    %dma_start3A_49 = arith.constant 3 : i32
    %dma_start3A_50 = arith.constant 3 : i32
    %dma_start3A_51 = arith.constant 3 : i32
    %dma_start3A_52 = arith.constant 0 : i32
    %dma_start3A_53 = arith.constant 0 : i32
    %dma_start3A_54 = tpu.memref_slice %arg6[%dma_start3A_50, %dma_start3A_52, %dma_start3A_53] : memref<4x128x64xf32, #tpu.memory_space<vmem>> -> memref<1x128x64xf32, #tpu.memory_space<vmem>>
    %dma_start3A_55 = tpu.memref_squeeze %dma_start3A_54 : memref<1x128x64xf32, #tpu.memory_space<vmem>> -> memref<128x64xf32, #tpu.memory_space<vmem>>
    %dma_start3A_56 = arith.constant 0 : i32
    %dma_start3A_57 = tpu.memref_slice %arg5[%dma_start3A_49, %dma_start3A_56] : memref<16x128xi32, #tpu.memory_space<vmem>> -> memref<1x128xi32, #tpu.memory_space<vmem>>
    %dma_start3A_58 = tpu.memref_squeeze %dma_start3A_57 : memref<1x128xi32, #tpu.memory_space<vmem>> -> memref<128xi32, #tpu.memory_space<vmem>>
    %dma_start3A_59 = arith.constant 0 : i32
    %dma_start3A_60 = arith.constant 0 : i32
    %dma_start3A_61 = tpu.memref_slice %arg3[%dma_start3A_59, %dma_start3A_60] : memref<100000x64xf32, #tpu.memory_space<hbm>> -> memref<100000x64xf32, #tpu.memory_space<hbm>>
    %dma_start3A_62 = tpu.memref_slice %arg7[%dma_start3A_51] : memref<4x!tpu.dma_semaphore, #tpu.memory_space<semaphore_mem>> -> memref<1x!tpu.dma_semaphore, #tpu.memory_space<semaphore_mem>>
    %dma_start3A_63 = tpu.memref_squeeze %dma_start3A_62 : memref<1x!tpu.dma_semaphore, #tpu.memory_space<semaphore_mem>> -> memref<!tpu.dma_semaphore, #tpu.memory_space<semaphore_mem>>
    tpu.enqueue_indirect_dma source(%dma_start3A_61 : memref<100000x64xf32, #tpu.memory_space<hbm>>) target(%dma_start3A_55 : memref<128x64xf32, #tpu.memory_space<vmem>>) offsets(%dma_start3A_58 : memref<128xi32, #tpu.memory_space<vmem>>) semaphore(%dma_start3A_63 : memref<!tpu.dma_semaphore, #tpu.memory_space<semaphore_mem>>)
    %dma_wait3A = arith.constant 0 : i32
    %dma_wait3A_64 = arith.constant 0 : i32
    %dma_wait3A_65 = arith.constant 0 : i32
    %dma_wait3A_66 = arith.constant 0 : i32
    %dma_wait3A_67 = arith.constant 0 : i32
    %dma_wait3A_68 = tpu.memref_slice %arg6[%dma_wait3A_64, %dma_wait3A_66, %dma_wait3A_67] : memref<4x128x64xf32, #tpu.memory_space<vmem>> -> memref<1x128x64xf32, #tpu.memory_space<vmem>>
    %dma_wait3A_69 = tpu.memref_squeeze %dma_wait3A_68 : memref<1x128x64xf32, #tpu.memory_space<vmem>> -> memref<128x64xf32, #tpu.memory_space<vmem>>
    %dma_wait3A_70 = arith.constant 0 : i32
    %dma_wait3A_71 = tpu.memref_slice %arg5[%dma_wait3A, %dma_wait3A_70] : memref<16x128xi32, #tpu.memory_space<vmem>> -> memref<1x128xi32, #tpu.memory_space<vmem>>
    %dma_wait3A_72 = tpu.memref_squeeze %dma_wait3A_71 : memref<1x128xi32, #tpu.memory_space<vmem>> -> memref<128xi32, #tpu.memory_space<vmem>>
    %dma_wait3A_73 = arith.constant 0 : i32
    %dma_wait3A_74 = arith.constant 0 : i32
    %dma_wait3A_75 = tpu.memref_slice %arg3[%dma_wait3A_73, %dma_wait3A_74] : memref<100000x64xf32, #tpu.memory_space<hbm>> -> memref<100000x64xf32, #tpu.memory_space<hbm>>
    %dma_wait3A_76 = tpu.memref_slice %arg7[%dma_wait3A_65] : memref<4x!tpu.dma_semaphore, #tpu.memory_space<semaphore_mem>> -> memref<1x!tpu.dma_semaphore, #tpu.memory_space<semaphore_mem>>
    %dma_wait3A_77 = tpu.memref_squeeze %dma_wait3A_76 : memref<1x!tpu.dma_semaphore, #tpu.memory_space<semaphore_mem>> -> memref<!tpu.dma_semaphore, #tpu.memory_space<semaphore_mem>>
    tpu.wait_indirect_dma semaphore(%dma_wait3A_77 : memref<!tpu.dma_semaphore, #tpu.memory_space<semaphore_mem>>) src(%dma_wait3A_75 : memref<100000x64xf32, #tpu.memory_space<hbm>>) dst(%dma_wait3A_69 : memref<128x64xf32, #tpu.memory_space<vmem>>)
    %dma_start3A_78 = arith.constant 0 : i32
    %dma_start3A_79 = arith.constant 0 : i32
    %dma_start3A_80 = arith.constant 0 : i32
    %dma_start3A_81 = arith.constant 0 : i32
    %dma_start3A_82 = tpu.memref_slice %arg6[%dma_start3A_78, %dma_start3A_80, %dma_start3A_81] : memref<4x128x64xf32, #tpu.memory_space<vmem>> -> memref<1x128x64xf32, #tpu.memory_space<vmem>>
    %dma_start3A_83 = tpu.memref_squeeze %dma_start3A_82 : memref<1x128x64xf32, #tpu.memory_space<vmem>> -> memref<128x64xf32, #tpu.memory_space<vmem>>
    %dma_start3A_84 = arith.constant 0 : i32
    %dma_start3A_85 = arith.constant 0 : i32
    %dma_start3A_86 = tpu.memref_slice %arg4[%dma_start3A_84, %add3A, %dma_start3A_85] : memref<2048x32x128xf32, #tpu.memory_space<hbm>> -> memref<128x1x64xf32, #tpu.memory_space<hbm>>
    %dma_start3A_87 = tpu.memref_squeeze %dma_start3A_86 : memref<128x1x64xf32, #tpu.memory_space<hbm>> -> memref<128x64xf32, #tpu.memory_space<hbm>>
    %dma_start3A_88 = tpu.memref_slice %arg8[%dma_start3A_79] : memref<4x!tpu.dma_semaphore, #tpu.memory_space<semaphore_mem>> -> memref<1x!tpu.dma_semaphore, #tpu.memory_space<semaphore_mem>>
    %dma_start3A_89 = tpu.memref_squeeze %dma_start3A_88 : memref<1x!tpu.dma_semaphore, #tpu.memory_space<semaphore_mem>> -> memref<!tpu.dma_semaphore, #tpu.memory_space<semaphore_mem>>
    %dma_start3A_90 = arith.constant 0 : i32
    %dma_start3A_91 = arith.constant 0 : i32
    %dma_start3A_92 = tpu.memref_slice %arg4[%dma_start3A_90, %add3A, %dma_start3A_91] : memref<2048x32x128xf32, #tpu.memory_space<hbm>> -> memref<128x1x64xf32, #tpu.memory_space<hbm>>
    %dma_start3A_93 = tpu.memref_squeeze %dma_start3A_92 : memref<128x1x64xf32, #tpu.memory_space<hbm>> -> memref<128x64xf32, #tpu.memory_space<hbm>>
    %dma_start3A_94 = arith.constant 0 : i32
    %dma_start3A_95 = arith.constant 0 : i32
    %dma_start3A_96 = tpu.memref_slice %arg6[%dma_start3A_78, %dma_start3A_94, %dma_start3A_95] : memref<4x128x64xf32, #tpu.memory_space<vmem>> -> memref<1x128x64xf32, #tpu.memory_space<vmem>>
    %dma_start3A_97 = tpu.memref_squeeze %dma_start3A_96 : memref<1x128x64xf32, #tpu.memory_space<vmem>> -> memref<128x64xf32, #tpu.memory_space<vmem>>
    tpu.enqueue_dma source(%dma_start3A_97 : memref<128x64xf32, #tpu.memory_space<vmem>>) target(%dma_start3A_93 : memref<128x64xf32, #tpu.memory_space<hbm>>) target_semaphore(%dma_start3A_89 : memref<!tpu.dma_semaphore, #tpu.memory_space<semaphore_mem>>)
    %dma_wait3A_98 = arith.constant 0 : i32
    %dma_wait3A_99 = arith.constant 0 : i32
    %dma_wait3A_100 = arith.constant 0 : i32
    %dma_wait3A_101 = arith.constant 0 : i32
    %dma_wait3A_102 = tpu.memref_slice %arg6[%dma_wait3A_98, %dma_wait3A_100, %dma_wait3A_101] : memref<4x128x64xf32, #tpu.memory_space<vmem>> -> memref<1x128x64xf32, #tpu.memory_space<vmem>>
    %dma_wait3A_103 = tpu.memref_squeeze %dma_wait3A_102 : memref<1x128x64xf32, #tpu.memory_space<vmem>> -> memref<128x64xf32, #tpu.memory_space<vmem>>
    %dma_wait3A_104 = arith.constant 0 : i32
    %dma_wait3A_105 = arith.constant 0 : i32
    %dma_wait3A_106 = tpu.memref_slice %arg4[%dma_wait3A_104, %add3A, %dma_wait3A_105] : memref<2048x32x128xf32, #tpu.memory_space<hbm>> -> memref<128x1x64xf32, #tpu.memory_space<hbm>>
    %dma_wait3A_107 = tpu.memref_squeeze %dma_wait3A_106 : memref<128x1x64xf32, #tpu.memory_space<hbm>> -> memref<128x64xf32, #tpu.memory_space<hbm>>
    %dma_wait3A_108 = tpu.memref_slice %arg8[%dma_wait3A_99] : memref<4x!tpu.dma_semaphore, #tpu.memory_space<semaphore_mem>> -> memref<1x!tpu.dma_semaphore, #tpu.memory_space<semaphore_mem>>
    %dma_wait3A_109 = tpu.memref_squeeze %dma_wait3A_108 : memref<1x!tpu.dma_semaphore, #tpu.memory_space<semaphore_mem>> -> memref<!tpu.dma_semaphore, #tpu.memory_space<semaphore_mem>>
    %dma_wait3A_110 = arith.constant 0 : i32
    %dma_wait3A_111 = arith.constant 0 : i32
    %dma_wait3A_112 = tpu.memref_slice %arg4[%dma_wait3A_110, %add3A, %dma_wait3A_111] : memref<2048x32x128xf32, #tpu.memory_space<hbm>> -> memref<128x1x64xf32, #tpu.memory_space<hbm>>
    %dma_wait3A_113 = tpu.memref_squeeze %dma_wait3A_112 : memref<128x1x64xf32, #tpu.memory_space<hbm>> -> memref<128x64xf32, #tpu.memory_space<hbm>>
    %dma_wait3A_114 = arith.constant 0 : i32
    %dma_wait3A_115 = arith.constant 0 : i32
    %dma_wait3A_116 = tpu.memref_slice %arg6[%dma_wait3A_98, %dma_wait3A_114, %dma_wait3A_115] : memref<4x128x64xf32, #tpu.memory_space<vmem>> -> memref<1x128x64xf32, #tpu.memory_space<vmem>>
    %dma_wait3A_117 = tpu.memref_squeeze %dma_wait3A_116 : memref<1x128x64xf32, #tpu.memory_space<vmem>> -> memref<128x64xf32, #tpu.memory_space<vmem>>
    tpu.wait_dma2 semaphore(%dma_wait3A_109 : memref<!tpu.dma_semaphore, #tpu.memory_space<semaphore_mem>>) src(%dma_wait3A_117 : memref<128x64xf32, #tpu.memory_space<vmem>>) dst(%dma_wait3A_113 : memref<128x64xf32, #tpu.memory_space<hbm>>)
    %dma_start3A_118 = arith.constant 4 : i32
    %dma_start3A_119 = arith.constant 0 : i32
    %dma_start3A_120 = arith.constant 0 : i32
    %dma_start3A_121 = arith.constant 0 : i32
    %dma_start3A_122 = arith.constant 0 : i32
    %dma_start3A_123 = tpu.memref_slice %arg6[%dma_start3A_119, %dma_start3A_121, %dma_start3A_122] : memref<4x128x64xf32, #tpu.memory_space<vmem>> -> memref<1x128x64xf32, #tpu.memory_space<vmem>>
    %dma_start3A_124 = tpu.memref_squeeze %dma_start3A_123 : memref<1x128x64xf32, #tpu.memory_space<vmem>> -> memref<128x64xf32, #tpu.memory_space<vmem>>
    %dma_start3A_125 = arith.constant 0 : i32
    %dma_start3A_126 = tpu.memref_slice %arg5[%dma_start3A_118, %dma_start3A_125] : memref<16x128xi32, #tpu.memory_space<vmem>> -> memref<1x128xi32, #tpu.memory_space<vmem>>
    %dma_start3A_127 = tpu.memref_squeeze %dma_start3A_126 : memref<1x128xi32, #tpu.memory_space<vmem>> -> memref<128xi32, #tpu.memory_space<vmem>>
    %dma_start3A_128 = arith.constant 0 : i32
    %dma_start3A_129 = arith.constant 0 : i32
    %dma_start3A_130 = tpu.memref_slice %arg3[%dma_start3A_128, %dma_start3A_129] : memref<100000x64xf32, #tpu.memory_space<hbm>> -> memref<100000x64xf32, #tpu.memory_space<hbm>>
    %dma_start3A_131 = tpu.memref_slice %arg7[%dma_start3A_120] : memref<4x!tpu.dma_semaphore, #tpu.memory_space<semaphore_mem>> -> memref<1x!tpu.dma_semaphore, #tpu.memory_space<semaphore_mem>>
    %dma_start3A_132 = tpu.memref_squeeze %dma_start3A_131 : memref<1x!tpu.dma_semaphore, #tpu.memory_space<semaphore_mem>> -> memref<!tpu.dma_semaphore, #tpu.memory_space<semaphore_mem>>
    tpu.enqueue_indirect_dma source(%dma_start3A_130 : memref<100000x64xf32, #tpu.memory_space<hbm>>) target(%dma_start3A_124 : memref<128x64xf32, #tpu.memory_space<vmem>>) offsets(%dma_start3A_127 : memref<128xi32, #tpu.memory_space<vmem>>) semaphore(%dma_start3A_132 : memref<!tpu.dma_semaphore, #tpu.memory_space<semaphore_mem>>)
    %dma_wait3A_133 = arith.constant 0 : i32
    %dma_wait3A_134 = arith.constant 1 : i32
    %dma_wait3A_135 = arith.constant 1 : i32
    %dma_wait3A_136 = arith.constant 0 : i32
    %dma_wait3A_137 = arith.constant 0 : i32
    %dma_wait3A_138 = tpu.memref_slice %arg6[%dma_wait3A_134, %dma_wait3A_136, %dma_wait3A_137] : memref<4x128x64xf32, #tpu.memory_space<vmem>> -> memref<1x128x64xf32, #tpu.memory_space<vmem>>
    %dma_wait3A_139 = tpu.memref_squeeze %dma_wait3A_138 : memref<1x128x64xf32, #tpu.memory_space<vmem>> -> memref<128x64xf32, #tpu.memory_space<vmem>>
    %dma_wait3A_140 = arith.constant 0 : i32
    %dma_wait3A_141 = tpu.memref_slice %arg5[%dma_wait3A_133, %dma_wait3A_140] : memref<16x128xi32, #tpu.memory_space<vmem>> -> memref<1x128xi32, #tpu.memory_space<vmem>>
    %dma_wait3A_142 = tpu.memref_squeeze %dma_wait3A_141 : memref<1x128xi32, #tpu.memory_space<vmem>> -> memref<128xi32, #tpu.memory_space<vmem>>
    %dma_wait3A_143 = arith.constant 0 : i32
    %dma_wait3A_144 = arith.constant 0 : i32
    %dma_wait3A_145 = tpu.memref_slice %arg3[%dma_wait3A_143, %dma_wait3A_144] : memref<100000x64xf32, #tpu.memory_space<hbm>> -> memref<100000x64xf32, #tpu.memory_space<hbm>>
    %dma_wait3A_146 = tpu.memref_slice %arg7[%dma_wait3A_135] : memref<4x!tpu.dma_semaphore, #tpu.memory_space<semaphore_mem>> -> memref<1x!tpu.dma_semaphore, #tpu.memory_space<semaphore_mem>>
    %dma_wait3A_147 = tpu.memref_squeeze %dma_wait3A_146 : memref<1x!tpu.dma_semaphore, #tpu.memory_space<semaphore_mem>> -> memref<!tpu.dma_semaphore, #tpu.memory_space<semaphore_mem>>
    tpu.wait_indirect_dma semaphore(%dma_wait3A_147 : memref<!tpu.dma_semaphore, #tpu.memory_space<semaphore_mem>>) src(%dma_wait3A_145 : memref<100000x64xf32, #tpu.memory_space<hbm>>) dst(%dma_wait3A_139 : memref<128x64xf32, #tpu.memory_space<vmem>>)
    %dma_start3A_148 = arith.constant 1 : i32
    %dma_start3A_149 = arith.constant 1 : i32
    %dma_start3A_150 = arith.constant 0 : i32
    %dma_start3A_151 = arith.constant 0 : i32
    %dma_start3A_152 = tpu.memref_slice %arg6[%dma_start3A_148, %dma_start3A_150, %dma_start3A_151] : memref<4x128x64xf32, #tpu.memory_space<vmem>> -> memref<1x128x64xf32, #tpu.memory_space<vmem>>
    %dma_start3A_153 = tpu.memref_squeeze %dma_start3A_152 : memref<1x128x64xf32, #tpu.memory_space<vmem>> -> memref<128x64xf32, #tpu.memory_space<vmem>>
    %dma_start3A_154 = arith.constant 128 : i32
    %dma_start3A_155 = arith.constant 0 : i32
    %dma_start3A_156 = tpu.memref_slice %arg4[%dma_start3A_154, %add3A, %dma_start3A_155] : memref<2048x32x128xf32, #tpu.memory_space<hbm>> -> memref<128x1x64xf32, #tpu.memory_space<hbm>>
    %dma_start3A_157 = tpu.memref_squeeze %dma_start3A_156 : memref<128x1x64xf32, #tpu.memory_space<hbm>> -> memref<128x64xf32, #tpu.memory_space<hbm>>
    %dma_start3A_158 = tpu.memref_slice %arg8[%dma_start3A_149] : memref<4x!tpu.dma_semaphore, #tpu.memory_space<semaphore_mem>> -> memref<1x!tpu.dma_semaphore, #tpu.memory_space<semaphore_mem>>
    %dma_start3A_159 = tpu.memref_squeeze %dma_start3A_158 : memref<1x!tpu.dma_semaphore, #tpu.memory_space<semaphore_mem>> -> memref<!tpu.dma_semaphore, #tpu.memory_space<semaphore_mem>>
    %dma_start3A_160 = arith.constant 128 : i32
    %dma_start3A_161 = arith.constant 0 : i32
    %dma_start3A_162 = tpu.memref_slice %arg4[%dma_start3A_160, %add3A, %dma_start3A_161] : memref<2048x32x128xf32, #tpu.memory_space<hbm>> -> memref<128x1x64xf32, #tpu.memory_space<hbm>>
    %dma_start3A_163 = tpu.memref_squeeze %dma_start3A_162 : memref<128x1x64xf32, #tpu.memory_space<hbm>> -> memref<128x64xf32, #tpu.memory_space<hbm>>
    %dma_start3A_164 = arith.constant 0 : i32
    %dma_start3A_165 = arith.constant 0 : i32
    %dma_start3A_166 = tpu.memref_slice %arg6[%dma_start3A_148, %dma_start3A_164, %dma_start3A_165] : memref<4x128x64xf32, #tpu.memory_space<vmem>> -> memref<1x128x64xf32, #tpu.memory_space<vmem>>
    %dma_start3A_167 = tpu.memref_squeeze %dma_start3A_166 : memref<1x128x64xf32, #tpu.memory_space<vmem>> -> memref<128x64xf32, #tpu.memory_space<vmem>>
    tpu.enqueue_dma source(%dma_start3A_167 : memref<128x64xf32, #tpu.memory_space<vmem>>) target(%dma_start3A_163 : memref<128x64xf32, #tpu.memory_space<hbm>>) target_semaphore(%dma_start3A_159 : memref<!tpu.dma_semaphore, #tpu.memory_space<semaphore_mem>>)
    %dma_wait3A_168 = arith.constant 1 : i32
    %dma_wait3A_169 = arith.constant 1 : i32
    %dma_wait3A_170 = arith.constant 0 : i32
    %dma_wait3A_171 = arith.constant 0 : i32
    %dma_wait3A_172 = tpu.memref_slice %arg6[%dma_wait3A_168, %dma_wait3A_170, %dma_wait3A_171] : memref<4x128x64xf32, #tpu.memory_space<vmem>> -> memref<1x128x64xf32, #tpu.memory_space<vmem>>
    %dma_wait3A_173 = tpu.memref_squeeze %dma_wait3A_172 : memref<1x128x64xf32, #tpu.memory_space<vmem>> -> memref<128x64xf32, #tpu.memory_space<vmem>>
    %dma_wait3A_174 = arith.constant 0 : i32
    %dma_wait3A_175 = arith.constant 0 : i32
    %dma_wait3A_176 = tpu.memref_slice %arg4[%dma_wait3A_174, %add3A, %dma_wait3A_175] : memref<2048x32x128xf32, #tpu.memory_space<hbm>> -> memref<128x1x64xf32, #tpu.memory_space<hbm>>
    %dma_wait3A_177 = tpu.memref_squeeze %dma_wait3A_176 : memref<128x1x64xf32, #tpu.memory_space<hbm>> -> memref<128x64xf32, #tpu.memory_space<hbm>>
    %dma_wait3A_178 = tpu.memref_slice %arg8[%dma_wait3A_169] : memref<4x!tpu.dma_semaphore, #tpu.memory_space<semaphore_mem>> -> memref<1x!tpu.dma_semaphore, #tpu.memory_space<semaphore_mem>>
    %dma_wait3A_179 = tpu.memref_squeeze %dma_wait3A_178 : memref<1x!tpu.dma_semaphore, #tpu.memory_space<semaphore_mem>> -> memref<!tpu.dma_semaphore, #tpu.memory_space<semaphore_mem>>
    %dma_wait3A_180 = arith.constant 0 : i32
    %dma_wait3A_181 = arith.constant 0 : i32
    %dma_wait3A_182 = tpu.memref_slice %arg4[%dma_wait3A_180, %add3A, %dma_wait3A_181] : memref<2048x32x128xf32, #tpu.memory_space<hbm>> -> memref<128x1x64xf32, #tpu.memory_space<hbm>>
    %dma_wait3A_183 = tpu.memref_squeeze %dma_wait3A_182 : memref<128x1x64xf32, #tpu.memory_space<hbm>> -> memref<128x64xf32, #tpu.memory_space<hbm>>
    %dma_wait3A_184 = arith.constant 0 : i32
    %dma_wait3A_185 = arith.constant 0 : i32
    %dma_wait3A_186 = tpu.memref_slice %arg6[%dma_wait3A_168, %dma_wait3A_184, %dma_wait3A_185] : memref<4x128x64xf32, #tpu.memory_space<vmem>> -> memref<1x128x64xf32, #tpu.memory_space<vmem>>
    %dma_wait3A_187 = tpu.memref_squeeze %dma_wait3A_186 : memref<1x128x64xf32, #tpu.memory_space<vmem>> -> memref<128x64xf32, #tpu.memory_space<vmem>>
    tpu.wait_dma2 semaphore(%dma_wait3A_179 : memref<!tpu.dma_semaphore, #tpu.memory_space<semaphore_mem>>) src(%dma_wait3A_187 : memref<128x64xf32, #tpu.memory_space<vmem>>) dst(%dma_wait3A_183 : memref<128x64xf32, #tpu.memory_space<hbm>>)
    %dma_start3A_188 = arith.constant 5 : i32
    %dma_start3A_189 = arith.constant 1 : i32
    %dma_start3A_190 = arith.constant 1 : i32
    %dma_start3A_191 = arith.constant 0 : i32
    %dma_start3A_192 = arith.constant 0 : i32
    %dma_start3A_193 = tpu.memref_slice %arg6[%dma_start3A_189, %dma_start3A_191, %dma_start3A_192] : memref<4x128x64xf32, #tpu.memory_space<vmem>> -> memref<1x128x64xf32, #tpu.memory_space<vmem>>
    %dma_start3A_194 = tpu.memref_squeeze %dma_start3A_193 : memref<1x128x64xf32, #tpu.memory_space<vmem>> -> memref<128x64xf32, #tpu.memory_space<vmem>>
    %dma_start3A_195 = arith.constant 0 : i32
    %dma_start3A_196 = tpu.memref_slice %arg5[%dma_start3A_188, %dma_start3A_195] : memref<16x128xi32, #tpu.memory_space<vmem>> -> memref<1x128xi32, #tpu.memory_space<vmem>>
    %dma_start3A_197 = tpu.memref_squeeze %dma_start3A_196 : memref<1x128xi32, #tpu.memory_space<vmem>> -> memref<128xi32, #tpu.memory_space<vmem>>
    %dma_start3A_198 = arith.constant 0 : i32
    %dma_start3A_199 = arith.constant 0 : i32
    %dma_start3A_200 = tpu.memref_slice %arg3[%dma_start3A_198, %dma_start3A_199] : memref<100000x64xf32, #tpu.memory_space<hbm>> -> memref<100000x64xf32, #tpu.memory_space<hbm>>
    %dma_start3A_201 = tpu.memref_slice %arg7[%dma_start3A_190] : memref<4x!tpu.dma_semaphore, #tpu.memory_space<semaphore_mem>> -> memref<1x!tpu.dma_semaphore, #tpu.memory_space<semaphore_mem>>
    %dma_start3A_202 = tpu.memref_squeeze %dma_start3A_201 : memref<1x!tpu.dma_semaphore, #tpu.memory_space<semaphore_mem>> -> memref<!tpu.dma_semaphore, #tpu.memory_space<semaphore_mem>>
    tpu.enqueue_indirect_dma source(%dma_start3A_200 : memref<100000x64xf32, #tpu.memory_space<hbm>>) target(%dma_start3A_194 : memref<128x64xf32, #tpu.memory_space<vmem>>) offsets(%dma_start3A_197 : memref<128xi32, #tpu.memory_space<vmem>>) semaphore(%dma_start3A_202 : memref<!tpu.dma_semaphore, #tpu.memory_space<semaphore_mem>>)
    %dma_wait3A_203 = arith.constant 0 : i32
    %dma_wait3A_204 = arith.constant 2 : i32
    %dma_wait3A_205 = arith.constant 2 : i32
    %dma_wait3A_206 = arith.constant 0 : i32
    %dma_wait3A_207 = arith.constant 0 : i32
    %dma_wait3A_208 = tpu.memref_slice %arg6[%dma_wait3A_204, %dma_wait3A_206, %dma_wait3A_207] : memref<4x128x64xf32, #tpu.memory_space<vmem>> -> memref<1x128x64xf32, #tpu.memory_space<vmem>>
    %dma_wait3A_209 = tpu.memref_squeeze %dma_wait3A_208 : memref<1x128x64xf32, #tpu.memory_space<vmem>> -> memref<128x64xf32, #tpu.memory_space<vmem>>
    %dma_wait3A_210 = arith.constant 0 : i32
    %dma_wait3A_211 = tpu.memref_slice %arg5[%dma_wait3A_203, %dma_wait3A_210] : memref<16x128xi32, #tpu.memory_space<vmem>> -> memref<1x128xi32, #tpu.memory_space<vmem>>
    %dma_wait3A_212 = tpu.memref_squeeze %dma_wait3A_211 : memref<1x128xi32, #tpu.memory_space<vmem>> -> memref<128xi32, #tpu.memory_space<vmem>>
    %dma_wait3A_213 = arith.constant 0 : i32
    %dma_wait3A_214 = arith.constant 0 : i32
    %dma_wait3A_215 = tpu.memref_slice %arg3[%dma_wait3A_213, %dma_wait3A_214] : memref<100000x64xf32, #tpu.memory_space<hbm>> -> memref<100000x64xf32, #tpu.memory_space<hbm>>
    %dma_wait3A_216 = tpu.memref_slice %arg7[%dma_wait3A_205] : memref<4x!tpu.dma_semaphore, #tpu.memory_space<semaphore_mem>> -> memref<1x!tpu.dma_semaphore, #tpu.memory_space<semaphore_mem>>
    %dma_wait3A_217 = tpu.memref_squeeze %dma_wait3A_216 : memref<1x!tpu.dma_semaphore, #tpu.memory_space<semaphore_mem>> -> memref<!tpu.dma_semaphore, #tpu.memory_space<semaphore_mem>>
    tpu.wait_indirect_dma semaphore(%dma_wait3A_217 : memref<!tpu.dma_semaphore, #tpu.memory_space<semaphore_mem>>) src(%dma_wait3A_215 : memref<100000x64xf32, #tpu.memory_space<hbm>>) dst(%dma_wait3A_209 : memref<128x64xf32, #tpu.memory_space<vmem>>)
    %dma_start3A_218 = arith.constant 2 : i32
    %dma_start3A_219 = arith.constant 2 : i32
    %dma_start3A_220 = arith.constant 0 : i32
    %dma_start3A_221 = arith.constant 0 : i32
    %dma_start3A_222 = tpu.memref_slice %arg6[%dma_start3A_218, %dma_start3A_220, %dma_start3A_221] : memref<4x128x64xf32, #tpu.memory_space<vmem>> -> memref<1x128x64xf32, #tpu.memory_space<vmem>>
    %dma_start3A_223 = tpu.memref_squeeze %dma_start3A_222 : memref<1x128x64xf32, #tpu.memory_space<vmem>> -> memref<128x64xf32, #tpu.memory_space<vmem>>
    %dma_start3A_224 = arith.constant 256 : i32
    %dma_start3A_225 = arith.constant 0 : i32
    %dma_start3A_226 = tpu.memref_slice %arg4[%dma_start3A_224, %add3A, %dma_start3A_225] : memref<2048x32x128xf32, #tpu.memory_space<hbm>> -> memref<128x1x64xf32, #tpu.memory_space<hbm>>
    %dma_start3A_227 = tpu.memref_squeeze %dma_start3A_226 : memref<128x1x64xf32, #tpu.memory_space<hbm>> -> memref<128x64xf32, #tpu.memory_space<hbm>>
    %dma_start3A_228 = tpu.memref_slice %arg8[%dma_start3A_219] : memref<4x!tpu.dma_semaphore, #tpu.memory_space<semaphore_mem>> -> memref<1x!tpu.dma_semaphore, #tpu.memory_space<semaphore_mem>>
    %dma_start3A_229 = tpu.memref_squeeze %dma_start3A_228 : memref<1x!tpu.dma_semaphore, #tpu.memory_space<semaphore_mem>> -> memref<!tpu.dma_semaphore, #tpu.memory_space<semaphore_mem>>
    %dma_start3A_230 = arith.constant 256 : i32
    %dma_start3A_231 = arith.constant 0 : i32
    %dma_start3A_232 = tpu.memref_slice %arg4[%dma_start3A_230, %add3A, %dma_start3A_231] : memref<2048x32x128xf32, #tpu.memory_space<hbm>> -> memref<128x1x64xf32, #tpu.memory_space<hbm>>
    %dma_start3A_233 = tpu.memref_squeeze %dma_start3A_232 : memref<128x1x64xf32, #tpu.memory_space<hbm>> -> memref<128x64xf32, #tpu.memory_space<hbm>>
    %dma_start3A_234 = arith.constant 0 : i32
    %dma_start3A_235 = arith.constant 0 : i32
    %dma_start3A_236 = tpu.memref_slice %arg6[%dma_start3A_218, %dma_start3A_234, %dma_start3A_235] : memref<4x128x64xf32, #tpu.memory_space<vmem>> -> memref<1x128x64xf32, #tpu.memory_space<vmem>>
    %dma_start3A_237 = tpu.memref_squeeze %dma_start3A_236 : memref<1x128x64xf32, #tpu.memory_space<vmem>> -> memref<128x64xf32, #tpu.memory_space<vmem>>
    tpu.enqueue_dma source(%dma_start3A_237 : memref<128x64xf32, #tpu.memory_space<vmem>>) target(%dma_start3A_233 : memref<128x64xf32, #tpu.memory_space<hbm>>) target_semaphore(%dma_start3A_229 : memref<!tpu.dma_semaphore, #tpu.memory_space<semaphore_mem>>)
    %dma_wait3A_238 = arith.constant 2 : i32
    %dma_wait3A_239 = arith.constant 2 : i32
    %dma_wait3A_240 = arith.constant 0 : i32
    %dma_wait3A_241 = arith.constant 0 : i32
    %dma_wait3A_242 = tpu.memref_slice %arg6[%dma_wait3A_238, %dma_wait3A_240, %dma_wait3A_241] : memref<4x128x64xf32, #tpu.memory_space<vmem>> -> memref<1x128x64xf32, #tpu.memory_space<vmem>>
    %dma_wait3A_243 = tpu.memref_squeeze %dma_wait3A_242 : memref<1x128x64xf32, #tpu.memory_space<vmem>> -> memref<128x64xf32, #tpu.memory_space<vmem>>
    %dma_wait3A_244 = arith.constant 0 : i32
    %dma_wait3A_245 = arith.constant 0 : i32
    %dma_wait3A_246 = tpu.memref_slice %arg4[%dma_wait3A_244, %add3A, %dma_wait3A_245] : memref<2048x32x128xf32, #tpu.memory_space<hbm>> -> memref<128x1x64xf32, #tpu.memory_space<hbm>>
    %dma_wait3A_247 = tpu.memref_squeeze %dma_wait3A_246 : memref<128x1x64xf32, #tpu.memory_space<hbm>> -> memref<128x64xf32, #tpu.memory_space<hbm>>
    %dma_wait3A_248 = tpu.memref_slice %arg8[%dma_wait3A_239] : memref<4x!tpu.dma_semaphore, #tpu.memory_space<semaphore_mem>> -> memref<1x!tpu.dma_semaphore, #tpu.memory_space<semaphore_mem>>
    %dma_wait3A_249 = tpu.memref_squeeze %dma_wait3A_248 : memref<1x!tpu.dma_semaphore, #tpu.memory_space<semaphore_mem>> -> memref<!tpu.dma_semaphore, #tpu.memory_space<semaphore_mem>>
    %dma_wait3A_250 = arith.constant 0 : i32
    %dma_wait3A_251 = arith.constant 0 : i32
    %dma_wait3A_252 = tpu.memref_slice %arg4[%dma_wait3A_250, %add3A, %dma_wait3A_251] : memref<2048x32x128xf32, #tpu.memory_space<hbm>> -> memref<128x1x64xf32, #tpu.memory_space<hbm>>
    %dma_wait3A_253 = tpu.memref_squeeze %dma_wait3A_252 : memref<128x1x64xf32, #tpu.memory_space<hbm>> -> memref<128x64xf32, #tpu.memory_space<hbm>>
    %dma_wait3A_254 = arith.constant 0 : i32
    %dma_wait3A_255 = arith.constant 0 : i32
    %dma_wait3A_256 = tpu.memref_slice %arg6[%dma_wait3A_238, %dma_wait3A_254, %dma_wait3A_255] : memref<4x128x64xf32, #tpu.memory_space<vmem>> -> memref<1x128x64xf32, #tpu.memory_space<vmem>>
    %dma_wait3A_257 = tpu.memref_squeeze %dma_wait3A_256 : memref<1x128x64xf32, #tpu.memory_space<vmem>> -> memref<128x64xf32, #tpu.memory_space<vmem>>
    tpu.wait_dma2 semaphore(%dma_wait3A_249 : memref<!tpu.dma_semaphore, #tpu.memory_space<semaphore_mem>>) src(%dma_wait3A_257 : memref<128x64xf32, #tpu.memory_space<vmem>>) dst(%dma_wait3A_253 : memref<128x64xf32, #tpu.memory_space<hbm>>)
    %dma_start3A_258 = arith.constant 6 : i32
    %dma_start3A_259 = arith.constant 2 : i32
    %dma_start3A_260 = arith.constant 2 : i32
    %dma_start3A_261 = arith.constant 0 : i32
    %dma_start3A_262 = arith.constant 0 : i32
    %dma_start3A_263 = tpu.memref_slice %arg6[%dma_start3A_259, %dma_start3A_261, %dma_start3A_262] : memref<4x128x64xf32, #tpu.memory_space<vmem>> -> memref<1x128x64xf32, #tpu.memory_space<vmem>>
    %dma_start3A_264 = tpu.memref_squeeze %dma_start3A_263 : memref<1x128x64xf32, #tpu.memory_space<vmem>> -> memref<128x64xf32, #tpu.memory_space<vmem>>
    %dma_start3A_265 = arith.constant 0 : i32
    %dma_start3A_266 = tpu.memref_slice %arg5[%dma_start3A_258, %dma_start3A_265] : memref<16x128xi32, #tpu.memory_space<vmem>> -> memref<1x128xi32, #tpu.memory_space<vmem>>
    %dma_start3A_267 = tpu.memref_squeeze %dma_start3A_266 : memref<1x128xi32, #tpu.memory_space<vmem>> -> memref<128xi32, #tpu.memory_space<vmem>>
    %dma_start3A_268 = arith.constant 0 : i32
    %dma_start3A_269 = arith.constant 0 : i32
    %dma_start3A_270 = tpu.memref_slice %arg3[%dma_start3A_268, %dma_start3A_269] : memref<100000x64xf32, #tpu.memory_space<hbm>> -> memref<100000x64xf32, #tpu.memory_space<hbm>>
    %dma_start3A_271 = tpu.memref_slice %arg7[%dma_start3A_260] : memref<4x!tpu.dma_semaphore, #tpu.memory_space<semaphore_mem>> -> memref<1x!tpu.dma_semaphore, #tpu.memory_space<semaphore_mem>>
    %dma_start3A_272 = tpu.memref_squeeze %dma_start3A_271 : memref<1x!tpu.dma_semaphore, #tpu.memory_space<semaphore_mem>> -> memref<!tpu.dma_semaphore, #tpu.memory_space<semaphore_mem>>
    tpu.enqueue_indirect_dma source(%dma_start3A_270 : memref<100000x64xf32, #tpu.memory_space<hbm>>) target(%dma_start3A_264 : memref<128x64xf32, #tpu.memory_space<vmem>>) offsets(%dma_start3A_267 : memref<128xi32, #tpu.memory_space<vmem>>) semaphore(%dma_start3A_272 : memref<!tpu.dma_semaphore, #tpu.memory_space<semaphore_mem>>)
    %dma_wait3A_273 = arith.constant 0 : i32
    %dma_wait3A_274 = arith.constant 3 : i32
    %dma_wait3A_275 = arith.constant 3 : i32
    %dma_wait3A_276 = arith.constant 0 : i32
    %dma_wait3A_277 = arith.constant 0 : i32
    %dma_wait3A_278 = tpu.memref_slice %arg6[%dma_wait3A_274, %dma_wait3A_276, %dma_wait3A_277] : memref<4x128x64xf32, #tpu.memory_space<vmem>> -> memref<1x128x64xf32, #tpu.memory_space<vmem>>
    %dma_wait3A_279 = tpu.memref_squeeze %dma_wait3A_278 : memref<1x128x64xf32, #tpu.memory_space<vmem>> -> memref<128x64xf32, #tpu.memory_space<vmem>>
    %dma_wait3A_280 = arith.constant 0 : i32
    %dma_wait3A_281 = tpu.memref_slice %arg5[%dma_wait3A_273, %dma_wait3A_280] : memref<16x128xi32, #tpu.memory_space<vmem>> -> memref<1x128xi32, #tpu.memory_space<vmem>>
    %dma_wait3A_282 = tpu.memref_squeeze %dma_wait3A_281 : memref<1x128xi32, #tpu.memory_space<vmem>> -> memref<128xi32, #tpu.memory_space<vmem>>
    %dma_wait3A_283 = arith.constant 0 : i32
    %dma_wait3A_284 = arith.constant 0 : i32
    %dma_wait3A_285 = tpu.memref_slice %arg3[%dma_wait3A_283, %dma_wait3A_284] : memref<100000x64xf32, #tpu.memory_space<hbm>> -> memref<100000x64xf32, #tpu.memory_space<hbm>>
    %dma_wait3A_286 = tpu.memref_slice %arg7[%dma_wait3A_275] : memref<4x!tpu.dma_semaphore, #tpu.memory_space<semaphore_mem>> -> memref<1x!tpu.dma_semaphore, #tpu.memory_space<semaphore_mem>>
    %dma_wait3A_287 = tpu.memref_squeeze %dma_wait3A_286 : memref<1x!tpu.dma_semaphore, #tpu.memory_space<semaphore_mem>> -> memref<!tpu.dma_semaphore, #tpu.memory_space<semaphore_mem>>
    tpu.wait_indirect_dma semaphore(%dma_wait3A_287 : memref<!tpu.dma_semaphore, #tpu.memory_space<semaphore_mem>>) src(%dma_wait3A_285 : memref<100000x64xf32, #tpu.memory_space<hbm>>) dst(%dma_wait3A_279 : memref<128x64xf32, #tpu.memory_space<vmem>>)
    %dma_start3A_288 = arith.constant 3 : i32
    %dma_start3A_289 = arith.constant 3 : i32
    %dma_start3A_290 = arith.constant 0 : i32
    %dma_start3A_291 = arith.constant 0 : i32
    %dma_start3A_292 = tpu.memref_slice %arg6[%dma_start3A_288, %dma_start3A_290, %dma_start3A_291] : memref<4x128x64xf32, #tpu.memory_space<vmem>> -> memref<1x128x64xf32, #tpu.memory_space<vmem>>
    %dma_start3A_293 = tpu.memref_squeeze %dma_start3A_292 : memref<1x128x64xf32, #tpu.memory_space<vmem>> -> memref<128x64xf32, #tpu.memory_space<vmem>>
    %dma_start3A_294 = arith.constant 384 : i32
    %dma_start3A_295 = arith.constant 0 : i32
    %dma_start3A_296 = tpu.memref_slice %arg4[%dma_start3A_294, %add3A, %dma_start3A_295] : memref<2048x32x128xf32, #tpu.memory_space<hbm>> -> memref<128x1x64xf32, #tpu.memory_space<hbm>>
    %dma_start3A_297 = tpu.memref_squeeze %dma_start3A_296 : memref<128x1x64xf32, #tpu.memory_space<hbm>> -> memref<128x64xf32, #tpu.memory_space<hbm>>
    %dma_start3A_298 = tpu.memref_slice %arg8[%dma_start3A_289] : memref<4x!tpu.dma_semaphore, #tpu.memory_space<semaphore_mem>> -> memref<1x!tpu.dma_semaphore, #tpu.memory_space<semaphore_mem>>
    %dma_start3A_299 = tpu.memref_squeeze %dma_start3A_298 : memref<1x!tpu.dma_semaphore, #tpu.memory_space<semaphore_mem>> -> memref<!tpu.dma_semaphore, #tpu.memory_space<semaphore_mem>>
    %dma_start3A_300 = arith.constant 384 : i32
    %dma_start3A_301 = arith.constant 0 : i32
    %dma_start3A_302 = tpu.memref_slice %arg4[%dma_start3A_300, %add3A, %dma_start3A_301] : memref<2048x32x128xf32, #tpu.memory_space<hbm>> -> memref<128x1x64xf32, #tpu.memory_space<hbm>>
    %dma_start3A_303 = tpu.memref_squeeze %dma_start3A_302 : memref<128x1x64xf32, #tpu.memory_space<hbm>> -> memref<128x64xf32, #tpu.memory_space<hbm>>
    %dma_start3A_304 = arith.constant 0 : i32
    %dma_start3A_305 = arith.constant 0 : i32
    %dma_start3A_306 = tpu.memref_slice %arg6[%dma_start3A_288, %dma_start3A_304, %dma_start3A_305] : memref<4x128x64xf32, #tpu.memory_space<vmem>> -> memref<1x128x64xf32, #tpu.memory_space<vmem>>
    %dma_start3A_307 = tpu.memref_squeeze %dma_start3A_306 : memref<1x128x64xf32, #tpu.memory_space<vmem>> -> memref<128x64xf32, #tpu.memory_space<vmem>>
    tpu.enqueue_dma source(%dma_start3A_307 : memref<128x64xf32, #tpu.memory_space<vmem>>) target(%dma_start3A_303 : memref<128x64xf32, #tpu.memory_space<hbm>>) target_semaphore(%dma_start3A_299 : memref<!tpu.dma_semaphore, #tpu.memory_space<semaphore_mem>>)
    %dma_wait3A_308 = arith.constant 3 : i32
    %dma_wait3A_309 = arith.constant 3 : i32
    %dma_wait3A_310 = arith.constant 0 : i32
    %dma_wait3A_311 = arith.constant 0 : i32
    %dma_wait3A_312 = tpu.memref_slice %arg6[%dma_wait3A_308, %dma_wait3A_310, %dma_wait3A_311] : memref<4x128x64xf32, #tpu.memory_space<vmem>> -> memref<1x128x64xf32, #tpu.memory_space<vmem>>
    %dma_wait3A_313 = tpu.memref_squeeze %dma_wait3A_312 : memref<1x128x64xf32, #tpu.memory_space<vmem>> -> memref<128x64xf32, #tpu.memory_space<vmem>>
    %dma_wait3A_314 = arith.constant 0 : i32
    %dma_wait3A_315 = arith.constant 0 : i32
    %dma_wait3A_316 = tpu.memref_slice %arg4[%dma_wait3A_314, %add3A, %dma_wait3A_315] : memref<2048x32x128xf32, #tpu.memory_space<hbm>> -> memref<128x1x64xf32, #tpu.memory_space<hbm>>
    %dma_wait3A_317 = tpu.memref_squeeze %dma_wait3A_316 : memref<128x1x64xf32, #tpu.memory_space<hbm>> -> memref<128x64xf32, #tpu.memory_space<hbm>>
    %dma_wait3A_318 = tpu.memref_slice %arg8[%dma_wait3A_309] : memref<4x!tpu.dma_semaphore, #tpu.memory_space<semaphore_mem>> -> memref<1x!tpu.dma_semaphore, #tpu.memory_space<semaphore_mem>>
    %dma_wait3A_319 = tpu.memref_squeeze %dma_wait3A_318 : memref<1x!tpu.dma_semaphore, #tpu.memory_space<semaphore_mem>> -> memref<!tpu.dma_semaphore, #tpu.memory_space<semaphore_mem>>
    %dma_wait3A_320 = arith.constant 0 : i32
    %dma_wait3A_321 = arith.constant 0 : i32
    %dma_wait3A_322 = tpu.memref_slice %arg4[%dma_wait3A_320, %add3A, %dma_wait3A_321] : memref<2048x32x128xf32, #tpu.memory_space<hbm>> -> memref<128x1x64xf32, #tpu.memory_space<hbm>>
    %dma_wait3A_323 = tpu.memref_squeeze %dma_wait3A_322 : memref<128x1x64xf32, #tpu.memory_space<hbm>> -> memref<128x64xf32, #tpu.memory_space<hbm>>
    %dma_wait3A_324 = arith.constant 0 : i32
    %dma_wait3A_325 = arith.constant 0 : i32
    %dma_wait3A_326 = tpu.memref_slice %arg6[%dma_wait3A_308, %dma_wait3A_324, %dma_wait3A_325] : memref<4x128x64xf32, #tpu.memory_space<vmem>> -> memref<1x128x64xf32, #tpu.memory_space<vmem>>
    %dma_wait3A_327 = tpu.memref_squeeze %dma_wait3A_326 : memref<1x128x64xf32, #tpu.memory_space<vmem>> -> memref<128x64xf32, #tpu.memory_space<vmem>>
    tpu.wait_dma2 semaphore(%dma_wait3A_319 : memref<!tpu.dma_semaphore, #tpu.memory_space<semaphore_mem>>) src(%dma_wait3A_327 : memref<128x64xf32, #tpu.memory_space<vmem>>) dst(%dma_wait3A_323 : memref<128x64xf32, #tpu.memory_space<hbm>>)
    %dma_start3A_328 = arith.constant 7 : i32
    %dma_start3A_329 = arith.constant 3 : i32
    %dma_start3A_330 = arith.constant 3 : i32
    %dma_start3A_331 = arith.constant 0 : i32
    %dma_start3A_332 = arith.constant 0 : i32
    %dma_start3A_333 = tpu.memref_slice %arg6[%dma_start3A_329, %dma_start3A_331, %dma_start3A_332] : memref<4x128x64xf32, #tpu.memory_space<vmem>> -> memref<1x128x64xf32, #tpu.memory_space<vmem>>
    %dma_start3A_334 = tpu.memref_squeeze %dma_start3A_333 : memref<1x128x64xf32, #tpu.memory_space<vmem>> -> memref<128x64xf32, #tpu.memory_space<vmem>>
    %dma_start3A_335 = arith.constant 0 : i32
    %dma_start3A_336 = tpu.memref_slice %arg5[%dma_start3A_328, %dma_start3A_335] : memref<16x128xi32, #tpu.memory_space<vmem>> -> memref<1x128xi32, #tpu.memory_space<vmem>>
    %dma_start3A_337 = tpu.memref_squeeze %dma_start3A_336 : memref<1x128xi32, #tpu.memory_space<vmem>> -> memref<128xi32, #tpu.memory_space<vmem>>
    %dma_start3A_338 = arith.constant 0 : i32
    %dma_start3A_339 = arith.constant 0 : i32
    %dma_start3A_340 = tpu.memref_slice %arg3[%dma_start3A_338, %dma_start3A_339] : memref<100000x64xf32, #tpu.memory_space<hbm>> -> memref<100000x64xf32, #tpu.memory_space<hbm>>
    %dma_start3A_341 = tpu.memref_slice %arg7[%dma_start3A_330] : memref<4x!tpu.dma_semaphore, #tpu.memory_space<semaphore_mem>> -> memref<1x!tpu.dma_semaphore, #tpu.memory_space<semaphore_mem>>
    %dma_start3A_342 = tpu.memref_squeeze %dma_start3A_341 : memref<1x!tpu.dma_semaphore, #tpu.memory_space<semaphore_mem>> -> memref<!tpu.dma_semaphore, #tpu.memory_space<semaphore_mem>>
    tpu.enqueue_indirect_dma source(%dma_start3A_340 : memref<100000x64xf32, #tpu.memory_space<hbm>>) target(%dma_start3A_334 : memref<128x64xf32, #tpu.memory_space<vmem>>) offsets(%dma_start3A_337 : memref<128xi32, #tpu.memory_space<vmem>>) semaphore(%dma_start3A_342 : memref<!tpu.dma_semaphore, #tpu.memory_space<semaphore_mem>>)
    %dma_wait3A_343 = arith.constant 0 : i32
    %dma_wait3A_344 = arith.constant 0 : i32
    %dma_wait3A_345 = arith.constant 0 : i32
    %dma_wait3A_346 = arith.constant 0 : i32
    %dma_wait3A_347 = arith.constant 0 : i32
    %dma_wait3A_348 = tpu.memref_slice %arg6[%dma_wait3A_344, %dma_wait3A_346, %dma_wait3A_347] : memref<4x128x64xf32, #tpu.memory_space<vmem>> -> memref<1x128x64xf32, #tpu.memory_space<vmem>>
    %dma_wait3A_349 = tpu.memref_squeeze %dma_wait3A_348 : memref<1x128x64xf32, #tpu.memory_space<vmem>> -> memref<128x64xf32, #tpu.memory_space<vmem>>
    %dma_wait3A_350 = arith.constant 0 : i32
    %dma_wait3A_351 = tpu.memref_slice %arg5[%dma_wait3A_343, %dma_wait3A_350] : memref<16x128xi32, #tpu.memory_space<vmem>> -> memref<1x128xi32, #tpu.memory_space<vmem>>
    %dma_wait3A_352 = tpu.memref_squeeze %dma_wait3A_351 : memref<1x128xi32, #tpu.memory_space<vmem>> -> memref<128xi32, #tpu.memory_space<vmem>>
    %dma_wait3A_353 = arith.constant 0 : i32
    %dma_wait3A_354 = arith.constant 0 : i32
    %dma_wait3A_355 = tpu.memref_slice %arg3[%dma_wait3A_353, %dma_wait3A_354] : memref<100000x64xf32, #tpu.memory_space<hbm>> -> memref<100000x64xf32, #tpu.memory_space<hbm>>
    %dma_wait3A_356 = tpu.memref_slice %arg7[%dma_wait3A_345] : memref<4x!tpu.dma_semaphore, #tpu.memory_space<semaphore_mem>> -> memref<1x!tpu.dma_semaphore, #tpu.memory_space<semaphore_mem>>
    %dma_wait3A_357 = tpu.memref_squeeze %dma_wait3A_356 : memref<1x!tpu.dma_semaphore, #tpu.memory_space<semaphore_mem>> -> memref<!tpu.dma_semaphore, #tpu.memory_space<semaphore_mem>>
    tpu.wait_indirect_dma semaphore(%dma_wait3A_357 : memref<!tpu.dma_semaphore, #tpu.memory_space<semaphore_mem>>) src(%dma_wait3A_355 : memref<100000x64xf32, #tpu.memory_space<hbm>>) dst(%dma_wait3A_349 : memref<128x64xf32, #tpu.memory_space<vmem>>)
    %dma_start3A_358 = arith.constant 0 : i32
    %dma_start3A_359 = arith.constant 0 : i32
    %dma_start3A_360 = arith.constant 0 : i32
    %dma_start3A_361 = arith.constant 0 : i32
    %dma_start3A_362 = tpu.memref_slice %arg6[%dma_start3A_358, %dma_start3A_360, %dma_start3A_361] : memref<4x128x64xf32, #tpu.memory_space<vmem>> -> memref<1x128x64xf32, #tpu.memory_space<vmem>>
    %dma_start3A_363 = tpu.memref_squeeze %dma_start3A_362 : memref<1x128x64xf32, #tpu.memory_space<vmem>> -> memref<128x64xf32, #tpu.memory_space<vmem>>
    %dma_start3A_364 = arith.constant 512 : i32
    %dma_start3A_365 = arith.constant 0 : i32
    %dma_start3A_366 = tpu.memref_slice %arg4[%dma_start3A_364, %add3A, %dma_start3A_365] : memref<2048x32x128xf32, #tpu.memory_space<hbm>> -> memref<128x1x64xf32, #tpu.memory_space<hbm>>
    %dma_start3A_367 = tpu.memref_squeeze %dma_start3A_366 : memref<128x1x64xf32, #tpu.memory_space<hbm>> -> memref<128x64xf32, #tpu.memory_space<hbm>>
    %dma_start3A_368 = tpu.memref_slice %arg8[%dma_start3A_359] : memref<4x!tpu.dma_semaphore, #tpu.memory_space<semaphore_mem>> -> memref<1x!tpu.dma_semaphore, #tpu.memory_space<semaphore_mem>>
    %dma_start3A_369 = tpu.memref_squeeze %dma_start3A_368 : memref<1x!tpu.dma_semaphore, #tpu.memory_space<semaphore_mem>> -> memref<!tpu.dma_semaphore, #tpu.memory_space<semaphore_mem>>
    %dma_start3A_370 = arith.constant 512 : i32
    %dma_start3A_371 = arith.constant 0 : i32
    %dma_start3A_372 = tpu.memref_slice %arg4[%dma_start3A_370, %add3A, %dma_start3A_371] : memref<2048x32x128xf32, #tpu.memory_space<hbm>> -> memref<128x1x64xf32, #tpu.memory_space<hbm>>
    %dma_start3A_373 = tpu.memref_squeeze %dma_start3A_372 : memref<128x1x64xf32, #tpu.memory_space<hbm>> -> memref<128x64xf32, #tpu.memory_space<hbm>>
    %dma_start3A_374 = arith.constant 0 : i32
    %dma_start3A_375 = arith.constant 0 : i32
    %dma_start3A_376 = tpu.memref_slice %arg6[%dma_start3A_358, %dma_start3A_374, %dma_start3A_375] : memref<4x128x64xf32, #tpu.memory_space<vmem>> -> memref<1x128x64xf32, #tpu.memory_space<vmem>>
    %dma_start3A_377 = tpu.memref_squeeze %dma_start3A_376 : memref<1x128x64xf32, #tpu.memory_space<vmem>> -> memref<128x64xf32, #tpu.memory_space<vmem>>
    tpu.enqueue_dma source(%dma_start3A_377 : memref<128x64xf32, #tpu.memory_space<vmem>>) target(%dma_start3A_373 : memref<128x64xf32, #tpu.memory_space<hbm>>) target_semaphore(%dma_start3A_369 : memref<!tpu.dma_semaphore, #tpu.memory_space<semaphore_mem>>)
    %dma_wait3A_378 = arith.constant 0 : i32
    %dma_wait3A_379 = arith.constant 0 : i32
    %dma_wait3A_380 = arith.constant 0 : i32
    %dma_wait3A_381 = arith.constant 0 : i32
    %dma_wait3A_382 = tpu.memref_slice %arg6[%dma_wait3A_378, %dma_wait3A_380, %dma_wait3A_381] : memref<4x128x64xf32, #tpu.memory_space<vmem>> -> memref<1x128x64xf32, #tpu.memory_space<vmem>>
    %dma_wait3A_383 = tpu.memref_squeeze %dma_wait3A_382 : memref<1x128x64xf32, #tpu.memory_space<vmem>> -> memref<128x64xf32, #tpu.memory_space<vmem>>
    %dma_wait3A_384 = arith.constant 0 : i32
    %dma_wait3A_385 = arith.constant 0 : i32
    %dma_wait3A_386 = tpu.memref_slice %arg4[%dma_wait3A_384, %add3A, %dma_wait3A_385] : memref<2048x32x128xf32, #tpu.memory_space<hbm>> -> memref<128x1x64xf32, #tpu.memory_space<hbm>>
    %dma_wait3A_387 = tpu.memref_squeeze %dma_wait3A_386 : memref<128x1x64xf32, #tpu.memory_space<hbm>> -> memref<128x64xf32, #tpu.memory_space<hbm>>
    %dma_wait3A_388 = tpu.memref_slice %arg8[%dma_wait3A_379] : memref<4x!tpu.dma_semaphore, #tpu.memory_space<semaphore_mem>> -> memref<1x!tpu.dma_semaphore, #tpu.memory_space<semaphore_mem>>
    %dma_wait3A_389 = tpu.memref_squeeze %dma_wait3A_388 : memref<1x!tpu.dma_semaphore, #tpu.memory_space<semaphore_mem>> -> memref<!tpu.dma_semaphore, #tpu.memory_space<semaphore_mem>>
    %dma_wait3A_390 = arith.constant 0 : i32
    %dma_wait3A_391 = arith.constant 0 : i32
    %dma_wait3A_392 = tpu.memref_slice %arg4[%dma_wait3A_390, %add3A, %dma_wait3A_391] : memref<2048x32x128xf32, #tpu.memory_space<hbm>> -> memref<128x1x64xf32, #tpu.memory_space<hbm>>
    %dma_wait3A_393 = tpu.memref_squeeze %dma_wait3A_392 : memref<128x1x64xf32, #tpu.memory_space<hbm>> -> memref<128x64xf32, #tpu.memory_space<hbm>>
    %dma_wait3A_394 = arith.constant 0 : i32
    %dma_wait3A_395 = arith.constant 0 : i32
    %dma_wait3A_396 = tpu.memref_slice %arg6[%dma_wait3A_378, %dma_wait3A_394, %dma_wait3A_395] : memref<4x128x64xf32, #tpu.memory_space<vmem>> -> memref<1x128x64xf32, #tpu.memory_space<vmem>>
    %dma_wait3A_397 = tpu.memref_squeeze %dma_wait3A_396 : memref<1x128x64xf32, #tpu.memory_space<vmem>> -> memref<128x64xf32, #tpu.memory_space<vmem>>
    tpu.wait_dma2 semaphore(%dma_wait3A_389 : memref<!tpu.dma_semaphore, #tpu.memory_space<semaphore_mem>>) src(%dma_wait3A_397 : memref<128x64xf32, #tpu.memory_space<vmem>>) dst(%dma_wait3A_393 : memref<128x64xf32, #tpu.memory_space<hbm>>)
    %dma_start3A_398 = arith.constant 8 : i32
    %dma_start3A_399 = arith.constant 0 : i32
    %dma_start3A_400 = arith.constant 0 : i32
    %dma_start3A_401 = arith.constant 0 : i32
    %dma_start3A_402 = arith.constant 0 : i32
    %dma_start3A_403 = tpu.memref_slice %arg6[%dma_start3A_399, %dma_start3A_401, %dma_start3A_402] : memref<4x128x64xf32, #tpu.memory_space<vmem>> -> memref<1x128x64xf32, #tpu.memory_space<vmem>>
    %dma_start3A_404 = tpu.memref_squeeze %dma_start3A_403 : memref<1x128x64xf32, #tpu.memory_space<vmem>> -> memref<128x64xf32, #tpu.memory_space<vmem>>
    %dma_start3A_405 = arith.constant 0 : i32
    %dma_start3A_406 = tpu.memref_slice %arg5[%dma_start3A_398, %dma_start3A_405] : memref<16x128xi32, #tpu.memory_space<vmem>> -> memref<1x128xi32, #tpu.memory_space<vmem>>
    %dma_start3A_407 = tpu.memref_squeeze %dma_start3A_406 : memref<1x128xi32, #tpu.memory_space<vmem>> -> memref<128xi32, #tpu.memory_space<vmem>>
    %dma_start3A_408 = arith.constant 0 : i32
    %dma_start3A_409 = arith.constant 0 : i32
    %dma_start3A_410 = tpu.memref_slice %arg3[%dma_start3A_408, %dma_start3A_409] : memref<100000x64xf32, #tpu.memory_space<hbm>> -> memref<100000x64xf32, #tpu.memory_space<hbm>>
    %dma_start3A_411 = tpu.memref_slice %arg7[%dma_start3A_400] : memref<4x!tpu.dma_semaphore, #tpu.memory_space<semaphore_mem>> -> memref<1x!tpu.dma_semaphore, #tpu.memory_space<semaphore_mem>>
    %dma_start3A_412 = tpu.memref_squeeze %dma_start3A_411 : memref<1x!tpu.dma_semaphore, #tpu.memory_space<semaphore_mem>> -> memref<!tpu.dma_semaphore, #tpu.memory_space<semaphore_mem>>
    tpu.enqueue_indirect_dma source(%dma_start3A_410 : memref<100000x64xf32, #tpu.memory_space<hbm>>) target(%dma_start3A_404 : memref<128x64xf32, #tpu.memory_space<vmem>>) offsets(%dma_start3A_407 : memref<128xi32, #tpu.memory_space<vmem>>) semaphore(%dma_start3A_412 : memref<!tpu.dma_semaphore, #tpu.memory_space<semaphore_mem>>)
    %dma_wait3A_413 = arith.constant 0 : i32
    %dma_wait3A_414 = arith.constant 1 : i32
    %dma_wait3A_415 = arith.constant 1 : i32
    %dma_wait3A_416 = arith.constant 0 : i32
    %dma_wait3A_417 = arith.constant 0 : i32
    %dma_wait3A_418 = tpu.memref_slice %arg6[%dma_wait3A_414, %dma_wait3A_416, %dma_wait3A_417] : memref<4x128x64xf32, #tpu.memory_space<vmem>> -> memref<1x128x64xf32, #tpu.memory_space<vmem>>
    %dma_wait3A_419 = tpu.memref_squeeze %dma_wait3A_418 : memref<1x128x64xf32, #tpu.memory_space<vmem>> -> memref<128x64xf32, #tpu.memory_space<vmem>>
    %dma_wait3A_420 = arith.constant 0 : i32
    %dma_wait3A_421 = tpu.memref_slice %arg5[%dma_wait3A_413, %dma_wait3A_420] : memref<16x128xi32, #tpu.memory_space<vmem>> -> memref<1x128xi32, #tpu.memory_space<vmem>>
    %dma_wait3A_422 = tpu.memref_squeeze %dma_wait3A_421 : memref<1x128xi32, #tpu.memory_space<vmem>> -> memref<128xi32, #tpu.memory_space<vmem>>
    %dma_wait3A_423 = arith.constant 0 : i32
    %dma_wait3A_424 = arith.constant 0 : i32
    %dma_wait3A_425 = tpu.memref_slice %arg3[%dma_wait3A_423, %dma_wait3A_424] : memref<100000x64xf32, #tpu.memory_space<hbm>> -> memref<100000x64xf32, #tpu.memory_space<hbm>>
    %dma_wait3A_426 = tpu.memref_slice %arg7[%dma_wait3A_415] : memref<4x!tpu.dma_semaphore, #tpu.memory_space<semaphore_mem>> -> memref<1x!tpu.dma_semaphore, #tpu.memory_space<semaphore_mem>>
    %dma_wait3A_427 = tpu.memref_squeeze %dma_wait3A_426 : memref<1x!tpu.dma_semaphore, #tpu.memory_space<semaphore_mem>> -> memref<!tpu.dma_semaphore, #tpu.memory_space<semaphore_mem>>
    tpu.wait_indirect_dma semaphore(%dma_wait3A_427 : memref<!tpu.dma_semaphore, #tpu.memory_space<semaphore_mem>>) src(%dma_wait3A_425 : memref<100000x64xf32, #tpu.memory_space<hbm>>) dst(%dma_wait3A_419 : memref<128x64xf32, #tpu.memory_space<vmem>>)
    %dma_start3A_428 = arith.constant 1 : i32
    %dma_start3A_429 = arith.constant 1 : i32
    %dma_start3A_430 = arith.constant 0 : i32
    %dma_start3A_431 = arith.constant 0 : i32
    %dma_start3A_432 = tpu.memref_slice %arg6[%dma_start3A_428, %dma_start3A_430, %dma_start3A_431] : memref<4x128x64xf32, #tpu.memory_space<vmem>> -> memref<1x128x64xf32, #tpu.memory_space<vmem>>
    %dma_start3A_433 = tpu.memref_squeeze %dma_start3A_432 : memref<1x128x64xf32, #tpu.memory_space<vmem>> -> memref<128x64xf32, #tpu.memory_space<vmem>>
    %dma_start3A_434 = arith.constant 640 : i32
    %dma_start3A_435 = arith.constant 0 : i32
    %dma_start3A_436 = tpu.memref_slice %arg4[%dma_start3A_434, %add3A, %dma_start3A_435] : memref<2048x32x128xf32, #tpu.memory_space<hbm>> -> memref<128x1x64xf32, #tpu.memory_space<hbm>>
    %dma_start3A_437 = tpu.memref_squeeze %dma_start3A_436 : memref<128x1x64xf32, #tpu.memory_space<hbm>> -> memref<128x64xf32, #tpu.memory_space<hbm>>
    %dma_start3A_438 = tpu.memref_slice %arg8[%dma_start3A_429] : memref<4x!tpu.dma_semaphore, #tpu.memory_space<semaphore_mem>> -> memref<1x!tpu.dma_semaphore, #tpu.memory_space<semaphore_mem>>
    %dma_start3A_439 = tpu.memref_squeeze %dma_start3A_438 : memref<1x!tpu.dma_semaphore, #tpu.memory_space<semaphore_mem>> -> memref<!tpu.dma_semaphore, #tpu.memory_space<semaphore_mem>>
    %dma_start3A_440 = arith.constant 640 : i32
    %dma_start3A_441 = arith.constant 0 : i32
    %dma_start3A_442 = tpu.memref_slice %arg4[%dma_start3A_440, %add3A, %dma_start3A_441] : memref<2048x32x128xf32, #tpu.memory_space<hbm>> -> memref<128x1x64xf32, #tpu.memory_space<hbm>>
    %dma_start3A_443 = tpu.memref_squeeze %dma_start3A_442 : memref<128x1x64xf32, #tpu.memory_space<hbm>> -> memref<128x64xf32, #tpu.memory_space<hbm>>
    %dma_start3A_444 = arith.constant 0 : i32
    %dma_start3A_445 = arith.constant 0 : i32
    %dma_start3A_446 = tpu.memref_slice %arg6[%dma_start3A_428, %dma_start3A_444, %dma_start3A_445] : memref<4x128x64xf32, #tpu.memory_space<vmem>> -> memref<1x128x64xf32, #tpu.memory_space<vmem>>
    %dma_start3A_447 = tpu.memref_squeeze %dma_start3A_446 : memref<1x128x64xf32, #tpu.memory_space<vmem>> -> memref<128x64xf32, #tpu.memory_space<vmem>>
    tpu.enqueue_dma source(%dma_start3A_447 : memref<128x64xf32, #tpu.memory_space<vmem>>) target(%dma_start3A_443 : memref<128x64xf32, #tpu.memory_space<hbm>>) target_semaphore(%dma_start3A_439 : memref<!tpu.dma_semaphore, #tpu.memory_space<semaphore_mem>>)
    %dma_wait3A_448 = arith.constant 1 : i32
    %dma_wait3A_449 = arith.constant 1 : i32
    %dma_wait3A_450 = arith.constant 0 : i32
    %dma_wait3A_451 = arith.constant 0 : i32
    %dma_wait3A_452 = tpu.memref_slice %arg6[%dma_wait3A_448, %dma_wait3A_450, %dma_wait3A_451] : memref<4x128x64xf32, #tpu.memory_space<vmem>> -> memref<1x128x64xf32, #tpu.memory_space<vmem>>
    %dma_wait3A_453 = tpu.memref_squeeze %dma_wait3A_452 : memref<1x128x64xf32, #tpu.memory_space<vmem>> -> memref<128x64xf32, #tpu.memory_space<vmem>>
    %dma_wait3A_454 = arith.constant 0 : i32
    %dma_wait3A_455 = arith.constant 0 : i32
    %dma_wait3A_456 = tpu.memref_slice %arg4[%dma_wait3A_454, %add3A, %dma_wait3A_455] : memref<2048x32x128xf32, #tpu.memory_space<hbm>> -> memref<128x1x64xf32, #tpu.memory_space<hbm>>
    %dma_wait3A_457 = tpu.memref_squeeze %dma_wait3A_456 : memref<128x1x64xf32, #tpu.memory_space<hbm>> -> memref<128x64xf32, #tpu.memory_space<hbm>>
    %dma_wait3A_458 = tpu.memref_slice %arg8[%dma_wait3A_449] : memref<4x!tpu.dma_semaphore, #tpu.memory_space<semaphore_mem>> -> memref<1x!tpu.dma_semaphore, #tpu.memory_space<semaphore_mem>>
    %dma_wait3A_459 = tpu.memref_squeeze %dma_wait3A_458 : memref<1x!tpu.dma_semaphore, #tpu.memory_space<semaphore_mem>> -> memref<!tpu.dma_semaphore, #tpu.memory_space<semaphore_mem>>
    %dma_wait3A_460 = arith.constant 0 : i32
    %dma_wait3A_461 = arith.constant 0 : i32
    %dma_wait3A_462 = tpu.memref_slice %arg4[%dma_wait3A_460, %add3A, %dma_wait3A_461] : memref<2048x32x128xf32, #tpu.memory_space<hbm>> -> memref<128x1x64xf32, #tpu.memory_space<hbm>>
    %dma_wait3A_463 = tpu.memref_squeeze %dma_wait3A_462 : memref<128x1x64xf32, #tpu.memory_space<hbm>> -> memref<128x64xf32, #tpu.memory_space<hbm>>
    %dma_wait3A_464 = arith.constant 0 : i32
    %dma_wait3A_465 = arith.constant 0 : i32
    %dma_wait3A_466 = tpu.memref_slice %arg6[%dma_wait3A_448, %dma_wait3A_464, %dma_wait3A_465] : memref<4x128x64xf32, #tpu.memory_space<vmem>> -> memref<1x128x64xf32, #tpu.memory_space<vmem>>
    %dma_wait3A_467 = tpu.memref_squeeze %dma_wait3A_466 : memref<1x128x64xf32, #tpu.memory_space<vmem>> -> memref<128x64xf32, #tpu.memory_space<vmem>>
    tpu.wait_dma2 semaphore(%dma_wait3A_459 : memref<!tpu.dma_semaphore, #tpu.memory_space<semaphore_mem>>) src(%dma_wait3A_467 : memref<128x64xf32, #tpu.memory_space<vmem>>) dst(%dma_wait3A_463 : memref<128x64xf32, #tpu.memory_space<hbm>>)
    %dma_start3A_468 = arith.constant 9 : i32
    %dma_start3A_469 = arith.constant 1 : i32
    %dma_start3A_470 = arith.constant 1 : i32
    %dma_start3A_471 = arith.constant 0 : i32
    %dma_start3A_472 = arith.constant 0 : i32
    %dma_start3A_473 = tpu.memref_slice %arg6[%dma_start3A_469, %dma_start3A_471, %dma_start3A_472] : memref<4x128x64xf32, #tpu.memory_space<vmem>> -> memref<1x128x64xf32, #tpu.memory_space<vmem>>
    %dma_start3A_474 = tpu.memref_squeeze %dma_start3A_473 : memref<1x128x64xf32, #tpu.memory_space<vmem>> -> memref<128x64xf32, #tpu.memory_space<vmem>>
    %dma_start3A_475 = arith.constant 0 : i32
    %dma_start3A_476 = tpu.memref_slice %arg5[%dma_start3A_468, %dma_start3A_475] : memref<16x128xi32, #tpu.memory_space<vmem>> -> memref<1x128xi32, #tpu.memory_space<vmem>>
    %dma_start3A_477 = tpu.memref_squeeze %dma_start3A_476 : memref<1x128xi32, #tpu.memory_space<vmem>> -> memref<128xi32, #tpu.memory_space<vmem>>
    %dma_start3A_478 = arith.constant 0 : i32
    %dma_start3A_479 = arith.constant 0 : i32
    %dma_start3A_480 = tpu.memref_slice %arg3[%dma_start3A_478, %dma_start3A_479] : memref<100000x64xf32, #tpu.memory_space<hbm>> -> memref<100000x64xf32, #tpu.memory_space<hbm>>
    %dma_start3A_481 = tpu.memref_slice %arg7[%dma_start3A_470] : memref<4x!tpu.dma_semaphore, #tpu.memory_space<semaphore_mem>> -> memref<1x!tpu.dma_semaphore, #tpu.memory_space<semaphore_mem>>
    %dma_start3A_482 = tpu.memref_squeeze %dma_start3A_481 : memref<1x!tpu.dma_semaphore, #tpu.memory_space<semaphore_mem>> -> memref<!tpu.dma_semaphore, #tpu.memory_space<semaphore_mem>>
    tpu.enqueue_indirect_dma source(%dma_start3A_480 : memref<100000x64xf32, #tpu.memory_space<hbm>>) target(%dma_start3A_474 : memref<128x64xf32, #tpu.memory_space<vmem>>) offsets(%dma_start3A_477 : memref<128xi32, #tpu.memory_space<vmem>>) semaphore(%dma_start3A_482 : memref<!tpu.dma_semaphore, #tpu.memory_space<semaphore_mem>>)
    %dma_wait3A_483 = arith.constant 0 : i32
    %dma_wait3A_484 = arith.constant 2 : i32
    %dma_wait3A_485 = arith.constant 2 : i32
    %dma_wait3A_486 = arith.constant 0 : i32
    %dma_wait3A_487 = arith.constant 0 : i32
    %dma_wait3A_488 = tpu.memref_slice %arg6[%dma_wait3A_484, %dma_wait3A_486, %dma_wait3A_487] : memref<4x128x64xf32, #tpu.memory_space<vmem>> -> memref<1x128x64xf32, #tpu.memory_space<vmem>>
    %dma_wait3A_489 = tpu.memref_squeeze %dma_wait3A_488 : memref<1x128x64xf32, #tpu.memory_space<vmem>> -> memref<128x64xf32, #tpu.memory_space<vmem>>
    %dma_wait3A_490 = arith.constant 0 : i32
    %dma_wait3A_491 = tpu.memref_slice %arg5[%dma_wait3A_483, %dma_wait3A_490] : memref<16x128xi32, #tpu.memory_space<vmem>> -> memref<1x128xi32, #tpu.memory_space<vmem>>
    %dma_wait3A_492 = tpu.memref_squeeze %dma_wait3A_491 : memref<1x128xi32, #tpu.memory_space<vmem>> -> memref<128xi32, #tpu.memory_space<vmem>>
    %dma_wait3A_493 = arith.constant 0 : i32
    %dma_wait3A_494 = arith.constant 0 : i32
    %dma_wait3A_495 = tpu.memref_slice %arg3[%dma_wait3A_493, %dma_wait3A_494] : memref<100000x64xf32, #tpu.memory_space<hbm>> -> memref<100000x64xf32, #tpu.memory_space<hbm>>
    %dma_wait3A_496 = tpu.memref_slice %arg7[%dma_wait3A_485] : memref<4x!tpu.dma_semaphore, #tpu.memory_space<semaphore_mem>> -> memref<1x!tpu.dma_semaphore, #tpu.memory_space<semaphore_mem>>
    %dma_wait3A_497 = tpu.memref_squeeze %dma_wait3A_496 : memref<1x!tpu.dma_semaphore, #tpu.memory_space<semaphore_mem>> -> memref<!tpu.dma_semaphore, #tpu.memory_space<semaphore_mem>>
    tpu.wait_indirect_dma semaphore(%dma_wait3A_497 : memref<!tpu.dma_semaphore, #tpu.memory_space<semaphore_mem>>) src(%dma_wait3A_495 : memref<100000x64xf32, #tpu.memory_space<hbm>>) dst(%dma_wait3A_489 : memref<128x64xf32, #tpu.memory_space<vmem>>)
    %dma_start3A_498 = arith.constant 2 : i32
    %dma_start3A_499 = arith.constant 2 : i32
    %dma_start3A_500 = arith.constant 0 : i32
    %dma_start3A_501 = arith.constant 0 : i32
    %dma_start3A_502 = tpu.memref_slice %arg6[%dma_start3A_498, %dma_start3A_500, %dma_start3A_501] : memref<4x128x64xf32, #tpu.memory_space<vmem>> -> memref<1x128x64xf32, #tpu.memory_space<vmem>>
    %dma_start3A_503 = tpu.memref_squeeze %dma_start3A_502 : memref<1x128x64xf32, #tpu.memory_space<vmem>> -> memref<128x64xf32, #tpu.memory_space<vmem>>
    %dma_start3A_504 = arith.constant 768 : i32
    %dma_start3A_505 = arith.constant 0 : i32
    %dma_start3A_506 = tpu.memref_slice %arg4[%dma_start3A_504, %add3A, %dma_start3A_505] : memref<2048x32x128xf32, #tpu.memory_space<hbm>> -> memref<128x1x64xf32, #tpu.memory_space<hbm>>
    %dma_start3A_507 = tpu.memref_squeeze %dma_start3A_506 : memref<128x1x64xf32, #tpu.memory_space<hbm>> -> memref<128x64xf32, #tpu.memory_space<hbm>>
    %dma_start3A_508 = tpu.memref_slice %arg8[%dma_start3A_499] : memref<4x!tpu.dma_semaphore, #tpu.memory_space<semaphore_mem>> -> memref<1x!tpu.dma_semaphore, #tpu.memory_space<semaphore_mem>>
    %dma_start3A_509 = tpu.memref_squeeze %dma_start3A_508 : memref<1x!tpu.dma_semaphore, #tpu.memory_space<semaphore_mem>> -> memref<!tpu.dma_semaphore, #tpu.memory_space<semaphore_mem>>
    %dma_start3A_510 = arith.constant 768 : i32
    %dma_start3A_511 = arith.constant 0 : i32
    %dma_start3A_512 = tpu.memref_slice %arg4[%dma_start3A_510, %add3A, %dma_start3A_511] : memref<2048x32x128xf32, #tpu.memory_space<hbm>> -> memref<128x1x64xf32, #tpu.memory_space<hbm>>
    %dma_start3A_513 = tpu.memref_squeeze %dma_start3A_512 : memref<128x1x64xf32, #tpu.memory_space<hbm>> -> memref<128x64xf32, #tpu.memory_space<hbm>>
    %dma_start3A_514 = arith.constant 0 : i32
    %dma_start3A_515 = arith.constant 0 : i32
    %dma_start3A_516 = tpu.memref_slice %arg6[%dma_start3A_498, %dma_start3A_514, %dma_start3A_515] : memref<4x128x64xf32, #tpu.memory_space<vmem>> -> memref<1x128x64xf32, #tpu.memory_space<vmem>>
    %dma_start3A_517 = tpu.memref_squeeze %dma_start3A_516 : memref<1x128x64xf32, #tpu.memory_space<vmem>> -> memref<128x64xf32, #tpu.memory_space<vmem>>
    tpu.enqueue_dma source(%dma_start3A_517 : memref<128x64xf32, #tpu.memory_space<vmem>>) target(%dma_start3A_513 : memref<128x64xf32, #tpu.memory_space<hbm>>) target_semaphore(%dma_start3A_509 : memref<!tpu.dma_semaphore, #tpu.memory_space<semaphore_mem>>)
    %dma_wait3A_518 = arith.constant 2 : i32
    %dma_wait3A_519 = arith.constant 2 : i32
    %dma_wait3A_520 = arith.constant 0 : i32
    %dma_wait3A_521 = arith.constant 0 : i32
    %dma_wait3A_522 = tpu.memref_slice %arg6[%dma_wait3A_518, %dma_wait3A_520, %dma_wait3A_521] : memref<4x128x64xf32, #tpu.memory_space<vmem>> -> memref<1x128x64xf32, #tpu.memory_space<vmem>>
    %dma_wait3A_523 = tpu.memref_squeeze %dma_wait3A_522 : memref<1x128x64xf32, #tpu.memory_space<vmem>> -> memref<128x64xf32, #tpu.memory_space<vmem>>
    %dma_wait3A_524 = arith.constant 0 : i32
    %dma_wait3A_525 = arith.constant 0 : i32
    %dma_wait3A_526 = tpu.memref_slice %arg4[%dma_wait3A_524, %add3A, %dma_wait3A_525] : memref<2048x32x128xf32, #tpu.memory_space<hbm>> -> memref<128x1x64xf32, #tpu.memory_space<hbm>>
    %dma_wait3A_527 = tpu.memref_squeeze %dma_wait3A_526 : memref<128x1x64xf32, #tpu.memory_space<hbm>> -> memref<128x64xf32, #tpu.memory_space<hbm>>
    %dma_wait3A_528 = tpu.memref_slice %arg8[%dma_wait3A_519] : memref<4x!tpu.dma_semaphore, #tpu.memory_space<semaphore_mem>> -> memref<1x!tpu.dma_semaphore, #tpu.memory_space<semaphore_mem>>
    %dma_wait3A_529 = tpu.memref_squeeze %dma_wait3A_528 : memref<1x!tpu.dma_semaphore, #tpu.memory_space<semaphore_mem>> -> memref<!tpu.dma_semaphore, #tpu.memory_space<semaphore_mem>>
    %dma_wait3A_530 = arith.constant 0 : i32
    %dma_wait3A_531 = arith.constant 0 : i32
    %dma_wait3A_532 = tpu.memref_slice %arg4[%dma_wait3A_530, %add3A, %dma_wait3A_531] : memref<2048x32x128xf32, #tpu.memory_space<hbm>> -> memref<128x1x64xf32, #tpu.memory_space<hbm>>
    %dma_wait3A_533 = tpu.memref_squeeze %dma_wait3A_532 : memref<128x1x64xf32, #tpu.memory_space<hbm>> -> memref<128x64xf32, #tpu.memory_space<hbm>>
    %dma_wait3A_534 = arith.constant 0 : i32
    %dma_wait3A_535 = arith.constant 0 : i32
    %dma_wait3A_536 = tpu.memref_slice %arg6[%dma_wait3A_518, %dma_wait3A_534, %dma_wait3A_535] : memref<4x128x64xf32, #tpu.memory_space<vmem>> -> memref<1x128x64xf32, #tpu.memory_space<vmem>>
    %dma_wait3A_537 = tpu.memref_squeeze %dma_wait3A_536 : memref<1x128x64xf32, #tpu.memory_space<vmem>> -> memref<128x64xf32, #tpu.memory_space<vmem>>
    tpu.wait_dma2 semaphore(%dma_wait3A_529 : memref<!tpu.dma_semaphore, #tpu.memory_space<semaphore_mem>>) src(%dma_wait3A_537 : memref<128x64xf32, #tpu.memory_space<vmem>>) dst(%dma_wait3A_533 : memref<128x64xf32, #tpu.memory_space<hbm>>)
    %dma_start3A_538 = arith.constant 10 : i32
    %dma_start3A_539 = arith.constant 2 : i32
    %dma_start3A_540 = arith.constant 2 : i32
    %dma_start3A_541 = arith.constant 0 : i32
    %dma_start3A_542 = arith.constant 0 : i32
    %dma_start3A_543 = tpu.memref_slice %arg6[%dma_start3A_539, %dma_start3A_541, %dma_start3A_542] : memref<4x128x64xf32, #tpu.memory_space<vmem>> -> memref<1x128x64xf32, #tpu.memory_space<vmem>>
    %dma_start3A_544 = tpu.memref_squeeze %dma_start3A_543 : memref<1x128x64xf32, #tpu.memory_space<vmem>> -> memref<128x64xf32, #tpu.memory_space<vmem>>
    %dma_start3A_545 = arith.constant 0 : i32
    %dma_start3A_546 = tpu.memref_slice %arg5[%dma_start3A_538, %dma_start3A_545] : memref<16x128xi32, #tpu.memory_space<vmem>> -> memref<1x128xi32, #tpu.memory_space<vmem>>
    %dma_start3A_547 = tpu.memref_squeeze %dma_start3A_546 : memref<1x128xi32, #tpu.memory_space<vmem>> -> memref<128xi32, #tpu.memory_space<vmem>>
    %dma_start3A_548 = arith.constant 0 : i32
    %dma_start3A_549 = arith.constant 0 : i32
    %dma_start3A_550 = tpu.memref_slice %arg3[%dma_start3A_548, %dma_start3A_549] : memref<100000x64xf32, #tpu.memory_space<hbm>> -> memref<100000x64xf32, #tpu.memory_space<hbm>>
    %dma_start3A_551 = tpu.memref_slice %arg7[%dma_start3A_540] : memref<4x!tpu.dma_semaphore, #tpu.memory_space<semaphore_mem>> -> memref<1x!tpu.dma_semaphore, #tpu.memory_space<semaphore_mem>>
    %dma_start3A_552 = tpu.memref_squeeze %dma_start3A_551 : memref<1x!tpu.dma_semaphore, #tpu.memory_space<semaphore_mem>> -> memref<!tpu.dma_semaphore, #tpu.memory_space<semaphore_mem>>
    tpu.enqueue_indirect_dma source(%dma_start3A_550 : memref<100000x64xf32, #tpu.memory_space<hbm>>) target(%dma_start3A_544 : memref<128x64xf32, #tpu.memory_space<vmem>>) offsets(%dma_start3A_547 : memref<128xi32, #tpu.memory_space<vmem>>) semaphore(%dma_start3A_552 : memref<!tpu.dma_semaphore, #tpu.memory_space<semaphore_mem>>)
    %dma_wait3A_553 = arith.constant 0 : i32
    %dma_wait3A_554 = arith.constant 3 : i32
    %dma_wait3A_555 = arith.constant 3 : i32
    %dma_wait3A_556 = arith.constant 0 : i32
    %dma_wait3A_557 = arith.constant 0 : i32
    %dma_wait3A_558 = tpu.memref_slice %arg6[%dma_wait3A_554, %dma_wait3A_556, %dma_wait3A_557] : memref<4x128x64xf32, #tpu.memory_space<vmem>> -> memref<1x128x64xf32, #tpu.memory_space<vmem>>
    %dma_wait3A_559 = tpu.memref_squeeze %dma_wait3A_558 : memref<1x128x64xf32, #tpu.memory_space<vmem>> -> memref<128x64xf32, #tpu.memory_space<vmem>>
    %dma_wait3A_560 = arith.constant 0 : i32
    %dma_wait3A_561 = tpu.memref_slice %arg5[%dma_wait3A_553, %dma_wait3A_560] : memref<16x128xi32, #tpu.memory_space<vmem>> -> memref<1x128xi32, #tpu.memory_space<vmem>>
    %dma_wait3A_562 = tpu.memref_squeeze %dma_wait3A_561 : memref<1x128xi32, #tpu.memory_space<vmem>> -> memref<128xi32, #tpu.memory_space<vmem>>
    %dma_wait3A_563 = arith.constant 0 : i32
    %dma_wait3A_564 = arith.constant 0 : i32
    %dma_wait3A_565 = tpu.memref_slice %arg3[%dma_wait3A_563, %dma_wait3A_564] : memref<100000x64xf32, #tpu.memory_space<hbm>> -> memref<100000x64xf32, #tpu.memory_space<hbm>>
    %dma_wait3A_566 = tpu.memref_slice %arg7[%dma_wait3A_555] : memref<4x!tpu.dma_semaphore, #tpu.memory_space<semaphore_mem>> -> memref<1x!tpu.dma_semaphore, #tpu.memory_space<semaphore_mem>>
    %dma_wait3A_567 = tpu.memref_squeeze %dma_wait3A_566 : memref<1x!tpu.dma_semaphore, #tpu.memory_space<semaphore_mem>> -> memref<!tpu.dma_semaphore, #tpu.memory_space<semaphore_mem>>
    tpu.wait_indirect_dma semaphore(%dma_wait3A_567 : memref<!tpu.dma_semaphore, #tpu.memory_space<semaphore_mem>>) src(%dma_wait3A_565 : memref<100000x64xf32, #tpu.memory_space<hbm>>) dst(%dma_wait3A_559 : memref<128x64xf32, #tpu.memory_space<vmem>>)
    %dma_start3A_568 = arith.constant 3 : i32
    %dma_start3A_569 = arith.constant 3 : i32
    %dma_start3A_570 = arith.constant 0 : i32
    %dma_start3A_571 = arith.constant 0 : i32
    %dma_start3A_572 = tpu.memref_slice %arg6[%dma_start3A_568, %dma_start3A_570, %dma_start3A_571] : memref<4x128x64xf32, #tpu.memory_space<vmem>> -> memref<1x128x64xf32, #tpu.memory_space<vmem>>
    %dma_start3A_573 = tpu.memref_squeeze %dma_start3A_572 : memref<1x128x64xf32, #tpu.memory_space<vmem>> -> memref<128x64xf32, #tpu.memory_space<vmem>>
    %dma_start3A_574 = arith.constant 896 : i32
    %dma_start3A_575 = arith.constant 0 : i32
    %dma_start3A_576 = tpu.memref_slice %arg4[%dma_start3A_574, %add3A, %dma_start3A_575] : memref<2048x32x128xf32, #tpu.memory_space<hbm>> -> memref<128x1x64xf32, #tpu.memory_space<hbm>>
    %dma_start3A_577 = tpu.memref_squeeze %dma_start3A_576 : memref<128x1x64xf32, #tpu.memory_space<hbm>> -> memref<128x64xf32, #tpu.memory_space<hbm>>
    %dma_start3A_578 = tpu.memref_slice %arg8[%dma_start3A_569] : memref<4x!tpu.dma_semaphore, #tpu.memory_space<semaphore_mem>> -> memref<1x!tpu.dma_semaphore, #tpu.memory_space<semaphore_mem>>
    %dma_start3A_579 = tpu.memref_squeeze %dma_start3A_578 : memref<1x!tpu.dma_semaphore, #tpu.memory_space<semaphore_mem>> -> memref<!tpu.dma_semaphore, #tpu.memory_space<semaphore_mem>>
    %dma_start3A_580 = arith.constant 896 : i32
    %dma_start3A_581 = arith.constant 0 : i32
    %dma_start3A_582 = tpu.memref_slice %arg4[%dma_start3A_580, %add3A, %dma_start3A_581] : memref<2048x32x128xf32, #tpu.memory_space<hbm>> -> memref<128x1x64xf32, #tpu.memory_space<hbm>>
    %dma_start3A_583 = tpu.memref_squeeze %dma_start3A_582 : memref<128x1x64xf32, #tpu.memory_space<hbm>> -> memref<128x64xf32, #tpu.memory_space<hbm>>
    %dma_start3A_584 = arith.constant 0 : i32
    %dma_start3A_585 = arith.constant 0 : i32
    %dma_start3A_586 = tpu.memref_slice %arg6[%dma_start3A_568, %dma_start3A_584, %dma_start3A_585] : memref<4x128x64xf32, #tpu.memory_space<vmem>> -> memref<1x128x64xf32, #tpu.memory_space<vmem>>
    %dma_start3A_587 = tpu.memref_squeeze %dma_start3A_586 : memref<1x128x64xf32, #tpu.memory_space<vmem>> -> memref<128x64xf32, #tpu.memory_space<vmem>>
    tpu.enqueue_dma source(%dma_start3A_587 : memref<128x64xf32, #tpu.memory_space<vmem>>) target(%dma_start3A_583 : memref<128x64xf32, #tpu.memory_space<hbm>>) target_semaphore(%dma_start3A_579 : memref<!tpu.dma_semaphore, #tpu.memory_space<semaphore_mem>>)
    %dma_wait3A_588 = arith.constant 3 : i32
    %dma_wait3A_589 = arith.constant 3 : i32
    %dma_wait3A_590 = arith.constant 0 : i32
    %dma_wait3A_591 = arith.constant 0 : i32
    %dma_wait3A_592 = tpu.memref_slice %arg6[%dma_wait3A_588, %dma_wait3A_590, %dma_wait3A_591] : memref<4x128x64xf32, #tpu.memory_space<vmem>> -> memref<1x128x64xf32, #tpu.memory_space<vmem>>
    %dma_wait3A_593 = tpu.memref_squeeze %dma_wait3A_592 : memref<1x128x64xf32, #tpu.memory_space<vmem>> -> memref<128x64xf32, #tpu.memory_space<vmem>>
    %dma_wait3A_594 = arith.constant 0 : i32
    %dma_wait3A_595 = arith.constant 0 : i32
    %dma_wait3A_596 = tpu.memref_slice %arg4[%dma_wait3A_594, %add3A, %dma_wait3A_595] : memref<2048x32x128xf32, #tpu.memory_space<hbm>> -> memref<128x1x64xf32, #tpu.memory_space<hbm>>
    %dma_wait3A_597 = tpu.memref_squeeze %dma_wait3A_596 : memref<128x1x64xf32, #tpu.memory_space<hbm>> -> memref<128x64xf32, #tpu.memory_space<hbm>>
    %dma_wait3A_598 = tpu.memref_slice %arg8[%dma_wait3A_589] : memref<4x!tpu.dma_semaphore, #tpu.memory_space<semaphore_mem>> -> memref<1x!tpu.dma_semaphore, #tpu.memory_space<semaphore_mem>>
    %dma_wait3A_599 = tpu.memref_squeeze %dma_wait3A_598 : memref<1x!tpu.dma_semaphore, #tpu.memory_space<semaphore_mem>> -> memref<!tpu.dma_semaphore, #tpu.memory_space<semaphore_mem>>
    %dma_wait3A_600 = arith.constant 0 : i32
    %dma_wait3A_601 = arith.constant 0 : i32
    %dma_wait3A_602 = tpu.memref_slice %arg4[%dma_wait3A_600, %add3A, %dma_wait3A_601] : memref<2048x32x128xf32, #tpu.memory_space<hbm>> -> memref<128x1x64xf32, #tpu.memory_space<hbm>>
    %dma_wait3A_603 = tpu.memref_squeeze %dma_wait3A_602 : memref<128x1x64xf32, #tpu.memory_space<hbm>> -> memref<128x64xf32, #tpu.memory_space<hbm>>
    %dma_wait3A_604 = arith.constant 0 : i32
    %dma_wait3A_605 = arith.constant 0 : i32
    %dma_wait3A_606 = tpu.memref_slice %arg6[%dma_wait3A_588, %dma_wait3A_604, %dma_wait3A_605] : memref<4x128x64xf32, #tpu.memory_space<vmem>> -> memref<1x128x64xf32, #tpu.memory_space<vmem>>
    %dma_wait3A_607 = tpu.memref_squeeze %dma_wait3A_606 : memref<1x128x64xf32, #tpu.memory_space<vmem>> -> memref<128x64xf32, #tpu.memory_space<vmem>>
    tpu.wait_dma2 semaphore(%dma_wait3A_599 : memref<!tpu.dma_semaphore, #tpu.memory_space<semaphore_mem>>) src(%dma_wait3A_607 : memref<128x64xf32, #tpu.memory_space<vmem>>) dst(%dma_wait3A_603 : memref<128x64xf32, #tpu.memory_space<hbm>>)
    %dma_start3A_608 = arith.constant 11 : i32
    %dma_start3A_609 = arith.constant 3 : i32
    %dma_start3A_610 = arith.constant 3 : i32
    %dma_start3A_611 = arith.constant 0 : i32
    %dma_start3A_612 = arith.constant 0 : i32
    %dma_start3A_613 = tpu.memref_slice %arg6[%dma_start3A_609, %dma_start3A_611, %dma_start3A_612] : memref<4x128x64xf32, #tpu.memory_space<vmem>> -> memref<1x128x64xf32, #tpu.memory_space<vmem>>
    %dma_start3A_614 = tpu.memref_squeeze %dma_start3A_613 : memref<1x128x64xf32, #tpu.memory_space<vmem>> -> memref<128x64xf32, #tpu.memory_space<vmem>>
    %dma_start3A_615 = arith.constant 0 : i32
    %dma_start3A_616 = tpu.memref_slice %arg5[%dma_start3A_608, %dma_start3A_615] : memref<16x128xi32, #tpu.memory_space<vmem>> -> memref<1x128xi32, #tpu.memory_space<vmem>>
    %dma_start3A_617 = tpu.memref_squeeze %dma_start3A_616 : memref<1x128xi32, #tpu.memory_space<vmem>> -> memref<128xi32, #tpu.memory_space<vmem>>
    %dma_start3A_618 = arith.constant 0 : i32
    %dma_start3A_619 = arith.constant 0 : i32
    %dma_start3A_620 = tpu.memref_slice %arg3[%dma_start3A_618, %dma_start3A_619] : memref<100000x64xf32, #tpu.memory_space<hbm>> -> memref<100000x64xf32, #tpu.memory_space<hbm>>
    %dma_start3A_621 = tpu.memref_slice %arg7[%dma_start3A_610] : memref<4x!tpu.dma_semaphore, #tpu.memory_space<semaphore_mem>> -> memref<1x!tpu.dma_semaphore, #tpu.memory_space<semaphore_mem>>
    %dma_start3A_622 = tpu.memref_squeeze %dma_start3A_621 : memref<1x!tpu.dma_semaphore, #tpu.memory_space<semaphore_mem>> -> memref<!tpu.dma_semaphore, #tpu.memory_space<semaphore_mem>>
    tpu.enqueue_indirect_dma source(%dma_start3A_620 : memref<100000x64xf32, #tpu.memory_space<hbm>>) target(%dma_start3A_614 : memref<128x64xf32, #tpu.memory_space<vmem>>) offsets(%dma_start3A_617 : memref<128xi32, #tpu.memory_space<vmem>>) semaphore(%dma_start3A_622 : memref<!tpu.dma_semaphore, #tpu.memory_space<semaphore_mem>>)
    %dma_wait3A_623 = arith.constant 0 : i32
    %dma_wait3A_624 = arith.constant 0 : i32
    %dma_wait3A_625 = arith.constant 0 : i32
    %dma_wait3A_626 = arith.constant 0 : i32
    %dma_wait3A_627 = arith.constant 0 : i32
    %dma_wait3A_628 = tpu.memref_slice %arg6[%dma_wait3A_624, %dma_wait3A_626, %dma_wait3A_627] : memref<4x128x64xf32, #tpu.memory_space<vmem>> -> memref<1x128x64xf32, #tpu.memory_space<vmem>>
    %dma_wait3A_629 = tpu.memref_squeeze %dma_wait3A_628 : memref<1x128x64xf32, #tpu.memory_space<vmem>> -> memref<128x64xf32, #tpu.memory_space<vmem>>
    %dma_wait3A_630 = arith.constant 0 : i32
    %dma_wait3A_631 = tpu.memref_slice %arg5[%dma_wait3A_623, %dma_wait3A_630] : memref<16x128xi32, #tpu.memory_space<vmem>> -> memref<1x128xi32, #tpu.memory_space<vmem>>
    %dma_wait3A_632 = tpu.memref_squeeze %dma_wait3A_631 : memref<1x128xi32, #tpu.memory_space<vmem>> -> memref<128xi32, #tpu.memory_space<vmem>>
    %dma_wait3A_633 = arith.constant 0 : i32
    %dma_wait3A_634 = arith.constant 0 : i32
    %dma_wait3A_635 = tpu.memref_slice %arg3[%dma_wait3A_633, %dma_wait3A_634] : memref<100000x64xf32, #tpu.memory_space<hbm>> -> memref<100000x64xf32, #tpu.memory_space<hbm>>
    %dma_wait3A_636 = tpu.memref_slice %arg7[%dma_wait3A_625] : memref<4x!tpu.dma_semaphore, #tpu.memory_space<semaphore_mem>> -> memref<1x!tpu.dma_semaphore, #tpu.memory_space<semaphore_mem>>
    %dma_wait3A_637 = tpu.memref_squeeze %dma_wait3A_636 : memref<1x!tpu.dma_semaphore, #tpu.memory_space<semaphore_mem>> -> memref<!tpu.dma_semaphore, #tpu.memory_space<semaphore_mem>>
    tpu.wait_indirect_dma semaphore(%dma_wait3A_637 : memref<!tpu.dma_semaphore, #tpu.memory_space<semaphore_mem>>) src(%dma_wait3A_635 : memref<100000x64xf32, #tpu.memory_space<hbm>>) dst(%dma_wait3A_629 : memref<128x64xf32, #tpu.memory_space<vmem>>)
    %dma_start3A_638 = arith.constant 0 : i32
    %dma_start3A_639 = arith.constant 0 : i32
    %dma_start3A_640 = arith.constant 0 : i32
    %dma_start3A_641 = arith.constant 0 : i32
    %dma_start3A_642 = tpu.memref_slice %arg6[%dma_start3A_638, %dma_start3A_640, %dma_start3A_641] : memref<4x128x64xf32, #tpu.memory_space<vmem>> -> memref<1x128x64xf32, #tpu.memory_space<vmem>>
    %dma_start3A_643 = tpu.memref_squeeze %dma_start3A_642 : memref<1x128x64xf32, #tpu.memory_space<vmem>> -> memref<128x64xf32, #tpu.memory_space<vmem>>
    %dma_start3A_644 = arith.constant 1024 : i32
    %dma_start3A_645 = arith.constant 0 : i32
    %dma_start3A_646 = tpu.memref_slice %arg4[%dma_start3A_644, %add3A, %dma_start3A_645] : memref<2048x32x128xf32, #tpu.memory_space<hbm>> -> memref<128x1x64xf32, #tpu.memory_space<hbm>>
    %dma_start3A_647 = tpu.memref_squeeze %dma_start3A_646 : memref<128x1x64xf32, #tpu.memory_space<hbm>> -> memref<128x64xf32, #tpu.memory_space<hbm>>
    %dma_start3A_648 = tpu.memref_slice %arg8[%dma_start3A_639] : memref<4x!tpu.dma_semaphore, #tpu.memory_space<semaphore_mem>> -> memref<1x!tpu.dma_semaphore, #tpu.memory_space<semaphore_mem>>
    %dma_start3A_649 = tpu.memref_squeeze %dma_start3A_648 : memref<1x!tpu.dma_semaphore, #tpu.memory_space<semaphore_mem>> -> memref<!tpu.dma_semaphore, #tpu.memory_space<semaphore_mem>>
    %dma_start3A_650 = arith.constant 1024 : i32
    %dma_start3A_651 = arith.constant 0 : i32
    %dma_start3A_652 = tpu.memref_slice %arg4[%dma_start3A_650, %add3A, %dma_start3A_651] : memref<2048x32x128xf32, #tpu.memory_space<hbm>> -> memref<128x1x64xf32, #tpu.memory_space<hbm>>
    %dma_start3A_653 = tpu.memref_squeeze %dma_start3A_652 : memref<128x1x64xf32, #tpu.memory_space<hbm>> -> memref<128x64xf32, #tpu.memory_space<hbm>>
    %dma_start3A_654 = arith.constant 0 : i32
    %dma_start3A_655 = arith.constant 0 : i32
    %dma_start3A_656 = tpu.memref_slice %arg6[%dma_start3A_638, %dma_start3A_654, %dma_start3A_655] : memref<4x128x64xf32, #tpu.memory_space<vmem>> -> memref<1x128x64xf32, #tpu.memory_space<vmem>>
    %dma_start3A_657 = tpu.memref_squeeze %dma_start3A_656 : memref<1x128x64xf32, #tpu.memory_space<vmem>> -> memref<128x64xf32, #tpu.memory_space<vmem>>
    tpu.enqueue_dma source(%dma_start3A_657 : memref<128x64xf32, #tpu.memory_space<vmem>>) target(%dma_start3A_653 : memref<128x64xf32, #tpu.memory_space<hbm>>) target_semaphore(%dma_start3A_649 : memref<!tpu.dma_semaphore, #tpu.memory_space<semaphore_mem>>)
    %dma_wait3A_658 = arith.constant 0 : i32
    %dma_wait3A_659 = arith.constant 0 : i32
    %dma_wait3A_660 = arith.constant 0 : i32
    %dma_wait3A_661 = arith.constant 0 : i32
    %dma_wait3A_662 = tpu.memref_slice %arg6[%dma_wait3A_658, %dma_wait3A_660, %dma_wait3A_661] : memref<4x128x64xf32, #tpu.memory_space<vmem>> -> memref<1x128x64xf32, #tpu.memory_space<vmem>>
    %dma_wait3A_663 = tpu.memref_squeeze %dma_wait3A_662 : memref<1x128x64xf32, #tpu.memory_space<vmem>> -> memref<128x64xf32, #tpu.memory_space<vmem>>
    %dma_wait3A_664 = arith.constant 0 : i32
    %dma_wait3A_665 = arith.constant 0 : i32
    %dma_wait3A_666 = tpu.memref_slice %arg4[%dma_wait3A_664, %add3A, %dma_wait3A_665] : memref<2048x32x128xf32, #tpu.memory_space<hbm>> -> memref<128x1x64xf32, #tpu.memory_space<hbm>>
    %dma_wait3A_667 = tpu.memref_squeeze %dma_wait3A_666 : memref<128x1x64xf32, #tpu.memory_space<hbm>> -> memref<128x64xf32, #tpu.memory_space<hbm>>
    %dma_wait3A_668 = tpu.memref_slice %arg8[%dma_wait3A_659] : memref<4x!tpu.dma_semaphore, #tpu.memory_space<semaphore_mem>> -> memref<1x!tpu.dma_semaphore, #tpu.memory_space<semaphore_mem>>
    %dma_wait3A_669 = tpu.memref_squeeze %dma_wait3A_668 : memref<1x!tpu.dma_semaphore, #tpu.memory_space<semaphore_mem>> -> memref<!tpu.dma_semaphore, #tpu.memory_space<semaphore_mem>>
    %dma_wait3A_670 = arith.constant 0 : i32
    %dma_wait3A_671 = arith.constant 0 : i32
    %dma_wait3A_672 = tpu.memref_slice %arg4[%dma_wait3A_670, %add3A, %dma_wait3A_671] : memref<2048x32x128xf32, #tpu.memory_space<hbm>> -> memref<128x1x64xf32, #tpu.memory_space<hbm>>
    %dma_wait3A_673 = tpu.memref_squeeze %dma_wait3A_672 : memref<128x1x64xf32, #tpu.memory_space<hbm>> -> memref<128x64xf32, #tpu.memory_space<hbm>>
    %dma_wait3A_674 = arith.constant 0 : i32
    %dma_wait3A_675 = arith.constant 0 : i32
    %dma_wait3A_676 = tpu.memref_slice %arg6[%dma_wait3A_658, %dma_wait3A_674, %dma_wait3A_675] : memref<4x128x64xf32, #tpu.memory_space<vmem>> -> memref<1x128x64xf32, #tpu.memory_space<vmem>>
    %dma_wait3A_677 = tpu.memref_squeeze %dma_wait3A_676 : memref<1x128x64xf32, #tpu.memory_space<vmem>> -> memref<128x64xf32, #tpu.memory_space<vmem>>
    tpu.wait_dma2 semaphore(%dma_wait3A_669 : memref<!tpu.dma_semaphore, #tpu.memory_space<semaphore_mem>>) src(%dma_wait3A_677 : memref<128x64xf32, #tpu.memory_space<vmem>>) dst(%dma_wait3A_673 : memref<128x64xf32, #tpu.memory_space<hbm>>)
    %dma_start3A_678 = arith.constant 12 : i32
    %dma_start3A_679 = arith.constant 0 : i32
    %dma_start3A_680 = arith.constant 0 : i32
    %dma_start3A_681 = arith.constant 0 : i32
    %dma_start3A_682 = arith.constant 0 : i32
    %dma_start3A_683 = tpu.memref_slice %arg6[%dma_start3A_679, %dma_start3A_681, %dma_start3A_682] : memref<4x128x64xf32, #tpu.memory_space<vmem>> -> memref<1x128x64xf32, #tpu.memory_space<vmem>>
    %dma_start3A_684 = tpu.memref_squeeze %dma_start3A_683 : memref<1x128x64xf32, #tpu.memory_space<vmem>> -> memref<128x64xf32, #tpu.memory_space<vmem>>
    %dma_start3A_685 = arith.constant 0 : i32
    %dma_start3A_686 = tpu.memref_slice %arg5[%dma_start3A_678, %dma_start3A_685] : memref<16x128xi32, #tpu.memory_space<vmem>> -> memref<1x128xi32, #tpu.memory_space<vmem>>
    %dma_start3A_687 = tpu.memref_squeeze %dma_start3A_686 : memref<1x128xi32, #tpu.memory_space<vmem>> -> memref<128xi32, #tpu.memory_space<vmem>>
    %dma_start3A_688 = arith.constant 0 : i32
    %dma_start3A_689 = arith.constant 0 : i32
    %dma_start3A_690 = tpu.memref_slice %arg3[%dma_start3A_688, %dma_start3A_689] : memref<100000x64xf32, #tpu.memory_space<hbm>> -> memref<100000x64xf32, #tpu.memory_space<hbm>>
    %dma_start3A_691 = tpu.memref_slice %arg7[%dma_start3A_680] : memref<4x!tpu.dma_semaphore, #tpu.memory_space<semaphore_mem>> -> memref<1x!tpu.dma_semaphore, #tpu.memory_space<semaphore_mem>>
    %dma_start3A_692 = tpu.memref_squeeze %dma_start3A_691 : memref<1x!tpu.dma_semaphore, #tpu.memory_space<semaphore_mem>> -> memref<!tpu.dma_semaphore, #tpu.memory_space<semaphore_mem>>
    tpu.enqueue_indirect_dma source(%dma_start3A_690 : memref<100000x64xf32, #tpu.memory_space<hbm>>) target(%dma_start3A_684 : memref<128x64xf32, #tpu.memory_space<vmem>>) offsets(%dma_start3A_687 : memref<128xi32, #tpu.memory_space<vmem>>) semaphore(%dma_start3A_692 : memref<!tpu.dma_semaphore, #tpu.memory_space<semaphore_mem>>)
    %dma_wait3A_693 = arith.constant 0 : i32
    %dma_wait3A_694 = arith.constant 1 : i32
    %dma_wait3A_695 = arith.constant 1 : i32
    %dma_wait3A_696 = arith.constant 0 : i32
    %dma_wait3A_697 = arith.constant 0 : i32
    %dma_wait3A_698 = tpu.memref_slice %arg6[%dma_wait3A_694, %dma_wait3A_696, %dma_wait3A_697] : memref<4x128x64xf32, #tpu.memory_space<vmem>> -> memref<1x128x64xf32, #tpu.memory_space<vmem>>
    %dma_wait3A_699 = tpu.memref_squeeze %dma_wait3A_698 : memref<1x128x64xf32, #tpu.memory_space<vmem>> -> memref<128x64xf32, #tpu.memory_space<vmem>>
    %dma_wait3A_700 = arith.constant 0 : i32
    %dma_wait3A_701 = tpu.memref_slice %arg5[%dma_wait3A_693, %dma_wait3A_700] : memref<16x128xi32, #tpu.memory_space<vmem>> -> memref<1x128xi32, #tpu.memory_space<vmem>>
    %dma_wait3A_702 = tpu.memref_squeeze %dma_wait3A_701 : memref<1x128xi32, #tpu.memory_space<vmem>> -> memref<128xi32, #tpu.memory_space<vmem>>
    %dma_wait3A_703 = arith.constant 0 : i32
    %dma_wait3A_704 = arith.constant 0 : i32
    %dma_wait3A_705 = tpu.memref_slice %arg3[%dma_wait3A_703, %dma_wait3A_704] : memref<100000x64xf32, #tpu.memory_space<hbm>> -> memref<100000x64xf32, #tpu.memory_space<hbm>>
    %dma_wait3A_706 = tpu.memref_slice %arg7[%dma_wait3A_695] : memref<4x!tpu.dma_semaphore, #tpu.memory_space<semaphore_mem>> -> memref<1x!tpu.dma_semaphore, #tpu.memory_space<semaphore_mem>>
    %dma_wait3A_707 = tpu.memref_squeeze %dma_wait3A_706 : memref<1x!tpu.dma_semaphore, #tpu.memory_space<semaphore_mem>> -> memref<!tpu.dma_semaphore, #tpu.memory_space<semaphore_mem>>
    tpu.wait_indirect_dma semaphore(%dma_wait3A_707 : memref<!tpu.dma_semaphore, #tpu.memory_space<semaphore_mem>>) src(%dma_wait3A_705 : memref<100000x64xf32, #tpu.memory_space<hbm>>) dst(%dma_wait3A_699 : memref<128x64xf32, #tpu.memory_space<vmem>>)
    %dma_start3A_708 = arith.constant 1 : i32
    %dma_start3A_709 = arith.constant 1 : i32
    %dma_start3A_710 = arith.constant 0 : i32
    %dma_start3A_711 = arith.constant 0 : i32
    %dma_start3A_712 = tpu.memref_slice %arg6[%dma_start3A_708, %dma_start3A_710, %dma_start3A_711] : memref<4x128x64xf32, #tpu.memory_space<vmem>> -> memref<1x128x64xf32, #tpu.memory_space<vmem>>
    %dma_start3A_713 = tpu.memref_squeeze %dma_start3A_712 : memref<1x128x64xf32, #tpu.memory_space<vmem>> -> memref<128x64xf32, #tpu.memory_space<vmem>>
    %dma_start3A_714 = arith.constant 1152 : i32
    %dma_start3A_715 = arith.constant 0 : i32
    %dma_start3A_716 = tpu.memref_slice %arg4[%dma_start3A_714, %add3A, %dma_start3A_715] : memref<2048x32x128xf32, #tpu.memory_space<hbm>> -> memref<128x1x64xf32, #tpu.memory_space<hbm>>
    %dma_start3A_717 = tpu.memref_squeeze %dma_start3A_716 : memref<128x1x64xf32, #tpu.memory_space<hbm>> -> memref<128x64xf32, #tpu.memory_space<hbm>>
    %dma_start3A_718 = tpu.memref_slice %arg8[%dma_start3A_709] : memref<4x!tpu.dma_semaphore, #tpu.memory_space<semaphore_mem>> -> memref<1x!tpu.dma_semaphore, #tpu.memory_space<semaphore_mem>>
    %dma_start3A_719 = tpu.memref_squeeze %dma_start3A_718 : memref<1x!tpu.dma_semaphore, #tpu.memory_space<semaphore_mem>> -> memref<!tpu.dma_semaphore, #tpu.memory_space<semaphore_mem>>
    %dma_start3A_720 = arith.constant 1152 : i32
    %dma_start3A_721 = arith.constant 0 : i32
    %dma_start3A_722 = tpu.memref_slice %arg4[%dma_start3A_720, %add3A, %dma_start3A_721] : memref<2048x32x128xf32, #tpu.memory_space<hbm>> -> memref<128x1x64xf32, #tpu.memory_space<hbm>>
    %dma_start3A_723 = tpu.memref_squeeze %dma_start3A_722 : memref<128x1x64xf32, #tpu.memory_space<hbm>> -> memref<128x64xf32, #tpu.memory_space<hbm>>
    %dma_start3A_724 = arith.constant 0 : i32
    %dma_start3A_725 = arith.constant 0 : i32
    %dma_start3A_726 = tpu.memref_slice %arg6[%dma_start3A_708, %dma_start3A_724, %dma_start3A_725] : memref<4x128x64xf32, #tpu.memory_space<vmem>> -> memref<1x128x64xf32, #tpu.memory_space<vmem>>
    %dma_start3A_727 = tpu.memref_squeeze %dma_start3A_726 : memref<1x128x64xf32, #tpu.memory_space<vmem>> -> memref<128x64xf32, #tpu.memory_space<vmem>>
    tpu.enqueue_dma source(%dma_start3A_727 : memref<128x64xf32, #tpu.memory_space<vmem>>) target(%dma_start3A_723 : memref<128x64xf32, #tpu.memory_space<hbm>>) target_semaphore(%dma_start3A_719 : memref<!tpu.dma_semaphore, #tpu.memory_space<semaphore_mem>>)
    %dma_wait3A_728 = arith.constant 1 : i32
    %dma_wait3A_729 = arith.constant 1 : i32
    %dma_wait3A_730 = arith.constant 0 : i32
    %dma_wait3A_731 = arith.constant 0 : i32
    %dma_wait3A_732 = tpu.memref_slice %arg6[%dma_wait3A_728, %dma_wait3A_730, %dma_wait3A_731] : memref<4x128x64xf32, #tpu.memory_space<vmem>> -> memref<1x128x64xf32, #tpu.memory_space<vmem>>
    %dma_wait3A_733 = tpu.memref_squeeze %dma_wait3A_732 : memref<1x128x64xf32, #tpu.memory_space<vmem>> -> memref<128x64xf32, #tpu.memory_space<vmem>>
    %dma_wait3A_734 = arith.constant 0 : i32
    %dma_wait3A_735 = arith.constant 0 : i32
    %dma_wait3A_736 = tpu.memref_slice %arg4[%dma_wait3A_734, %add3A, %dma_wait3A_735] : memref<2048x32x128xf32, #tpu.memory_space<hbm>> -> memref<128x1x64xf32, #tpu.memory_space<hbm>>
    %dma_wait3A_737 = tpu.memref_squeeze %dma_wait3A_736 : memref<128x1x64xf32, #tpu.memory_space<hbm>> -> memref<128x64xf32, #tpu.memory_space<hbm>>
    %dma_wait3A_738 = tpu.memref_slice %arg8[%dma_wait3A_729] : memref<4x!tpu.dma_semaphore, #tpu.memory_space<semaphore_mem>> -> memref<1x!tpu.dma_semaphore, #tpu.memory_space<semaphore_mem>>
    %dma_wait3A_739 = tpu.memref_squeeze %dma_wait3A_738 : memref<1x!tpu.dma_semaphore, #tpu.memory_space<semaphore_mem>> -> memref<!tpu.dma_semaphore, #tpu.memory_space<semaphore_mem>>
    %dma_wait3A_740 = arith.constant 0 : i32
    %dma_wait3A_741 = arith.constant 0 : i32
    %dma_wait3A_742 = tpu.memref_slice %arg4[%dma_wait3A_740, %add3A, %dma_wait3A_741] : memref<2048x32x128xf32, #tpu.memory_space<hbm>> -> memref<128x1x64xf32, #tpu.memory_space<hbm>>
    %dma_wait3A_743 = tpu.memref_squeeze %dma_wait3A_742 : memref<128x1x64xf32, #tpu.memory_space<hbm>> -> memref<128x64xf32, #tpu.memory_space<hbm>>
    %dma_wait3A_744 = arith.constant 0 : i32
    %dma_wait3A_745 = arith.constant 0 : i32
    %dma_wait3A_746 = tpu.memref_slice %arg6[%dma_wait3A_728, %dma_wait3A_744, %dma_wait3A_745] : memref<4x128x64xf32, #tpu.memory_space<vmem>> -> memref<1x128x64xf32, #tpu.memory_space<vmem>>
    %dma_wait3A_747 = tpu.memref_squeeze %dma_wait3A_746 : memref<1x128x64xf32, #tpu.memory_space<vmem>> -> memref<128x64xf32, #tpu.memory_space<vmem>>
    tpu.wait_dma2 semaphore(%dma_wait3A_739 : memref<!tpu.dma_semaphore, #tpu.memory_space<semaphore_mem>>) src(%dma_wait3A_747 : memref<128x64xf32, #tpu.memory_space<vmem>>) dst(%dma_wait3A_743 : memref<128x64xf32, #tpu.memory_space<hbm>>)
    %dma_start3A_748 = arith.constant 13 : i32
    %dma_start3A_749 = arith.constant 1 : i32
    %dma_start3A_750 = arith.constant 1 : i32
    %dma_start3A_751 = arith.constant 0 : i32
    %dma_start3A_752 = arith.constant 0 : i32
    %dma_start3A_753 = tpu.memref_slice %arg6[%dma_start3A_749, %dma_start3A_751, %dma_start3A_752] : memref<4x128x64xf32, #tpu.memory_space<vmem>> -> memref<1x128x64xf32, #tpu.memory_space<vmem>>
    %dma_start3A_754 = tpu.memref_squeeze %dma_start3A_753 : memref<1x128x64xf32, #tpu.memory_space<vmem>> -> memref<128x64xf32, #tpu.memory_space<vmem>>
    %dma_start3A_755 = arith.constant 0 : i32
    %dma_start3A_756 = tpu.memref_slice %arg5[%dma_start3A_748, %dma_start3A_755] : memref<16x128xi32, #tpu.memory_space<vmem>> -> memref<1x128xi32, #tpu.memory_space<vmem>>
    %dma_start3A_757 = tpu.memref_squeeze %dma_start3A_756 : memref<1x128xi32, #tpu.memory_space<vmem>> -> memref<128xi32, #tpu.memory_space<vmem>>
    %dma_start3A_758 = arith.constant 0 : i32
    %dma_start3A_759 = arith.constant 0 : i32
    %dma_start3A_760 = tpu.memref_slice %arg3[%dma_start3A_758, %dma_start3A_759] : memref<100000x64xf32, #tpu.memory_space<hbm>> -> memref<100000x64xf32, #tpu.memory_space<hbm>>
    %dma_start3A_761 = tpu.memref_slice %arg7[%dma_start3A_750] : memref<4x!tpu.dma_semaphore, #tpu.memory_space<semaphore_mem>> -> memref<1x!tpu.dma_semaphore, #tpu.memory_space<semaphore_mem>>
    %dma_start3A_762 = tpu.memref_squeeze %dma_start3A_761 : memref<1x!tpu.dma_semaphore, #tpu.memory_space<semaphore_mem>> -> memref<!tpu.dma_semaphore, #tpu.memory_space<semaphore_mem>>
    tpu.enqueue_indirect_dma source(%dma_start3A_760 : memref<100000x64xf32, #tpu.memory_space<hbm>>) target(%dma_start3A_754 : memref<128x64xf32, #tpu.memory_space<vmem>>) offsets(%dma_start3A_757 : memref<128xi32, #tpu.memory_space<vmem>>) semaphore(%dma_start3A_762 : memref<!tpu.dma_semaphore, #tpu.memory_space<semaphore_mem>>)
    %dma_wait3A_763 = arith.constant 0 : i32
    %dma_wait3A_764 = arith.constant 2 : i32
    %dma_wait3A_765 = arith.constant 2 : i32
    %dma_wait3A_766 = arith.constant 0 : i32
    %dma_wait3A_767 = arith.constant 0 : i32
    %dma_wait3A_768 = tpu.memref_slice %arg6[%dma_wait3A_764, %dma_wait3A_766, %dma_wait3A_767] : memref<4x128x64xf32, #tpu.memory_space<vmem>> -> memref<1x128x64xf32, #tpu.memory_space<vmem>>
    %dma_wait3A_769 = tpu.memref_squeeze %dma_wait3A_768 : memref<1x128x64xf32, #tpu.memory_space<vmem>> -> memref<128x64xf32, #tpu.memory_space<vmem>>
    %dma_wait3A_770 = arith.constant 0 : i32
    %dma_wait3A_771 = tpu.memref_slice %arg5[%dma_wait3A_763, %dma_wait3A_770] : memref<16x128xi32, #tpu.memory_space<vmem>> -> memref<1x128xi32, #tpu.memory_space<vmem>>
    %dma_wait3A_772 = tpu.memref_squeeze %dma_wait3A_771 : memref<1x128xi32, #tpu.memory_space<vmem>> -> memref<128xi32, #tpu.memory_space<vmem>>
    %dma_wait3A_773 = arith.constant 0 : i32
    %dma_wait3A_774 = arith.constant 0 : i32
    %dma_wait3A_775 = tpu.memref_slice %arg3[%dma_wait3A_773, %dma_wait3A_774] : memref<100000x64xf32, #tpu.memory_space<hbm>> -> memref<100000x64xf32, #tpu.memory_space<hbm>>
    %dma_wait3A_776 = tpu.memref_slice %arg7[%dma_wait3A_765] : memref<4x!tpu.dma_semaphore, #tpu.memory_space<semaphore_mem>> -> memref<1x!tpu.dma_semaphore, #tpu.memory_space<semaphore_mem>>
    %dma_wait3A_777 = tpu.memref_squeeze %dma_wait3A_776 : memref<1x!tpu.dma_semaphore, #tpu.memory_space<semaphore_mem>> -> memref<!tpu.dma_semaphore, #tpu.memory_space<semaphore_mem>>
    tpu.wait_indirect_dma semaphore(%dma_wait3A_777 : memref<!tpu.dma_semaphore, #tpu.memory_space<semaphore_mem>>) src(%dma_wait3A_775 : memref<100000x64xf32, #tpu.memory_space<hbm>>) dst(%dma_wait3A_769 : memref<128x64xf32, #tpu.memory_space<vmem>>)
    %dma_start3A_778 = arith.constant 2 : i32
    %dma_start3A_779 = arith.constant 2 : i32
    %dma_start3A_780 = arith.constant 0 : i32
    %dma_start3A_781 = arith.constant 0 : i32
    %dma_start3A_782 = tpu.memref_slice %arg6[%dma_start3A_778, %dma_start3A_780, %dma_start3A_781] : memref<4x128x64xf32, #tpu.memory_space<vmem>> -> memref<1x128x64xf32, #tpu.memory_space<vmem>>
    %dma_start3A_783 = tpu.memref_squeeze %dma_start3A_782 : memref<1x128x64xf32, #tpu.memory_space<vmem>> -> memref<128x64xf32, #tpu.memory_space<vmem>>
    %dma_start3A_784 = arith.constant 1280 : i32
    %dma_start3A_785 = arith.constant 0 : i32
    %dma_start3A_786 = tpu.memref_slice %arg4[%dma_start3A_784, %add3A, %dma_start3A_785] : memref<2048x32x128xf32, #tpu.memory_space<hbm>> -> memref<128x1x64xf32, #tpu.memory_space<hbm>>
    %dma_start3A_787 = tpu.memref_squeeze %dma_start3A_786 : memref<128x1x64xf32, #tpu.memory_space<hbm>> -> memref<128x64xf32, #tpu.memory_space<hbm>>
    %dma_start3A_788 = tpu.memref_slice %arg8[%dma_start3A_779] : memref<4x!tpu.dma_semaphore, #tpu.memory_space<semaphore_mem>> -> memref<1x!tpu.dma_semaphore, #tpu.memory_space<semaphore_mem>>
    %dma_start3A_789 = tpu.memref_squeeze %dma_start3A_788 : memref<1x!tpu.dma_semaphore, #tpu.memory_space<semaphore_mem>> -> memref<!tpu.dma_semaphore, #tpu.memory_space<semaphore_mem>>
    %dma_start3A_790 = arith.constant 1280 : i32
    %dma_start3A_791 = arith.constant 0 : i32
    %dma_start3A_792 = tpu.memref_slice %arg4[%dma_start3A_790, %add3A, %dma_start3A_791] : memref<2048x32x128xf32, #tpu.memory_space<hbm>> -> memref<128x1x64xf32, #tpu.memory_space<hbm>>
    %dma_start3A_793 = tpu.memref_squeeze %dma_start3A_792 : memref<128x1x64xf32, #tpu.memory_space<hbm>> -> memref<128x64xf32, #tpu.memory_space<hbm>>
    %dma_start3A_794 = arith.constant 0 : i32
    %dma_start3A_795 = arith.constant 0 : i32
    %dma_start3A_796 = tpu.memref_slice %arg6[%dma_start3A_778, %dma_start3A_794, %dma_start3A_795] : memref<4x128x64xf32, #tpu.memory_space<vmem>> -> memref<1x128x64xf32, #tpu.memory_space<vmem>>
    %dma_start3A_797 = tpu.memref_squeeze %dma_start3A_796 : memref<1x128x64xf32, #tpu.memory_space<vmem>> -> memref<128x64xf32, #tpu.memory_space<vmem>>
    tpu.enqueue_dma source(%dma_start3A_797 : memref<128x64xf32, #tpu.memory_space<vmem>>) target(%dma_start3A_793 : memref<128x64xf32, #tpu.memory_space<hbm>>) target_semaphore(%dma_start3A_789 : memref<!tpu.dma_semaphore, #tpu.memory_space<semaphore_mem>>)
    %dma_wait3A_798 = arith.constant 2 : i32
    %dma_wait3A_799 = arith.constant 2 : i32
    %dma_wait3A_800 = arith.constant 0 : i32
    %dma_wait3A_801 = arith.constant 0 : i32
    %dma_wait3A_802 = tpu.memref_slice %arg6[%dma_wait3A_798, %dma_wait3A_800, %dma_wait3A_801] : memref<4x128x64xf32, #tpu.memory_space<vmem>> -> memref<1x128x64xf32, #tpu.memory_space<vmem>>
    %dma_wait3A_803 = tpu.memref_squeeze %dma_wait3A_802 : memref<1x128x64xf32, #tpu.memory_space<vmem>> -> memref<128x64xf32, #tpu.memory_space<vmem>>
    %dma_wait3A_804 = arith.constant 0 : i32
    %dma_wait3A_805 = arith.constant 0 : i32
    %dma_wait3A_806 = tpu.memref_slice %arg4[%dma_wait3A_804, %add3A, %dma_wait3A_805] : memref<2048x32x128xf32, #tpu.memory_space<hbm>> -> memref<128x1x64xf32, #tpu.memory_space<hbm>>
    %dma_wait3A_807 = tpu.memref_squeeze %dma_wait3A_806 : memref<128x1x64xf32, #tpu.memory_space<hbm>> -> memref<128x64xf32, #tpu.memory_space<hbm>>
    %dma_wait3A_808 = tpu.memref_slice %arg8[%dma_wait3A_799] : memref<4x!tpu.dma_semaphore, #tpu.memory_space<semaphore_mem>> -> memref<1x!tpu.dma_semaphore, #tpu.memory_space<semaphore_mem>>
    %dma_wait3A_809 = tpu.memref_squeeze %dma_wait3A_808 : memref<1x!tpu.dma_semaphore, #tpu.memory_space<semaphore_mem>> -> memref<!tpu.dma_semaphore, #tpu.memory_space<semaphore_mem>>
    %dma_wait3A_810 = arith.constant 0 : i32
    %dma_wait3A_811 = arith.constant 0 : i32
    %dma_wait3A_812 = tpu.memref_slice %arg4[%dma_wait3A_810, %add3A, %dma_wait3A_811] : memref<2048x32x128xf32, #tpu.memory_space<hbm>> -> memref<128x1x64xf32, #tpu.memory_space<hbm>>
    %dma_wait3A_813 = tpu.memref_squeeze %dma_wait3A_812 : memref<128x1x64xf32, #tpu.memory_space<hbm>> -> memref<128x64xf32, #tpu.memory_space<hbm>>
    %dma_wait3A_814 = arith.constant 0 : i32
    %dma_wait3A_815 = arith.constant 0 : i32
    %dma_wait3A_816 = tpu.memref_slice %arg6[%dma_wait3A_798, %dma_wait3A_814, %dma_wait3A_815] : memref<4x128x64xf32, #tpu.memory_space<vmem>> -> memref<1x128x64xf32, #tpu.memory_space<vmem>>
    %dma_wait3A_817 = tpu.memref_squeeze %dma_wait3A_816 : memref<1x128x64xf32, #tpu.memory_space<vmem>> -> memref<128x64xf32, #tpu.memory_space<vmem>>
    tpu.wait_dma2 semaphore(%dma_wait3A_809 : memref<!tpu.dma_semaphore, #tpu.memory_space<semaphore_mem>>) src(%dma_wait3A_817 : memref<128x64xf32, #tpu.memory_space<vmem>>) dst(%dma_wait3A_813 : memref<128x64xf32, #tpu.memory_space<hbm>>)
    %dma_start3A_818 = arith.constant 14 : i32
    %dma_start3A_819 = arith.constant 2 : i32
    %dma_start3A_820 = arith.constant 2 : i32
    %dma_start3A_821 = arith.constant 0 : i32
    %dma_start3A_822 = arith.constant 0 : i32
    %dma_start3A_823 = tpu.memref_slice %arg6[%dma_start3A_819, %dma_start3A_821, %dma_start3A_822] : memref<4x128x64xf32, #tpu.memory_space<vmem>> -> memref<1x128x64xf32, #tpu.memory_space<vmem>>
    %dma_start3A_824 = tpu.memref_squeeze %dma_start3A_823 : memref<1x128x64xf32, #tpu.memory_space<vmem>> -> memref<128x64xf32, #tpu.memory_space<vmem>>
    %dma_start3A_825 = arith.constant 0 : i32
    %dma_start3A_826 = tpu.memref_slice %arg5[%dma_start3A_818, %dma_start3A_825] : memref<16x128xi32, #tpu.memory_space<vmem>> -> memref<1x128xi32, #tpu.memory_space<vmem>>
    %dma_start3A_827 = tpu.memref_squeeze %dma_start3A_826 : memref<1x128xi32, #tpu.memory_space<vmem>> -> memref<128xi32, #tpu.memory_space<vmem>>
    %dma_start3A_828 = arith.constant 0 : i32
    %dma_start3A_829 = arith.constant 0 : i32
    %dma_start3A_830 = tpu.memref_slice %arg3[%dma_start3A_828, %dma_start3A_829] : memref<100000x64xf32, #tpu.memory_space<hbm>> -> memref<100000x64xf32, #tpu.memory_space<hbm>>
    %dma_start3A_831 = tpu.memref_slice %arg7[%dma_start3A_820] : memref<4x!tpu.dma_semaphore, #tpu.memory_space<semaphore_mem>> -> memref<1x!tpu.dma_semaphore, #tpu.memory_space<semaphore_mem>>
    %dma_start3A_832 = tpu.memref_squeeze %dma_start3A_831 : memref<1x!tpu.dma_semaphore, #tpu.memory_space<semaphore_mem>> -> memref<!tpu.dma_semaphore, #tpu.memory_space<semaphore_mem>>
    tpu.enqueue_indirect_dma source(%dma_start3A_830 : memref<100000x64xf32, #tpu.memory_space<hbm>>) target(%dma_start3A_824 : memref<128x64xf32, #tpu.memory_space<vmem>>) offsets(%dma_start3A_827 : memref<128xi32, #tpu.memory_space<vmem>>) semaphore(%dma_start3A_832 : memref<!tpu.dma_semaphore, #tpu.memory_space<semaphore_mem>>)
    %dma_wait3A_833 = arith.constant 0 : i32
    %dma_wait3A_834 = arith.constant 3 : i32
    %dma_wait3A_835 = arith.constant 3 : i32
    %dma_wait3A_836 = arith.constant 0 : i32
    %dma_wait3A_837 = arith.constant 0 : i32
    %dma_wait3A_838 = tpu.memref_slice %arg6[%dma_wait3A_834, %dma_wait3A_836, %dma_wait3A_837] : memref<4x128x64xf32, #tpu.memory_space<vmem>> -> memref<1x128x64xf32, #tpu.memory_space<vmem>>
    %dma_wait3A_839 = tpu.memref_squeeze %dma_wait3A_838 : memref<1x128x64xf32, #tpu.memory_space<vmem>> -> memref<128x64xf32, #tpu.memory_space<vmem>>
    %dma_wait3A_840 = arith.constant 0 : i32
    %dma_wait3A_841 = tpu.memref_slice %arg5[%dma_wait3A_833, %dma_wait3A_840] : memref<16x128xi32, #tpu.memory_space<vmem>> -> memref<1x128xi32, #tpu.memory_space<vmem>>
    %dma_wait3A_842 = tpu.memref_squeeze %dma_wait3A_841 : memref<1x128xi32, #tpu.memory_space<vmem>> -> memref<128xi32, #tpu.memory_space<vmem>>
    %dma_wait3A_843 = arith.constant 0 : i32
    %dma_wait3A_844 = arith.constant 0 : i32
    %dma_wait3A_845 = tpu.memref_slice %arg3[%dma_wait3A_843, %dma_wait3A_844] : memref<100000x64xf32, #tpu.memory_space<hbm>> -> memref<100000x64xf32, #tpu.memory_space<hbm>>
    %dma_wait3A_846 = tpu.memref_slice %arg7[%dma_wait3A_835] : memref<4x!tpu.dma_semaphore, #tpu.memory_space<semaphore_mem>> -> memref<1x!tpu.dma_semaphore, #tpu.memory_space<semaphore_mem>>
    %dma_wait3A_847 = tpu.memref_squeeze %dma_wait3A_846 : memref<1x!tpu.dma_semaphore, #tpu.memory_space<semaphore_mem>> -> memref<!tpu.dma_semaphore, #tpu.memory_space<semaphore_mem>>
    tpu.wait_indirect_dma semaphore(%dma_wait3A_847 : memref<!tpu.dma_semaphore, #tpu.memory_space<semaphore_mem>>) src(%dma_wait3A_845 : memref<100000x64xf32, #tpu.memory_space<hbm>>) dst(%dma_wait3A_839 : memref<128x64xf32, #tpu.memory_space<vmem>>)
    %dma_start3A_848 = arith.constant 3 : i32
    %dma_start3A_849 = arith.constant 3 : i32
    %dma_start3A_850 = arith.constant 0 : i32
    %dma_start3A_851 = arith.constant 0 : i32
    %dma_start3A_852 = tpu.memref_slice %arg6[%dma_start3A_848, %dma_start3A_850, %dma_start3A_851] : memref<4x128x64xf32, #tpu.memory_space<vmem>> -> memref<1x128x64xf32, #tpu.memory_space<vmem>>
    %dma_start3A_853 = tpu.memref_squeeze %dma_start3A_852 : memref<1x128x64xf32, #tpu.memory_space<vmem>> -> memref<128x64xf32, #tpu.memory_space<vmem>>
    %dma_start3A_854 = arith.constant 1408 : i32
    %dma_start3A_855 = arith.constant 0 : i32
    %dma_start3A_856 = tpu.memref_slice %arg4[%dma_start3A_854, %add3A, %dma_start3A_855] : memref<2048x32x128xf32, #tpu.memory_space<hbm>> -> memref<128x1x64xf32, #tpu.memory_space<hbm>>
    %dma_start3A_857 = tpu.memref_squeeze %dma_start3A_856 : memref<128x1x64xf32, #tpu.memory_space<hbm>> -> memref<128x64xf32, #tpu.memory_space<hbm>>
    %dma_start3A_858 = tpu.memref_slice %arg8[%dma_start3A_849] : memref<4x!tpu.dma_semaphore, #tpu.memory_space<semaphore_mem>> -> memref<1x!tpu.dma_semaphore, #tpu.memory_space<semaphore_mem>>
    %dma_start3A_859 = tpu.memref_squeeze %dma_start3A_858 : memref<1x!tpu.dma_semaphore, #tpu.memory_space<semaphore_mem>> -> memref<!tpu.dma_semaphore, #tpu.memory_space<semaphore_mem>>
    %dma_start3A_860 = arith.constant 1408 : i32
    %dma_start3A_861 = arith.constant 0 : i32
    %dma_start3A_862 = tpu.memref_slice %arg4[%dma_start3A_860, %add3A, %dma_start3A_861] : memref<2048x32x128xf32, #tpu.memory_space<hbm>> -> memref<128x1x64xf32, #tpu.memory_space<hbm>>
    %dma_start3A_863 = tpu.memref_squeeze %dma_start3A_862 : memref<128x1x64xf32, #tpu.memory_space<hbm>> -> memref<128x64xf32, #tpu.memory_space<hbm>>
    %dma_start3A_864 = arith.constant 0 : i32
    %dma_start3A_865 = arith.constant 0 : i32
    %dma_start3A_866 = tpu.memref_slice %arg6[%dma_start3A_848, %dma_start3A_864, %dma_start3A_865] : memref<4x128x64xf32, #tpu.memory_space<vmem>> -> memref<1x128x64xf32, #tpu.memory_space<vmem>>
    %dma_start3A_867 = tpu.memref_squeeze %dma_start3A_866 : memref<1x128x64xf32, #tpu.memory_space<vmem>> -> memref<128x64xf32, #tpu.memory_space<vmem>>
    tpu.enqueue_dma source(%dma_start3A_867 : memref<128x64xf32, #tpu.memory_space<vmem>>) target(%dma_start3A_863 : memref<128x64xf32, #tpu.memory_space<hbm>>) target_semaphore(%dma_start3A_859 : memref<!tpu.dma_semaphore, #tpu.memory_space<semaphore_mem>>)
    %dma_wait3A_868 = arith.constant 3 : i32
    %dma_wait3A_869 = arith.constant 3 : i32
    %dma_wait3A_870 = arith.constant 0 : i32
    %dma_wait3A_871 = arith.constant 0 : i32
    %dma_wait3A_872 = tpu.memref_slice %arg6[%dma_wait3A_868, %dma_wait3A_870, %dma_wait3A_871] : memref<4x128x64xf32, #tpu.memory_space<vmem>> -> memref<1x128x64xf32, #tpu.memory_space<vmem>>
    %dma_wait3A_873 = tpu.memref_squeeze %dma_wait3A_872 : memref<1x128x64xf32, #tpu.memory_space<vmem>> -> memref<128x64xf32, #tpu.memory_space<vmem>>
    %dma_wait3A_874 = arith.constant 0 : i32
    %dma_wait3A_875 = arith.constant 0 : i32
    %dma_wait3A_876 = tpu.memref_slice %arg4[%dma_wait3A_874, %add3A, %dma_wait3A_875] : memref<2048x32x128xf32, #tpu.memory_space<hbm>> -> memref<128x1x64xf32, #tpu.memory_space<hbm>>
    %dma_wait3A_877 = tpu.memref_squeeze %dma_wait3A_876 : memref<128x1x64xf32, #tpu.memory_space<hbm>> -> memref<128x64xf32, #tpu.memory_space<hbm>>
    %dma_wait3A_878 = tpu.memref_slice %arg8[%dma_wait3A_869] : memref<4x!tpu.dma_semaphore, #tpu.memory_space<semaphore_mem>> -> memref<1x!tpu.dma_semaphore, #tpu.memory_space<semaphore_mem>>
    %dma_wait3A_879 = tpu.memref_squeeze %dma_wait3A_878 : memref<1x!tpu.dma_semaphore, #tpu.memory_space<semaphore_mem>> -> memref<!tpu.dma_semaphore, #tpu.memory_space<semaphore_mem>>
    %dma_wait3A_880 = arith.constant 0 : i32
    %dma_wait3A_881 = arith.constant 0 : i32
    %dma_wait3A_882 = tpu.memref_slice %arg4[%dma_wait3A_880, %add3A, %dma_wait3A_881] : memref<2048x32x128xf32, #tpu.memory_space<hbm>> -> memref<128x1x64xf32, #tpu.memory_space<hbm>>
    %dma_wait3A_883 = tpu.memref_squeeze %dma_wait3A_882 : memref<128x1x64xf32, #tpu.memory_space<hbm>> -> memref<128x64xf32, #tpu.memory_space<hbm>>
    %dma_wait3A_884 = arith.constant 0 : i32
    %dma_wait3A_885 = arith.constant 0 : i32
    %dma_wait3A_886 = tpu.memref_slice %arg6[%dma_wait3A_868, %dma_wait3A_884, %dma_wait3A_885] : memref<4x128x64xf32, #tpu.memory_space<vmem>> -> memref<1x128x64xf32, #tpu.memory_space<vmem>>
    %dma_wait3A_887 = tpu.memref_squeeze %dma_wait3A_886 : memref<1x128x64xf32, #tpu.memory_space<vmem>> -> memref<128x64xf32, #tpu.memory_space<vmem>>
    tpu.wait_dma2 semaphore(%dma_wait3A_879 : memref<!tpu.dma_semaphore, #tpu.memory_space<semaphore_mem>>) src(%dma_wait3A_887 : memref<128x64xf32, #tpu.memory_space<vmem>>) dst(%dma_wait3A_883 : memref<128x64xf32, #tpu.memory_space<hbm>>)
    %dma_start3A_888 = arith.constant 15 : i32
    %dma_start3A_889 = arith.constant 3 : i32
    %dma_start3A_890 = arith.constant 3 : i32
    %dma_start3A_891 = arith.constant 0 : i32
    %dma_start3A_892 = arith.constant 0 : i32
    %dma_start3A_893 = tpu.memref_slice %arg6[%dma_start3A_889, %dma_start3A_891, %dma_start3A_892] : memref<4x128x64xf32, #tpu.memory_space<vmem>> -> memref<1x128x64xf32, #tpu.memory_space<vmem>>
    %dma_start3A_894 = tpu.memref_squeeze %dma_start3A_893 : memref<1x128x64xf32, #tpu.memory_space<vmem>> -> memref<128x64xf32, #tpu.memory_space<vmem>>
    %dma_start3A_895 = arith.constant 0 : i32
    %dma_start3A_896 = tpu.memref_slice %arg5[%dma_start3A_888, %dma_start3A_895] : memref<16x128xi32, #tpu.memory_space<vmem>> -> memref<1x128xi32, #tpu.memory_space<vmem>>
    %dma_start3A_897 = tpu.memref_squeeze %dma_start3A_896 : memref<1x128xi32, #tpu.memory_space<vmem>> -> memref<128xi32, #tpu.memory_space<vmem>>
    %dma_start3A_898 = arith.constant 0 : i32
    %dma_start3A_899 = arith.constant 0 : i32
    %dma_start3A_900 = tpu.memref_slice %arg3[%dma_start3A_898, %dma_start3A_899] : memref<100000x64xf32, #tpu.memory_space<hbm>> -> memref<100000x64xf32, #tpu.memory_space<hbm>>
    %dma_start3A_901 = tpu.memref_slice %arg7[%dma_start3A_890] : memref<4x!tpu.dma_semaphore, #tpu.memory_space<semaphore_mem>> -> memref<1x!tpu.dma_semaphore, #tpu.memory_space<semaphore_mem>>
    %dma_start3A_902 = tpu.memref_squeeze %dma_start3A_901 : memref<1x!tpu.dma_semaphore, #tpu.memory_space<semaphore_mem>> -> memref<!tpu.dma_semaphore, #tpu.memory_space<semaphore_mem>>
    tpu.enqueue_indirect_dma source(%dma_start3A_900 : memref<100000x64xf32, #tpu.memory_space<hbm>>) target(%dma_start3A_894 : memref<128x64xf32, #tpu.memory_space<vmem>>) offsets(%dma_start3A_897 : memref<128xi32, #tpu.memory_space<vmem>>) semaphore(%dma_start3A_902 : memref<!tpu.dma_semaphore, #tpu.memory_space<semaphore_mem>>)
    %dma_wait3A_903 = arith.constant 0 : i32
    %dma_wait3A_904 = arith.constant 0 : i32
    %dma_wait3A_905 = arith.constant 0 : i32
    %dma_wait3A_906 = arith.constant 0 : i32
    %dma_wait3A_907 = arith.constant 0 : i32
    %dma_wait3A_908 = tpu.memref_slice %arg6[%dma_wait3A_904, %dma_wait3A_906, %dma_wait3A_907] : memref<4x128x64xf32, #tpu.memory_space<vmem>> -> memref<1x128x64xf32, #tpu.memory_space<vmem>>
    %dma_wait3A_909 = tpu.memref_squeeze %dma_wait3A_908 : memref<1x128x64xf32, #tpu.memory_space<vmem>> -> memref<128x64xf32, #tpu.memory_space<vmem>>
    %dma_wait3A_910 = arith.constant 0 : i32
    %dma_wait3A_911 = tpu.memref_slice %arg5[%dma_wait3A_903, %dma_wait3A_910] : memref<16x128xi32, #tpu.memory_space<vmem>> -> memref<1x128xi32, #tpu.memory_space<vmem>>
    %dma_wait3A_912 = tpu.memref_squeeze %dma_wait3A_911 : memref<1x128xi32, #tpu.memory_space<vmem>> -> memref<128xi32, #tpu.memory_space<vmem>>
    %dma_wait3A_913 = arith.constant 0 : i32
    %dma_wait3A_914 = arith.constant 0 : i32
    %dma_wait3A_915 = tpu.memref_slice %arg3[%dma_wait3A_913, %dma_wait3A_914] : memref<100000x64xf32, #tpu.memory_space<hbm>> -> memref<100000x64xf32, #tpu.memory_space<hbm>>
    %dma_wait3A_916 = tpu.memref_slice %arg7[%dma_wait3A_905] : memref<4x!tpu.dma_semaphore, #tpu.memory_space<semaphore_mem>> -> memref<1x!tpu.dma_semaphore, #tpu.memory_space<semaphore_mem>>
    %dma_wait3A_917 = tpu.memref_squeeze %dma_wait3A_916 : memref<1x!tpu.dma_semaphore, #tpu.memory_space<semaphore_mem>> -> memref<!tpu.dma_semaphore, #tpu.memory_space<semaphore_mem>>
    tpu.wait_indirect_dma semaphore(%dma_wait3A_917 : memref<!tpu.dma_semaphore, #tpu.memory_space<semaphore_mem>>) src(%dma_wait3A_915 : memref<100000x64xf32, #tpu.memory_space<hbm>>) dst(%dma_wait3A_909 : memref<128x64xf32, #tpu.memory_space<vmem>>)
    %dma_start3A_918 = arith.constant 0 : i32
    %dma_start3A_919 = arith.constant 0 : i32
    %dma_start3A_920 = arith.constant 0 : i32
    %dma_start3A_921 = arith.constant 0 : i32
    %dma_start3A_922 = tpu.memref_slice %arg6[%dma_start3A_918, %dma_start3A_920, %dma_start3A_921] : memref<4x128x64xf32, #tpu.memory_space<vmem>> -> memref<1x128x64xf32, #tpu.memory_space<vmem>>
    %dma_start3A_923 = tpu.memref_squeeze %dma_start3A_922 : memref<1x128x64xf32, #tpu.memory_space<vmem>> -> memref<128x64xf32, #tpu.memory_space<vmem>>
    %dma_start3A_924 = arith.constant 1536 : i32
    %dma_start3A_925 = arith.constant 0 : i32
    %dma_start3A_926 = tpu.memref_slice %arg4[%dma_start3A_924, %add3A, %dma_start3A_925] : memref<2048x32x128xf32, #tpu.memory_space<hbm>> -> memref<128x1x64xf32, #tpu.memory_space<hbm>>
    %dma_start3A_927 = tpu.memref_squeeze %dma_start3A_926 : memref<128x1x64xf32, #tpu.memory_space<hbm>> -> memref<128x64xf32, #tpu.memory_space<hbm>>
    %dma_start3A_928 = tpu.memref_slice %arg8[%dma_start3A_919] : memref<4x!tpu.dma_semaphore, #tpu.memory_space<semaphore_mem>> -> memref<1x!tpu.dma_semaphore, #tpu.memory_space<semaphore_mem>>
    %dma_start3A_929 = tpu.memref_squeeze %dma_start3A_928 : memref<1x!tpu.dma_semaphore, #tpu.memory_space<semaphore_mem>> -> memref<!tpu.dma_semaphore, #tpu.memory_space<semaphore_mem>>
    %dma_start3A_930 = arith.constant 1536 : i32
    %dma_start3A_931 = arith.constant 0 : i32
    %dma_start3A_932 = tpu.memref_slice %arg4[%dma_start3A_930, %add3A, %dma_start3A_931] : memref<2048x32x128xf32, #tpu.memory_space<hbm>> -> memref<128x1x64xf32, #tpu.memory_space<hbm>>
    %dma_start3A_933 = tpu.memref_squeeze %dma_start3A_932 : memref<128x1x64xf32, #tpu.memory_space<hbm>> -> memref<128x64xf32, #tpu.memory_space<hbm>>
    %dma_start3A_934 = arith.constant 0 : i32
    %dma_start3A_935 = arith.constant 0 : i32
    %dma_start3A_936 = tpu.memref_slice %arg6[%dma_start3A_918, %dma_start3A_934, %dma_start3A_935] : memref<4x128x64xf32, #tpu.memory_space<vmem>> -> memref<1x128x64xf32, #tpu.memory_space<vmem>>
    %dma_start3A_937 = tpu.memref_squeeze %dma_start3A_936 : memref<1x128x64xf32, #tpu.memory_space<vmem>> -> memref<128x64xf32, #tpu.memory_space<vmem>>
    tpu.enqueue_dma source(%dma_start3A_937 : memref<128x64xf32, #tpu.memory_space<vmem>>) target(%dma_start3A_933 : memref<128x64xf32, #tpu.memory_space<hbm>>) target_semaphore(%dma_start3A_929 : memref<!tpu.dma_semaphore, #tpu.memory_space<semaphore_mem>>)
    %dma_wait3A_938 = arith.constant 0 : i32
    %dma_wait3A_939 = arith.constant 1 : i32
    %dma_wait3A_940 = arith.constant 1 : i32
    %dma_wait3A_941 = arith.constant 0 : i32
    %dma_wait3A_942 = arith.constant 0 : i32
    %dma_wait3A_943 = tpu.memref_slice %arg6[%dma_wait3A_939, %dma_wait3A_941, %dma_wait3A_942] : memref<4x128x64xf32, #tpu.memory_space<vmem>> -> memref<1x128x64xf32, #tpu.memory_space<vmem>>
    %dma_wait3A_944 = tpu.memref_squeeze %dma_wait3A_943 : memref<1x128x64xf32, #tpu.memory_space<vmem>> -> memref<128x64xf32, #tpu.memory_space<vmem>>
    %dma_wait3A_945 = arith.constant 0 : i32
    %dma_wait3A_946 = tpu.memref_slice %arg5[%dma_wait3A_938, %dma_wait3A_945] : memref<16x128xi32, #tpu.memory_space<vmem>> -> memref<1x128xi32, #tpu.memory_space<vmem>>
    %dma_wait3A_947 = tpu.memref_squeeze %dma_wait3A_946 : memref<1x128xi32, #tpu.memory_space<vmem>> -> memref<128xi32, #tpu.memory_space<vmem>>
    %dma_wait3A_948 = arith.constant 0 : i32
    %dma_wait3A_949 = arith.constant 0 : i32
    %dma_wait3A_950 = tpu.memref_slice %arg3[%dma_wait3A_948, %dma_wait3A_949] : memref<100000x64xf32, #tpu.memory_space<hbm>> -> memref<100000x64xf32, #tpu.memory_space<hbm>>
    %dma_wait3A_951 = tpu.memref_slice %arg7[%dma_wait3A_940] : memref<4x!tpu.dma_semaphore, #tpu.memory_space<semaphore_mem>> -> memref<1x!tpu.dma_semaphore, #tpu.memory_space<semaphore_mem>>
    %dma_wait3A_952 = tpu.memref_squeeze %dma_wait3A_951 : memref<1x!tpu.dma_semaphore, #tpu.memory_space<semaphore_mem>> -> memref<!tpu.dma_semaphore, #tpu.memory_space<semaphore_mem>>
    tpu.wait_indirect_dma semaphore(%dma_wait3A_952 : memref<!tpu.dma_semaphore, #tpu.memory_space<semaphore_mem>>) src(%dma_wait3A_950 : memref<100000x64xf32, #tpu.memory_space<hbm>>) dst(%dma_wait3A_944 : memref<128x64xf32, #tpu.memory_space<vmem>>)
    %dma_start3A_953 = arith.constant 1 : i32
    %dma_start3A_954 = arith.constant 1 : i32
    %dma_start3A_955 = arith.constant 0 : i32
    %dma_start3A_956 = arith.constant 0 : i32
    %dma_start3A_957 = tpu.memref_slice %arg6[%dma_start3A_953, %dma_start3A_955, %dma_start3A_956] : memref<4x128x64xf32, #tpu.memory_space<vmem>> -> memref<1x128x64xf32, #tpu.memory_space<vmem>>
    %dma_start3A_958 = tpu.memref_squeeze %dma_start3A_957 : memref<1x128x64xf32, #tpu.memory_space<vmem>> -> memref<128x64xf32, #tpu.memory_space<vmem>>
    %dma_start3A_959 = arith.constant 1664 : i32
    %dma_start3A_960 = arith.constant 0 : i32
    %dma_start3A_961 = tpu.memref_slice %arg4[%dma_start3A_959, %add3A, %dma_start3A_960] : memref<2048x32x128xf32, #tpu.memory_space<hbm>> -> memref<128x1x64xf32, #tpu.memory_space<hbm>>
    %dma_start3A_962 = tpu.memref_squeeze %dma_start3A_961 : memref<128x1x64xf32, #tpu.memory_space<hbm>> -> memref<128x64xf32, #tpu.memory_space<hbm>>
    %dma_start3A_963 = tpu.memref_slice %arg8[%dma_start3A_954] : memref<4x!tpu.dma_semaphore, #tpu.memory_space<semaphore_mem>> -> memref<1x!tpu.dma_semaphore, #tpu.memory_space<semaphore_mem>>
    %dma_start3A_964 = tpu.memref_squeeze %dma_start3A_963 : memref<1x!tpu.dma_semaphore, #tpu.memory_space<semaphore_mem>> -> memref<!tpu.dma_semaphore, #tpu.memory_space<semaphore_mem>>
    %dma_start3A_965 = arith.constant 1664 : i32
    %dma_start3A_966 = arith.constant 0 : i32
    %dma_start3A_967 = tpu.memref_slice %arg4[%dma_start3A_965, %add3A, %dma_start3A_966] : memref<2048x32x128xf32, #tpu.memory_space<hbm>> -> memref<128x1x64xf32, #tpu.memory_space<hbm>>
    %dma_start3A_968 = tpu.memref_squeeze %dma_start3A_967 : memref<128x1x64xf32, #tpu.memory_space<hbm>> -> memref<128x64xf32, #tpu.memory_space<hbm>>
    %dma_start3A_969 = arith.constant 0 : i32
    %dma_start3A_970 = arith.constant 0 : i32
    %dma_start3A_971 = tpu.memref_slice %arg6[%dma_start3A_953, %dma_start3A_969, %dma_start3A_970] : memref<4x128x64xf32, #tpu.memory_space<vmem>> -> memref<1x128x64xf32, #tpu.memory_space<vmem>>
    %dma_start3A_972 = tpu.memref_squeeze %dma_start3A_971 : memref<1x128x64xf32, #tpu.memory_space<vmem>> -> memref<128x64xf32, #tpu.memory_space<vmem>>
    tpu.enqueue_dma source(%dma_start3A_972 : memref<128x64xf32, #tpu.memory_space<vmem>>) target(%dma_start3A_968 : memref<128x64xf32, #tpu.memory_space<hbm>>) target_semaphore(%dma_start3A_964 : memref<!tpu.dma_semaphore, #tpu.memory_space<semaphore_mem>>)
    %dma_wait3A_973 = arith.constant 0 : i32
    %dma_wait3A_974 = arith.constant 2 : i32
    %dma_wait3A_975 = arith.constant 2 : i32
    %dma_wait3A_976 = arith.constant 0 : i32
    %dma_wait3A_977 = arith.constant 0 : i32
    %dma_wait3A_978 = tpu.memref_slice %arg6[%dma_wait3A_974, %dma_wait3A_976, %dma_wait3A_977] : memref<4x128x64xf32, #tpu.memory_space<vmem>> -> memref<1x128x64xf32, #tpu.memory_space<vmem>>
    %dma_wait3A_979 = tpu.memref_squeeze %dma_wait3A_978 : memref<1x128x64xf32, #tpu.memory_space<vmem>> -> memref<128x64xf32, #tpu.memory_space<vmem>>
    %dma_wait3A_980 = arith.constant 0 : i32
    %dma_wait3A_981 = tpu.memref_slice %arg5[%dma_wait3A_973, %dma_wait3A_980] : memref<16x128xi32, #tpu.memory_space<vmem>> -> memref<1x128xi32, #tpu.memory_space<vmem>>
    %dma_wait3A_982 = tpu.memref_squeeze %dma_wait3A_981 : memref<1x128xi32, #tpu.memory_space<vmem>> -> memref<128xi32, #tpu.memory_space<vmem>>
    %dma_wait3A_983 = arith.constant 0 : i32
    %dma_wait3A_984 = arith.constant 0 : i32
    %dma_wait3A_985 = tpu.memref_slice %arg3[%dma_wait3A_983, %dma_wait3A_984] : memref<100000x64xf32, #tpu.memory_space<hbm>> -> memref<100000x64xf32, #tpu.memory_space<hbm>>
    %dma_wait3A_986 = tpu.memref_slice %arg7[%dma_wait3A_975] : memref<4x!tpu.dma_semaphore, #tpu.memory_space<semaphore_mem>> -> memref<1x!tpu.dma_semaphore, #tpu.memory_space<semaphore_mem>>
    %dma_wait3A_987 = tpu.memref_squeeze %dma_wait3A_986 : memref<1x!tpu.dma_semaphore, #tpu.memory_space<semaphore_mem>> -> memref<!tpu.dma_semaphore, #tpu.memory_space<semaphore_mem>>
    tpu.wait_indirect_dma semaphore(%dma_wait3A_987 : memref<!tpu.dma_semaphore, #tpu.memory_space<semaphore_mem>>) src(%dma_wait3A_985 : memref<100000x64xf32, #tpu.memory_space<hbm>>) dst(%dma_wait3A_979 : memref<128x64xf32, #tpu.memory_space<vmem>>)
    %dma_start3A_988 = arith.constant 2 : i32
    %dma_start3A_989 = arith.constant 2 : i32
    %dma_start3A_990 = arith.constant 0 : i32
    %dma_start3A_991 = arith.constant 0 : i32
    %dma_start3A_992 = tpu.memref_slice %arg6[%dma_start3A_988, %dma_start3A_990, %dma_start3A_991] : memref<4x128x64xf32, #tpu.memory_space<vmem>> -> memref<1x128x64xf32, #tpu.memory_space<vmem>>
    %dma_start3A_993 = tpu.memref_squeeze %dma_start3A_992 : memref<1x128x64xf32, #tpu.memory_space<vmem>> -> memref<128x64xf32, #tpu.memory_space<vmem>>
    %dma_start3A_994 = arith.constant 1792 : i32
    %dma_start3A_995 = arith.constant 0 : i32
    %dma_start3A_996 = tpu.memref_slice %arg4[%dma_start3A_994, %add3A, %dma_start3A_995] : memref<2048x32x128xf32, #tpu.memory_space<hbm>> -> memref<128x1x64xf32, #tpu.memory_space<hbm>>
    %dma_start3A_997 = tpu.memref_squeeze %dma_start3A_996 : memref<128x1x64xf32, #tpu.memory_space<hbm>> -> memref<128x64xf32, #tpu.memory_space<hbm>>
    %dma_start3A_998 = tpu.memref_slice %arg8[%dma_start3A_989] : memref<4x!tpu.dma_semaphore, #tpu.memory_space<semaphore_mem>> -> memref<1x!tpu.dma_semaphore, #tpu.memory_space<semaphore_mem>>
    %dma_start3A_999 = tpu.memref_squeeze %dma_start3A_998 : memref<1x!tpu.dma_semaphore, #tpu.memory_space<semaphore_mem>> -> memref<!tpu.dma_semaphore, #tpu.memory_space<semaphore_mem>>
    %dma_start3A_1000 = arith.constant 1792 : i32
    %dma_start3A_1001 = arith.constant 0 : i32
    %dma_start3A_1002 = tpu.memref_slice %arg4[%dma_start3A_1000, %add3A, %dma_start3A_1001] : memref<2048x32x128xf32, #tpu.memory_space<hbm>> -> memref<128x1x64xf32, #tpu.memory_space<hbm>>
    %dma_start3A_1003 = tpu.memref_squeeze %dma_start3A_1002 : memref<128x1x64xf32, #tpu.memory_space<hbm>> -> memref<128x64xf32, #tpu.memory_space<hbm>>
    %dma_start3A_1004 = arith.constant 0 : i32
    %dma_start3A_1005 = arith.constant 0 : i32
    %dma_start3A_1006 = tpu.memref_slice %arg6[%dma_start3A_988, %dma_start3A_1004, %dma_start3A_1005] : memref<4x128x64xf32, #tpu.memory_space<vmem>> -> memref<1x128x64xf32, #tpu.memory_space<vmem>>
    %dma_start3A_1007 = tpu.memref_squeeze %dma_start3A_1006 : memref<1x128x64xf32, #tpu.memory_space<vmem>> -> memref<128x64xf32, #tpu.memory_space<vmem>>
    tpu.enqueue_dma source(%dma_start3A_1007 : memref<128x64xf32, #tpu.memory_space<vmem>>) target(%dma_start3A_1003 : memref<128x64xf32, #tpu.memory_space<hbm>>) target_semaphore(%dma_start3A_999 : memref<!tpu.dma_semaphore, #tpu.memory_space<semaphore_mem>>)
    %dma_wait3A_1008 = arith.constant 0 : i32
    %dma_wait3A_1009 = arith.constant 3 : i32
    %dma_wait3A_1010 = arith.constant 3 : i32
    %dma_wait3A_1011 = arith.constant 0 : i32
    %dma_wait3A_1012 = arith.constant 0 : i32
    %dma_wait3A_1013 = tpu.memref_slice %arg6[%dma_wait3A_1009, %dma_wait3A_1011, %dma_wait3A_1012] : memref<4x128x64xf32, #tpu.memory_space<vmem>> -> memref<1x128x64xf32, #tpu.memory_space<vmem>>
    %dma_wait3A_1014 = tpu.memref_squeeze %dma_wait3A_1013 : memref<1x128x64xf32, #tpu.memory_space<vmem>> -> memref<128x64xf32, #tpu.memory_space<vmem>>
    %dma_wait3A_1015 = arith.constant 0 : i32
    %dma_wait3A_1016 = tpu.memref_slice %arg5[%dma_wait3A_1008, %dma_wait3A_1015] : memref<16x128xi32, #tpu.memory_space<vmem>> -> memref<1x128xi32, #tpu.memory_space<vmem>>
    %dma_wait3A_1017 = tpu.memref_squeeze %dma_wait3A_1016 : memref<1x128xi32, #tpu.memory_space<vmem>> -> memref<128xi32, #tpu.memory_space<vmem>>
    %dma_wait3A_1018 = arith.constant 0 : i32
    %dma_wait3A_1019 = arith.constant 0 : i32
    %dma_wait3A_1020 = tpu.memref_slice %arg3[%dma_wait3A_1018, %dma_wait3A_1019] : memref<100000x64xf32, #tpu.memory_space<hbm>> -> memref<100000x64xf32, #tpu.memory_space<hbm>>
    %dma_wait3A_1021 = tpu.memref_slice %arg7[%dma_wait3A_1010] : memref<4x!tpu.dma_semaphore, #tpu.memory_space<semaphore_mem>> -> memref<1x!tpu.dma_semaphore, #tpu.memory_space<semaphore_mem>>
    %dma_wait3A_1022 = tpu.memref_squeeze %dma_wait3A_1021 : memref<1x!tpu.dma_semaphore, #tpu.memory_space<semaphore_mem>> -> memref<!tpu.dma_semaphore, #tpu.memory_space<semaphore_mem>>
    tpu.wait_indirect_dma semaphore(%dma_wait3A_1022 : memref<!tpu.dma_semaphore, #tpu.memory_space<semaphore_mem>>) src(%dma_wait3A_1020 : memref<100000x64xf32, #tpu.memory_space<hbm>>) dst(%dma_wait3A_1014 : memref<128x64xf32, #tpu.memory_space<vmem>>)
    %dma_start3A_1023 = arith.constant 3 : i32
    %dma_start3A_1024 = arith.constant 3 : i32
    %dma_start3A_1025 = arith.constant 0 : i32
    %dma_start3A_1026 = arith.constant 0 : i32
    %dma_start3A_1027 = tpu.memref_slice %arg6[%dma_start3A_1023, %dma_start3A_1025, %dma_start3A_1026] : memref<4x128x64xf32, #tpu.memory_space<vmem>> -> memref<1x128x64xf32, #tpu.memory_space<vmem>>
    %dma_start3A_1028 = tpu.memref_squeeze %dma_start3A_1027 : memref<1x128x64xf32, #tpu.memory_space<vmem>> -> memref<128x64xf32, #tpu.memory_space<vmem>>
    %dma_start3A_1029 = arith.constant 1920 : i32
    %dma_start3A_1030 = arith.constant 0 : i32
    %dma_start3A_1031 = tpu.memref_slice %arg4[%dma_start3A_1029, %add3A, %dma_start3A_1030] : memref<2048x32x128xf32, #tpu.memory_space<hbm>> -> memref<128x1x64xf32, #tpu.memory_space<hbm>>
    %dma_start3A_1032 = tpu.memref_squeeze %dma_start3A_1031 : memref<128x1x64xf32, #tpu.memory_space<hbm>> -> memref<128x64xf32, #tpu.memory_space<hbm>>
    %dma_start3A_1033 = tpu.memref_slice %arg8[%dma_start3A_1024] : memref<4x!tpu.dma_semaphore, #tpu.memory_space<semaphore_mem>> -> memref<1x!tpu.dma_semaphore, #tpu.memory_space<semaphore_mem>>
    %dma_start3A_1034 = tpu.memref_squeeze %dma_start3A_1033 : memref<1x!tpu.dma_semaphore, #tpu.memory_space<semaphore_mem>> -> memref<!tpu.dma_semaphore, #tpu.memory_space<semaphore_mem>>
    %dma_start3A_1035 = arith.constant 1920 : i32
    %dma_start3A_1036 = arith.constant 0 : i32
    %dma_start3A_1037 = tpu.memref_slice %arg4[%dma_start3A_1035, %add3A, %dma_start3A_1036] : memref<2048x32x128xf32, #tpu.memory_space<hbm>> -> memref<128x1x64xf32, #tpu.memory_space<hbm>>
    %dma_start3A_1038 = tpu.memref_squeeze %dma_start3A_1037 : memref<128x1x64xf32, #tpu.memory_space<hbm>> -> memref<128x64xf32, #tpu.memory_space<hbm>>
    %dma_start3A_1039 = arith.constant 0 : i32
    %dma_start3A_1040 = arith.constant 0 : i32
    %dma_start3A_1041 = tpu.memref_slice %arg6[%dma_start3A_1023, %dma_start3A_1039, %dma_start3A_1040] : memref<4x128x64xf32, #tpu.memory_space<vmem>> -> memref<1x128x64xf32, #tpu.memory_space<vmem>>
    %dma_start3A_1042 = tpu.memref_squeeze %dma_start3A_1041 : memref<1x128x64xf32, #tpu.memory_space<vmem>> -> memref<128x64xf32, #tpu.memory_space<vmem>>
    tpu.enqueue_dma source(%dma_start3A_1042 : memref<128x64xf32, #tpu.memory_space<vmem>>) target(%dma_start3A_1038 : memref<128x64xf32, #tpu.memory_space<hbm>>) target_semaphore(%dma_start3A_1034 : memref<!tpu.dma_semaphore, #tpu.memory_space<semaphore_mem>>)
    %dma_wait3A_1043 = arith.constant 0 : i32
    %dma_wait3A_1044 = arith.constant 0 : i32
    %dma_wait3A_1045 = arith.constant 0 : i32
    %dma_wait3A_1046 = arith.constant 0 : i32
    %dma_wait3A_1047 = tpu.memref_slice %arg6[%dma_wait3A_1043, %dma_wait3A_1045, %dma_wait3A_1046] : memref<4x128x64xf32, #tpu.memory_space<vmem>> -> memref<1x128x64xf32, #tpu.memory_space<vmem>>
    %dma_wait3A_1048 = tpu.memref_squeeze %dma_wait3A_1047 : memref<1x128x64xf32, #tpu.memory_space<vmem>> -> memref<128x64xf32, #tpu.memory_space<vmem>>
    %dma_wait3A_1049 = arith.constant 0 : i32
    %dma_wait3A_1050 = arith.constant 0 : i32
    %dma_wait3A_1051 = tpu.memref_slice %arg4[%dma_wait3A_1049, %add3A, %dma_wait3A_1050] : memref<2048x32x128xf32, #tpu.memory_space<hbm>> -> memref<128x1x64xf32, #tpu.memory_space<hbm>>
    %dma_wait3A_1052 = tpu.memref_squeeze %dma_wait3A_1051 : memref<128x1x64xf32, #tpu.memory_space<hbm>> -> memref<128x64xf32, #tpu.memory_space<hbm>>
    %dma_wait3A_1053 = tpu.memref_slice %arg8[%dma_wait3A_1044] : memref<4x!tpu.dma_semaphore, #tpu.memory_space<semaphore_mem>> -> memref<1x!tpu.dma_semaphore, #tpu.memory_space<semaphore_mem>>
    %dma_wait3A_1054 = tpu.memref_squeeze %dma_wait3A_1053 : memref<1x!tpu.dma_semaphore, #tpu.memory_space<semaphore_mem>> -> memref<!tpu.dma_semaphore, #tpu.memory_space<semaphore_mem>>
    %dma_wait3A_1055 = arith.constant 0 : i32
    %dma_wait3A_1056 = arith.constant 0 : i32
    %dma_wait3A_1057 = tpu.memref_slice %arg4[%dma_wait3A_1055, %add3A, %dma_wait3A_1056] : memref<2048x32x128xf32, #tpu.memory_space<hbm>> -> memref<128x1x64xf32, #tpu.memory_space<hbm>>
    %dma_wait3A_1058 = tpu.memref_squeeze %dma_wait3A_1057 : memref<128x1x64xf32, #tpu.memory_space<hbm>> -> memref<128x64xf32, #tpu.memory_space<hbm>>
    %dma_wait3A_1059 = arith.constant 0 : i32
    %dma_wait3A_1060 = arith.constant 0 : i32
    %dma_wait3A_1061 = tpu.memref_slice %arg6[%dma_wait3A_1043, %dma_wait3A_1059, %dma_wait3A_1060] : memref<4x128x64xf32, #tpu.memory_space<vmem>> -> memref<1x128x64xf32, #tpu.memory_space<vmem>>
    %dma_wait3A_1062 = tpu.memref_squeeze %dma_wait3A_1061 : memref<1x128x64xf32, #tpu.memory_space<vmem>> -> memref<128x64xf32, #tpu.memory_space<vmem>>
    tpu.wait_dma2 semaphore(%dma_wait3A_1054 : memref<!tpu.dma_semaphore, #tpu.memory_space<semaphore_mem>>) src(%dma_wait3A_1062 : memref<128x64xf32, #tpu.memory_space<vmem>>) dst(%dma_wait3A_1058 : memref<128x64xf32, #tpu.memory_space<hbm>>)
    %dma_wait3A_1063 = arith.constant 1 : i32
    %dma_wait3A_1064 = arith.constant 1 : i32
    %dma_wait3A_1065 = arith.constant 0 : i32
    %dma_wait3A_1066 = arith.constant 0 : i32
    %dma_wait3A_1067 = tpu.memref_slice %arg6[%dma_wait3A_1063, %dma_wait3A_1065, %dma_wait3A_1066] : memref<4x128x64xf32, #tpu.memory_space<vmem>> -> memref<1x128x64xf32, #tpu.memory_space<vmem>>
    %dma_wait3A_1068 = tpu.memref_squeeze %dma_wait3A_1067 : memref<1x128x64xf32, #tpu.memory_space<vmem>> -> memref<128x64xf32, #tpu.memory_space<vmem>>
    %dma_wait3A_1069 = arith.constant 0 : i32
    %dma_wait3A_1070 = arith.constant 0 : i32
    %dma_wait3A_1071 = tpu.memref_slice %arg4[%dma_wait3A_1069, %add3A, %dma_wait3A_1070] : memref<2048x32x128xf32, #tpu.memory_space<hbm>> -> memref<128x1x64xf32, #tpu.memory_space<hbm>>
    %dma_wait3A_1072 = tpu.memref_squeeze %dma_wait3A_1071 : memref<128x1x64xf32, #tpu.memory_space<hbm>> -> memref<128x64xf32, #tpu.memory_space<hbm>>
    %dma_wait3A_1073 = tpu.memref_slice %arg8[%dma_wait3A_1064] : memref<4x!tpu.dma_semaphore, #tpu.memory_space<semaphore_mem>> -> memref<1x!tpu.dma_semaphore, #tpu.memory_space<semaphore_mem>>
    %dma_wait3A_1074 = tpu.memref_squeeze %dma_wait3A_1073 : memref<1x!tpu.dma_semaphore, #tpu.memory_space<semaphore_mem>> -> memref<!tpu.dma_semaphore, #tpu.memory_space<semaphore_mem>>
    %dma_wait3A_1075 = arith.constant 0 : i32
    %dma_wait3A_1076 = arith.constant 0 : i32
    %dma_wait3A_1077 = tpu.memref_slice %arg4[%dma_wait3A_1075, %add3A, %dma_wait3A_1076] : memref<2048x32x128xf32, #tpu.memory_space<hbm>> -> memref<128x1x64xf32, #tpu.memory_space<hbm>>
    %dma_wait3A_1078 = tpu.memref_squeeze %dma_wait3A_1077 : memref<128x1x64xf32, #tpu.memory_space<hbm>> -> memref<128x64xf32, #tpu.memory_space<hbm>>
    %dma_wait3A_1079 = arith.constant 0 : i32
    %dma_wait3A_1080 = arith.constant 0 : i32
    %dma_wait3A_1081 = tpu.memref_slice %arg6[%dma_wait3A_1063, %dma_wait3A_1079, %dma_wait3A_1080] : memref<4x128x64xf32, #tpu.memory_space<vmem>> -> memref<1x128x64xf32, #tpu.memory_space<vmem>>
    %dma_wait3A_1082 = tpu.memref_squeeze %dma_wait3A_1081 : memref<1x128x64xf32, #tpu.memory_space<vmem>> -> memref<128x64xf32, #tpu.memory_space<vmem>>
    tpu.wait_dma2 semaphore(%dma_wait3A_1074 : memref<!tpu.dma_semaphore, #tpu.memory_space<semaphore_mem>>) src(%dma_wait3A_1082 : memref<128x64xf32, #tpu.memory_space<vmem>>) dst(%dma_wait3A_1078 : memref<128x64xf32, #tpu.memory_space<hbm>>)
    %dma_wait3A_1083 = arith.constant 2 : i32
    %dma_wait3A_1084 = arith.constant 2 : i32
    %dma_wait3A_1085 = arith.constant 0 : i32
    %dma_wait3A_1086 = arith.constant 0 : i32
    %dma_wait3A_1087 = tpu.memref_slice %arg6[%dma_wait3A_1083, %dma_wait3A_1085, %dma_wait3A_1086] : memref<4x128x64xf32, #tpu.memory_space<vmem>> -> memref<1x128x64xf32, #tpu.memory_space<vmem>>
    %dma_wait3A_1088 = tpu.memref_squeeze %dma_wait3A_1087 : memref<1x128x64xf32, #tpu.memory_space<vmem>> -> memref<128x64xf32, #tpu.memory_space<vmem>>
    %dma_wait3A_1089 = arith.constant 0 : i32
    %dma_wait3A_1090 = arith.constant 0 : i32
    %dma_wait3A_1091 = tpu.memref_slice %arg4[%dma_wait3A_1089, %add3A, %dma_wait3A_1090] : memref<2048x32x128xf32, #tpu.memory_space<hbm>> -> memref<128x1x64xf32, #tpu.memory_space<hbm>>
    %dma_wait3A_1092 = tpu.memref_squeeze %dma_wait3A_1091 : memref<128x1x64xf32, #tpu.memory_space<hbm>> -> memref<128x64xf32, #tpu.memory_space<hbm>>
    %dma_wait3A_1093 = tpu.memref_slice %arg8[%dma_wait3A_1084] : memref<4x!tpu.dma_semaphore, #tpu.memory_space<semaphore_mem>> -> memref<1x!tpu.dma_semaphore, #tpu.memory_space<semaphore_mem>>
    %dma_wait3A_1094 = tpu.memref_squeeze %dma_wait3A_1093 : memref<1x!tpu.dma_semaphore, #tpu.memory_space<semaphore_mem>> -> memref<!tpu.dma_semaphore, #tpu.memory_space<semaphore_mem>>
    %dma_wait3A_1095 = arith.constant 0 : i32
    %dma_wait3A_1096 = arith.constant 0 : i32
    %dma_wait3A_1097 = tpu.memref_slice %arg4[%dma_wait3A_1095, %add3A, %dma_wait3A_1096] : memref<2048x32x128xf32, #tpu.memory_space<hbm>> -> memref<128x1x64xf32, #tpu.memory_space<hbm>>
    %dma_wait3A_1098 = tpu.memref_squeeze %dma_wait3A_1097 : memref<128x1x64xf32, #tpu.memory_space<hbm>> -> memref<128x64xf32, #tpu.memory_space<hbm>>
    %dma_wait3A_1099 = arith.constant 0 : i32
    %dma_wait3A_1100 = arith.constant 0 : i32
    %dma_wait3A_1101 = tpu.memref_slice %arg6[%dma_wait3A_1083, %dma_wait3A_1099, %dma_wait3A_1100] : memref<4x128x64xf32, #tpu.memory_space<vmem>> -> memref<1x128x64xf32, #tpu.memory_space<vmem>>
    %dma_wait3A_1102 = tpu.memref_squeeze %dma_wait3A_1101 : memref<1x128x64xf32, #tpu.memory_space<vmem>> -> memref<128x64xf32, #tpu.memory_space<vmem>>
    tpu.wait_dma2 semaphore(%dma_wait3A_1094 : memref<!tpu.dma_semaphore, #tpu.memory_space<semaphore_mem>>) src(%dma_wait3A_1102 : memref<128x64xf32, #tpu.memory_space<vmem>>) dst(%dma_wait3A_1098 : memref<128x64xf32, #tpu.memory_space<hbm>>)
    %dma_wait3A_1103 = arith.constant 3 : i32
    %dma_wait3A_1104 = arith.constant 3 : i32
    %dma_wait3A_1105 = arith.constant 0 : i32
    %dma_wait3A_1106 = arith.constant 0 : i32
    %dma_wait3A_1107 = tpu.memref_slice %arg6[%dma_wait3A_1103, %dma_wait3A_1105, %dma_wait3A_1106] : memref<4x128x64xf32, #tpu.memory_space<vmem>> -> memref<1x128x64xf32, #tpu.memory_space<vmem>>
    %dma_wait3A_1108 = tpu.memref_squeeze %dma_wait3A_1107 : memref<1x128x64xf32, #tpu.memory_space<vmem>> -> memref<128x64xf32, #tpu.memory_space<vmem>>
    %dma_wait3A_1109 = arith.constant 0 : i32
    %dma_wait3A_1110 = arith.constant 0 : i32
    %dma_wait3A_1111 = tpu.memref_slice %arg4[%dma_wait3A_1109, %add3A, %dma_wait3A_1110] : memref<2048x32x128xf32, #tpu.memory_space<hbm>> -> memref<128x1x64xf32, #tpu.memory_space<hbm>>
    %dma_wait3A_1112 = tpu.memref_squeeze %dma_wait3A_1111 : memref<128x1x64xf32, #tpu.memory_space<hbm>> -> memref<128x64xf32, #tpu.memory_space<hbm>>
    %dma_wait3A_1113 = tpu.memref_slice %arg8[%dma_wait3A_1104] : memref<4x!tpu.dma_semaphore, #tpu.memory_space<semaphore_mem>> -> memref<1x!tpu.dma_semaphore, #tpu.memory_space<semaphore_mem>>
    %dma_wait3A_1114 = tpu.memref_squeeze %dma_wait3A_1113 : memref<1x!tpu.dma_semaphore, #tpu.memory_space<semaphore_mem>> -> memref<!tpu.dma_semaphore, #tpu.memory_space<semaphore_mem>>
    %dma_wait3A_1115 = arith.constant 0 : i32
    %dma_wait3A_1116 = arith.constant 0 : i32
    %dma_wait3A_1117 = tpu.memref_slice %arg4[%dma_wait3A_1115, %add3A, %dma_wait3A_1116] : memref<2048x32x128xf32, #tpu.memory_space<hbm>> -> memref<128x1x64xf32, #tpu.memory_space<hbm>>
    %dma_wait3A_1118 = tpu.memref_squeeze %dma_wait3A_1117 : memref<128x1x64xf32, #tpu.memory_space<hbm>> -> memref<128x64xf32, #tpu.memory_space<hbm>>
    %dma_wait3A_1119 = arith.constant 0 : i32
    %dma_wait3A_1120 = arith.constant 0 : i32
    %dma_wait3A_1121 = tpu.memref_slice %arg6[%dma_wait3A_1103, %dma_wait3A_1119, %dma_wait3A_1120] : memref<4x128x64xf32, #tpu.memory_space<vmem>> -> memref<1x128x64xf32, #tpu.memory_space<vmem>>
    %dma_wait3A_1122 = tpu.memref_squeeze %dma_wait3A_1121 : memref<1x128x64xf32, #tpu.memory_space<vmem>> -> memref<128x64xf32, #tpu.memory_space<vmem>>
    tpu.wait_dma2 semaphore(%dma_wait3A_1114 : memref<!tpu.dma_semaphore, #tpu.memory_space<semaphore_mem>>) src(%dma_wait3A_1122 : memref<128x64xf32, #tpu.memory_space<vmem>>) dst(%dma_wait3A_1118 : memref<128x64xf32, #tpu.memory_space<hbm>>)
    return
  }
}

module attributes {stable_mosaic.version = 14 : i64} {
  func.func @_mcompact_body(%arg0: i32, %arg1: memref<64x8192xf32, #tpu.memory_space<vmem>>, %arg2: memref<4096x128xf32, #tpu.memory_space<vmem>>) attributes {dimension_semantics = [#tpu.dimension_semantics<arbitrary>], iteration_bounds = array<i64: 13>, scalar_prefetch = 0 : i64, scratch_operands = 0 : i64, tpu.core_type = #tpu.core_type<tc>, window_params = [{transform_indices = @transform_0, window_bounds = array<i64: 64, 8192>}, {transform_indices = @transform_1, window_bounds = array<i64: 4096, 128>}]} {
    %get3A = arith.constant 0 : index
    %get3A_0 = arith.constant 0 : index
    %get3A_1 = vector.load %arg1[%get3A, %get3A_0] : memref<64x8192xf32, #tpu.memory_space<vmem>>, vector<64x8192xf32>
    %transpose3A = tpu.transpose %get3A_1, [1, 0] : vector<64x8192xf32> -> vector<8192x64xf32>
    %reshape3A = vector.shape_cast %transpose3A : vector<8192x64xf32> to vector<4096x2x64xf32>
    %slice3A = vector.extract_strided_slice %reshape3A {offsets = [0, 0, 0], sizes = [4096, 1, 64], strides = [1, 1, 1]} : vector<4096x2x64xf32> to vector<4096x1x64xf32>
    %squeeze3A = vector.shape_cast %slice3A : vector<4096x1x64xf32> to vector<4096x64xf32>
    %slice3A_2 = vector.extract_strided_slice %reshape3A {offsets = [0, 1, 0], sizes = [4096, 1, 64], strides = [1, 1, 1]} : vector<4096x2x64xf32> to vector<4096x1x64xf32>
    %squeeze3A_3 = vector.shape_cast %slice3A_2 : vector<4096x1x64xf32> to vector<4096x64xf32>
    %concatenate3A = tpu.concatenate %squeeze3A, %squeeze3A_3 in 1 : vector<4096x64xf32>, vector<4096x64xf32> -> vector<4096x128xf32>
    %swap3A = arith.constant 0 : index
    %swap3A_4 = arith.constant 0 : index
    %swap3A_5 = vector.load %arg2[%swap3A, %swap3A_4] : memref<4096x128xf32, #tpu.memory_space<vmem>>, vector<4096x128xf32>
    tpu.vector_store %arg2[%swap3A, %swap3A_4], %concatenate3A {strides = array<i32>} : memref<4096x128xf32, #tpu.memory_space<vmem>>, vector<4096x128xf32>,
    return
  }
  func.func @transform_0(%arg0: i32) -> (i32, i32) {
    %c0_i32 = arith.constant 0 : i32
    %c0_i32_0 = arith.constant 0 : i32
    return %c0_i32, %arg0 : i32, i32
  }
  func.func @transform_1(%arg0: i32) -> (i32, i32) {
    %c0_i32 = arith.constant 0 : i32
    %c0_i32_0 = arith.constant 0 : i32
    return %arg0, %c0_i32 : i32, i32
  }
}

module attributes {stable_mosaic.version = 14 : i64} {
  func.func @_idxcopy_body(%arg0: memref<1024x128xi32, #tpu.memory_space<vmem>>, %arg1: memref<1024x128xi32, #tpu.memory_space<vmem>>) attributes {dimension_semantics = [], scalar_prefetch = 0 : i64, scratch_operands = 0 : i64, tpu.core_type = #tpu.core_type<tc>} {
    %get3A = arith.constant 0 : index
    %get3A_0 = arith.constant 0 : index
    %get3A_1 = vector.load %arg0[%get3A, %get3A_0] : memref<1024x128xi32, #tpu.memory_space<vmem>>, vector<1024x128xi32>
    %swap3A = arith.constant 0 : index
    %swap3A_2 = arith.constant 0 : index
    %swap3A_3 = vector.load %arg1[%swap3A, %swap3A_2] : memref<1024x128xi32, #tpu.memory_space<vmem>>, vector<1024x128xi32>
    tpu.vector_store %arg1[%swap3A, %swap3A_2], %get3A_1 {strides = array<i32>} : memref<1024x128xi32, #tpu.memory_space<vmem>>, vector<1024x128xi32>,
    return
  }
}

module attributes {stable_mosaic.version = 14 : i64} {
  func.func @_dense_body(%arg0: i32, %arg1: memref<32x512xf32, #tpu.memory_space<vmem>>, %arg2: memref<64x512xf32, #tpu.memory_space<vmem>>, %arg3: memref<64x512xf32, #tpu.memory_space<vmem>>, %arg4: memref<64x512xf32, #tpu.memory_space<vmem>>, %arg5: memref<64x64xf32, #tpu.memory_space<vmem>>, %arg6: memref<16384x128xf32, #tpu.memory_space<vmem>>, %arg7: memref<512x32xf32, #tpu.memory_space<vmem>>, %arg8: memref<512x64xf32, #tpu.memory_space<vmem>>, %arg9: memref<512x64xf32, #tpu.memory_space<vmem>>, %arg10: memref<1x1xf32, #tpu.memory_space<smem>>) attributes {dimension_semantics = [#tpu.dimension_semantics<arbitrary>], iteration_bounds = array<i64: 4>, scalar_prefetch = 0 : i64, scratch_operands = 0 : i64, tpu.core_type = #tpu.core_type<tc>, window_params = [{transform_indices = @transform_0, window_bounds = array<i64: 32, 512>}, {transform_indices = @transform_1, window_bounds = array<i64: 64, 512>}, {transform_indices = @transform_2, window_bounds = array<i64: 64, 512>}, {transform_indices = @transform_3, window_bounds = array<i64: 64, 512>}, {pipeline_mode = #tpu.pipeline_mode<synchronous>, transform_indices = @transform_4, window_bounds = array<i64: 64, 64>}, {transform_indices = @transform_5, window_bounds = array<i64: 16384, 128>}, {transform_indices = @transform_6, window_bounds = array<i64: 512, 32>}, {transform_indices = @transform_7, window_bounds = array<i64: 512, 64>}, {transform_indices = @transform_8, window_bounds = array<i64: 512, 64>}, {transform_indices = @transform_9, window_bounds = array<i64: 1, 1>}]} {
    %get3A = arith.constant 0 : index
    %get3A_0 = arith.constant 0 : index
    %get3A_1 = vector.load %arg1[%get3A, %get3A_0] : memref<32x512xf32, #tpu.memory_space<vmem>>, vector<32x512xf32>
    %transpose3A = tpu.transpose %get3A_1, [1, 0] : vector<32x512xf32> -> vector<512x32xf32>
    %get3A_2 = arith.constant 0 : index
    %get3A_3 = arith.constant 0 : index
    %get3A_4 = vector.load %arg2[%get3A_2, %get3A_3] : memref<64x512xf32, #tpu.memory_space<vmem>>, vector<64x512xf32>
    %transpose3A_5 = tpu.transpose %get3A_4, [1, 0] : vector<64x512xf32> -> vector<512x64xf32>
    %get3A_6 = arith.constant 0 : index
    %get3A_7 = arith.constant 0 : index
    %get3A_8 = vector.load %arg3[%get3A_6, %get3A_7] : memref<64x512xf32, #tpu.memory_space<vmem>>, vector<64x512xf32>
    %transpose3A_9 = tpu.transpose %get3A_8, [1, 0] : vector<64x512xf32> -> vector<512x64xf32>
    %get3A_10 = arith.constant 0 : index
    %get3A_11 = arith.constant 0 : index
    %get3A_12 = vector.load %arg6[%get3A_10, %get3A_11] : memref<16384x128xf32, #tpu.memory_space<vmem>>, vector<16384x128xf32>
    %slice3A = vector.extract_strided_slice %get3A_12 {offsets = [0, 0], sizes = [16384, 64], strides = [1, 1]} : vector<16384x128xf32> to vector<16384x64xf32>
    %reshape3A = vector.shape_cast %slice3A : vector<16384x64xf32> to vector<512x32x64xf32>
    %get3A_13 = arith.constant 0 : index
    %get3A_14 = arith.constant 0 : index
    %get3A_15 = vector.load %arg4[%get3A_13, %get3A_14] : memref<64x512xf32, #tpu.memory_space<vmem>>, vector<64x512xf32>
    %get3A_16 = arith.constant 0 : index
    %get3A_17 = arith.constant 0 : index
    %get3A_18 = vector.load %arg5[%get3A_16, %get3A_17] : memref<64x64xf32, #tpu.memory_space<vmem>>, vector<64x64xf32>
    %dot_general3A = arith.constant dense<0.000000e+00> : vector<512x64xf32>
    %dot_general3A_19 = tpu.matmul %get3A_15, %get3A_18, %dot_general3A {dimension_numbers = #tpu.dot_dimension_numbers<[0], [0], [1], [1], [0, 1, 1, 1], [], []>, transpose_lhs_hint = false} : vector<64x512xf32>, vector<64x64xf32>, vector<512x64xf32> -> vector<512x64xf32>
    %tanh3A = math.tanh %dot_general3A_19 : vector<512x64xf32>
    %add3A = arith.addf %transpose3A_5, %tanh3A : vector<512x64xf32>
    %broadcast_in_dim3A = vector.shape_cast %transpose3A : vector<512x32xf32> to vector<512x32x1xf32>
    %mul3A = vector.broadcast %broadcast_in_dim3A : vector<512x32x1xf32> to vector<512x32x64xf32>
    %mul3A_20 = arith.mulf %mul3A, %reshape3A : vector<512x32x64xf32>
    %reduce_sum3A = arith.constant dense<0.000000e+00> : vector<512x64xf32>
    %reduce_sum3A_21 = vector.multi_reduction <add>, %mul3A_20, %reduce_sum3A [1] : vector<512x32x64xf32> to vector<512x64xf32>
    %sub3A = arith.subf %add3A, %reduce_sum3A_21 : vector<512x64xf32>
    %mul3A_22 = arith.constant 5.000000e-01 : f32
    %mul3A_23 = vector.broadcast %mul3A_22 : f32 to vector<512x64xf32>
    %mul3A_24 = arith.mulf %mul3A_23, %sub3A : vector<512x64xf32>
    %add3A_25 = arith.addf %transpose3A_9, %mul3A_24 : vector<512x64xf32>
    %broadcast_in_dim3A_26 = vector.shape_cast %add3A_25 : vector<512x64xf32> to vector<512x1x64xf32>
    %mul3A_27 = vector.broadcast %broadcast_in_dim3A_26 : vector<512x1x64xf32> to vector<512x32x64xf32>
    %mul3A_28 = arith.mulf %reshape3A, %mul3A_27 : vector<512x32x64xf32>
    %reduce_sum3A_29 = arith.constant dense<0.000000e+00> : vector<512x32xf32>
    %reduce_sum3A_30 = vector.multi_reduction <add>, %mul3A_28, %reduce_sum3A_29 [2] : vector<512x32x64xf32> to vector<512x32xf32>
    %add3A_31 = arith.constant 9.99999971E-10 : f32
    %add3A_32 = vector.broadcast %add3A_31 : f32 to vector<512x32xf32>
    %add3A_33 = arith.addf %transpose3A, %add3A_32 : vector<512x32xf32>
    %log3A = math.log %add3A_33 : vector<512x32xf32>
    %mul3A_34 = arith.constant 0.990909099 : f32
    %mul3A_35 = vector.broadcast %mul3A_34 : f32 to vector<512x32xf32>
    %mul3A_36 = arith.mulf %mul3A_35, %reduce_sum3A_30 : vector<512x32xf32>
    %sub3A_37 = arith.subf %log3A, %mul3A_36 : vector<512x32xf32>
    %reduce_max3A = arith.constant dense<0xFF800000> : vector<512xf32>
    %reduce_max3A_38 = vector.multi_reduction <maximumf>, %sub3A_37, %reduce_max3A [1] : vector<512x32xf32> to vector<512xf32>
    %broadcast_in_dim3A_39 = vector.shape_cast %reduce_max3A_38 : vector<512xf32> to vector<512x1xf32>
    %sub3A_40 = vector.broadcast %broadcast_in_dim3A_39 : vector<512x1xf32> to vector<512x32xf32>
    %sub3A_41 = arith.subf %sub3A_37, %sub3A_40 : vector<512x32xf32>
    %exp3A = math.exp %sub3A_41 : vector<512x32xf32>
    %reduce_sum3A_42 = arith.constant dense<0.000000e+00> : vector<512xf32>
    %reduce_sum3A_43 = vector.multi_reduction <add>, %exp3A, %reduce_sum3A_42 [1] : vector<512x32xf32> to vector<512xf32>
    %broadcast_in_dim3A_44 = vector.shape_cast %reduce_sum3A_43 : vector<512xf32> to vector<512x1xf32>
    %div3A = vector.broadcast %broadcast_in_dim3A_44 : vector<512x1xf32> to vector<512x32xf32>
    %div3A_45 = arith.divf %exp3A, %div3A : vector<512x32xf32>
    %broadcast_in_dim3A_46 = vector.shape_cast %div3A_45 : vector<512x32xf32> to vector<512x32x1xf32>
    %mul3A_47 = vector.broadcast %broadcast_in_dim3A_46 : vector<512x32x1xf32> to vector<512x32x64xf32>
    %mul3A_48 = arith.mulf %mul3A_47, %reshape3A : vector<512x32x64xf32>
    %reduce_sum3A_49 = arith.constant dense<0.000000e+00> : vector<512x64xf32>
    %reduce_sum3A_50 = vector.multi_reduction <add>, %mul3A_48, %reduce_sum3A_49 [1] : vector<512x32x64xf32> to vector<512x64xf32>
    %sub3A_51 = arith.subf %add3A, %reduce_sum3A_50 : vector<512x64xf32>
    %mul3A_52 = arith.constant 5.000000e-01 : f32
    %mul3A_53 = vector.broadcast %mul3A_52 : f32 to vector<512x64xf32>
    %mul3A_54 = arith.mulf %mul3A_53, %sub3A_51 : vector<512x64xf32>
    %add3A_55 = arith.addf %transpose3A_9, %mul3A_54 : vector<512x64xf32>
    %swap3A = arith.constant 0 : index
    %swap3A_56 = arith.constant 0 : index
    %swap3A_57 = vector.load %arg7[%swap3A, %swap3A_56] : memref<512x32xf32, #tpu.memory_space<vmem>>, vector<512x32xf32>
    tpu.vector_store %arg7[%swap3A, %swap3A_56], %div3A_45 {strides = array<i32>} : memref<512x32xf32, #tpu.memory_space<vmem>>, vector<512x32xf32>,
    %swap3A_58 = arith.constant 0 : index
    %swap3A_59 = arith.constant 0 : index
    %swap3A_60 = vector.load %arg8[%swap3A_58, %swap3A_59] : memref<512x64xf32, #tpu.memory_space<vmem>>, vector<512x64xf32>
    tpu.vector_store %arg8[%swap3A_58, %swap3A_59], %add3A {strides = array<i32>} : memref<512x64xf32, #tpu.memory_space<vmem>>, vector<512x64xf32>,
    %swap3A_61 = arith.constant 0 : index
    %swap3A_62 = arith.constant 0 : index
    %swap3A_63 = vector.load %arg9[%swap3A_61, %swap3A_62] : memref<512x64xf32, #tpu.memory_space<vmem>>, vector<512x64xf32>
    tpu.vector_store %arg9[%swap3A_61, %swap3A_62], %add3A_55 {strides = array<i32>} : memref<512x64xf32, #tpu.memory_space<vmem>>, vector<512x64xf32>,
    %eq3A = arith.constant 0 : i32
    %eq3A_64 = arith.cmpi eq, %arg0, %eq3A : i32
    %convert_element_type3A = arith.extui %eq3A_64 : i1 to i32
    %cond3A = arith.constant 0 : i32
    %cond3A_65 = arith.cmpi ne, %convert_element_type3A, %cond3A : i32
    scf.if %cond3A_65 {
      %swap3A_88 = arith.constant 0.000000e+00 : f32
      %swap3A_89 = arith.constant 0 : index
      %swap3A_90 = arith.constant 0 : index
      %swap3A_91 = memref.load %arg10[%swap3A_89, %swap3A_90] : memref<1x1xf32, #tpu.memory_space<smem>>
      memref.store %swap3A_88, %arg10[%swap3A_89, %swap3A_90] : memref<1x1xf32, #tpu.memory_space<smem>>
    } else {
    }
    %get3A_66 = arith.constant 0 : index
    %get3A_67 = arith.constant 0 : index
    %get3A_68 = memref.load %arg10[%get3A_66, %get3A_67] : memref<1x1xf32, #tpu.memory_space<smem>>
    %mul3A_69 = arith.mulf %sub3A_51, %sub3A_51 : vector<512x64xf32>
    %reduce_sum3A_70 = vector.shape_cast %mul3A_69 : vector<512x64xf32> to vector<1x512x64xf32>
    %reduce_sum3A_71 = arith.constant dense<0.000000e+00> : vector<1xf32>
    %reduce_sum3A_72 = vector.multi_reduction <add>, %reduce_sum3A_70, %reduce_sum3A_71 [1, 2] : vector<1x512x64xf32> to vector<1xf32>
    %reduce_sum3A_73 = vector.shape_cast %reduce_sum3A_72 : vector<1xf32> to vector<1x1x1xf32>
    %reduce_sum3A_74 = vector.extract %reduce_sum3A_73[0, 0, 0] : f32 from vector<1x1x1xf32>
    %mul3A_75 = arith.constant 2.500000e-01 : f32
    %mul3A_76 = arith.mulf %mul3A_75, %reduce_sum3A_74 : f32
    %mul3A_77 = arith.mulf %add3A_55, %sub3A_51 : vector<512x64xf32>
    %reduce_sum3A_78 = vector.shape_cast %mul3A_77 : vector<512x64xf32> to vector<1x512x64xf32>
    %reduce_sum3A_79 = arith.constant dense<0.000000e+00> : vector<1xf32>
    %reduce_sum3A_80 = vector.multi_reduction <add>, %reduce_sum3A_78, %reduce_sum3A_79 [1, 2] : vector<1x512x64xf32> to vector<1xf32>
    %reduce_sum3A_81 = vector.shape_cast %reduce_sum3A_80 : vector<1xf32> to vector<1x1x1xf32>
    %reduce_sum3A_82 = vector.extract %reduce_sum3A_81[0, 0, 0] : f32 from vector<1x1x1xf32>
    %add3A_83 = arith.addf %mul3A_76, %reduce_sum3A_82 : f32
    %add3A_84 = arith.addf %get3A_68, %add3A_83 : f32
    %swap3A_85 = arith.constant 0 : index
    %swap3A_86 = arith.constant 0 : index
    %swap3A_87 = memref.load %arg10[%swap3A_85, %swap3A_86] : memref<1x1xf32, #tpu.memory_space<smem>>
    memref.store %add3A_84, %arg10[%swap3A_85, %swap3A_86] : memref<1x1xf32, #tpu.memory_space<smem>>
    return
  }
  func.func @transform_0(%arg0: i32) -> (i32, i32) {
    %add3A = arith.constant 4 : i32
    %add3A_0 = arith.addi %arg0, %add3A : i32
    %c0_i32 = arith.constant 0 : i32
    %c0_i32_1 = arith.constant 0 : i32
    return %c0_i32, %add3A_0 : i32, i32
  }
  func.func @transform_1(%arg0: i32) -> (i32, i32) {
    %add3A = arith.constant 4 : i32
    %add3A_0 = arith.addi %arg0, %add3A : i32
    %c0_i32 = arith.constant 0 : i32
    %c0_i32_1 = arith.constant 0 : i32
    return %c0_i32, %add3A_0 : i32, i32
  }
  func.func @transform_2(%arg0: i32) -> (i32, i32) {
    %add3A = arith.constant 4 : i32
    %add3A_0 = arith.addi %arg0, %add3A : i32
    %c0_i32 = arith.constant 0 : i32
    %c0_i32_1 = arith.constant 0 : i32
    return %c0_i32, %add3A_0 : i32, i32
  }
  func.func @transform_3(%arg0: i32) -> (i32, i32) {
    %add3A = arith.constant 4 : i32
    %add3A_0 = arith.addi %arg0, %add3A : i32
    %c0_i32 = arith.constant 0 : i32
    %c0_i32_1 = arith.constant 0 : i32
    return %c0_i32, %add3A_0 : i32, i32
  }
  func.func @transform_4(%arg0: i32) -> (i32, i32) {
    %c0_i32 = arith.constant 0 : i32
    %c0_i32_0 = arith.constant 0 : i32
    %c0_i32_1 = arith.constant 0 : i32
    return %c0_i32, %c0_i32_0 : i32, i32
  }
  func.func @transform_5(%arg0: i32) -> (i32, i32) {
    %c0_i32 = arith.constant 0 : i32
    %c0_i32_0 = arith.constant 0 : i32
    return %arg0, %c0_i32 : i32, i32
  }
  func.func @transform_6(%arg0: i32) -> (i32, i32) {
    %c0_i32 = arith.constant 0 : i32
    %c0_i32_0 = arith.constant 0 : i32
    return %arg0, %c0_i32 : i32, i32
  }
  func.func @transform_7(%arg0: i32) -> (i32, i32) {
    %c0_i32 = arith.constant 0 : i32
    %c0_i32_0 = arith.constant 0 : i32
    return %arg0, %c0_i32 : i32, i32
  }
  func.func @transform_8(%arg0: i32) -> (i32, i32) {
    %c0_i32 = arith.constant 0 : i32
    %c0_i32_0 = arith.constant 0 : i32
    return %arg0, %c0_i32 : i32, i32
  }
  func.func @transform_9(%arg0: i32) -> (i32, i32) {
    %c0_i32 = arith.constant 0 : i32
    %c0_i32_0 = arith.constant 0 : i32
    %c0_i32_1 = arith.constant 0 : i32
    return %c0_i32, %c0_i32_0 : i32, i32
  }
}

module attributes {stable_mosaic.version = 14 : i64} {
  func.func @_dense_body(%arg0: i32, %arg1: memref<32x512xf32, #tpu.memory_space<vmem>>, %arg2: memref<64x512xf32, #tpu.memory_space<vmem>>, %arg3: memref<64x512xf32, #tpu.memory_space<vmem>>, %arg4: memref<64x512xf32, #tpu.memory_space<vmem>>, %arg5: memref<64x64xf32, #tpu.memory_space<vmem>>, %arg6: memref<16384x128xf32, #tpu.memory_space<vmem>>, %arg7: memref<512x32xf32, #tpu.memory_space<vmem>>, %arg8: memref<512x64xf32, #tpu.memory_space<vmem>>, %arg9: memref<512x64xf32, #tpu.memory_space<vmem>>, %arg10: memref<1x1xf32, #tpu.memory_space<smem>>) attributes {dimension_semantics = [#tpu.dimension_semantics<arbitrary>], iteration_bounds = array<i64: 4>, scalar_prefetch = 0 : i64, scratch_operands = 0 : i64, tpu.core_type = #tpu.core_type<tc>, window_params = [{transform_indices = @transform_0, window_bounds = array<i64: 32, 512>}, {transform_indices = @transform_1, window_bounds = array<i64: 64, 512>}, {transform_indices = @transform_2, window_bounds = array<i64: 64, 512>}, {transform_indices = @transform_3, window_bounds = array<i64: 64, 512>}, {pipeline_mode = #tpu.pipeline_mode<synchronous>, transform_indices = @transform_4, window_bounds = array<i64: 64, 64>}, {transform_indices = @transform_5, window_bounds = array<i64: 16384, 128>}, {transform_indices = @transform_6, window_bounds = array<i64: 512, 32>}, {transform_indices = @transform_7, window_bounds = array<i64: 512, 64>}, {transform_indices = @transform_8, window_bounds = array<i64: 512, 64>}, {transform_indices = @transform_9, window_bounds = array<i64: 1, 1>}]} {
    %get3A = arith.constant 0 : index
    %get3A_0 = arith.constant 0 : index
    %get3A_1 = vector.load %arg1[%get3A, %get3A_0] : memref<32x512xf32, #tpu.memory_space<vmem>>, vector<32x512xf32>
    %transpose3A = tpu.transpose %get3A_1, [1, 0] : vector<32x512xf32> -> vector<512x32xf32>
    %get3A_2 = arith.constant 0 : index
    %get3A_3 = arith.constant 0 : index
    %get3A_4 = vector.load %arg2[%get3A_2, %get3A_3] : memref<64x512xf32, #tpu.memory_space<vmem>>, vector<64x512xf32>
    %transpose3A_5 = tpu.transpose %get3A_4, [1, 0] : vector<64x512xf32> -> vector<512x64xf32>
    %get3A_6 = arith.constant 0 : index
    %get3A_7 = arith.constant 0 : index
    %get3A_8 = vector.load %arg3[%get3A_6, %get3A_7] : memref<64x512xf32, #tpu.memory_space<vmem>>, vector<64x512xf32>
    %transpose3A_9 = tpu.transpose %get3A_8, [1, 0] : vector<64x512xf32> -> vector<512x64xf32>
    %get3A_10 = arith.constant 0 : index
    %get3A_11 = arith.constant 0 : index
    %get3A_12 = vector.load %arg6[%get3A_10, %get3A_11] : memref<16384x128xf32, #tpu.memory_space<vmem>>, vector<16384x128xf32>
    %slice3A = vector.extract_strided_slice %get3A_12 {offsets = [0, 0], sizes = [16384, 64], strides = [1, 1]} : vector<16384x128xf32> to vector<16384x64xf32>
    %reshape3A = vector.shape_cast %slice3A : vector<16384x64xf32> to vector<512x32x64xf32>
    %get3A_13 = arith.constant 0 : index
    %get3A_14 = arith.constant 0 : index
    %get3A_15 = vector.load %arg4[%get3A_13, %get3A_14] : memref<64x512xf32, #tpu.memory_space<vmem>>, vector<64x512xf32>
    %get3A_16 = arith.constant 0 : index
    %get3A_17 = arith.constant 0 : index
    %get3A_18 = vector.load %arg5[%get3A_16, %get3A_17] : memref<64x64xf32, #tpu.memory_space<vmem>>, vector<64x64xf32>
    %dot_general3A = arith.constant dense<0.000000e+00> : vector<512x64xf32>
    %dot_general3A_19 = tpu.matmul %get3A_15, %get3A_18, %dot_general3A {dimension_numbers = #tpu.dot_dimension_numbers<[0], [0], [1], [1], [0, 1, 1, 1], [], []>, transpose_lhs_hint = false} : vector<64x512xf32>, vector<64x64xf32>, vector<512x64xf32> -> vector<512x64xf32>
    %tanh3A = math.tanh %dot_general3A_19 : vector<512x64xf32>
    %add3A = arith.addf %transpose3A_5, %tanh3A : vector<512x64xf32>
    %broadcast_in_dim3A = vector.shape_cast %transpose3A : vector<512x32xf32> to vector<512x32x1xf32>
    %mul3A = vector.broadcast %broadcast_in_dim3A : vector<512x32x1xf32> to vector<512x32x64xf32>
    %mul3A_20 = arith.mulf %mul3A, %reshape3A : vector<512x32x64xf32>
    %reduce_sum3A = arith.constant dense<0.000000e+00> : vector<512x64xf32>
    %reduce_sum3A_21 = vector.multi_reduction <add>, %mul3A_20, %reduce_sum3A [1] : vector<512x32x64xf32> to vector<512x64xf32>
    %sub3A = arith.subf %add3A, %reduce_sum3A_21 : vector<512x64xf32>
    %mul3A_22 = arith.constant 5.000000e-01 : f32
    %mul3A_23 = vector.broadcast %mul3A_22 : f32 to vector<512x64xf32>
    %mul3A_24 = arith.mulf %mul3A_23, %sub3A : vector<512x64xf32>
    %add3A_25 = arith.addf %transpose3A_9, %mul3A_24 : vector<512x64xf32>
    %broadcast_in_dim3A_26 = vector.shape_cast %add3A_25 : vector<512x64xf32> to vector<512x1x64xf32>
    %mul3A_27 = vector.broadcast %broadcast_in_dim3A_26 : vector<512x1x64xf32> to vector<512x32x64xf32>
    %mul3A_28 = arith.mulf %reshape3A, %mul3A_27 : vector<512x32x64xf32>
    %reduce_sum3A_29 = arith.constant dense<0.000000e+00> : vector<512x32xf32>
    %reduce_sum3A_30 = vector.multi_reduction <add>, %mul3A_28, %reduce_sum3A_29 [2] : vector<512x32x64xf32> to vector<512x32xf32>
    %add3A_31 = arith.constant 9.99999971E-10 : f32
    %add3A_32 = vector.broadcast %add3A_31 : f32 to vector<512x32xf32>
    %add3A_33 = arith.addf %transpose3A, %add3A_32 : vector<512x32xf32>
    %log3A = math.log %add3A_33 : vector<512x32xf32>
    %mul3A_34 = arith.constant 0.990909099 : f32
    %mul3A_35 = vector.broadcast %mul3A_34 : f32 to vector<512x32xf32>
    %mul3A_36 = arith.mulf %mul3A_35, %reduce_sum3A_30 : vector<512x32xf32>
    %sub3A_37 = arith.subf %log3A, %mul3A_36 : vector<512x32xf32>
    %reduce_max3A = arith.constant dense<0xFF800000> : vector<512xf32>
    %reduce_max3A_38 = vector.multi_reduction <maximumf>, %sub3A_37, %reduce_max3A [1] : vector<512x32xf32> to vector<512xf32>
    %broadcast_in_dim3A_39 = vector.shape_cast %reduce_max3A_38 : vector<512xf32> to vector<512x1xf32>
    %sub3A_40 = vector.broadcast %broadcast_in_dim3A_39 : vector<512x1xf32> to vector<512x32xf32>
    %sub3A_41 = arith.subf %sub3A_37, %sub3A_40 : vector<512x32xf32>
    %exp3A = math.exp %sub3A_41 : vector<512x32xf32>
    %reduce_sum3A_42 = arith.constant dense<0.000000e+00> : vector<512xf32>
    %reduce_sum3A_43 = vector.multi_reduction <add>, %exp3A, %reduce_sum3A_42 [1] : vector<512x32xf32> to vector<512xf32>
    %broadcast_in_dim3A_44 = vector.shape_cast %reduce_sum3A_43 : vector<512xf32> to vector<512x1xf32>
    %div3A = vector.broadcast %broadcast_in_dim3A_44 : vector<512x1xf32> to vector<512x32xf32>
    %div3A_45 = arith.divf %exp3A, %div3A : vector<512x32xf32>
    %broadcast_in_dim3A_46 = vector.shape_cast %div3A_45 : vector<512x32xf32> to vector<512x32x1xf32>
    %mul3A_47 = vector.broadcast %broadcast_in_dim3A_46 : vector<512x32x1xf32> to vector<512x32x64xf32>
    %mul3A_48 = arith.mulf %mul3A_47, %reshape3A : vector<512x32x64xf32>
    %reduce_sum3A_49 = arith.constant dense<0.000000e+00> : vector<512x64xf32>
    %reduce_sum3A_50 = vector.multi_reduction <add>, %mul3A_48, %reduce_sum3A_49 [1] : vector<512x32x64xf32> to vector<512x64xf32>
    %sub3A_51 = arith.subf %add3A, %reduce_sum3A_50 : vector<512x64xf32>
    %mul3A_52 = arith.constant 5.000000e-01 : f32
    %mul3A_53 = vector.broadcast %mul3A_52 : f32 to vector<512x64xf32>
    %mul3A_54 = arith.mulf %mul3A_53, %sub3A_51 : vector<512x64xf32>
    %add3A_55 = arith.addf %transpose3A_9, %mul3A_54 : vector<512x64xf32>
    %swap3A = arith.constant 0 : index
    %swap3A_56 = arith.constant 0 : index
    %swap3A_57 = vector.load %arg7[%swap3A, %swap3A_56] : memref<512x32xf32, #tpu.memory_space<vmem>>, vector<512x32xf32>
    tpu.vector_store %arg7[%swap3A, %swap3A_56], %div3A_45 {strides = array<i32>} : memref<512x32xf32, #tpu.memory_space<vmem>>, vector<512x32xf32>,
    %swap3A_58 = arith.constant 0 : index
    %swap3A_59 = arith.constant 0 : index
    %swap3A_60 = vector.load %arg8[%swap3A_58, %swap3A_59] : memref<512x64xf32, #tpu.memory_space<vmem>>, vector<512x64xf32>
    tpu.vector_store %arg8[%swap3A_58, %swap3A_59], %add3A {strides = array<i32>} : memref<512x64xf32, #tpu.memory_space<vmem>>, vector<512x64xf32>,
    %swap3A_61 = arith.constant 0 : index
    %swap3A_62 = arith.constant 0 : index
    %swap3A_63 = vector.load %arg9[%swap3A_61, %swap3A_62] : memref<512x64xf32, #tpu.memory_space<vmem>>, vector<512x64xf32>
    tpu.vector_store %arg9[%swap3A_61, %swap3A_62], %add3A_55 {strides = array<i32>} : memref<512x64xf32, #tpu.memory_space<vmem>>, vector<512x64xf32>,
    %eq3A = arith.constant 0 : i32
    %eq3A_64 = arith.cmpi eq, %arg0, %eq3A : i32
    %convert_element_type3A = arith.extui %eq3A_64 : i1 to i32
    %cond3A = arith.constant 0 : i32
    %cond3A_65 = arith.cmpi ne, %convert_element_type3A, %cond3A : i32
    scf.if %cond3A_65 {
      %swap3A_88 = arith.constant 0.000000e+00 : f32
      %swap3A_89 = arith.constant 0 : index
      %swap3A_90 = arith.constant 0 : index
      %swap3A_91 = memref.load %arg10[%swap3A_89, %swap3A_90] : memref<1x1xf32, #tpu.memory_space<smem>>
      memref.store %swap3A_88, %arg10[%swap3A_89, %swap3A_90] : memref<1x1xf32, #tpu.memory_space<smem>>
    } else {
    }
    %get3A_66 = arith.constant 0 : index
    %get3A_67 = arith.constant 0 : index
    %get3A_68 = memref.load %arg10[%get3A_66, %get3A_67] : memref<1x1xf32, #tpu.memory_space<smem>>
    %mul3A_69 = arith.mulf %sub3A_51, %sub3A_51 : vector<512x64xf32>
    %reduce_sum3A_70 = vector.shape_cast %mul3A_69 : vector<512x64xf32> to vector<1x512x64xf32>
    %reduce_sum3A_71 = arith.constant dense<0.000000e+00> : vector<1xf32>
    %reduce_sum3A_72 = vector.multi_reduction <add>, %reduce_sum3A_70, %reduce_sum3A_71 [1, 2] : vector<1x512x64xf32> to vector<1xf32>
    %reduce_sum3A_73 = vector.shape_cast %reduce_sum3A_72 : vector<1xf32> to vector<1x1x1xf32>
    %reduce_sum3A_74 = vector.extract %reduce_sum3A_73[0, 0, 0] : f32 from vector<1x1x1xf32>
    %mul3A_75 = arith.constant 2.500000e-01 : f32
    %mul3A_76 = arith.mulf %mul3A_75, %reduce_sum3A_74 : f32
    %mul3A_77 = arith.mulf %add3A_55, %sub3A_51 : vector<512x64xf32>
    %reduce_sum3A_78 = vector.shape_cast %mul3A_77 : vector<512x64xf32> to vector<1x512x64xf32>
    %reduce_sum3A_79 = arith.constant dense<0.000000e+00> : vector<1xf32>
    %reduce_sum3A_80 = vector.multi_reduction <add>, %reduce_sum3A_78, %reduce_sum3A_79 [1, 2] : vector<1x512x64xf32> to vector<1xf32>
    %reduce_sum3A_81 = vector.shape_cast %reduce_sum3A_80 : vector<1xf32> to vector<1x1x1xf32>
    %reduce_sum3A_82 = vector.extract %reduce_sum3A_81[0, 0, 0] : f32 from vector<1x1x1xf32>
    %add3A_83 = arith.addf %mul3A_76, %reduce_sum3A_82 : f32
    %add3A_84 = arith.addf %get3A_68, %add3A_83 : f32
    %swap3A_85 = arith.constant 0 : index
    %swap3A_86 = arith.constant 0 : index
    %swap3A_87 = memref.load %arg10[%swap3A_85, %swap3A_86] : memref<1x1xf32, #tpu.memory_space<smem>>
    memref.store %add3A_84, %arg10[%swap3A_85, %swap3A_86] : memref<1x1xf32, #tpu.memory_space<smem>>
    return
  }
  func.func @transform_0(%arg0: i32) -> (i32, i32) {
    %add3A = arith.constant 0 : i32
    %add3A_0 = arith.addi %arg0, %add3A : i32
    %c0_i32 = arith.constant 0 : i32
    %c0_i32_1 = arith.constant 0 : i32
    return %c0_i32, %add3A_0 : i32, i32
  }
  func.func @transform_1(%arg0: i32) -> (i32, i32) {
    %add3A = arith.constant 0 : i32
    %add3A_0 = arith.addi %arg0, %add3A : i32
    %c0_i32 = arith.constant 0 : i32
    %c0_i32_1 = arith.constant 0 : i32
    return %c0_i32, %add3A_0 : i32, i32
  }
  func.func @transform_2(%arg0: i32) -> (i32, i32) {
    %add3A = arith.constant 0 : i32
    %add3A_0 = arith.addi %arg0, %add3A : i32
    %c0_i32 = arith.constant 0 : i32
    %c0_i32_1 = arith.constant 0 : i32
    return %c0_i32, %add3A_0 : i32, i32
  }
  func.func @transform_3(%arg0: i32) -> (i32, i32) {
    %add3A = arith.constant 0 : i32
    %add3A_0 = arith.addi %arg0, %add3A : i32
    %c0_i32 = arith.constant 0 : i32
    %c0_i32_1 = arith.constant 0 : i32
    return %c0_i32, %add3A_0 : i32, i32
  }
  func.func @transform_4(%arg0: i32) -> (i32, i32) {
    %c0_i32 = arith.constant 0 : i32
    %c0_i32_0 = arith.constant 0 : i32
    %c0_i32_1 = arith.constant 0 : i32
    return %c0_i32, %c0_i32_0 : i32, i32
  }
  func.func @transform_5(%arg0: i32) -> (i32, i32) {
    %c0_i32 = arith.constant 0 : i32
    %c0_i32_0 = arith.constant 0 : i32
    return %arg0, %c0_i32 : i32, i32
  }
  func.func @transform_6(%arg0: i32) -> (i32, i32) {
    %c0_i32 = arith.constant 0 : i32
    %c0_i32_0 = arith.constant 0 : i32
    return %arg0, %c0_i32 : i32, i32
  }
  func.func @transform_7(%arg0: i32) -> (i32, i32) {
    %c0_i32 = arith.constant 0 : i32
    %c0_i32_0 = arith.constant 0 : i32
    return %arg0, %c0_i32 : i32, i32
  }
  func.func @transform_8(%arg0: i32) -> (i32, i32) {
    %c0_i32 = arith.constant 0 : i32
    %c0_i32_0 = arith.constant 0 : i32
    return %arg0, %c0_i32 : i32, i32
  }
  func.func @transform_9(%arg0: i32) -> (i32, i32) {
    %c0_i32 = arith.constant 0 : i32
    %c0_i32_0 = arith.constant 0 : i32
    %c0_i32_1 = arith.constant 0 : i32
    return %c0_i32, %c0_i32_0 : i32, i32
  }
}

</mosaic_0001>

<sc_bundles>
// kernel: kernel.11.cloned.1.call-start
scs
__scs_entry_jumppad:
0x0: {  	(pc) =	sbr.rel $0x88, $3  }
0x1: {  	(tag) =	ssettag $0x0;
	lr =	simm.s32 $0x1  }
0x2: {  	[smem:$0x3F9A] =	sst lr;
	_ =	strace $0xD0000000  }
0x3: {  	_ = 	snop  }
0x4: {  	_ = 	snop  }
0x5: {  	_ = 	snop  }
0x6: {  	_ = 	snop  }
0x7: {  	_ = 	snop  }
__scs_overlays_trampoline_lowered:
0x8: {  	[smem:$0x3FA9] =	sst s0  }
0x9: {  	[smem:$0x3FAA] =	sst s1  }
0xa: {  	[smem:$0x3FAB] =	sst s2  }
0xb: {  	[smem:$0x3FAC] =	sst s3  }
0xc: {  	[smem:$0x3FAD] =	sst s4  }
0xd: {  	[smem:$0x3FAE] =	sst s5  }
0xe: {  	[smem:$0x3FAF] =	sst s6  }
0xf: {  	[smem:$0x3FB0] =	sst s7  }
0x10: {  	[smem:$0x3FB1] =	sst s8  }
0x11: {  	[smem:$0x3FB2] =	sst s9;
	s0 =	simm.s32 @!p0 $0x0  }
0x12: {  	s1 =	sld [smem:$0x3F98];
	s0 =	simm.s32 @p0 $0x1  }
0x13: {  	[smem:$0x3FB3] =	sst s0;
	s0 =	simm.s32 @!p1 $0x0  }
0x14: {  	s2 =	sld [smem:$0x3F97];
	s0 =	simm.s32 @p1 $0x1  }
0x15: {  	[smem:$0x3FB4] =	sst s0;
	s0 =	simm.s32 @!p2 $0x0  }
0x16: {  	s3 =	sld [smem:$0x3FDB];
	s0 =	simm.s32 @p2 $0x1  }
0x17: {  	s4 =	simm.s32 $0x1BF5;
	[smem:$0x3FB6] =	sst s0  }
0x18: {  	s0 =	sld [smem:$0x3F99];
	_ =	swait.ge [sflag:s4], $0x0  }
0x19: {  	s7 =	sld [smem:$0x3F9A]  }
0x1a: {  	s8 =	sadd.s32 $0xFFFFE003, lr  }
0x1b: {  	s9 =	sadd.s32 $0xFFFFFEF7, lr;
	s5 =	simm.s32 $0xFFFFFFFF;
	p2 =	slt.u32 s8, $0xFFFFF086  }
0x1c: {  	p1 =	slt.u32 s9, $0xF7A;
	s5 =	simm.s32 @!p2 $0x0  }
0x1d: {  	s5 =	simm.s32 @p1 $0x1;
	p0 =	seq.s32 s7, s2  }
0x1e: {  	s7 =	smul.u32 @!p0 $0xF7A, s2;
	p2 =	seq.s32 @!p0 s5, $0x0  }
0x1f: {  	s9 =	smul.u32 $0xF7A, s1;
	s8 =	simm.s32 @!p0 $0x1BF5;
	p2 =	por !p2, p0  }
0x20: {  	[sflag:s8] =	ssyncset.s32 @!p0 $0xFFFFF086;
	s6 =	sadd.s32 @!p0 s3, s7;
	s7 =	simm.s32 @!p0 $0x108  }
0x21: {  	s3 =	sadd.s32 s3, s9;
	s6 =	sadd.s32 @!p0 $0x88, s6;
	s7 =	simm.s32 @p2 $0x1082  }
0x22: {  	[simem:s7], [sflag:s8] =	dma.local @!p0 [hbm:s6], $0xF7A  }
0x23: {  	s9 =	sor.u32 $0xD0000000, s2;
	s6 =	simm.s32 $0x108;
	_ =	swait.ge @!p0 [sflag:s8], $0x0  }
0x24: {  	s3 =	sadd.s32 $0x88, s3;
	s6 =	simm.s32 @!p1 $0x1082;
	[sflag:s4] =	ssyncset.s32 $0xFFFFF086  }
0x25: {  	[simem:s6], [sflag:s4] =	dma.local [hbm:s3], $0xF7A  }
0x26: {  	[smem:$0x3F9A] =	sst s1;
	(tag) =	ssettag s2;
	_ =	strace s9  }
0x27: {  	s1 =	sld [smem:$0x3FAA]  }
0x28: {  	s2 =	sld [smem:$0x3FAB]  }
0x29: {  	s4 =	sld [smem:$0x3FAD]  }
0x2a: {  	p0 =	seq.s32 s5, $0x0;
	s5 =	sld [smem:$0x3FAE]  }
0x2b: {  	s6 =	sld [smem:$0x3FAF]  }
0x2c: {  	s7 =	sld [smem:$0x3FB0]  }
0x2d: {  	s3 =	simm.s32 $0x108;
	s8 =	sld [smem:$0x3FB1]  }
0x2e: {  	s3 =	simm.s32 @!p0 $0x1082;
	s9 =	sld [smem:$0x3FB2]  }
0x2f: {  	lr =	sadd.s32 s0, s3;
	s0 =	sld [smem:$0x3FA9]  }
0x30: {  	s3 =	sld [smem:$0x3FAC]  }
0x31: {  	[smem:$0x3FB5] =	sst s10  }
0x32: {  	s10 =	sld [smem:$0x3FB3];
	_ =	sdelay $0x3  }
0x33: {  	p0 =	seq.s32 s10, $0x1;
	s10 =	sld [smem:$0x3FB5];
	_ =	sdelay $0x3  }
0x34: {  	[smem:$0x3FB5] =	sst s10  }
0x35: {  	s10 =	sld [smem:$0x3FB4];
	_ =	sdelay $0x3  }
0x36: {  	p1 =	seq.s32 s10, $0x1;
	s10 =	sld [smem:$0x3FB5];
	_ =	sdelay $0x3  }
0x37: {  	[smem:$0x3FB5] =	sst s10  }
0x38: {  	s10 =	sld [smem:$0x3FB6]  }
0x39: {  	_ = 	snop;
	(pc) =	sbr.ind lr, $3  }
0x3a: {  	_ = 	snop  }
0x3b: {  	_ = 	snop  }
0x3c: {  	p2 =	seq.s32 s10, $0x1;
	s10 =	sld [smem:$0x3FB5]  }
0x3d: {  	_ =	shalt  }
0x3e: {  	_ =	shalt  }
0x3f: {  	_ =	shalt  }
0x40: {  	_ =	shalt  }
0x41: {  	_ =	shalt  }
0x42: {  	_ =	shalt  }
0x43: {  	_ =	shalt  }
0x44: {  	_ =	shalt  }
0x45: {  	_ =	shalt  }
0x46: {  	_ =	shalt  }
0x47: {  	_ =	shalt  }
0x48: {  	_ =	shalt  }
0x49: {  	_ =	shalt  }
0x4a: {  	_ =	shalt  }
0x4b: {  	_ =	shalt  }
0x4c: {  	_ =	shalt  }
0x4d: {  	_ =	shalt  }
0x4e: {  	_ =	shalt  }
0x4f: {  	_ =	shalt  }
0x50: {  	_ =	shalt  }
0x51: {  	_ =	shalt  }
0x52: {  	_ =	shalt  }
0x53: {  	_ =	shalt  }
0x54: {  	_ =	shalt  }
0x55: {  	_ =	shalt  }
0x56: {  	_ =	shalt  }
0x57: {  	_ =	shalt  }
0x58: {  	_ =	shalt  }
0x59: {  	_ =	shalt  }
0x5a: {  	_ =	shalt  }
0x5b: {  	_ =	shalt  }
0x5c: {  	_ =	shalt  }
0x5d: {  	_ =	shalt  }
0x5e: {  	_ =	shalt  }
0x5f: {  	_ =	shalt  }
0x60: {  	_ =	shalt  }
0x61: {  	_ =	shalt  }
0x62: {  	_ =	shalt  }
0x63: {  	_ =	shalt  }
0x64: {  	_ =	shalt  }
0x65: {  	_ =	shalt  }
0x66: {  	_ =	shalt  }
0x67: {  	_ =	shalt  }
0x68: {  	_ =	shalt  }
0x69: {  	_ =	shalt  }
0x6a: {  	_ =	shalt  }
0x6b: {  	_ =	shalt  }
0x6c: {  	_ =	shalt  }
0x6d: {  	_ =	shalt  }
0x6e: {  	_ =	shalt  }
0x6f: {  	_ =	shalt  }
0x70: {  	_ =	shalt  }
0x71: {  	_ =	shalt  }
0x72: {  	_ =	shalt  }
0x73: {  	_ =	shalt  }
0x74: {  	_ =	shalt  }
0x75: {  	_ =	shalt  }
0x76: {  	_ =	shalt  }
0x77: {  	_ =	shalt  }
0x78: {  	_ =	shalt  }
0x79: {  	_ =	shalt  }
0x7a: {  	_ =	shalt  }
0x7b: {  	_ =	shalt  }
0x7c: {  	_ =	shalt  }
0x7d: {  	_ =	shalt  }
0x7e: {  	_ =	shalt  }
0x7f: {  	_ =	shalt  }
0x80: {  	_ =	shalt  }
0x81: {  	_ =	shalt  }
0x82: {  	_ =	shalt  }
0x83: {  	_ =	shalt  }
0x84: {  	_ =	shalt  }
0x85: {  	_ =	shalt  }
0x86: {  	_ =	shalt  }
0x87: {  	_ =	shalt  }
.Lfunc_end0:
.L_simem_size_0:
called_computation.1_lowered:
.L_overlay_start_0:
0x88: {  	s2 =	sld [smem:$0x3FD9]  }
0x89: {  	s3 =	sld [smem:$0x3FFE];
	_ =	sdelay $0x1  }
0x8a: {  	s1 =	srdreg.scid  }
0x8b: {  	s0 =	sand.u32 $0x1, s1  }
0x8c: {  	s14 =	sshll.u32 s0, $0xA;
	s2 =	sadd.s32 s3, s2  }
0x8d: {  	s2 =	sadd.s32 s2, s14  }
0x8e: {  	[smem:$0x3FC1] =	sst s2  }
0x8f: {  	_ = 	snop  }
0x90: {  	s2 =	sld [smem:$0x3FD0];
	_ =	sdelay $0x2  }
0x91: {  	s15 =	simm.s32 $0xB;
	s4 =	simm.s32 $0x10  }
0x92: {  	[smem:s4], [sflag:s15] =	dma.local [hbm:s2], $0x1  }
0x93: {  	_ =	swait.eq [sflag:s15], $0x1  }
0x94: {  	[sflag:s15] =	ssyncset.done $0x0  }
0x95: {  	[sflag:s15] =	ssyncadd.s32 $0xFFFFFFFF  }
0x96: {  	s16 =	sld [smem:$0x10];
	(tm) =	ssettm $0x1  }
0x97: {  	s17 =	sld [smem:$0x3FFB];
	_ =	sdelay $0x3  }
0x98: {  	_ =	strace s17  }
0x99: {  	s3 =	sld [smem:$0x3FFC];
	_ =	sdelay $0x3  }
0x9a: {  	_ =	strace s3  }
0x9b: {  	s3 =	sld [smem:$0x3FFD];
	_ =	sdelay $0x3  }
0x9c: {  	_ =	strace s3  }
0x9d: {  	_ =	strace $0x8FFFFFFF  }
0x9e: {  	s18 =	sld [smem:$0x3FDB];
	_ =	sdelay $0x1  }
0x9f: {  	s19 =	simm.s32 $_scs_section_size  }
0xa0: {  	s5 =	simm.s32 $_size__tile_overlayer_lowered;
	s6 =	simm.s32 $_tile_overlayer_lowered  }
0xa1: {  	s22 =	simm.s32 $0x1BFF;
	s21 =	sshll.u32 s6, $0x1;
	s3 =	sadd.s32 s19, s18  }
0xa2: {  	s7 =	simm.s32 $0x0;
	s20 =	sshll.u32 s5, $0x1;
	s5 =	sadd.s32 s21, s3  }
0xa3: {  	[timem:s7], [sflag:s22] =	dma.local [hbm:s5], s20  }
0xa4: {  	_ =	swait.ge [sflag:s22], s20  }
0xa5: {  	s4 =	ssub.s32 $0x0, s20;
	[sflag:s22] =	ssyncset.done $0x0  }
0xa6: {  	[sflag:s22] =	ssyncadd.s32 s4;
	_ =	sdelay $0x1  }
0xa7: {  	s23 =	simm.s32 $0x1B8B  }
0xa8: {  	_ =	swait.ge [sflag:s23], $0x1  }
0xa9: {  	[sflag:s23] =	ssyncset.done $0x0  }
0xaa: {  	s25 =	simm.s32 $0x1B8E;
	s24 =	sld [smem:$0x3FFE];
	[sflag:s23] =	ssyncadd.s32 $0xFFFFFFFF  }
0xab: {  	s26 =	simm.s32 $execute0_lowered;
	[smem:$0x3FD2] =	sst s25  }
0xac: {  	s5 =	sshll.u32 s26, $0x1;
	_ =	strace $0x80000046;
	[dreg:$0x1] =	wrdreg $0xFFFFFFFF  }
0xad: {  	s28 =	simm.s32 $_size_execute0_lowered;
	s3 =	sadd.s32 s3, s5;
	[dreg:$0x0] =	wrdreg $0x0  }
0xae: {  	s5 =	sshll.u32 s28, $0x1;
	[dreg:$0x2] =	wrdreg s3  }
0xaf: {  	[dreg:$0x3] =	wrdreg s5  }
0xb0: {  	[dreg:$0x4] =	wrdreg $0xC0  }
0xb1: {  	_ =	task [dreg:s7], $0x5FFFF  }
0xb2: {  	[dreg:$0x1] =	wrdreg $0xFFFFFFFF  }
0xb3: {  	[dreg:$0x0] =	wrdreg $0x60  }
0xb4: {  	[dreg:$0x2] =	wrdreg s16  }
0xb5: {  	[dreg:$0x3] =	wrdreg s24  }
0xb6: {  	[dreg:$0x4] =	wrdreg $0xA  }
0xb7: {  	_ =	task.clear_ibuf [dreg:s7], $0x5FFFF;
	_ =	strace $0x90000046  }
0xb8: {  	s29 =	simm.s32 $0xA;
	_ =	strace $0x80000048  }
0xb9: {  	_ =	swait.ge [sflag:s29], $0x1  }
0xba: {  	[sflag:s29] =	ssyncadd.s32 $0xFFFFFFFF  }
0xbb: {  	_ =	strace $0x90000048  }
0xbc: {  	_ =	sfence  }
0xbd: {  	s30 =	sld [smem:$0x0];
	_ =	sdelay $0x2  }
0xbe: {  	s31 =	sshll.u32 s1, $0xD;
	s1 =	sshrl.u32 s1, $0x2  }
0xbf: {  	s3 =	sand.u32 $0x4000, s31;
	s1 =	sadd.s32 s1, s30  }
0xc0: {  	s0 =	sor.u32 s3, s0;
	s1 =	sshll.u32 s1, $0x11  }
0xc1: {  	s0 =	sor.u32 s1, s0  }
0xc2: {  	s0 =	sadd.s32 $0x8F2B, s0  }
0xc3: {  	[sflag:s0] =	ssyncadd.remote.s32 $0x1  }
0xc4: {  	_ =	sfence.sel $0xFFFF  }
0xc5: {  	[dreg:$0x0] =	wrdreg $0xFFFFFFFF;
	(pc) =	sbr.abs _section_cstart, $3  }
0xc6: {  	[dreg:$0x1] =	wrdreg $0xFFFFFFFF  }
0xc7: {  	_ =	task.clear_ibuf [dreg:s7], $0x2FFFF;
	_ =	strace $0x9FFFFFFF  }
0xc8: {  	(tm) =	ssettm $0x7FFFFFFF  }
0xc9: {  	_ =	shalt  }
tec
execute0_lowered:
.L_overlay_start_1:
0x0: {  	(tag) =	ssettag $0x1  }
0x1: {  	s0 =	srdreg.scid;
	s1 =	rddreg [dreg:$0x0]  }
0x2: {  	s18 =	stileid.u32;
	s3 =	rddreg [dreg:$0x1]  }
0x3: {  	s23 =	simm.s32 $0x0;
	s0 =	sand.u32 $0x1, s0;
	s2 =	sshll.u32 s18, $0x1  }
0x4: {  	s24 =	simm.s32 $0x100;
	[smem:$0x7FF] =	sst s23;
	s2 =	sor.u32 s0, s2  }
0x5: {  	s25 =	simm.s32 $0x180;
	_ =	strace $0x80000047;
	s4 =	sshll.u32 s2, $0x9  }
0x6: {  	[dreg:$0x14] =	wrdreg s24;
	s2 =	sshll.u32 s2, $0x4;
	s1 =	sadd.s32 s4, s1  }
0x7: {  	[dreg:$0x15] =	wrdreg s25;
	s26 =	sadd.s32 s2, s3;
	s1 =	sadd.s32 $0x100, s1  }
0x8: {  	s5 =	sadd.s32 $0xC5000, s26;
	[dreg:$0x3] =	wrdreg s1  }
0x9: {  	s31 =	simm.s32 $0x9;
	s6 =	sadd.s32 $0xD5000, s26;
	[dreg:$0x4] =	wrdreg s5  }
0xa: {  	s30 =	simm.s32 $0x300;
	s7 =	sadd.s32 $0xE5000, s26;
	[dreg:$0x5] =	wrdreg s6  }
0xb: {  	s29 =	simm.s32 $0x380;
	s8 =	sadd.s32 $0xF5000, s26;
	[dreg:$0x6] =	wrdreg s7  }
0xc: {  	s28 =	simm.s32 $0x400;
	s9 =	sadd.s32 $0x105000, s26;
	[dreg:$0x7] =	wrdreg s8  }
0xd: {  	p0 =	por $0x0, $0x0;
	s10 =	sadd.s32 $0x115000, s26;
	[dreg:$0x8] =	wrdreg s9  }
0xe: {  	s0 =	ssub.s32 $0x2, s0;
	s11 =	sadd.s32 $0x125000, s26;
	[dreg:$0x9] =	wrdreg s10  }
0xf: {  	s25 =	simm.s32 $0x500;
	s12 =	sadd.s32 $0x135000, s26;
	[dreg:$0xa] =	wrdreg s11  }
0x10: {  	s24 =	simm.s32 $0x580;
	s13 =	sadd.s32 $0x145000, s26;
	[dreg:$0xb] =	wrdreg s12  }
0x11: {  	s20 =	sshrl.u32 s0, $0x1;
	s14 =	sadd.s32 $0x155000, s26;
	[dreg:$0xc] =	wrdreg s13  }
0x12: {  	s2 =	sadd.s32 $0x1A00, s3;
	s15 =	sadd.s32 $0x165000, s26;
	[dreg:$0xd] =	wrdreg s14  }
0x13: {  	s0 =	ssub.s32 s0, s20;
	s16 =	sadd.s32 $0x175000, s26;
	[dreg:$0xe] =	wrdreg s15  }
0x14: {  	s3 =	simm.s32 $0x6800;
	s17 =	sadd.s32 $0x185000, s26;
	[dreg:$0xf] =	wrdreg s16  }
0x15: {  	s4 =	simm.s32 $0x40;
	s19 =	sadd.s32 $0x195000, s26;
	[dreg:$0x10] =	wrdreg s17  }
0x16: {  	s20 =	simm.s32 $0x700;
	s21 =	sadd.s32 $0x1A5000, s26;
	[dreg:$0x11] =	wrdreg s19  }
0x17: {  	s22 =	sadd.s32 $0x1B5000, s26;
	s0 =	smax.u32 s0, $0x1;
	[dreg:$0x12] =	wrdreg s21  }
0x18: {  	s26 =	simm.s32 $0x200;
	[dreg:$0x13] =	wrdreg s22;
	s13 =	simm.s32 $0x80  }
0x19: {  	s12 =	simm.s32 $0x800;
	s11 =	simm.s32 $0x2800;
	s9 =	simm.s32 $0x4800  }
0x1a: {  	s16 =	simm.s32 $0x1;
	s10 =	simm.s32 $0x1000;
	p1 =	sne.s32 s0, $0x1  }
.Ltmp0:
0x1b: {  	s5 =	simm.s32 $0x5;
	[dreg:$0x16] =	wrdreg s26;
	(pc) =	sbr.rel @!p1 .LBB2_1-.Ltmp0, $4  }
0x1c: {  	s17 =	simm.s32 $0x2;
	s6 =	simm.s32 $0x6;
	s15 =	simm.s32 $0x3  }
0x1d: {  	s7 =	simm.s32 $0x7;
	s14 =	simm.s32 $0x4;
	s8 =	simm.s32 $0x8  }
0x1e: {  	s26 =	simm.s32 $0x480;
	s1 =	sadd.s32 $0xFFFFFFFF, s0;
	s22 =	simm.s32 $0x600  }
0x1f: {  	s21 =	simm.s32 $0x680;
	s19 =	simm.s32 $0x780;
	s0 =	rddreg [dreg:$0x3]  }
0x20: {  	[tilespmem:s23], [sflag:$0x9] =	stream.linear.gather [hbm4b:s0+s23], $0x800, $0x38;
	[tilespmem:$0x8800] =	vst v63  }
0x21: {  	_ =	swait.ge [sflag:s31], $0x800  }
0x22: {  	[sflag:s31] =	ssyncset.done $0x0  }
0x23: {  	[sflag:s31] =	ssyncadd.s32 $0xFFFFF800  }
0x24: {  	[tilespmem:s12], [sflag:$0x1] =	stream.indirect.gather [hbm4b:s2+s13], $0x40, s23, s13, $0xb8;
	[tilespmem:$0x8800] =	vst v63  }
0x25: {  	_ = 	snop  }
0x26: {  	[tilespmem:s11], [sflag:$0x2] =	stream.indirect.gather [hbm4b:s2+s13], $0x40, s13, s13, $0xb8;
	[tilespmem:$0x8800] =	vst v63  }
0x27: {  	s0 =	rddreg [dreg:$0x14]  }
0x28: {  	[tilespmem:s9], [sflag:$0x3] =	stream.indirect.gather [hbm4b:s2+s13], $0x40, s0, s13, $0xb8;
	[tilespmem:$0x8800] =	vst v63  }
0x29: {  	s18 =	smov.u32 s1;
	s1 =	rddreg [dreg:$0x15]  }
0x2a: {  	[tilespmem:s3], [sflag:$0x4] =	stream.indirect.gather [hbm4b:s2+s13], $0x40, s1, s13, $0xb8;
	[tilespmem:$0x8800] =	vst v63  }
0x2b: {  	_ =	swait.ge [sflag:s16], $0x2000  }
0x2c: {  	[sflag:s16] =	ssyncset.done $0x0  }
0x2d: {  	s1 =	rddreg [dreg:$0x4];
	[sflag:s16] =	ssyncadd.s32 $0xFFFFE000  }
0x2e: {  	[hbm4b:s1+s4] =	stream.strided.scatter [tilespmem:s12], [sflag:$0x5], $0x2000, s10, s4, $0x38;
	[tilespmem:$0x8800] =	vst v63  }
0x2f: {  	_ =	swait.ge [sflag:s5], $0x2000  }
0x30: {  	[sflag:s5] =	ssyncset.done $0x0  }
0x31: {  	s1 =	rddreg [dreg:$0x16];
	[sflag:s5] =	ssyncadd.s32 $0xFFFFE000  }
0x32: {  	[tilespmem:s12], [sflag:$0x1] =	stream.indirect.gather [hbm4b:s2+s13], $0x40, s1, s13, $0xb8;
	[tilespmem:$0x8800] =	vst v63  }
0x33: {  	_ =	swait.ge [sflag:s17], $0x2000  }
0x34: {  	[sflag:s17] =	ssyncset.done $0x0  }
0x35: {  	s1 =	rddreg [dreg:$0x5];
	[sflag:s17] =	ssyncadd.s32 $0xFFFFE000  }
0x36: {  	[hbm4b:s1+s4] =	stream.strided.scatter [tilespmem:s11], [sflag:$0x6], $0x2000, s10, s4, $0x38;
	[tilespmem:$0x8800] =	vst v63  }
0x37: {  	_ =	swait.ge [sflag:s6], $0x2000  }
0x38: {  	[sflag:s6] =	ssyncset.done $0x0  }
0x39: {  	s1 =	simm.s32 $0x280;
	[sflag:s6] =	ssyncadd.s32 $0xFFFFE000  }
0x3a: {  	[tilespmem:s11], [sflag:$0x2] =	stream.indirect.gather [hbm4b:s2+s13], $0x40, s1, s13, $0xb8;
	[tilespmem:$0x8800] =	vst v63  }
0x3b: {  	_ =	swait.ge [sflag:s15], $0x2000  }
0x3c: {  	[sflag:s15] =	ssyncset.done $0x0  }
0x3d: {  	s1 =	rddreg [dreg:$0x6];
	[sflag:s15] =	ssyncadd.s32 $0xFFFFE000  }
0x3e: {  	[hbm4b:s1+s4] =	stream.strided.scatter [tilespmem:s9], [sflag:$0x7], $0x2000, s10, s4, $0x38;
	[tilespmem:$0x8800] =	vst v63  }
0x3f: {  	_ =	swait.ge [sflag:s7], $0x2000  }
0x40: {  	[sflag:s7] =	ssyncset.done $0x0  }
0x41: {  	[sflag:s7] =	ssyncadd.s32 $0xFFFFE000  }
0x42: {  	[tilespmem:s9], [sflag:$0x3] =	stream.indirect.gather [hbm4b:s2+s13], $0x40, s30, s13, $0xb8;
	[tilespmem:$0x8800] =	vst v63  }
0x43: {  	_ =	swait.ge [sflag:s14], $0x2000  }
0x44: {  	[sflag:s14] =	ssyncset.done $0x0  }
0x45: {  	s1 =	rddreg [dreg:$0x7];
	[sflag:s14] =	ssyncadd.s32 $0xFFFFE000  }
0x46: {  	[hbm4b:s1+s4] =	stream.strided.scatter [tilespmem:s3], [sflag:$0x8], $0x2000, s10, s4, $0x38;
	[tilespmem:$0x8800] =	vst v63  }
0x47: {  	_ =	swait.ge [sflag:s8], $0x2000  }
0x48: {  	[sflag:s8] =	ssyncset.done $0x0  }
0x49: {  	[sflag:s8] =	ssyncadd.s32 $0xFFFFE000  }
0x4a: {  	[tilespmem:s3], [sflag:$0x4] =	stream.indirect.gather [hbm4b:s2+s13], $0x40, s29, s13, $0xb8;
	[tilespmem:$0x8800] =	vst v63  }
0x4b: {  	_ =	swait.ge [sflag:s16], $0x2000  }
0x4c: {  	[sflag:s16] =	ssyncset.done $0x0  }
0x4d: {  	s1 =	rddreg [dreg:$0x8];
	[sflag:s16] =	ssyncadd.s32 $0xFFFFE000  }
0x4e: {  	[hbm4b:s1+s4] =	stream.strided.scatter [tilespmem:s12], [sflag:$0x5], $0x2000, s10, s4, $0x38;
	[tilespmem:$0x8800] =	vst v63  }
0x4f: {  	_ =	swait.ge [sflag:s5], $0x2000  }
0x50: {  	[sflag:s5] =	ssyncset.done $0x0  }
0x51: {  	[sflag:s5] =	ssyncadd.s32 $0xFFFFE000  }
0x52: {  	[tilespmem:s12], [sflag:$0x1] =	stream.indirect.gather [hbm4b:s2+s13], $0x40, s28, s13, $0xb8;
	[tilespmem:$0x8800] =	vst v63  }
0x53: {  	_ =	swait.ge [sflag:s17], $0x2000  }
0x54: {  	[sflag:s17] =	ssyncset.done $0x0  }
0x55: {  	s1 =	rddreg [dreg:$0x9];
	[sflag:s17] =	ssyncadd.s32 $0xFFFFE000  }
0x56: {  	[hbm4b:s1+s4] =	stream.strided.scatter [tilespmem:s11], [sflag:$0x6], $0x2000, s10, s4, $0x38;
	[tilespmem:$0x8800] =	vst v63  }
0x57: {  	_ =	swait.ge [sflag:s6], $0x2000  }
0x58: {  	[sflag:s6] =	ssyncset.done $0x0  }
0x59: {  	[sflag:s6] =	ssyncadd.s32 $0xFFFFE000  }
0x5a: {  	[tilespmem:s11], [sflag:$0x2] =	stream.indirect.gather [hbm4b:s2+s13], $0x40, s26, s13, $0xb8;
	[tilespmem:$0x8800] =	vst v63  }
0x5b: {  	_ =	swait.ge [sflag:s15], $0x2000  }
0x5c: {  	[sflag:s15] =	ssyncset.done $0x0  }
0x5d: {  	s1 =	rddreg [dreg:$0xa];
	[sflag:s15] =	ssyncadd.s32 $0xFFFFE000  }
0x5e: {  	[hbm4b:s1+s4] =	stream.strided.scatter [tilespmem:s9], [sflag:$0x7], $0x2000, s10, s4, $0x38;
	[tilespmem:$0x8800] =	vst v63  }
0x5f: {  	_ =	swait.ge [sflag:s7], $0x2000  }
0x60: {  	[sflag:s7] =	ssyncset.done $0x0  }
0x61: {  	[sflag:s7] =	ssyncadd.s32 $0xFFFFE000  }
0x62: {  	[tilespmem:s9], [sflag:$0x3] =	stream.indirect.gather [hbm4b:s2+s13], $0x40, s25, s13, $0xb8;
	[tilespmem:$0x8800] =	vst v63  }
0x63: {  	_ =	swait.ge [sflag:s14], $0x2000  }
0x64: {  	[sflag:s14] =	ssyncset.done $0x0  }
0x65: {  	s1 =	rddreg [dreg:$0xb];
	[sflag:s14] =	ssyncadd.s32 $0xFFFFE000  }
0x66: {  	[hbm4b:s1+s4] =	stream.strided.scatter [tilespmem:s3], [sflag:$0x8], $0x2000, s10, s4, $0x38;
	[tilespmem:$0x8800] =	vst v63  }
0x67: {  	_ =	swait.ge [sflag:s8], $0x2000  }
0x68: {  	[sflag:s8] =	ssyncset.done $0x0  }
0x69: {  	[sflag:s8] =	ssyncadd.s32 $0xFFFFE000  }
0x6a: {  	[tilespmem:s3], [sflag:$0x4] =	stream.indirect.gather [hbm4b:s2+s13], $0x40, s24, s13, $0xb8;
	[tilespmem:$0x8800] =	vst v63  }
0x6b: {  	_ =	swait.ge [sflag:s16], $0x2000  }
0x6c: {  	[sflag:s16] =	ssyncset.done $0x0  }
0x6d: {  	s1 =	rddreg [dreg:$0xc];
	[sflag:s16] =	ssyncadd.s32 $0xFFFFE000  }
0x6e: {  	[hbm4b:s1+s4] =	stream.strided.scatter [tilespmem:s12], [sflag:$0x5], $0x2000, s10, s4, $0x38;
	[tilespmem:$0x8800] =	vst v63  }
0x6f: {  	_ =	swait.ge [sflag:s5], $0x2000  }
0x70: {  	[sflag:s5] =	ssyncset.done $0x0  }
0x71: {  	[sflag:s5] =	ssyncadd.s32 $0xFFFFE000  }
0x72: {  	[tilespmem:s12], [sflag:$0x1] =	stream.indirect.gather [hbm4b:s2+s13], $0x40, s22, s13, $0xb8;
	[tilespmem:$0x8800] =	vst v63  }
0x73: {  	_ =	swait.ge [sflag:s17], $0x2000  }
0x74: {  	[sflag:s17] =	ssyncset.done $0x0  }
0x75: {  	s1 =	rddreg [dreg:$0xd];
	[sflag:s17] =	ssyncadd.s32 $0xFFFFE000  }
0x76: {  	[hbm4b:s1+s4] =	stream.strided.scatter [tilespmem:s11], [sflag:$0x6], $0x2000, s10, s4, $0x38;
	[tilespmem:$0x8800] =	vst v63  }
0x77: {  	_ =	swait.ge [sflag:s6], $0x2000  }
0x78: {  	[sflag:s6] =	ssyncset.done $0x0  }
0x79: {  	[sflag:s6] =	ssyncadd.s32 $0xFFFFE000  }
0x7a: {  	[tilespmem:s11], [sflag:$0x2] =	stream.indirect.gather [hbm4b:s2+s13], $0x40, s21, s13, $0xb8;
	[tilespmem:$0x8800] =	vst v63  }
0x7b: {  	_ =	swait.ge [sflag:s15], $0x2000  }
0x7c: {  	[sflag:s15] =	ssyncset.done $0x0  }
0x7d: {  	s1 =	rddreg [dreg:$0xe];
	[sflag:s15] =	ssyncadd.s32 $0xFFFFE000  }
0x7e: {  	[hbm4b:s1+s4] =	stream.strided.scatter [tilespmem:s9], [sflag:$0x7], $0x2000, s10, s4, $0x38;
	[tilespmem:$0x8800] =	vst v63  }
0x7f: {  	_ =	swait.ge [sflag:s7], $0x2000  }
0x80: {  	[sflag:s7] =	ssyncset.done $0x0  }
0x81: {  	[sflag:s7] =	ssyncadd.s32 $0xFFFFE000  }
0x82: {  	[tilespmem:s9], [sflag:$0x3] =	stream.indirect.gather [hbm4b:s2+s13], $0x40, s20, s13, $0xb8;
	[tilespmem:$0x8800] =	vst v63  }
0x83: {  	_ =	swait.ge [sflag:s14], $0x2000  }
0x84: {  	[sflag:s14] =	ssyncset.done $0x0  }
0x85: {  	s1 =	rddreg [dreg:$0xf];
	[sflag:s14] =	ssyncadd.s32 $0xFFFFE000  }
0x86: {  	[hbm4b:s1+s4] =	stream.strided.scatter [tilespmem:s3], [sflag:$0x8], $0x2000, s10, s4, $0x38;
	[tilespmem:$0x8800] =	vst v63  }
0x87: {  	_ =	swait.ge [sflag:s8], $0x2000  }
0x88: {  	[sflag:s8] =	ssyncset.done $0x0  }
0x89: {  	[sflag:s8] =	ssyncadd.s32 $0xFFFFE000  }
0x8a: {  	[tilespmem:s3], [sflag:$0x4] =	stream.indirect.gather [hbm4b:s2+s13], $0x40, s19, s13, $0xb8;
	[tilespmem:$0x8800] =	vst v63  }
0x8b: {  	_ =	swait.ge [sflag:s16], $0x2000  }
0x8c: {  	[sflag:s16] =	ssyncset.done $0x0  }
0x8d: {  	s1 =	rddreg [dreg:$0x10];
	[sflag:s16] =	ssyncadd.s32 $0xFFFFE000  }
0x8e: {  	[hbm4b:s1+s4] =	stream.strided.scatter [tilespmem:s12], [sflag:$0x5], $0x2000, s10, s4, $0x38;
	[tilespmem:$0x8800] =	vst v63  }
0x8f: {  	_ =	swait.ge [sflag:s17], $0x2000  }
0x90: {  	[sflag:s17] =	ssyncset.done $0x0  }
0x91: {  	s1 =	rddreg [dreg:$0x11];
	[sflag:s17] =	ssyncadd.s32 $0xFFFFE000  }
0x92: {  	[hbm4b:s1+s4] =	stream.strided.scatter [tilespmem:s11], [sflag:$0x6], $0x2000, s10, s4, $0x38;
	[tilespmem:$0x8800] =	vst v63  }
0x93: {  	_ =	swait.ge [sflag:s15], $0x2000  }
0x94: {  	[sflag:s15] =	ssyncset.done $0x0  }
0x95: {  	s1 =	rddreg [dreg:$0x12];
	[sflag:s15] =	ssyncadd.s32 $0xFFFFE000  }
0x96: {  	[hbm4b:s1+s4] =	stream.strided.scatter [tilespmem:s9], [sflag:$0x7], $0x2000, s10, s4, $0x38;
	[tilespmem:$0x8800] =	vst v63  }
0x97: {  	_ =	swait.ge [sflag:s14], $0x2000  }
0x98: {  	[sflag:s14] =	ssyncset.done $0x0  }
0x99: {  	s1 =	rddreg [dreg:$0x13];
	[sflag:s14] =	ssyncadd.s32 $0xFFFFE000  }
0x9a: {  	[hbm4b:s1+s4] =	stream.strided.scatter [tilespmem:s3], [sflag:$0x8], $0x2000, s10, s4, $0x38;
	[tilespmem:$0x8800] =	vst v63  }
0x9b: {  	_ =	swait.ge [sflag:s5], $0x2000  }
0x9c: {  	[sflag:s5] =	ssyncset.done $0x0  }
0x9d: {  	[sflag:s5] =	ssyncadd.s32 $0xFFFFE000  }
0x9e: {  	_ =	swait.ge [sflag:s6], $0x2000  }
0x9f: {  	[sflag:s6] =	ssyncset.done $0x0  }
0xa0: {  	p1 =	sne.s32 s18, $0x1;
	[sflag:s6] =	ssyncadd.s32 $0xFFFFE000  }
.Ltmp1:
0xa1: {  	_ =	swait.ge [sflag:s7], $0x2000;
	(pc) =	sbr.rel @!p1 .LBB2_3-.Ltmp1, $4  }
0xa2: {  	[sflag:s7] =	ssyncset.done $0x0  }
0xa3: {  	[sflag:s7] =	ssyncadd.s32 $0xFFFFE000  }
0xa4: {  	p0 =	por $0x1, $0x1;
	_ =	swait.ge [sflag:s8], $0x2000  }
0xa5: {  	s1 =	sadd.s32 $0xFFFFFFFF, s18;
	s0 =	rddreg [dreg:$0x3];
	[sflag:s8] =	ssyncset.done $0x0  }
.LBB2_4:
0xa6: {  	[sflag:s8] =	ssyncadd.s32 $0xFFFFE000  }
0xa7: {  	[tilespmem:s23], [sflag:$0x9] =	stream.linear.gather [hbm4b:s0+s23], $0x800, $0x38;
	[tilespmem:$0x8800] =	vst v63  }
0xa8: {  	_ =	swait.ge [sflag:s31], $0x800  }
0xa9: {  	[sflag:s31] =	ssyncset.done $0x0  }
0xaa: {  	[sflag:s31] =	ssyncadd.s32 $0xFFFFF800  }
0xab: {  	[tilespmem:s12], [sflag:$0x1] =	stream.indirect.gather [hbm4b:s2+s13], $0x40, s23, s13, $0xb8;
	[tilespmem:$0x8800] =	vst v63  }
0xac: {  	_ = 	snop  }
0xad: {  	[tilespmem:s11], [sflag:$0x2] =	stream.indirect.gather [hbm4b:s2+s13], $0x40, s13, s13, $0xb8;
	[tilespmem:$0x8800] =	vst v63  }
0xae: {  	s0 =	rddreg [dreg:$0x14]  }
0xaf: {  	[tilespmem:s9], [sflag:$0x3] =	stream.indirect.gather [hbm4b:s2+s13], $0x40, s0, s13, $0xb8;
	[tilespmem:$0x8800] =	vst v63  }
0xb0: {  	s18 =	rddreg [dreg:$0x15]  }
0xb1: {  	[tilespmem:s3], [sflag:$0x4] =	stream.indirect.gather [hbm4b:s2+s13], $0x40, s18, s13, $0xb8;
	[tilespmem:$0x8800] =	vst v63  }
0xb2: {  	_ =	swait.ge [sflag:s16], $0x2000  }
0xb3: {  	[sflag:s16] =	ssyncset.done $0x0  }
0xb4: {  	s18 =	rddreg [dreg:$0x4];
	[sflag:s16] =	ssyncadd.s32 $0xFFFFE000  }
0xb5: {  	[hbm4b:s18+s4] =	stream.strided.scatter [tilespmem:s12], [sflag:$0x5], $0x2000, s10, s4, $0x38;
	[tilespmem:$0x8800] =	vst v63  }
0xb6: {  	_ =	swait.ge [sflag:s5], $0x2000  }
0xb7: {  	[sflag:s5] =	ssyncset.done $0x0  }
0xb8: {  	s18 =	rddreg [dreg:$0x16];
	[sflag:s5] =	ssyncadd.s32 $0xFFFFE000  }
0xb9: {  	[tilespmem:s12], [sflag:$0x1] =	stream.indirect.gather [hbm4b:s2+s13], $0x40, s18, s13, $0xb8;
	[tilespmem:$0x8800] =	vst v63  }
0xba: {  	_ =	swait.ge [sflag:s17], $0x2000  }
0xbb: {  	[sflag:s17] =	ssyncset.done $0x0  }
0xbc: {  	s18 =	rddreg [dreg:$0x5];
	[sflag:s17] =	ssyncadd.s32 $0xFFFFE000  }
0xbd: {  	[hbm4b:s18+s4] =	stream.strided.scatter [tilespmem:s11], [sflag:$0x6], $0x2000, s10, s4, $0x38;
	[tilespmem:$0x8800] =	vst v63  }
0xbe: {  	_ =	swait.ge [sflag:s6], $0x2000  }
0xbf: {  	[sflag:s6] =	ssyncset.done $0x0  }
0xc0: {  	s18 =	simm.s32 $0x280;
	[sflag:s6] =	ssyncadd.s32 $0xFFFFE000  }
0xc1: {  	[tilespmem:s11], [sflag:$0x2] =	stream.indirect.gather [hbm4b:s2+s13], $0x40, s18, s13, $0xb8;
	[tilespmem:$0x8800] =	vst v63  }
0xc2: {  	_ =	swait.ge [sflag:s15], $0x2000  }
0xc3: {  	[sflag:s15] =	ssyncset.done $0x0  }
0xc4: {  	s18 =	rddreg [dreg:$0x6];
	[sflag:s15] =	ssyncadd.s32 $0xFFFFE000  }
0xc5: {  	[hbm4b:s18+s4] =	stream.strided.scatter [tilespmem:s9], [sflag:$0x7], $0x2000, s10, s4, $0x38;
	[tilespmem:$0x8800] =	vst v63  }
0xc6: {  	_ =	swait.ge [sflag:s7], $0x2000  }
0xc7: {  	[sflag:s7] =	ssyncset.done $0x0  }
0xc8: {  	[sflag:s7] =	ssyncadd.s32 $0xFFFFE000  }
0xc9: {  	[tilespmem:s9], [sflag:$0x3] =	stream.indirect.gather [hbm4b:s2+s13], $0x40, s30, s13, $0xb8;
	[tilespmem:$0x8800] =	vst v63  }
0xca: {  	_ =	swait.ge [sflag:s14], $0x2000  }
0xcb: {  	[sflag:s14] =	ssyncset.done $0x0  }
0xcc: {  	s18 =	rddreg [dreg:$0x7];
	[sflag:s14] =	ssyncadd.s32 $0xFFFFE000  }
0xcd: {  	[hbm4b:s18+s4] =	stream.strided.scatter [tilespmem:s3], [sflag:$0x8], $0x2000, s10, s4, $0x38;
	[tilespmem:$0x8800] =	vst v63  }
0xce: {  	_ =	swait.ge [sflag:s8], $0x2000  }
0xcf: {  	[sflag:s8] =	ssyncset.done $0x0  }
0xd0: {  	[sflag:s8] =	ssyncadd.s32 $0xFFFFE000  }
0xd1: {  	[tilespmem:s3], [sflag:$0x4] =	stream.indirect.gather [hbm4b:s2+s13], $0x40, s29, s13, $0xb8;
	[tilespmem:$0x8800] =	vst v63  }
0xd2: {  	_ =	swait.ge [sflag:s16], $0x2000  }
0xd3: {  	[sflag:s16] =	ssyncset.done $0x0  }
0xd4: {  	s18 =	rddreg [dreg:$0x8];
	[sflag:s16] =	ssyncadd.s32 $0xFFFFE000  }
0xd5: {  	[hbm4b:s18+s4] =	stream.strided.scatter [tilespmem:s12], [sflag:$0x5], $0x2000, s10, s4, $0x38;
	[tilespmem:$0x8800] =	vst v63  }
0xd6: {  	_ =	swait.ge [sflag:s5], $0x2000  }
0xd7: {  	[sflag:s5] =	ssyncset.done $0x0  }
0xd8: {  	[sflag:s5] =	ssyncadd.s32 $0xFFFFE000  }
0xd9: {  	[tilespmem:s12], [sflag:$0x1] =	stream.indirect.gather [hbm4b:s2+s13], $0x40, s28, s13, $0xb8;
	[tilespmem:$0x8800] =	vst v63  }
0xda: {  	_ =	swait.ge [sflag:s17], $0x2000  }
0xdb: {  	[sflag:s17] =	ssyncset.done $0x0  }
0xdc: {  	s18 =	rddreg [dreg:$0x9];
	[sflag:s17] =	ssyncadd.s32 $0xFFFFE000  }
0xdd: {  	[hbm4b:s18+s4] =	stream.strided.scatter [tilespmem:s11], [sflag:$0x6], $0x2000, s10, s4, $0x38;
	[tilespmem:$0x8800] =	vst v63  }
0xde: {  	_ =	swait.ge [sflag:s6], $0x2000  }
0xdf: {  	[sflag:s6] =	ssyncset.done $0x0  }
0xe0: {  	[sflag:s6] =	ssyncadd.s32 $0xFFFFE000  }
0xe1: {  	[tilespmem:s11], [sflag:$0x2] =	stream.indirect.gather [hbm4b:s2+s13], $0x40, s26, s13, $0xb8;
	[tilespmem:$0x8800] =	vst v63  }
0xe2: {  	_ =	swait.ge [sflag:s15], $0x2000  }
0xe3: {  	[sflag:s15] =	ssyncset.done $0x0  }
0xe4: {  	s18 =	rddreg [dreg:$0xa];
	[sflag:s15] =	ssyncadd.s32 $0xFFFFE000  }
0xe5: {  	[hbm4b:s18+s4] =	stream.strided.scatter [tilespmem:s9], [sflag:$0x7], $0x2000, s10, s4, $0x38;
	[tilespmem:$0x8800] =	vst v63  }
0xe6: {  	_ =	swait.ge [sflag:s7], $0x2000  }
0xe7: {  	[sflag:s7] =	ssyncset.done $0x0  }
0xe8: {  	[sflag:s7] =	ssyncadd.s32 $0xFFFFE000  }
0xe9: {  	[tilespmem:s9], [sflag:$0x3] =	stream.indirect.gather [hbm4b:s2+s13], $0x40, s25, s13, $0xb8;
	[tilespmem:$0x8800] =	vst v63  }
0xea: {  	_ =	swait.ge [sflag:s14], $0x2000  }
0xeb: {  	[sflag:s14] =	ssyncset.done $0x0  }
0xec: {  	s18 =	rddreg [dreg:$0xb];
	[sflag:s14] =	ssyncadd.s32 $0xFFFFE000  }
0xed: {  	[hbm4b:s18+s4] =	stream.strided.scatter [tilespmem:s3], [sflag:$0x8], $0x2000, s10, s4, $0x38;
	[tilespmem:$0x8800] =	vst v63  }
0xee: {  	_ =	swait.ge [sflag:s8], $0x2000  }
0xef: {  	[sflag:s8] =	ssyncset.done $0x0  }
0xf0: {  	[sflag:s8] =	ssyncadd.s32 $0xFFFFE000  }
0xf1: {  	[tilespmem:s3], [sflag:$0x4] =	stream.indirect.gather [hbm4b:s2+s13], $0x40, s24, s13, $0xb8;
	[tilespmem:$0x8800] =	vst v63  }
0xf2: {  	_ =	swait.ge [sflag:s16], $0x2000  }
0xf3: {  	[sflag:s16] =	ssyncset.done $0x0  }
0xf4: {  	s18 =	rddreg [dreg:$0xc];
	[sflag:s16] =	ssyncadd.s32 $0xFFFFE000  }
0xf5: {  	[hbm4b:s18+s4] =	stream.strided.scatter [tilespmem:s12], [sflag:$0x5], $0x2000, s10, s4, $0x38;
	[tilespmem:$0x8800] =	vst v63  }
0xf6: {  	_ =	swait.ge [sflag:s5], $0x2000  }
0xf7: {  	[sflag:s5] =	ssyncset.done $0x0  }
0xf8: {  	[sflag:s5] =	ssyncadd.s32 $0xFFFFE000  }
0xf9: {  	[tilespmem:s12], [sflag:$0x1] =	stream.indirect.gather [hbm4b:s2+s13], $0x40, s22, s13, $0xb8;
	[tilespmem:$0x8800] =	vst v63  }
0xfa: {  	_ =	swait.ge [sflag:s17], $0x2000  }
0xfb: {  	[sflag:s17] =	ssyncset.done $0x0  }
0xfc: {  	s18 =	rddreg [dreg:$0xd];
	[sflag:s17] =	ssyncadd.s32 $0xFFFFE000  }
0xfd: {  	[hbm4b:s18+s4] =	stream.strided.scatter [tilespmem:s11], [sflag:$0x6], $0x2000, s10, s4, $0x38;
	[tilespmem:$0x8800] =	vst v63  }
0xfe: {  	_ =	swait.ge [sflag:s6], $0x2000  }
0xff: {  	[sflag:s6] =	ssyncset.done $0x0  }
0x100: {  	[sflag:s6] =	ssyncadd.s32 $0xFFFFE000  }
0x101: {  	[tilespmem:s11], [sflag:$0x2] =	stream.indirect.gather [hbm4b:s2+s13], $0x40, s21, s13, $0xb8;
	[tilespmem:$0x8800] =	vst v63  }
0x102: {  	_ =	swait.ge [sflag:s15], $0x2000  }
0x103: {  	[sflag:s15] =	ssyncset.done $0x0  }
0x104: {  	s18 =	rddreg [dreg:$0xe];
	[sflag:s15] =	ssyncadd.s32 $0xFFFFE000  }
0x105: {  	[hbm4b:s18+s4] =	stream.strided.scatter [tilespmem:s9], [sflag:$0x7], $0x2000, s10, s4, $0x38;
	[tilespmem:$0x8800] =	vst v63  }
0x106: {  	_ =	swait.ge [sflag:s7], $0x2000  }
0x107: {  	[sflag:s7] =	ssyncset.done $0x0  }
0x108: {  	[sflag:s7] =	ssyncadd.s32 $0xFFFFE000  }
0x109: {  	[tilespmem:s9], [sflag:$0x3] =	stream.indirect.gather [hbm4b:s2+s13], $0x40, s20, s13, $0xb8;
	[tilespmem:$0x8800] =	vst v63  }
0x10a: {  	_ =	swait.ge [sflag:s14], $0x2000  }
0x10b: {  	[sflag:s14] =	ssyncset.done $0x0  }
0x10c: {  	s18 =	rddreg [dreg:$0xf];
	[sflag:s14] =	ssyncadd.s32 $0xFFFFE000  }
0x10d: {  	[hbm4b:s18+s4] =	stream.strided.scatter [tilespmem:s3], [sflag:$0x8], $0x2000, s10, s4, $0x38;
	[tilespmem:$0x8800] =	vst v63  }
0x10e: {  	_ =	swait.ge [sflag:s8], $0x2000  }
0x10f: {  	[sflag:s8] =	ssyncset.done $0x0  }
0x110: {  	[sflag:s8] =	ssyncadd.s32 $0xFFFFE000  }
0x111: {  	[tilespmem:s3], [sflag:$0x4] =	stream.indirect.gather [hbm4b:s2+s13], $0x40, s19, s13, $0xb8;
	[tilespmem:$0x8800] =	vst v63  }
0x112: {  	_ =	swait.ge [sflag:s16], $0x2000  }
0x113: {  	[sflag:s16] =	ssyncset.done $0x0  }
0x114: {  	s18 =	rddreg [dreg:$0x10];
	[sflag:s16] =	ssyncadd.s32 $0xFFFFE000  }
0x115: {  	[hbm4b:s18+s4] =	stream.strided.scatter [tilespmem:s12], [sflag:$0x5], $0x2000, s10, s4, $0x38;
	[tilespmem:$0x8800] =	vst v63  }
0x116: {  	_ =	swait.ge [sflag:s17], $0x2000  }
0x117: {  	[sflag:s17] =	ssyncset.done $0x0  }
0x118: {  	s18 =	rddreg [dreg:$0x11];
	[sflag:s17] =	ssyncadd.s32 $0xFFFFE000  }
0x119: {  	[hbm4b:s18+s4] =	stream.strided.scatter [tilespmem:s11], [sflag:$0x6], $0x2000, s10, s4, $0x38;
	[tilespmem:$0x8800] =	vst v63  }
0x11a: {  	_ =	swait.ge [sflag:s15], $0x2000  }
0x11b: {  	[sflag:s15] =	ssyncset.done $0x0  }
0x11c: {  	s18 =	rddreg [dreg:$0x12];
	[sflag:s15] =	ssyncadd.s32 $0xFFFFE000  }
0x11d: {  	[hbm4b:s18+s4] =	stream.strided.scatter [tilespmem:s9], [sflag:$0x7], $0x2000, s10, s4, $0x38;
	[tilespmem:$0x8800] =	vst v63  }
0x11e: {  	_ =	swait.ge [sflag:s14], $0x2000  }
0x11f: {  	[sflag:s14] =	ssyncset.done $0x0  }
0x120: {  	s18 =	rddreg [dreg:$0x13];
	[sflag:s14] =	ssyncadd.s32 $0xFFFFE000  }
0x121: {  	[hbm4b:s18+s4] =	stream.strided.scatter [tilespmem:s3], [sflag:$0x8], $0x2000, s10, s4, $0x38;
	[tilespmem:$0x8800] =	vst v63  }
0x122: {  	_ =	swait.ge [sflag:s5], $0x2000  }
0x123: {  	[sflag:s5] =	ssyncset.done $0x0  }
0x124: {  	[sflag:s5] =	ssyncadd.s32 $0xFFFFE000  }
0x125: {  	_ =	swait.ge [sflag:s6], $0x2000  }
0x126: {  	[sflag:s6] =	ssyncset.done $0x0  }
0x127: {  	p1 =	sne.s32 s1, $0x1;
	[sflag:s6] =	ssyncadd.s32 $0xFFFFE000  }
.Ltmp2:
0x128: {  	_ =	swait.ge [sflag:s7], $0x2000;
	(pc) =	sbr.rel @p1 .LBB2_4-.Ltmp2, $4  }
0x129: {  	[sflag:s7] =	ssyncset.done $0x0  }
0x12a: {  	[sflag:s7] =	ssyncadd.s32 $0xFFFFE000  }
0x12b: {  	_ =	swait.ge [sflag:s8], $0x2000  }
0x12c: {  	s1 =	sadd.s32 $0xFFFFFFFF, s1;
	s0 =	rddreg [dreg:$0x3];
	[sflag:s8] =	ssyncset.done $0x0  }
0x12d: {  	s19 =	simm.s32 $0x280;
	s30 =	simm.s32 $0x300  }
0x12e: {  	s29 =	simm.s32 $0x380;
	s28 =	simm.s32 $0x400;
	s26 =	simm.s32 $0x480  }
0x12f: {  	s25 =	simm.s32 $0x500;
	s24 =	simm.s32 $0x580;
	s22 =	simm.s32 $0x600  }
0x130: {  	s21 =	simm.s32 $0x680;
	s20 =	simm.s32 $0x700;
	s18 =	stileid.u32  }
.LBB2_6:
0x131: {  	[sflag:s8] =	ssyncadd.s32 @p0 $0xFFFFE000  }
0x132: {  	[tilespmem:s23], [sflag:$0x9] =	stream.linear.gather [hbm4b:s0+s23], $0x800, $0x38;
	[tilespmem:$0x8800] =	vst v63  }
0x133: {  	_ =	swait.ge [sflag:s31], $0x800  }
0x134: {  	[sflag:s31] =	ssyncset.done $0x0  }
0x135: {  	[sflag:s31] =	ssyncadd.s32 $0xFFFFF800  }
0x136: {  	[tilespmem:s12], [sflag:$0x1] =	stream.indirect.gather [hbm4b:s2+s13], $0x40, s23, s13, $0xb8;
	[tilespmem:$0x8800] =	vst v63  }
0x137: {  	_ = 	snop  }
0x138: {  	[tilespmem:s11], [sflag:$0x2] =	stream.indirect.gather [hbm4b:s2+s13], $0x40, s13, s13, $0xb8;
	[tilespmem:$0x8800] =	vst v63  }
0x139: {  	s31 =	rddreg [dreg:$0x14]  }
0x13a: {  	[tilespmem:s9], [sflag:$0x3] =	stream.indirect.gather [hbm4b:s2+s13], $0x40, s31, s13, $0xb8;
	[tilespmem:$0x8800] =	vst v63  }
0x13b: {  	s1 =	rddreg [dreg:$0x15]  }
0x13c: {  	[tilespmem:s3], [sflag:$0x4] =	stream.indirect.gather [hbm4b:s2+s13], $0x40, s1, s13, $0xb8;
	[tilespmem:$0x8800] =	vst v63  }
0x13d: {  	_ =	swait.ge [sflag:s16], $0x2000  }
0x13e: {  	[sflag:s16] =	ssyncset.done $0x0  }
0x13f: {  	s23 =	rddreg [dreg:$0x4];
	[sflag:s16] =	ssyncadd.s32 $0xFFFFE000  }
0x140: {  	[hbm4b:s23+s4] =	stream.strided.scatter [tilespmem:s12], [sflag:$0x5], $0x2000, s10, s4, $0x38;
	[tilespmem:$0x8800] =	vst v63  }
0x141: {  	_ =	swait.ge [sflag:s5], $0x2000  }
0x142: {  	[sflag:s5] =	ssyncset.done $0x0  }
0x143: {  	s31 =	rddreg [dreg:$0x16];
	[sflag:s5] =	ssyncadd.s32 $0xFFFFE000  }
0x144: {  	[tilespmem:s12], [sflag:$0x1] =	stream.indirect.gather [hbm4b:s2+s13], $0x40, s31, s13, $0xb8;
	[tilespmem:$0x8800] =	vst v63  }
0x145: {  	_ =	swait.ge [sflag:s17], $0x2000  }
0x146: {  	[sflag:s17] =	ssyncset.done $0x0  }
0x147: {  	s1 =	rddreg [dreg:$0x5];
	[sflag:s17] =	ssyncadd.s32 $0xFFFFE000  }
0x148: {  	[hbm4b:s1+s4] =	stream.strided.scatter [tilespmem:s11], [sflag:$0x6], $0x2000, s10, s4, $0x38;
	[tilespmem:$0x8800] =	vst v63  }
0x149: {  	_ =	swait.ge [sflag:s6], $0x2000  }
0x14a: {  	[sflag:s6] =	ssyncset.done $0x0  }
0x14b: {  	[sflag:s6] =	ssyncadd.s32 $0xFFFFE000  }
0x14c: {  	[tilespmem:s11], [sflag:$0x2] =	stream.indirect.gather [hbm4b:s2+s13], $0x40, s19, s13, $0xb8;
	[tilespmem:$0x8800] =	vst v63  }
0x14d: {  	_ =	swait.ge [sflag:s15], $0x2000  }
0x14e: {  	[sflag:s15] =	ssyncset.done $0x0  }
0x14f: {  	s19 =	rddreg [dreg:$0x6];
	[sflag:s15] =	ssyncadd.s32 $0xFFFFE000  }
0x150: {  	[hbm4b:s19+s4] =	stream.strided.scatter [tilespmem:s9], [sflag:$0x7], $0x2000, s10, s4, $0x38;
	[tilespmem:$0x8800] =	vst v63  }
0x151: {  	_ =	swait.ge [sflag:s7], $0x2000  }
0x152: {  	[sflag:s7] =	ssyncset.done $0x0  }
0x153: {  	[sflag:s7] =	ssyncadd.s32 $0xFFFFE000  }
0x154: {  	[tilespmem:s9], [sflag:$0x3] =	stream.indirect.gather [hbm4b:s2+s13], $0x40, s30, s13, $0xb8;
	[tilespmem:$0x8800] =	vst v63  }
0x155: {  	_ =	swait.ge [sflag:s14], $0x2000  }
0x156: {  	[sflag:s14] =	ssyncset.done $0x0  }
0x157: {  	s23 =	rddreg [dreg:$0x7];
	[sflag:s14] =	ssyncadd.s32 $0xFFFFE000  }
0x158: {  	[hbm4b:s23+s4] =	stream.strided.scatter [tilespmem:s3], [sflag:$0x8], $0x2000, s10, s4, $0x38;
	[tilespmem:$0x8800] =	vst v63  }
0x159: {  	_ =	swait.ge [sflag:s8], $0x2000  }
0x15a: {  	[sflag:s8] =	ssyncset.done $0x0  }
0x15b: {  	[sflag:s8] =	ssyncadd.s32 $0xFFFFE000  }
0x15c: {  	[tilespmem:s3], [sflag:$0x4] =	stream.indirect.gather [hbm4b:s2+s13], $0x40, s29, s13, $0xb8;
	[tilespmem:$0x8800] =	vst v63  }
0x15d: {  	_ =	swait.ge [sflag:s16], $0x2000  }
0x15e: {  	[sflag:s16] =	ssyncset.done $0x0  }
0x15f: {  	s29 =	rddreg [dreg:$0x8];
	[sflag:s16] =	ssyncadd.s32 $0xFFFFE000  }
0x160: {  	[hbm4b:s29+s4] =	stream.strided.scatter [tilespmem:s12], [sflag:$0x5], $0x2000, s10, s4, $0x38;
	[tilespmem:$0x8800] =	vst v63  }
0x161: {  	_ =	swait.ge [sflag:s5], $0x2000  }
0x162: {  	[sflag:s5] =	ssyncset.done $0x0  }
0x163: {  	[sflag:s5] =	ssyncadd.s32 $0xFFFFE000  }
0x164: {  	[tilespmem:s12], [sflag:$0x1] =	stream.indirect.gather [hbm4b:s2+s13], $0x40, s28, s13, $0xb8;
	[tilespmem:$0x8800] =	vst v63  }
0x165: {  	_ =	swait.ge [sflag:s17], $0x2000  }
0x166: {  	[sflag:s17] =	ssyncset.done $0x0  }
0x167: {  	s30 =	rddreg [dreg:$0x9];
	[sflag:s17] =	ssyncadd.s32 $0xFFFFE000  }
0x168: {  	[hbm4b:s30+s4] =	stream.strided.scatter [tilespmem:s11], [sflag:$0x6], $0x2000, s10, s4, $0x38;
	[tilespmem:$0x8800] =	vst v63  }
0x169: {  	_ =	swait.ge [sflag:s6], $0x2000  }
0x16a: {  	[sflag:s6] =	ssyncset.done $0x0  }
0x16b: {  	[sflag:s6] =	ssyncadd.s32 $0xFFFFE000  }
0x16c: {  	[tilespmem:s11], [sflag:$0x2] =	stream.indirect.gather [hbm4b:s2+s13], $0x40, s26, s13, $0xb8;
	[tilespmem:$0x8800] =	vst v63  }
0x16d: {  	_ =	swait.ge [sflag:s15], $0x2000  }
0x16e: {  	[sflag:s15] =	ssyncset.done $0x0  }
0x16f: {  	s31 =	rddreg [dreg:$0xa];
	[sflag:s15] =	ssyncadd.s32 $0xFFFFE000  }
0x170: {  	[hbm4b:s31+s4] =	stream.strided.scatter [tilespmem:s9], [sflag:$0x7], $0x2000, s10, s4, $0x38;
	[tilespmem:$0x8800] =	vst v63  }
0x171: {  	_ =	swait.ge [sflag:s7], $0x2000  }
0x172: {  	[sflag:s7] =	ssyncset.done $0x0  }
0x173: {  	[sflag:s7] =	ssyncadd.s32 $0xFFFFE000  }
0x174: {  	[tilespmem:s9], [sflag:$0x3] =	stream.indirect.gather [hbm4b:s2+s13], $0x40, s25, s13, $0xb8;
	[tilespmem:$0x8800] =	vst v63  }
0x175: {  	_ =	swait.ge [sflag:s14], $0x2000  }
0x176: {  	[sflag:s14] =	ssyncset.done $0x0  }
0x177: {  	s1 =	rddreg [dreg:$0xb];
	[sflag:s14] =	ssyncadd.s32 $0xFFFFE000  }
0x178: {  	[hbm4b:s1+s4] =	stream.strided.scatter [tilespmem:s3], [sflag:$0x8], $0x2000, s10, s4, $0x38;
	[tilespmem:$0x8800] =	vst v63  }
0x179: {  	_ =	swait.ge [sflag:s8], $0x2000  }
0x17a: {  	[sflag:s8] =	ssyncset.done $0x0  }
0x17b: {  	[sflag:s8] =	ssyncadd.s32 $0xFFFFE000  }
0x17c: {  	[tilespmem:s3], [sflag:$0x4] =	stream.indirect.gather [hbm4b:s2+s13], $0x40, s24, s13, $0xb8;
	[tilespmem:$0x8800] =	vst v63  }
0x17d: {  	_ =	swait.ge [sflag:s16], $0x2000  }
0x17e: {  	[sflag:s16] =	ssyncset.done $0x0  }
0x17f: {  	s19 =	rddreg [dreg:$0xc];
	[sflag:s16] =	ssyncadd.s32 $0xFFFFE000  }
0x180: {  	[hbm4b:s19+s4] =	stream.strided.scatter [tilespmem:s12], [sflag:$0x5], $0x2000, s10, s4, $0x38;
	[tilespmem:$0x8800] =	vst v63  }
0x181: {  	_ =	swait.ge [sflag:s5], $0x2000  }
0x182: {  	[sflag:s5] =	ssyncset.done $0x0  }
0x183: {  	[sflag:s5] =	ssyncadd.s32 $0xFFFFE000  }
0x184: {  	[tilespmem:s12], [sflag:$0x1] =	stream.indirect.gather [hbm4b:s2+s13], $0x40, s22, s13, $0xb8;
	[tilespmem:$0x8800] =	vst v63  }
0x185: {  	_ =	swait.ge [sflag:s17], $0x2000  }
0x186: {  	[sflag:s17] =	ssyncset.done $0x0  }
0x187: {  	s23 =	rddreg [dreg:$0xd];
	[sflag:s17] =	ssyncadd.s32 $0xFFFFE000  }
0x188: {  	[hbm4b:s23+s4] =	stream.strided.scatter [tilespmem:s11], [sflag:$0x6], $0x2000, s10, s4, $0x38;
	[tilespmem:$0x8800] =	vst v63  }
0x189: {  	_ =	swait.ge [sflag:s6], $0x2000  }
0x18a: {  	[sflag:s6] =	ssyncset.done $0x0  }
0x18b: {  	[sflag:s6] =	ssyncadd.s32 $0xFFFFE000  }
0x18c: {  	[tilespmem:s11], [sflag:$0x2] =	stream.indirect.gather [hbm4b:s2+s13], $0x40, s21, s13, $0xb8;
	[tilespmem:$0x8800] =	vst v63  }
0x18d: {  	_ =	swait.ge [sflag:s15], $0x2000  }
0x18e: {  	[sflag:s15] =	ssyncset.done $0x0  }
0x18f: {  	s24 =	rddreg [dreg:$0xe];
	[sflag:s15] =	ssyncadd.s32 $0xFFFFE000  }
0x190: {  	[hbm4b:s24+s4] =	stream.strided.scatter [tilespmem:s9], [sflag:$0x7], $0x2000, s10, s4, $0x38;
	[tilespmem:$0x8800] =	vst v63  }
0x191: {  	_ =	swait.ge [sflag:s7], $0x2000  }
0x192: {  	[sflag:s7] =	ssyncset.done $0x0  }
0x193: {  	[sflag:s7] =	ssyncadd.s32 $0xFFFFE000  }
0x194: {  	[tilespmem:s9], [sflag:$0x3] =	stream.indirect.gather [hbm4b:s2+s13], $0x40, s20, s13, $0xb8;
	[tilespmem:$0x8800] =	vst v63  }
0x195: {  	_ =	swait.ge [sflag:s14], $0x2000  }
0x196: {  	[sflag:s14] =	ssyncset.done $0x0  }
0x197: {  	s25 =	rddreg [dreg:$0xf];
	[sflag:s14] =	ssyncadd.s32 $0xFFFFE000  }
0x198: {  	[hbm4b:s25+s4] =	stream.strided.scatter [tilespmem:s3], [sflag:$0x8], $0x2000, s10, s4, $0x38;
	[tilespmem:$0x8800] =	vst v63  }
0x199: {  	_ =	swait.ge [sflag:s8], $0x2000  }
0x19a: {  	[sflag:s8] =	ssyncset.done $0x0  }
0x19b: {  	s26 =	simm.s32 $0x780;
	[sflag:s8] =	ssyncadd.s32 $0xFFFFE000  }
0x19c: {  	[tilespmem:s3], [sflag:$0x4] =	stream.indirect.gather [hbm4b:s2+s13], $0x40, s26, s13, $0xb8;
	[tilespmem:$0x8800] =	vst v63  }
0x19d: {  	_ =	swait.ge [sflag:s16], $0x2000  }
0x19e: {  	[sflag:s16] =	ssyncset.done $0x0  }
0x19f: {  	s28 =	rddreg [dreg:$0x10];
	[sflag:s16] =	ssyncadd.s32 $0xFFFFE000  }
0x1a0: {  	[hbm4b:s28+s4] =	stream.strided.scatter [tilespmem:s12], [sflag:$0x5], $0x2000, s10, s4, $0x38;
	[tilespmem:$0x8800] =	vst v63  }
0x1a1: {  	_ =	swait.ge [sflag:s17], $0x2000  }
0x1a2: {  	[sflag:s17] =	ssyncset.done $0x0  }
0x1a3: {  	s29 =	rddreg [dreg:$0x11];
	[sflag:s17] =	ssyncadd.s32 $0xFFFFE000  }
0x1a4: {  	[hbm4b:s29+s4] =	stream.strided.scatter [tilespmem:s11], [sflag:$0x6], $0x2000, s10, s4, $0x38;
	[tilespmem:$0x8800] =	vst v63  }
0x1a5: {  	_ =	swait.ge [sflag:s15], $0x2000  }
0x1a6: {  	[sflag:s15] =	ssyncset.done $0x0  }
0x1a7: {  	s30 =	rddreg [dreg:$0x12];
	[sflag:s15] =	ssyncadd.s32 $0xFFFFE000  }
0x1a8: {  	[hbm4b:s30+s4] =	stream.strided.scatter [tilespmem:s9], [sflag:$0x7], $0x2000, s10, s4, $0x38;
	[tilespmem:$0x8800] =	vst v63  }
0x1a9: {  	_ =	swait.ge [sflag:s14], $0x2000  }
0x1aa: {  	[sflag:s14] =	ssyncset.done $0x0  }
0x1ab: {  	s31 =	rddreg [dreg:$0x13];
	[sflag:s14] =	ssyncadd.s32 $0xFFFFE000  }
0x1ac: {  	[hbm4b:s31+s4] =	stream.strided.scatter [tilespmem:s3], [sflag:$0x8], $0x2000, s10, s4, $0x38;
	[tilespmem:$0x8800] =	vst v63  }
0x1ad: {  	_ =	swait.ge [sflag:s5], $0x2000  }
0x1ae: {  	[sflag:s5] =	ssyncset.done $0x0  }
0x1af: {  	[sflag:s5] =	ssyncadd.s32 $0xFFFFE000  }
0x1b0: {  	_ =	swait.ge [sflag:s6], $0x2000  }
0x1b1: {  	[sflag:s6] =	ssyncset.done $0x0  }
0x1b2: {  	[sflag:s6] =	ssyncadd.s32 $0xFFFFE000  }
0x1b3: {  	_ =	swait.ge [sflag:s7], $0x2000  }
0x1b4: {  	[sflag:s7] =	ssyncset.done $0x0  }
0x1b5: {  	[sflag:s7] =	ssyncadd.s32 $0xFFFFE000  }
0x1b6: {  	_ =	swait.ge [sflag:s8], $0x2000  }
0x1b7: {  	[sflag:s8] =	ssyncset.done $0x0  }
0x1b8: {  	[sflag:s8] =	ssyncadd.s32 $0xFFFFE000  }
0x1b9: {  	_ =	sfence.sel $0x180000  }
0x1ba: {  	[bflag:$0x0] =	sbarrier.arrive $0xFFFF  }
0x1bb: {  	_ =	strace $0x90000047  }
0x1bc: {  	[bflag:$0x2] =	sbarrier.arrive $0xFFFF  }
0x1bd: {  	p0 =	sne.s32 s18, $0x0;
	s0 =	rddreg [dreg:$0x2]  }
0x1be: {  	s0 =	sadd.s32 @!p0 $0x100000, s0  }
0x1bf: {  	[sflag:s0] =	ssyncadd.tile.s32 @!p0 $0x1;
	_ =	shalt  }
.LBB2_1:
.Ltmp3:
0x1c0: {  	(pc) =	sbr.rel .LBB2_6-.Ltmp3, $4  }
0x1c1: {  	s19 =	simm.s32 $0x280  }
0x1c2: {  	s30 =	simm.s32 $0x300;
	s29 =	simm.s32 $0x380;
	s28 =	simm.s32 $0x400  }
0x1c3: {  	s26 =	simm.s32 $0x480;
	s25 =	simm.s32 $0x500;
	s24 =	simm.s32 $0x580  }
0x1c4: {  	s22 =	simm.s32 $0x600;
	s21 =	simm.s32 $0x680;
	s20 =	simm.s32 $0x700  }
.LBB2_3:
.Ltmp4:
0x1c5: {  	(pc) =	sbr.rel .LBB2_6-.Ltmp4, $4  }
0x1c6: {  	s19 =	simm.s32 $0x280;
	s30 =	simm.s32 $0x300  }
0x1c7: {  	s29 =	simm.s32 $0x380;
	s28 =	simm.s32 $0x400;
	s26 =	simm.s32 $0x480  }
0x1c8: {  	s25 =	simm.s32 $0x500;
	s24 =	simm.s32 $0x580;
	s22 =	simm.s32 $0x600  }
0x1c9: {  	s21 =	simm.s32 $0x680;
	s20 =	simm.s32 $0x700;
	s18 =	stileid.u32  }
.Lfunc_end2:
_tile_overlayer_lowered:
.L_overlay_start_2:
0x1ca: {  	(tag) =	ssettag $0x2  }
0x1cb: {  	s0 =	rddreg [dreg:$0x0];
	s2 =	stileid.u32  }
0x1cc: {  	s1 =	rddreg [dreg:$0x1];
	p0 =	sne.s32 s2, $0x0  }
0x1cd: {  	s3 =	rddreg [dreg:$0x2];
	[bflag:$0x3] =	sbarrier.arrive $0xFFFF;
	s2 =	simm.s32 @!p0 $0x1C09  }
0x1ce: {  	[timem:s3], [sflag:s2] =	dma.local @!p0 [hbm:s0], s1  }
0x1cf: {  	s0 =	simm.s32 @!p0 $0x9  }
0x1d0: {  	_ =	swait.ge @!p0 [sflag:s0], s1  }
0x1d1: {  	s1 =	ssub.s32 @!p0 $0x0, s1;
	[sflag:s0] =	ssyncset.done @!p0 $0x0  }
0x1d2: {  	[sflag:s0] =	ssyncadd.s32 @!p0 s1  }
0x1d3: {  	[bflag:$0x3] =	sbarrier.arrive $0xFFFF  }
0x1d4: {  	_ =	shalt  }

// kernel: kernel.8.cloned.1.call-start
scs
__scs_entry_jumppad:
0x0: {  	(pc) =	sbr.rel $0x88, $3  }
0x1: {  	(tag) =	ssettag $0x0;
	lr =	simm.s32 $0x1  }
0x2: {  	[smem:$0x3F9A] =	sst lr;
	_ =	strace $0xD0000000  }
0x3: {  	_ = 	snop  }
0x4: {  	_ = 	snop  }
0x5: {  	_ = 	snop  }
0x6: {  	_ = 	snop  }
0x7: {  	_ = 	snop  }
__scs_overlays_trampoline_lowered:
0x8: {  	[smem:$0x3FA9] =	sst s0  }
0x9: {  	[smem:$0x3FAA] =	sst s1  }
0xa: {  	[smem:$0x3FAB] =	sst s2  }
0xb: {  	[smem:$0x3FAC] =	sst s3  }
0xc: {  	[smem:$0x3FAD] =	sst s4  }
0xd: {  	[smem:$0x3FAE] =	sst s5  }
0xe: {  	[smem:$0x3FAF] =	sst s6  }
0xf: {  	[smem:$0x3FB0] =	sst s7  }
0x10: {  	[smem:$0x3FB1] =	sst s8  }
0x11: {  	[smem:$0x3FB2] =	sst s9;
	s0 =	simm.s32 @!p0 $0x0  }
0x12: {  	s1 =	sld [smem:$0x3F98];
	s0 =	simm.s32 @p0 $0x1  }
0x13: {  	[smem:$0x3FB3] =	sst s0;
	s0 =	simm.s32 @!p1 $0x0  }
0x14: {  	s2 =	sld [smem:$0x3F97];
	s0 =	simm.s32 @p1 $0x1  }
0x15: {  	[smem:$0x3FB4] =	sst s0;
	s0 =	simm.s32 @!p2 $0x0  }
0x16: {  	s3 =	sld [smem:$0x3FDB];
	s0 =	simm.s32 @p2 $0x1  }
0x17: {  	s4 =	simm.s32 $0x1BF5;
	[smem:$0x3FB6] =	sst s0  }
0x18: {  	s0 =	sld [smem:$0x3F99];
	_ =	swait.ge [sflag:s4], $0x0  }
0x19: {  	s7 =	sld [smem:$0x3F9A]  }
0x1a: {  	s8 =	sadd.s32 $0xFFFFE003, lr  }
0x1b: {  	s9 =	sadd.s32 $0xFFFFFEF7, lr;
	s5 =	simm.s32 $0xFFFFFFFF;
	p2 =	slt.u32 s8, $0xFFFFF086  }
0x1c: {  	p1 =	slt.u32 s9, $0xF7A;
	s5 =	simm.s32 @!p2 $0x0  }
0x1d: {  	s5 =	simm.s32 @p1 $0x1;
	p0 =	seq.s32 s7, s2  }
0x1e: {  	s7 =	smul.u32 @!p0 $0xF7A, s2;
	p2 =	seq.s32 @!p0 s5, $0x0  }
0x1f: {  	s9 =	smul.u32 $0xF7A, s1;
	s8 =	simm.s32 @!p0 $0x1BF5;
	p2 =	por !p2, p0  }
0x20: {  	[sflag:s8] =	ssyncset.s32 @!p0 $0xFFFFF086;
	s6 =	sadd.s32 @!p0 s3, s7;
	s7 =	simm.s32 @!p0 $0x108  }
0x21: {  	s3 =	sadd.s32 s3, s9;
	s6 =	sadd.s32 @!p0 $0x88, s6;
	s7 =	simm.s32 @p2 $0x1082  }
0x22: {  	[simem:s7], [sflag:s8] =	dma.local @!p0 [hbm:s6], $0xF7A  }
0x23: {  	s9 =	sor.u32 $0xD0000000, s2;
	s6 =	simm.s32 $0x108;
	_ =	swait.ge @!p0 [sflag:s8], $0x0  }
0x24: {  	s3 =	sadd.s32 $0x88, s3;
	s6 =	simm.s32 @!p1 $0x1082;
	[sflag:s4] =	ssyncset.s32 $0xFFFFF086  }
0x25: {  	[simem:s6], [sflag:s4] =	dma.local [hbm:s3], $0xF7A  }
0x26: {  	[smem:$0x3F9A] =	sst s1;
	(tag) =	ssettag s2;
	_ =	strace s9  }
0x27: {  	s1 =	sld [smem:$0x3FAA]  }
0x28: {  	s2 =	sld [smem:$0x3FAB]  }
0x29: {  	s4 =	sld [smem:$0x3FAD]  }
0x2a: {  	p0 =	seq.s32 s5, $0x0;
	s5 =	sld [smem:$0x3FAE]  }
0x2b: {  	s6 =	sld [smem:$0x3FAF]  }
0x2c: {  	s7 =	sld [smem:$0x3FB0]  }
0x2d: {  	s3 =	simm.s32 $0x108;
	s8 =	sld [smem:$0x3FB1]  }
0x2e: {  	s3 =	simm.s32 @!p0 $0x1082;
	s9 =	sld [smem:$0x3FB2]  }
0x2f: {  	lr =	sadd.s32 s0, s3;
	s0 =	sld [smem:$0x3FA9]  }
0x30: {  	s3 =	sld [smem:$0x3FAC]  }
0x31: {  	[smem:$0x3FB5] =	sst s10  }
0x32: {  	s10 =	sld [smem:$0x3FB3];
	_ =	sdelay $0x3  }
0x33: {  	p0 =	seq.s32 s10, $0x1;
	s10 =	sld [smem:$0x3FB5];
	_ =	sdelay $0x3  }
0x34: {  	[smem:$0x3FB5] =	sst s10  }
0x35: {  	s10 =	sld [smem:$0x3FB4];
	_ =	sdelay $0x3  }
0x36: {  	p1 =	seq.s32 s10, $0x1;
	s10 =	sld [smem:$0x3FB5];
	_ =	sdelay $0x3  }
0x37: {  	[smem:$0x3FB5] =	sst s10  }
0x38: {  	s10 =	sld [smem:$0x3FB6]  }
0x39: {  	_ = 	snop;
	(pc) =	sbr.ind lr, $3  }
0x3a: {  	_ = 	snop  }
0x3b: {  	_ = 	snop  }
0x3c: {  	p2 =	seq.s32 s10, $0x1;
	s10 =	sld [smem:$0x3FB5]  }
0x3d: {  	_ =	shalt  }
0x3e: {  	_ =	shalt  }
0x3f: {  	_ =	shalt  }
0x40: {  	_ =	shalt  }
0x41: {  	_ =	shalt  }
0x42: {  	_ =	shalt  }
0x43: {  	_ =	shalt  }
0x44: {  	_ =	shalt  }
0x45: {  	_ =	shalt  }
0x46: {  	_ =	shalt  }
0x47: {  	_ =	shalt  }
0x48: {  	_ =	shalt  }
0x49: {  	_ =	shalt  }
0x4a: {  	_ =	shalt  }
0x4b: {  	_ =	shalt  }
0x4c: {  	_ =	shalt  }
0x4d: {  	_ =	shalt  }
0x4e: {  	_ =	shalt  }
0x4f: {  	_ =	shalt  }
0x50: {  	_ =	shalt  }
0x51: {  	_ =	shalt  }
0x52: {  	_ =	shalt  }
0x53: {  	_ =	shalt  }
0x54: {  	_ =	shalt  }
0x55: {  	_ =	shalt  }
0x56: {  	_ =	shalt  }
0x57: {  	_ =	shalt  }
0x58: {  	_ =	shalt  }
0x59: {  	_ =	shalt  }
0x5a: {  	_ =	shalt  }
0x5b: {  	_ =	shalt  }
0x5c: {  	_ =	shalt  }
0x5d: {  	_ =	shalt  }
0x5e: {  	_ =	shalt  }
0x5f: {  	_ =	shalt  }
0x60: {  	_ =	shalt  }
0x61: {  	_ =	shalt  }
0x62: {  	_ =	shalt  }
0x63: {  	_ =	shalt  }
0x64: {  	_ =	shalt  }
0x65: {  	_ =	shalt  }
0x66: {  	_ =	shalt  }
0x67: {  	_ =	shalt  }
0x68: {  	_ =	shalt  }
0x69: {  	_ =	shalt  }
0x6a: {  	_ =	shalt  }
0x6b: {  	_ =	shalt  }
0x6c: {  	_ =	shalt  }
0x6d: {  	_ =	shalt  }
0x6e: {  	_ =	shalt  }
0x6f: {  	_ =	shalt  }
0x70: {  	_ =	shalt  }
0x71: {  	_ =	shalt  }
0x72: {  	_ =	shalt  }
0x73: {  	_ =	shalt  }
0x74: {  	_ =	shalt  }
0x75: {  	_ =	shalt  }
0x76: {  	_ =	shalt  }
0x77: {  	_ =	shalt  }
0x78: {  	_ =	shalt  }
0x79: {  	_ =	shalt  }
0x7a: {  	_ =	shalt  }
0x7b: {  	_ =	shalt  }
0x7c: {  	_ =	shalt  }
0x7d: {  	_ =	shalt  }
0x7e: {  	_ =	shalt  }
0x7f: {  	_ =	shalt  }
0x80: {  	_ =	shalt  }
0x81: {  	_ =	shalt  }
0x82: {  	_ =	shalt  }
0x83: {  	_ =	shalt  }
0x84: {  	_ =	shalt  }
0x85: {  	_ =	shalt  }
0x86: {  	_ =	shalt  }
0x87: {  	_ =	shalt  }
.Lfunc_end0:
.L_simem_size_0:
called_computation_lowered:
.L_overlay_start_0:
0x88: {  	s2 =	sld [smem:$0x3FD9]  }
0x89: {  	s3 =	sld [smem:$0x3FFE];
	_ =	sdelay $0x1  }
0x8a: {  	s1 =	srdreg.scid  }
0x8b: {  	s0 =	sand.u32 $0x1, s1  }
0x8c: {  	s15 =	sshll.u32 s0, $0xA;
	s2 =	sadd.s32 s3, s2  }
0x8d: {  	s2 =	sadd.s32 s2, s15  }
0x8e: {  	[smem:$0x3FC1] =	sst s2  }
0x8f: {  	_ = 	snop  }
0x90: {  	s2 =	sld [smem:$0x3FD0];
	_ =	sdelay $0x2  }
0x91: {  	s16 =	simm.s32 $0xB;
	s4 =	simm.s32 $0x10  }
0x92: {  	[smem:s4], [sflag:s16] =	dma.local [hbm:s2], $0x1  }
0x93: {  	_ =	swait.eq [sflag:s16], $0x1  }
0x94: {  	[sflag:s16] =	ssyncset.done $0x0  }
0x95: {  	[sflag:s16] =	ssyncadd.s32 $0xFFFFFFFF  }
0x96: {  	s17 =	sld [smem:$0x10];
	(tm) =	ssettm $0x1  }
0x97: {  	s18 =	sld [smem:$0x3FFB];
	_ =	sdelay $0x3  }
0x98: {  	_ =	strace s18  }
0x99: {  	s2 =	sld [smem:$0x3FFC];
	_ =	sdelay $0x3  }
0x9a: {  	_ =	strace s2  }
0x9b: {  	s2 =	sld [smem:$0x3FFD];
	_ =	sdelay $0x3  }
0x9c: {  	_ =	strace s2  }
0x9d: {  	_ =	strace $0x8FFFFFFF  }
0x9e: {  	s19 =	sld [smem:$0x3FDB];
	_ =	sdelay $0x1  }
0x9f: {  	s20 =	simm.s32 $_scs_section_size  }
0xa0: {  	s5 =	simm.s32 $_size__tile_overlayer_lowered;
	s6 =	simm.s32 $_tile_overlayer_lowered  }
0xa1: {  	s7 =	simm.s32 $0x1BFF;
	s21 =	sshll.u32 s6, $0x1;
	s4 =	sadd.s32 s20, s19  }
0xa2: {  	s22 =	simm.s32 $0x0;
	s5 =	sshll.u32 s5, $0x1;
	s6 =	sadd.s32 s21, s4  }
0xa3: {  	[timem:s22], [sflag:s7] =	dma.local [hbm:s6], s5  }
0xa4: {  	_ =	swait.ge [sflag:s7], s5  }
0xa5: {  	s5 =	ssub.s32 $0x0, s5;
	[sflag:s7] =	ssyncset.done $0x0  }
0xa6: {  	[sflag:s7] =	ssyncadd.s32 s5;
	_ =	sdelay $0x1  }
0xa7: {  	s23 =	simm.s32 $0x1B8B  }
0xa8: {  	_ =	swait.ge [sflag:s23], $0x1  }
0xa9: {  	[sflag:s23] =	ssyncset.done $0x0  }
0xaa: {  	[sflag:s23] =	ssyncadd.s32 $0xFFFFFFFF  }
0xab: {  	s5 =	sld [smem:$0x0]  }
0xac: {  	s6 =	sand.u32 $0xFFFFFFFE, s1  }
0xad: {  	p0 =	sne.s32 s1, s6  }
0xae: {  	s6 =	sshll.u32 @p0 s6, $0xE  }
0xaf: {  	s6 =	sadd.s32 @p0 $0x11B8D, s6;
	s7 =	sshll.u32 @p0 s5, $0x11  }
0xb0: {  	s6 =	sor.u32 @p0 s7, s6  }
0xb1: {  	[sflag:s6] =	ssyncadd.remote.s32 @p0 $0x1;
	_ =	sdelay $0x1  }
0xb2: {  	s6 =	simm.s32 @p0 $0x1B8D  }
0xb3: {  	_ =	swait.eq @p0 [sflag:s6], $0x1  }
0xb4: {  	[sflag:s6] =	ssyncadd.s32 @p0 $0xFFFFFFFF  }
0xb5: {  	s7 =	sshll.u32 @!p0 s1, $0xE  }
0xb6: {  	s7 =	sor.u32 @!p0 $0x4000, s7;
	s6 =	simm.s32 @!p0 $0x1B8D  }
0xb7: {  	s5 =	sshll.u32 @!p0 s5, $0x11;
	s7 =	sadd.s32 @!p0 $0x11B8D, s7;
	_ =	swait.eq @!p0 [sflag:s6], $0x1  }
0xb8: {  	s5 =	sor.u32 @!p0 s5, s7;
	[sflag:s6] =	ssyncadd.s32 @!p0 $0xFFFFFFFF  }
0xb9: {  	s25 =	simm.s32 $0x1B8E;
	s24 =	sld [smem:$0x3FFE];
	[sflag:s5] =	ssyncadd.remote.s32 @!p0 $0x1  }
0xba: {  	s26 =	simm.s32 $execute0_lowered;
	[smem:$0x3FD2] =	sst s25  }
0xbb: {  	s6 =	sshll.u32 s26, $0x1;
	_ =	strace $0x80000049;
	[dreg:$0x1] =	wrdreg $0xFFFFFFFF  }
0xbc: {  	s28 =	simm.s32 $_size_execute0_lowered;
	s4 =	sadd.s32 s4, s6;
	[dreg:$0x0] =	wrdreg $0x0  }
0xbd: {  	s6 =	sshll.u32 s28, $0x1;
	[dreg:$0x2] =	wrdreg s4  }
0xbe: {  	[dreg:$0x3] =	wrdreg s6  }
0xbf: {  	[dreg:$0x4] =	wrdreg $0xC0  }
0xc0: {  	_ =	task [dreg:s22], $0x5FFFF  }
0xc1: {  	[dreg:$0x1] =	wrdreg $0xFFFFFFFF  }
0xc2: {  	[dreg:$0x0] =	wrdreg $0x60  }
0xc3: {  	[dreg:$0x2] =	wrdreg s17  }
0xc4: {  	[dreg:$0x3] =	wrdreg s24  }
0xc5: {  	[dreg:$0x4] =	wrdreg $0x9  }
0xc6: {  	_ =	task.clear_ibuf [dreg:s22], $0x5FFFF;
	_ =	strace $0x90000049  }
0xc7: {  	s29 =	simm.s32 $0x9;
	_ =	strace $0x8000004B  }
0xc8: {  	_ =	swait.ge [sflag:s29], $0x1  }
0xc9: {  	[sflag:s29] =	ssyncadd.s32 $0xFFFFFFFF  }
0xca: {  	_ =	strace $0x9000004B  }
0xcb: {  	_ =	sfence  }
0xcc: {  	s30 =	sld [smem:$0x0];
	_ =	sdelay $0x2  }
0xcd: {  	s31 =	sshll.u32 s1, $0xD;
	s1 =	sshrl.u32 s1, $0x2  }
0xce: {  	s4 =	sand.u32 $0x4000, s31;
	s1 =	sadd.s32 s1, s30  }
0xcf: {  	s0 =	sor.u32 s4, s0;
	s1 =	sshll.u32 s1, $0x11  }
0xd0: {  	s0 =	sor.u32 s1, s0  }
0xd1: {  	s0 =	sadd.s32 $0x8F2B, s0  }
0xd2: {  	[sflag:s0] =	ssyncadd.remote.s32 $0x1  }
0xd3: {  	_ =	sfence.sel $0xFFFF  }
0xd4: {  	[dreg:$0x0] =	wrdreg $0xFFFFFFFF;
	(pc) =	sbr.abs _section_cstart, $3  }
0xd5: {  	[dreg:$0x1] =	wrdreg $0xFFFFFFFF  }
0xd6: {  	_ =	task.clear_ibuf [dreg:s22], $0x2FFFF;
	_ =	strace $0x9FFFFFFF  }
0xd7: {  	(tm) =	ssettm $0x7FFFFFFF  }
tec
execute0_lowered:
.L_overlay_start_1:
0x0: {  	(tag) =	ssettag $0x1  }
0x1: {  	s0 =	rddreg [dreg:$0x0];
	s1 =	srdreg.scid  }
0x2: {  	s18 =	stileid.u32;
	s2 =	rddreg [dreg:$0x1];
	s23 =	simm.s32 $0x0  }
0x3: {  	s24 =	simm.s32 $0x100;
	s25 =	simm.s32 $0x180;
	s26 =	simm.s32 $0x200  }
0x4: {  	s1 =	sand.u32 $0x1, s1;
	s3 =	sshll.u32 s18, $0x1;
	[smem:$0x7FF] =	sst s23  }
0x5: {  	s3 =	sor.u32 s1, s3;
	_ =	strace $0x8000004A;
	[dreg:$0x14] =	wrdreg s24  }
0x6: {  	[dreg:$0x15] =	wrdreg s25;
	s4 =	sshll.u32 s3, $0x4;
	s3 =	sshll.u32 s3, $0x9  }
0x7: {  	[dreg:$0x16] =	wrdreg s26;
	s4 =	sadd.s32 s4, s2;
	s0 =	sadd.s32 s0, s3  }
0x8: {  	[dreg:$0x3] =	wrdreg s0;
	s3 =	sadd.s32 $0x1C5000, s4  }
0x9: {  	s5 =	sadd.s32 $0x1D5000, s4;
	[dreg:$0x4] =	wrdreg s3  }
0xa: {  	s6 =	sadd.s32 $0x1E5000, s4;
	[dreg:$0x5] =	wrdreg s5  }
0xb: {  	s31 =	simm.s32 $0x9;
	s7 =	sadd.s32 $0x1F5000, s4;
	[dreg:$0x6] =	wrdreg s6  }
0xc: {  	s30 =	simm.s32 $0x300;
	s8 =	sadd.s32 $0x205000, s4;
	[dreg:$0x7] =	wrdreg s7  }
0xd: {  	s29 =	simm.s32 $0x380;
	s9 =	sadd.s32 $0x215000, s4;
	[dreg:$0x8] =	wrdreg s8  }
0xe: {  	s28 =	simm.s32 $0x400;
	s10 =	sadd.s32 $0x225000, s4;
	[dreg:$0x9] =	wrdreg s9  }
0xf: {  	p0 =	por $0x0, $0x0;
	s11 =	sadd.s32 $0x235000, s4;
	[dreg:$0xa] =	wrdreg s10  }
0x10: {  	s1 =	ssub.s32 $0x2, s1;
	s12 =	sadd.s32 $0x245000, s4;
	[dreg:$0xb] =	wrdreg s11  }
0x11: {  	s26 =	simm.s32 $0x480;
	s13 =	sadd.s32 $0x255000, s4;
	[dreg:$0xc] =	wrdreg s12  }
0x12: {  	s25 =	simm.s32 $0x500;
	s14 =	sadd.s32 $0x265000, s4;
	[dreg:$0xd] =	wrdreg s13  }
0x13: {  	s24 =	simm.s32 $0x580;
	s15 =	sadd.s32 $0x275000, s4;
	[dreg:$0xe] =	wrdreg s14  }
0x14: {  	s19 =	sshrl.u32 s1, $0x1;
	s16 =	sadd.s32 $0x285000, s4;
	[dreg:$0xf] =	wrdreg s15  }
0x15: {  	s2 =	sadd.s32 $0x1A00, s2;
	s17 =	sadd.s32 $0x295000, s4;
	[dreg:$0x10] =	wrdreg s16  }
0x16: {  	s1 =	ssub.s32 s1, s19;
	s20 =	sadd.s32 $0x2A5000, s4;
	[dreg:$0x11] =	wrdreg s17  }
0x17: {  	s19 =	simm.s32 $0x780;
	s21 =	sadd.s32 $0x2B5000, s4;
	[dreg:$0x12] =	wrdreg s20  }
0x18: {  	s22 =	smax.u32 s1, $0x1;
	s4 =	simm.s32 $0x40;
	[dreg:$0x13] =	wrdreg s21  }
0x19: {  	s13 =	simm.s32 $0x80;
	s12 =	simm.s32 $0x800;
	s11 =	simm.s32 $0x2800  }
0x1a: {  	s9 =	simm.s32 $0x4800;
	s3 =	simm.s32 $0x6800;
	p1 =	sne.s32 s22, $0x1  }
.Ltmp0:
0x1b: {  	s16 =	simm.s32 $0x1;
	s10 =	simm.s32 $0x1000;
	(pc) =	sbr.rel @!p1 .LBB2_1-.Ltmp0, $4  }
0x1c: {  	s5 =	simm.s32 $0x5;
	s17 =	simm.s32 $0x2;
	s6 =	simm.s32 $0x6  }
0x1d: {  	s15 =	simm.s32 $0x3;
	s7 =	simm.s32 $0x7;
	s14 =	simm.s32 $0x4  }
0x1e: {  	s8 =	simm.s32 $0x8;
	s1 =	sadd.s32 $0xFFFFFFFF, s22;
	s22 =	simm.s32 $0x600  }
0x1f: {  	s21 =	simm.s32 $0x680;
	s20 =	simm.s32 $0x700;
	s0 =	rddreg [dreg:$0x3]  }
0x20: {  	[tilespmem:s23], [sflag:$0x9] =	stream.linear.gather [hbm4b:s0+s23], $0x800, $0x38;
	[tilespmem:$0x8800] =	vst v63  }
0x21: {  	_ =	swait.ge [sflag:s31], $0x800  }
0x22: {  	[sflag:s31] =	ssyncset.done $0x0  }
0x23: {  	[sflag:s31] =	ssyncadd.s32 $0xFFFFF800  }
0x24: {  	[tilespmem:s12], [sflag:$0x1] =	stream.indirect.gather [hbm4b:s2+s13], $0x40, s23, s13, $0xb8;
	[tilespmem:$0x8800] =	vst v63  }
0x25: {  	_ = 	snop  }
0x26: {  	[tilespmem:s11], [sflag:$0x2] =	stream.indirect.gather [hbm4b:s2+s13], $0x40, s13, s13, $0xb8;
	[tilespmem:$0x8800] =	vst v63  }
0x27: {  	s0 =	rddreg [dreg:$0x14]  }
0x28: {  	[tilespmem:s9], [sflag:$0x3] =	stream.indirect.gather [hbm4b:s2+s13], $0x40, s0, s13, $0xb8;
	[tilespmem:$0x8800] =	vst v63  }
0x29: {  	s18 =	smov.u32 s1;
	s1 =	rddreg [dreg:$0x15]  }
0x2a: {  	[tilespmem:s3], [sflag:$0x4] =	stream.indirect.gather [hbm4b:s2+s13], $0x40, s1, s13, $0xb8;
	[tilespmem:$0x8800] =	vst v63  }
0x2b: {  	_ =	swait.ge [sflag:s16], $0x2000  }
0x2c: {  	[sflag:s16] =	ssyncset.done $0x0  }
0x2d: {  	s1 =	rddreg [dreg:$0x4];
	[sflag:s16] =	ssyncadd.s32 $0xFFFFE000  }
0x2e: {  	[hbm4b:s1+s4] =	stream.strided.scatter [tilespmem:s12], [sflag:$0x5], $0x2000, s10, s4, $0x38;
	[tilespmem:$0x8800] =	vst v63  }
0x2f: {  	_ =	swait.ge [sflag:s5], $0x2000  }
0x30: {  	[sflag:s5] =	ssyncset.done $0x0  }
0x31: {  	s1 =	rddreg [dreg:$0x16];
	[sflag:s5] =	ssyncadd.s32 $0xFFFFE000  }
0x32: {  	[tilespmem:s12], [sflag:$0x1] =	stream.indirect.gather [hbm4b:s2+s13], $0x40, s1, s13, $0xb8;
	[tilespmem:$0x8800] =	vst v63  }
0x33: {  	_ =	swait.ge [sflag:s17], $0x2000  }
0x34: {  	[sflag:s17] =	ssyncset.done $0x0  }
0x35: {  	s1 =	rddreg [dreg:$0x5];
	[sflag:s17] =	ssyncadd.s32 $0xFFFFE000  }
0x36: {  	[hbm4b:s1+s4] =	stream.strided.scatter [tilespmem:s11], [sflag:$0x6], $0x2000, s10, s4, $0x38;
	[tilespmem:$0x8800] =	vst v63  }
0x37: {  	_ =	swait.ge [sflag:s6], $0x2000  }
0x38: {  	[sflag:s6] =	ssyncset.done $0x0  }
0x39: {  	s1 =	simm.s32 $0x280;
	[sflag:s6] =	ssyncadd.s32 $0xFFFFE000  }
0x3a: {  	[tilespmem:s11], [sflag:$0x2] =	stream.indirect.gather [hbm4b:s2+s13], $0x40, s1, s13, $0xb8;
	[tilespmem:$0x8800] =	vst v63  }
0x3b: {  	_ =	swait.ge [sflag:s15], $0x2000  }
0x3c: {  	[sflag:s15] =	ssyncset.done $0x0  }
0x3d: {  	s1 =	rddreg [dreg:$0x6];
	[sflag:s15] =	ssyncadd.s32 $0xFFFFE000  }
0x3e: {  	[hbm4b:s1+s4] =	stream.strided.scatter [tilespmem:s9], [sflag:$0x7], $0x2000, s10, s4, $0x38;
	[tilespmem:$0x8800] =	vst v63  }
0x3f: {  	_ =	swait.ge [sflag:s7], $0x2000  }
0x40: {  	[sflag:s7] =	ssyncset.done $0x0  }
0x41: {  	[sflag:s7] =	ssyncadd.s32 $0xFFFFE000  }
0x42: {  	[tilespmem:s9], [sflag:$0x3] =	stream.indirect.gather [hbm4b:s2+s13], $0x40, s30, s13, $0xb8;
	[tilespmem:$0x8800] =	vst v63  }
0x43: {  	_ =	swait.ge [sflag:s14], $0x2000  }
0x44: {  	[sflag:s14] =	ssyncset.done $0x0  }
0x45: {  	s1 =	rddreg [dreg:$0x7];
	[sflag:s14] =	ssyncadd.s32 $0xFFFFE000  }
0x46: {  	[hbm4b:s1+s4] =	stream.strided.scatter [tilespmem:s3], [sflag:$0x8], $0x2000, s10, s4, $0x38;
	[tilespmem:$0x8800] =	vst v63  }
0x47: {  	_ =	swait.ge [sflag:s8], $0x2000  }
0x48: {  	[sflag:s8] =	ssyncset.done $0x0  }
0x49: {  	[sflag:s8] =	ssyncadd.s32 $0xFFFFE000  }
0x4a: {  	[tilespmem:s3], [sflag:$0x4] =	stream.indirect.gather [hbm4b:s2+s13], $0x40, s29, s13, $0xb8;
	[tilespmem:$0x8800] =	vst v63  }
0x4b: {  	_ =	swait.ge [sflag:s16], $0x2000  }
0x4c: {  	[sflag:s16] =	ssyncset.done $0x0  }
0x4d: {  	s1 =	rddreg [dreg:$0x8];
	[sflag:s16] =	ssyncadd.s32 $0xFFFFE000  }
0x4e: {  	[hbm4b:s1+s4] =	stream.strided.scatter [tilespmem:s12], [sflag:$0x5], $0x2000, s10, s4, $0x38;
	[tilespmem:$0x8800] =	vst v63  }
0x4f: {  	_ =	swait.ge [sflag:s5], $0x2000  }
0x50: {  	[sflag:s5] =	ssyncset.done $0x0  }
0x51: {  	[sflag:s5] =	ssyncadd.s32 $0xFFFFE000  }
0x52: {  	[tilespmem:s12], [sflag:$0x1] =	stream.indirect.gather [hbm4b:s2+s13], $0x40, s28, s13, $0xb8;
	[tilespmem:$0x8800] =	vst v63  }
0x53: {  	_ =	swait.ge [sflag:s17], $0x2000  }
0x54: {  	[sflag:s17] =	ssyncset.done $0x0  }
0x55: {  	s1 =	rddreg [dreg:$0x9];
	[sflag:s17] =	ssyncadd.s32 $0xFFFFE000  }
0x56: {  	[hbm4b:s1+s4] =	stream.strided.scatter [tilespmem:s11], [sflag:$0x6], $0x2000, s10, s4, $0x38;
	[tilespmem:$0x8800] =	vst v63  }
0x57: {  	_ =	swait.ge [sflag:s6], $0x2000  }
0x58: {  	[sflag:s6] =	ssyncset.done $0x0  }
0x59: {  	[sflag:s6] =	ssyncadd.s32 $0xFFFFE000  }
0x5a: {  	[tilespmem:s11], [sflag:$0x2] =	stream.indirect.gather [hbm4b:s2+s13], $0x40, s26, s13, $0xb8;
	[tilespmem:$0x8800] =	vst v63  }
0x5b: {  	_ =	swait.ge [sflag:s15], $0x2000  }
0x5c: {  	[sflag:s15] =	ssyncset.done $0x0  }
0x5d: {  	s1 =	rddreg [dreg:$0xa];
	[sflag:s15] =	ssyncadd.s32 $0xFFFFE000  }
0x5e: {  	[hbm4b:s1+s4] =	stream.strided.scatter [tilespmem:s9], [sflag:$0x7], $0x2000, s10, s4, $0x38;
	[tilespmem:$0x8800] =	vst v63  }
0x5f: {  	_ =	swait.ge [sflag:s7], $0x2000  }
0x60: {  	[sflag:s7] =	ssyncset.done $0x0  }
0x61: {  	[sflag:s7] =	ssyncadd.s32 $0xFFFFE000  }
0x62: {  	[tilespmem:s9], [sflag:$0x3] =	stream.indirect.gather [hbm4b:s2+s13], $0x40, s25, s13, $0xb8;
	[tilespmem:$0x8800] =	vst v63  }
0x63: {  	_ =	swait.ge [sflag:s14], $0x2000  }
0x64: {  	[sflag:s14] =	ssyncset.done $0x0  }
0x65: {  	s1 =	rddreg [dreg:$0xb];
	[sflag:s14] =	ssyncadd.s32 $0xFFFFE000  }
0x66: {  	[hbm4b:s1+s4] =	stream.strided.scatter [tilespmem:s3], [sflag:$0x8], $0x2000, s10, s4, $0x38;
	[tilespmem:$0x8800] =	vst v63  }
0x67: {  	_ =	swait.ge [sflag:s8], $0x2000  }
0x68: {  	[sflag:s8] =	ssyncset.done $0x0  }
0x69: {  	[sflag:s8] =	ssyncadd.s32 $0xFFFFE000  }
0x6a: {  	[tilespmem:s3], [sflag:$0x4] =	stream.indirect.gather [hbm4b:s2+s13], $0x40, s24, s13, $0xb8;
	[tilespmem:$0x8800] =	vst v63  }
0x6b: {  	_ =	swait.ge [sflag:s16], $0x2000  }
0x6c: {  	[sflag:s16] =	ssyncset.done $0x0  }
0x6d: {  	s1 =	rddreg [dreg:$0xc];
	[sflag:s16] =	ssyncadd.s32 $0xFFFFE000  }
0x6e: {  	[hbm4b:s1+s4] =	stream.strided.scatter [tilespmem:s12], [sflag:$0x5], $0x2000, s10, s4, $0x38;
	[tilespmem:$0x8800] =	vst v63  }
0x6f: {  	_ =	swait.ge [sflag:s5], $0x2000  }
0x70: {  	[sflag:s5] =	ssyncset.done $0x0  }
0x71: {  	[sflag:s5] =	ssyncadd.s32 $0xFFFFE000  }
0x72: {  	[tilespmem:s12], [sflag:$0x1] =	stream.indirect.gather [hbm4b:s2+s13], $0x40, s22, s13, $0xb8;
	[tilespmem:$0x8800] =	vst v63  }
0x73: {  	_ =	swait.ge [sflag:s17], $0x2000  }
0x74: {  	[sflag:s17] =	ssyncset.done $0x0  }
0x75: {  	s1 =	rddreg [dreg:$0xd];
	[sflag:s17] =	ssyncadd.s32 $0xFFFFE000  }
0x76: {  	[hbm4b:s1+s4] =	stream.strided.scatter [tilespmem:s11], [sflag:$0x6], $0x2000, s10, s4, $0x38;
	[tilespmem:$0x8800] =	vst v63  }
0x77: {  	_ =	swait.ge [sflag:s6], $0x2000  }
0x78: {  	[sflag:s6] =	ssyncset.done $0x0  }
0x79: {  	[sflag:s6] =	ssyncadd.s32 $0xFFFFE000  }
0x7a: {  	[tilespmem:s11], [sflag:$0x2] =	stream.indirect.gather [hbm4b:s2+s13], $0x40, s21, s13, $0xb8;
	[tilespmem:$0x8800] =	vst v63  }
0x7b: {  	_ =	swait.ge [sflag:s15], $0x2000  }
0x7c: {  	[sflag:s15] =	ssyncset.done $0x0  }
0x7d: {  	s1 =	rddreg [dreg:$0xe];
	[sflag:s15] =	ssyncadd.s32 $0xFFFFE000  }
0x7e: {  	[hbm4b:s1+s4] =	stream.strided.scatter [tilespmem:s9], [sflag:$0x7], $0x2000, s10, s4, $0x38;
	[tilespmem:$0x8800] =	vst v63  }
0x7f: {  	_ =	swait.ge [sflag:s7], $0x2000  }
0x80: {  	[sflag:s7] =	ssyncset.done $0x0  }
0x81: {  	[sflag:s7] =	ssyncadd.s32 $0xFFFFE000  }
0x82: {  	[tilespmem:s9], [sflag:$0x3] =	stream.indirect.gather [hbm4b:s2+s13], $0x40, s20, s13, $0xb8;
	[tilespmem:$0x8800] =	vst v63  }
0x83: {  	_ =	swait.ge [sflag:s14], $0x2000  }
0x84: {  	[sflag:s14] =	ssyncset.done $0x0  }
0x85: {  	s1 =	rddreg [dreg:$0xf];
	[sflag:s14] =	ssyncadd.s32 $0xFFFFE000  }
0x86: {  	[hbm4b:s1+s4] =	stream.strided.scatter [tilespmem:s3], [sflag:$0x8], $0x2000, s10, s4, $0x38;
	[tilespmem:$0x8800] =	vst v63  }
0x87: {  	_ =	swait.ge [sflag:s8], $0x2000  }
0x88: {  	[sflag:s8] =	ssyncset.done $0x0  }
0x89: {  	[sflag:s8] =	ssyncadd.s32 $0xFFFFE000  }
0x8a: {  	[tilespmem:s3], [sflag:$0x4] =	stream.indirect.gather [hbm4b:s2+s13], $0x40, s19, s13, $0xb8;
	[tilespmem:$0x8800] =	vst v63  }
0x8b: {  	_ =	swait.ge [sflag:s16], $0x2000  }
0x8c: {  	[sflag:s16] =	ssyncset.done $0x0  }
0x8d: {  	s1 =	rddreg [dreg:$0x10];
	[sflag:s16] =	ssyncadd.s32 $0xFFFFE000  }
0x8e: {  	[hbm4b:s1+s4] =	stream.strided.scatter [tilespmem:s12], [sflag:$0x5], $0x2000, s10, s4, $0x38;
	[tilespmem:$0x8800] =	vst v63  }
0x8f: {  	_ =	swait.ge [sflag:s17], $0x2000  }
0x90: {  	[sflag:s17] =	ssyncset.done $0x0  }
0x91: {  	s1 =	rddreg [dreg:$0x11];
	[sflag:s17] =	ssyncadd.s32 $0xFFFFE000  }
0x92: {  	[hbm4b:s1+s4] =	stream.strided.scatter [tilespmem:s11], [sflag:$0x6], $0x2000, s10, s4, $0x38;
	[tilespmem:$0x8800] =	vst v63  }
0x93: {  	_ =	swait.ge [sflag:s15], $0x2000  }
0x94: {  	[sflag:s15] =	ssyncset.done $0x0  }
0x95: {  	s1 =	rddreg [dreg:$0x12];
	[sflag:s15] =	ssyncadd.s32 $0xFFFFE000  }
0x96: {  	[hbm4b:s1+s4] =	stream.strided.scatter [tilespmem:s9], [sflag:$0x7], $0x2000, s10, s4, $0x38;
	[tilespmem:$0x8800] =	vst v63  }
0x97: {  	_ =	swait.ge [sflag:s14], $0x2000  }
0x98: {  	[sflag:s14] =	ssyncset.done $0x0  }
0x99: {  	s1 =	rddreg [dreg:$0x13];
	[sflag:s14] =	ssyncadd.s32 $0xFFFFE000  }
0x9a: {  	[hbm4b:s1+s4] =	stream.strided.scatter [tilespmem:s3], [sflag:$0x8], $0x2000, s10, s4, $0x38;
	[tilespmem:$0x8800] =	vst v63  }
0x9b: {  	_ =	swait.ge [sflag:s5], $0x2000  }
0x9c: {  	[sflag:s5] =	ssyncset.done $0x0  }
0x9d: {  	[sflag:s5] =	ssyncadd.s32 $0xFFFFE000  }
0x9e: {  	_ =	swait.ge [sflag:s6], $0x2000  }
0x9f: {  	[sflag:s6] =	ssyncset.done $0x0  }
0xa0: {  	p1 =	sne.s32 s18, $0x1;
	[sflag:s6] =	ssyncadd.s32 $0xFFFFE000  }
.Ltmp1:
0xa1: {  	_ =	swait.ge [sflag:s7], $0x2000;
	(pc) =	sbr.rel @!p1 .LBB2_3-.Ltmp1, $4  }
0xa2: {  	[sflag:s7] =	ssyncset.done $0x0  }
0xa3: {  	[sflag:s7] =	ssyncadd.s32 $0xFFFFE000  }
0xa4: {  	p0 =	por $0x1, $0x1;
	_ =	swait.ge [sflag:s8], $0x2000  }
0xa5: {  	s1 =	sadd.s32 $0xFFFFFFFF, s18;
	s0 =	rddreg [dreg:$0x3];
	[sflag:s8] =	ssyncset.done $0x0  }
.LBB2_4:
0xa6: {  	[sflag:s8] =	ssyncadd.s32 $0xFFFFE000  }
0xa7: {  	[tilespmem:s23], [sflag:$0x9] =	stream.linear.gather [hbm4b:s0+s23], $0x800, $0x38;
	[tilespmem:$0x8800] =	vst v63  }
0xa8: {  	_ =	swait.ge [sflag:s31], $0x800  }
0xa9: {  	[sflag:s31] =	ssyncset.done $0x0  }
0xaa: {  	[sflag:s31] =	ssyncadd.s32 $0xFFFFF800  }
0xab: {  	[tilespmem:s12], [sflag:$0x1] =	stream.indirect.gather [hbm4b:s2+s13], $0x40, s23, s13, $0xb8;
	[tilespmem:$0x8800] =	vst v63  }
0xac: {  	_ = 	snop  }
0xad: {  	[tilespmem:s11], [sflag:$0x2] =	stream.indirect.gather [hbm4b:s2+s13], $0x40, s13, s13, $0xb8;
	[tilespmem:$0x8800] =	vst v63  }
0xae: {  	s0 =	rddreg [dreg:$0x14]  }
0xaf: {  	[tilespmem:s9], [sflag:$0x3] =	stream.indirect.gather [hbm4b:s2+s13], $0x40, s0, s13, $0xb8;
	[tilespmem:$0x8800] =	vst v63  }
0xb0: {  	s18 =	rddreg [dreg:$0x15]  }
0xb1: {  	[tilespmem:s3], [sflag:$0x4] =	stream.indirect.gather [hbm4b:s2+s13], $0x40, s18, s13, $0xb8;
	[tilespmem:$0x8800] =	vst v63  }
0xb2: {  	_ =	swait.ge [sflag:s16], $0x2000  }
0xb3: {  	[sflag:s16] =	ssyncset.done $0x0  }
0xb4: {  	s18 =	rddreg [dreg:$0x4];
	[sflag:s16] =	ssyncadd.s32 $0xFFFFE000  }
0xb5: {  	[hbm4b:s18+s4] =	stream.strided.scatter [tilespmem:s12], [sflag:$0x5], $0x2000, s10, s4, $0x38;
	[tilespmem:$0x8800] =	vst v63  }
0xb6: {  	_ =	swait.ge [sflag:s5], $0x2000  }
0xb7: {  	[sflag:s5] =	ssyncset.done $0x0  }
0xb8: {  	s18 =	rddreg [dreg:$0x16];
	[sflag:s5] =	ssyncadd.s32 $0xFFFFE000  }
0xb9: {  	[tilespmem:s12], [sflag:$0x1] =	stream.indirect.gather [hbm4b:s2+s13], $0x40, s18, s13, $0xb8;
	[tilespmem:$0x8800] =	vst v63  }
0xba: {  	_ =	swait.ge [sflag:s17], $0x2000  }
0xbb: {  	[sflag:s17] =	ssyncset.done $0x0  }
0xbc: {  	s18 =	rddreg [dreg:$0x5];
	[sflag:s17] =	ssyncadd.s32 $0xFFFFE000  }
0xbd: {  	[hbm4b:s18+s4] =	stream.strided.scatter [tilespmem:s11], [sflag:$0x6], $0x2000, s10, s4, $0x38;
	[tilespmem:$0x8800] =	vst v63  }
0xbe: {  	_ =	swait.ge [sflag:s6], $0x2000  }
0xbf: {  	[sflag:s6] =	ssyncset.done $0x0  }
0xc0: {  	s18 =	simm.s32 $0x280;
	[sflag:s6] =	ssyncadd.s32 $0xFFFFE000  }
0xc1: {  	[tilespmem:s11], [sflag:$0x2] =	stream.indirect.gather [hbm4b:s2+s13], $0x40, s18, s13, $0xb8;
	[tilespmem:$0x8800] =	vst v63  }
0xc2: {  	_ =	swait.ge [sflag:s15], $0x2000  }
0xc3: {  	[sflag:s15] =	ssyncset.done $0x0  }
0xc4: {  	s18 =	rddreg [dreg:$0x6];
	[sflag:s15] =	ssyncadd.s32 $0xFFFFE000  }
0xc5: {  	[hbm4b:s18+s4] =	stream.strided.scatter [tilespmem:s9], [sflag:$0x7], $0x2000, s10, s4, $0x38;
	[tilespmem:$0x8800] =	vst v63  }
0xc6: {  	_ =	swait.ge [sflag:s7], $0x2000  }
0xc7: {  	[sflag:s7] =	ssyncset.done $0x0  }
0xc8: {  	[sflag:s7] =	ssyncadd.s32 $0xFFFFE000  }
0xc9: {  	[tilespmem:s9], [sflag:$0x3] =	stream.indirect.gather [hbm4b:s2+s13], $0x40, s30, s13, $0xb8;
	[tilespmem:$0x8800] =	vst v63  }
0xca: {  	_ =	swait.ge [sflag:s14], $0x2000  }
0xcb: {  	[sflag:s14] =	ssyncset.done $0x0  }
0xcc: {  	s18 =	rddreg [dreg:$0x7];
	[sflag:s14] =	ssyncadd.s32 $0xFFFFE000  }
0xcd: {  	[hbm4b:s18+s4] =	stream.strided.scatter [tilespmem:s3], [sflag:$0x8], $0x2000, s10, s4, $0x38;
	[tilespmem:$0x8800] =	vst v63  }
0xce: {  	_ =	swait.ge [sflag:s8], $0x2000  }
0xcf: {  	[sflag:s8] =	ssyncset.done $0x0  }
0xd0: {  	[sflag:s8] =	ssyncadd.s32 $0xFFFFE000  }
0xd1: {  	[tilespmem:s3], [sflag:$0x4] =	stream.indirect.gather [hbm4b:s2+s13], $0x40, s29, s13, $0xb8;
	[tilespmem:$0x8800] =	vst v63  }
0xd2: {  	_ =	swait.ge [sflag:s16], $0x2000  }
0xd3: {  	[sflag:s16] =	ssyncset.done $0x0  }
0xd4: {  	s18 =	rddreg [dreg:$0x8];
	[sflag:s16] =	ssyncadd.s32 $0xFFFFE000  }
0xd5: {  	[hbm4b:s18+s4] =	stream.strided.scatter [tilespmem:s12], [sflag:$0x5], $0x2000, s10, s4, $0x38;
	[tilespmem:$0x8800] =	vst v63  }
0xd6: {  	_ =	swait.ge [sflag:s5], $0x2000  }
0xd7: {  	[sflag:s5] =	ssyncset.done $0x0  }
0xd8: {  	[sflag:s5] =	ssyncadd.s32 $0xFFFFE000  }
0xd9: {  	[tilespmem:s12], [sflag:$0x1] =	stream.indirect.gather [hbm4b:s2+s13], $0x40, s28, s13, $0xb8;
	[tilespmem:$0x8800] =	vst v63  }
0xda: {  	_ =	swait.ge [sflag:s17], $0x2000  }
0xdb: {  	[sflag:s17] =	ssyncset.done $0x0  }
0xdc: {  	s18 =	rddreg [dreg:$0x9];
	[sflag:s17] =	ssyncadd.s32 $0xFFFFE000  }
0xdd: {  	[hbm4b:s18+s4] =	stream.strided.scatter [tilespmem:s11], [sflag:$0x6], $0x2000, s10, s4, $0x38;
	[tilespmem:$0x8800] =	vst v63  }
0xde: {  	_ =	swait.ge [sflag:s6], $0x2000  }
0xdf: {  	[sflag:s6] =	ssyncset.done $0x0  }
0xe0: {  	[sflag:s6] =	ssyncadd.s32 $0xFFFFE000  }
0xe1: {  	[tilespmem:s11], [sflag:$0x2] =	stream.indirect.gather [hbm4b:s2+s13], $0x40, s26, s13, $0xb8;
	[tilespmem:$0x8800] =	vst v63  }
0xe2: {  	_ =	swait.ge [sflag:s15], $0x2000  }
0xe3: {  	[sflag:s15] =	ssyncset.done $0x0  }
0xe4: {  	s18 =	rddreg [dreg:$0xa];
	[sflag:s15] =	ssyncadd.s32 $0xFFFFE000  }
0xe5: {  	[hbm4b:s18+s4] =	stream.strided.scatter [tilespmem:s9], [sflag:$0x7], $0x2000, s10, s4, $0x38;
	[tilespmem:$0x8800] =	vst v63  }
0xe6: {  	_ =	swait.ge [sflag:s7], $0x2000  }
0xe7: {  	[sflag:s7] =	ssyncset.done $0x0  }
0xe8: {  	[sflag:s7] =	ssyncadd.s32 $0xFFFFE000  }
0xe9: {  	[tilespmem:s9], [sflag:$0x3] =	stream.indirect.gather [hbm4b:s2+s13], $0x40, s25, s13, $0xb8;
	[tilespmem:$0x8800] =	vst v63  }
0xea: {  	_ =	swait.ge [sflag:s14], $0x2000  }
0xeb: {  	[sflag:s14] =	ssyncset.done $0x0  }
0xec: {  	s18 =	rddreg [dreg:$0xb];
	[sflag:s14] =	ssyncadd.s32 $0xFFFFE000  }
0xed: {  	[hbm4b:s18+s4] =	stream.strided.scatter [tilespmem:s3], [sflag:$0x8], $0x2000, s10, s4, $0x38;
	[tilespmem:$0x8800] =	vst v63  }
0xee: {  	_ =	swait.ge [sflag:s8], $0x2000  }
0xef: {  	[sflag:s8] =	ssyncset.done $0x0  }
0xf0: {  	[sflag:s8] =	ssyncadd.s32 $0xFFFFE000  }
0xf1: {  	[tilespmem:s3], [sflag:$0x4] =	stream.indirect.gather [hbm4b:s2+s13], $0x40, s24, s13, $0xb8;
	[tilespmem:$0x8800] =	vst v63  }
0xf2: {  	_ =	swait.ge [sflag:s16], $0x2000  }
0xf3: {  	[sflag:s16] =	ssyncset.done $0x0  }
0xf4: {  	s18 =	rddreg [dreg:$0xc];
	[sflag:s16] =	ssyncadd.s32 $0xFFFFE000  }
0xf5: {  	[hbm4b:s18+s4] =	stream.strided.scatter [tilespmem:s12], [sflag:$0x5], $0x2000, s10, s4, $0x38;
	[tilespmem:$0x8800] =	vst v63  }
0xf6: {  	_ =	swait.ge [sflag:s5], $0x2000  }
0xf7: {  	[sflag:s5] =	ssyncset.done $0x0  }
0xf8: {  	[sflag:s5] =	ssyncadd.s32 $0xFFFFE000  }
0xf9: {  	[tilespmem:s12], [sflag:$0x1] =	stream.indirect.gather [hbm4b:s2+s13], $0x40, s22, s13, $0xb8;
	[tilespmem:$0x8800] =	vst v63  }
0xfa: {  	_ =	swait.ge [sflag:s17], $0x2000  }
0xfb: {  	[sflag:s17] =	ssyncset.done $0x0  }
0xfc: {  	s18 =	rddreg [dreg:$0xd];
	[sflag:s17] =	ssyncadd.s32 $0xFFFFE000  }
0xfd: {  	[hbm4b:s18+s4] =	stream.strided.scatter [tilespmem:s11], [sflag:$0x6], $0x2000, s10, s4, $0x38;
	[tilespmem:$0x8800] =	vst v63  }
0xfe: {  	_ =	swait.ge [sflag:s6], $0x2000  }
0xff: {  	[sflag:s6] =	ssyncset.done $0x0  }
0x100: {  	[sflag:s6] =	ssyncadd.s32 $0xFFFFE000  }
0x101: {  	[tilespmem:s11], [sflag:$0x2] =	stream.indirect.gather [hbm4b:s2+s13], $0x40, s21, s13, $0xb8;
	[tilespmem:$0x8800] =	vst v63  }
0x102: {  	_ =	swait.ge [sflag:s15], $0x2000  }
0x103: {  	[sflag:s15] =	ssyncset.done $0x0  }
0x104: {  	s18 =	rddreg [dreg:$0xe];
	[sflag:s15] =	ssyncadd.s32 $0xFFFFE000  }
0x105: {  	[hbm4b:s18+s4] =	stream.strided.scatter [tilespmem:s9], [sflag:$0x7], $0x2000, s10, s4, $0x38;
	[tilespmem:$0x8800] =	vst v63  }
0x106: {  	_ =	swait.ge [sflag:s7], $0x2000  }
0x107: {  	[sflag:s7] =	ssyncset.done $0x0  }
0x108: {  	[sflag:s7] =	ssyncadd.s32 $0xFFFFE000  }
0x109: {  	[tilespmem:s9], [sflag:$0x3] =	stream.indirect.gather [hbm4b:s2+s13], $0x40, s20, s13, $0xb8;
	[tilespmem:$0x8800] =	vst v63  }
0x10a: {  	_ =	swait.ge [sflag:s14], $0x2000  }
0x10b: {  	[sflag:s14] =	ssyncset.done $0x0  }
0x10c: {  	s18 =	rddreg [dreg:$0xf];
	[sflag:s14] =	ssyncadd.s32 $0xFFFFE000  }
0x10d: {  	[hbm4b:s18+s4] =	stream.strided.scatter [tilespmem:s3], [sflag:$0x8], $0x2000, s10, s4, $0x38;
	[tilespmem:$0x8800] =	vst v63  }
0x10e: {  	_ =	swait.ge [sflag:s8], $0x2000  }
0x10f: {  	[sflag:s8] =	ssyncset.done $0x0  }
0x110: {  	[sflag:s8] =	ssyncadd.s32 $0xFFFFE000  }
0x111: {  	[tilespmem:s3], [sflag:$0x4] =	stream.indirect.gather [hbm4b:s2+s13], $0x40, s19, s13, $0xb8;
	[tilespmem:$0x8800] =	vst v63  }
0x112: {  	_ =	swait.ge [sflag:s16], $0x2000  }
0x113: {  	[sflag:s16] =	ssyncset.done $0x0  }
0x114: {  	s18 =	rddreg [dreg:$0x10];
	[sflag:s16] =	ssyncadd.s32 $0xFFFFE000  }
0x115: {  	[hbm4b:s18+s4] =	stream.strided.scatter [tilespmem:s12], [sflag:$0x5], $0x2000, s10, s4, $0x38;
	[tilespmem:$0x8800] =	vst v63  }
0x116: {  	_ =	swait.ge [sflag:s17], $0x2000  }
0x117: {  	[sflag:s17] =	ssyncset.done $0x0  }
0x118: {  	s18 =	rddreg [dreg:$0x11];
	[sflag:s17] =	ssyncadd.s32 $0xFFFFE000  }
0x119: {  	[hbm4b:s18+s4] =	stream.strided.scatter [tilespmem:s11], [sflag:$0x6], $0x2000, s10, s4, $0x38;
	[tilespmem:$0x8800] =	vst v63  }
0x11a: {  	_ =	swait.ge [sflag:s15], $0x2000  }
0x11b: {  	[sflag:s15] =	ssyncset.done $0x0  }
0x11c: {  	s18 =	rddreg [dreg:$0x12];
	[sflag:s15] =	ssyncadd.s32 $0xFFFFE000  }
0x11d: {  	[hbm4b:s18+s4] =	stream.strided.scatter [tilespmem:s9], [sflag:$0x7], $0x2000, s10, s4, $0x38;
	[tilespmem:$0x8800] =	vst v63  }
0x11e: {  	_ =	swait.ge [sflag:s14], $0x2000  }
0x11f: {  	[sflag:s14] =	ssyncset.done $0x0  }
0x120: {  	s18 =	rddreg [dreg:$0x13];
	[sflag:s14] =	ssyncadd.s32 $0xFFFFE000  }
0x121: {  	[hbm4b:s18+s4] =	stream.strided.scatter [tilespmem:s3], [sflag:$0x8], $0x2000, s10, s4, $0x38;
	[tilespmem:$0x8800] =	vst v63  }
0x122: {  	_ =	swait.ge [sflag:s5], $0x2000  }
0x123: {  	[sflag:s5] =	ssyncset.done $0x0  }
0x124: {  	[sflag:s5] =	ssyncadd.s32 $0xFFFFE000  }
0x125: {  	_ =	swait.ge [sflag:s6], $0x2000  }
0x126: {  	[sflag:s6] =	ssyncset.done $0x0  }
0x127: {  	p1 =	sne.s32 s1, $0x1;
	[sflag:s6] =	ssyncadd.s32 $0xFFFFE000  }
.Ltmp2:
0x128: {  	_ =	swait.ge [sflag:s7], $0x2000;
	(pc) =	sbr.rel @p1 .LBB2_4-.Ltmp2, $4  }
0x129: {  	[sflag:s7] =	ssyncset.done $0x0  }
0x12a: {  	[sflag:s7] =	ssyncadd.s32 $0xFFFFE000  }
0x12b: {  	_ =	swait.ge [sflag:s8], $0x2000  }
0x12c: {  	s1 =	sadd.s32 $0xFFFFFFFF, s1;
	s0 =	rddreg [dreg:$0x3];
	[sflag:s8] =	ssyncset.done $0x0  }
0x12d: {  	s19 =	simm.s32 $0x280;
	s30 =	simm.s32 $0x300  }
0x12e: {  	s29 =	simm.s32 $0x380;
	s28 =	simm.s32 $0x400;
	s26 =	simm.s32 $0x480  }
0x12f: {  	s25 =	simm.s32 $0x500;
	s24 =	simm.s32 $0x580;
	s22 =	simm.s32 $0x600  }
0x130: {  	s21 =	simm.s32 $0x680;
	s20 =	simm.s32 $0x700;
	s18 =	stileid.u32  }
.LBB2_6:
0x131: {  	[sflag:s8] =	ssyncadd.s32 @p0 $0xFFFFE000  }
0x132: {  	[tilespmem:s23], [sflag:$0x9] =	stream.linear.gather [hbm4b:s0+s23], $0x800, $0x38;
	[tilespmem:$0x8800] =	vst v63  }
0x133: {  	_ =	swait.ge [sflag:s31], $0x800  }
0x134: {  	[sflag:s31] =	ssyncset.done $0x0  }
0x135: {  	[sflag:s31] =	ssyncadd.s32 $0xFFFFF800  }
0x136: {  	[tilespmem:s12], [sflag:$0x1] =	stream.indirect.gather [hbm4b:s2+s13], $0x40, s23, s13, $0xb8;
	[tilespmem:$0x8800] =	vst v63  }
0x137: {  	_ = 	snop  }
0x138: {  	[tilespmem:s11], [sflag:$0x2] =	stream.indirect.gather [hbm4b:s2+s13], $0x40, s13, s13, $0xb8;
	[tilespmem:$0x8800] =	vst v63  }
0x139: {  	s31 =	rddreg [dreg:$0x14]  }
0x13a: {  	[tilespmem:s9], [sflag:$0x3] =	stream.indirect.gather [hbm4b:s2+s13], $0x40, s31, s13, $0xb8;
	[tilespmem:$0x8800] =	vst v63  }
0x13b: {  	s1 =	rddreg [dreg:$0x15]  }
0x13c: {  	[tilespmem:s3], [sflag:$0x4] =	stream.indirect.gather [hbm4b:s2+s13], $0x40, s1, s13, $0xb8;
	[tilespmem:$0x8800] =	vst v63  }
0x13d: {  	_ =	swait.ge [sflag:s16], $0x2000  }
0x13e: {  	[sflag:s16] =	ssyncset.done $0x0  }
0x13f: {  	s23 =	rddreg [dreg:$0x4];
	[sflag:s16] =	ssyncadd.s32 $0xFFFFE000  }
0x140: {  	[hbm4b:s23+s4] =	stream.strided.scatter [tilespmem:s12], [sflag:$0x5], $0x2000, s10, s4, $0x38;
	[tilespmem:$0x8800] =	vst v63  }
0x141: {  	_ =	swait.ge [sflag:s5], $0x2000  }
0x142: {  	[sflag:s5] =	ssyncset.done $0x0  }
0x143: {  	s31 =	rddreg [dreg:$0x16];
	[sflag:s5] =	ssyncadd.s32 $0xFFFFE000  }
0x144: {  	[tilespmem:s12], [sflag:$0x1] =	stream.indirect.gather [hbm4b:s2+s13], $0x40, s31, s13, $0xb8;
	[tilespmem:$0x8800] =	vst v63  }
0x145: {  	_ =	swait.ge [sflag:s17], $0x2000  }
0x146: {  	[sflag:s17] =	ssyncset.done $0x0  }
0x147: {  	s1 =	rddreg [dreg:$0x5];
	[sflag:s17] =	ssyncadd.s32 $0xFFFFE000  }
0x148: {  	[hbm4b:s1+s4] =	stream.strided.scatter [tilespmem:s11], [sflag:$0x6], $0x2000, s10, s4, $0x38;
	[tilespmem:$0x8800] =	vst v63  }
0x149: {  	_ =	swait.ge [sflag:s6], $0x2000  }
0x14a: {  	[sflag:s6] =	ssyncset.done $0x0  }
0x14b: {  	[sflag:s6] =	ssyncadd.s32 $0xFFFFE000  }
0x14c: {  	[tilespmem:s11], [sflag:$0x2] =	stream.indirect.gather [hbm4b:s2+s13], $0x40, s19, s13, $0xb8;
	[tilespmem:$0x8800] =	vst v63  }
0x14d: {  	_ =	swait.ge [sflag:s15], $0x2000  }
0x14e: {  	[sflag:s15] =	ssyncset.done $0x0  }
0x14f: {  	s19 =	rddreg [dreg:$0x6];
	[sflag:s15] =	ssyncadd.s32 $0xFFFFE000  }
0x150: {  	[hbm4b:s19+s4] =	stream.strided.scatter [tilespmem:s9], [sflag:$0x7], $0x2000, s10, s4, $0x38;
	[tilespmem:$0x8800] =	vst v63  }
0x151: {  	_ =	swait.ge [sflag:s7], $0x2000  }
0x152: {  	[sflag:s7] =	ssyncset.done $0x0  }
0x153: {  	[sflag:s7] =	ssyncadd.s32 $0xFFFFE000  }
0x154: {  	[tilespmem:s9], [sflag:$0x3] =	stream.indirect.gather [hbm4b:s2+s13], $0x40, s30, s13, $0xb8;
	[tilespmem:$0x8800] =	vst v63  }
0x155: {  	_ =	swait.ge [sflag:s14], $0x2000  }
0x156: {  	[sflag:s14] =	ssyncset.done $0x0  }
0x157: {  	s23 =	rddreg [dreg:$0x7];
	[sflag:s14] =	ssyncadd.s32 $0xFFFFE000  }
0x158: {  	[hbm4b:s23+s4] =	stream.strided.scatter [tilespmem:s3], [sflag:$0x8], $0x2000, s10, s4, $0x38;
	[tilespmem:$0x8800] =	vst v63  }
0x159: {  	_ =	swait.ge [sflag:s8], $0x2000  }
0x15a: {  	[sflag:s8] =	ssyncset.done $0x0  }
0x15b: {  	[sflag:s8] =	ssyncadd.s32 $0xFFFFE000  }
0x15c: {  	[tilespmem:s3], [sflag:$0x4] =	stream.indirect.gather [hbm4b:s2+s13], $0x40, s29, s13, $0xb8;
	[tilespmem:$0x8800] =	vst v63  }
0x15d: {  	_ =	swait.ge [sflag:s16], $0x2000  }
0x15e: {  	[sflag:s16] =	ssyncset.done $0x0  }
0x15f: {  	s29 =	rddreg [dreg:$0x8];
	[sflag:s16] =	ssyncadd.s32 $0xFFFFE000  }
0x160: {  	[hbm4b:s29+s4] =	stream.strided.scatter [tilespmem:s12], [sflag:$0x5], $0x2000, s10, s4, $0x38;
	[tilespmem:$0x8800] =	vst v63  }
0x161: {  	_ =	swait.ge [sflag:s5], $0x2000  }
0x162: {  	[sflag:s5] =	ssyncset.done $0x0  }
0x163: {  	[sflag:s5] =	ssyncadd.s32 $0xFFFFE000  }
0x164: {  	[tilespmem:s12], [sflag:$0x1] =	stream.indirect.gather [hbm4b:s2+s13], $0x40, s28, s13, $0xb8;
	[tilespmem:$0x8800] =	vst v63  }
0x165: {  	_ =	swait.ge [sflag:s17], $0x2000  }
0x166: {  	[sflag:s17] =	ssyncset.done $0x0  }
0x167: {  	s30 =	rddreg [dreg:$0x9];
	[sflag:s17] =	ssyncadd.s32 $0xFFFFE000  }
0x168: {  	[hbm4b:s30+s4] =	stream.strided.scatter [tilespmem:s11], [sflag:$0x6], $0x2000, s10, s4, $0x38;
	[tilespmem:$0x8800] =	vst v63  }
0x169: {  	_ =	swait.ge [sflag:s6], $0x2000  }
0x16a: {  	[sflag:s6] =	ssyncset.done $0x0  }
0x16b: {  	[sflag:s6] =	ssyncadd.s32 $0xFFFFE000  }
0x16c: {  	[tilespmem:s11], [sflag:$0x2] =	stream.indirect.gather [hbm4b:s2+s13], $0x40, s26, s13, $0xb8;
	[tilespmem:$0x8800] =	vst v63  }
0x16d: {  	_ =	swait.ge [sflag:s15], $0x2000  }
0x16e: {  	[sflag:s15] =	ssyncset.done $0x0  }
0x16f: {  	s31 =	rddreg [dreg:$0xa];
	[sflag:s15] =	ssyncadd.s32 $0xFFFFE000  }
0x170: {  	[hbm4b:s31+s4] =	stream.strided.scatter [tilespmem:s9], [sflag:$0x7], $0x2000, s10, s4, $0x38;
	[tilespmem:$0x8800] =	vst v63  }
0x171: {  	_ =	swait.ge [sflag:s7], $0x2000  }
0x172: {  	[sflag:s7] =	ssyncset.done $0x0  }
0x173: {  	[sflag:s7] =	ssyncadd.s32 $0xFFFFE000  }
0x174: {  	[tilespmem:s9], [sflag:$0x3] =	stream.indirect.gather [hbm4b:s2+s13], $0x40, s25, s13, $0xb8;
	[tilespmem:$0x8800] =	vst v63  }
0x175: {  	_ =	swait.ge [sflag:s14], $0x2000  }
0x176: {  	[sflag:s14] =	ssyncset.done $0x0  }
0x177: {  	s1 =	rddreg [dreg:$0xb];
	[sflag:s14] =	ssyncadd.s32 $0xFFFFE000  }
0x178: {  	[hbm4b:s1+s4] =	stream.strided.scatter [tilespmem:s3], [sflag:$0x8], $0x2000, s10, s4, $0x38;
	[tilespmem:$0x8800] =	vst v63  }
0x179: {  	_ =	swait.ge [sflag:s8], $0x2000  }
0x17a: {  	[sflag:s8] =	ssyncset.done $0x0  }
0x17b: {  	[sflag:s8] =	ssyncadd.s32 $0xFFFFE000  }
0x17c: {  	[tilespmem:s3], [sflag:$0x4] =	stream.indirect.gather [hbm4b:s2+s13], $0x40, s24, s13, $0xb8;
	[tilespmem:$0x8800] =	vst v63  }
0x17d: {  	_ =	swait.ge [sflag:s16], $0x2000  }
0x17e: {  	[sflag:s16] =	ssyncset.done $0x0  }
0x17f: {  	s19 =	rddreg [dreg:$0xc];
	[sflag:s16] =	ssyncadd.s32 $0xFFFFE000  }
0x180: {  	[hbm4b:s19+s4] =	stream.strided.scatter [tilespmem:s12], [sflag:$0x5], $0x2000, s10, s4, $0x38;
	[tilespmem:$0x8800] =	vst v63  }
0x181: {  	_ =	swait.ge [sflag:s5], $0x2000  }
0x182: {  	[sflag:s5] =	ssyncset.done $0x0  }
0x183: {  	[sflag:s5] =	ssyncadd.s32 $0xFFFFE000  }
0x184: {  	[tilespmem:s12], [sflag:$0x1] =	stream.indirect.gather [hbm4b:s2+s13], $0x40, s22, s13, $0xb8;
	[tilespmem:$0x8800] =	vst v63  }
0x185: {  	_ =	swait.ge [sflag:s17], $0x2000  }
0x186: {  	[sflag:s17] =	ssyncset.done $0x0  }
0x187: {  	s23 =	rddreg [dreg:$0xd];
	[sflag:s17] =	ssyncadd.s32 $0xFFFFE000  }
0x188: {  	[hbm4b:s23+s4] =	stream.strided.scatter [tilespmem:s11], [sflag:$0x6], $0x2000, s10, s4, $0x38;
	[tilespmem:$0x8800] =	vst v63  }
0x189: {  	_ =	swait.ge [sflag:s6], $0x2000  }
0x18a: {  	[sflag:s6] =	ssyncset.done $0x0  }
0x18b: {  	[sflag:s6] =	ssyncadd.s32 $0xFFFFE000  }
0x18c: {  	[tilespmem:s11], [sflag:$0x2] =	stream.indirect.gather [hbm4b:s2+s13], $0x40, s21, s13, $0xb8;
	[tilespmem:$0x8800] =	vst v63  }
0x18d: {  	_ =	swait.ge [sflag:s15], $0x2000  }
0x18e: {  	[sflag:s15] =	ssyncset.done $0x0  }
0x18f: {  	s24 =	rddreg [dreg:$0xe];
	[sflag:s15] =	ssyncadd.s32 $0xFFFFE000  }
0x190: {  	[hbm4b:s24+s4] =	stream.strided.scatter [tilespmem:s9], [sflag:$0x7], $0x2000, s10, s4, $0x38;
	[tilespmem:$0x8800] =	vst v63  }
0x191: {  	_ =	swait.ge [sflag:s7], $0x2000  }
0x192: {  	[sflag:s7] =	ssyncset.done $0x0  }
0x193: {  	[sflag:s7] =	ssyncadd.s32 $0xFFFFE000  }
0x194: {  	[tilespmem:s9], [sflag:$0x3] =	stream.indirect.gather [hbm4b:s2+s13], $0x40, s20, s13, $0xb8;
	[tilespmem:$0x8800] =	vst v63  }
0x195: {  	_ =	swait.ge [sflag:s14], $0x2000  }
0x196: {  	[sflag:s14] =	ssyncset.done $0x0  }
0x197: {  	s25 =	rddreg [dreg:$0xf];
	[sflag:s14] =	ssyncadd.s32 $0xFFFFE000  }
0x198: {  	[hbm4b:s25+s4] =	stream.strided.scatter [tilespmem:s3], [sflag:$0x8], $0x2000, s10, s4, $0x38;
	[tilespmem:$0x8800] =	vst v63  }
0x199: {  	_ =	swait.ge [sflag:s8], $0x2000  }
0x19a: {  	[sflag:s8] =	ssyncset.done $0x0  }
0x19b: {  	s26 =	simm.s32 $0x780;
	[sflag:s8] =	ssyncadd.s32 $0xFFFFE000  }
0x19c: {  	[tilespmem:s3], [sflag:$0x4] =	stream.indirect.gather [hbm4b:s2+s13], $0x40, s26, s13, $0xb8;
	[tilespmem:$0x8800] =	vst v63  }
0x19d: {  	_ =	swait.ge [sflag:s16], $0x2000  }
0x19e: {  	[sflag:s16] =	ssyncset.done $0x0  }
0x19f: {  	s28 =	rddreg [dreg:$0x10];
	[sflag:s16] =	ssyncadd.s32 $0xFFFFE000  }
0x1a0: {  	[hbm4b:s28+s4] =	stream.strided.scatter [tilespmem:s12], [sflag:$0x5], $0x2000, s10, s4, $0x38;
	[tilespmem:$0x8800] =	vst v63  }
0x1a1: {  	_ =	swait.ge [sflag:s17], $0x2000  }
0x1a2: {  	[sflag:s17] =	ssyncset.done $0x0  }
0x1a3: {  	s29 =	rddreg [dreg:$0x11];
	[sflag:s17] =	ssyncadd.s32 $0xFFFFE000  }
0x1a4: {  	[hbm4b:s29+s4] =	stream.strided.scatter [tilespmem:s11], [sflag:$0x6], $0x2000, s10, s4, $0x38;
	[tilespmem:$0x8800] =	vst v63  }
0x1a5: {  	_ =	swait.ge [sflag:s15], $0x2000  }
0x1a6: {  	[sflag:s15] =	ssyncset.done $0x0  }
0x1a7: {  	s30 =	rddreg [dreg:$0x12];
	[sflag:s15] =	ssyncadd.s32 $0xFFFFE000  }
0x1a8: {  	[hbm4b:s30+s4] =	stream.strided.scatter [tilespmem:s9], [sflag:$0x7], $0x2000, s10, s4, $0x38;
	[tilespmem:$0x8800] =	vst v63  }
0x1a9: {  	_ =	swait.ge [sflag:s14], $0x2000  }
0x1aa: {  	[sflag:s14] =	ssyncset.done $0x0  }
0x1ab: {  	s31 =	rddreg [dreg:$0x13];
	[sflag:s14] =	ssyncadd.s32 $0xFFFFE000  }
0x1ac: {  	[hbm4b:s31+s4] =	stream.strided.scatter [tilespmem:s3], [sflag:$0x8], $0x2000, s10, s4, $0x38;
	[tilespmem:$0x8800] =	vst v63  }
0x1ad: {  	_ =	swait.ge [sflag:s5], $0x2000  }
0x1ae: {  	[sflag:s5] =	ssyncset.done $0x0  }
0x1af: {  	[sflag:s5] =	ssyncadd.s32 $0xFFFFE000  }
0x1b0: {  	_ =	swait.ge [sflag:s6], $0x2000  }
0x1b1: {  	[sflag:s6] =	ssyncset.done $0x0  }
0x1b2: {  	[sflag:s6] =	ssyncadd.s32 $0xFFFFE000  }
0x1b3: {  	_ =	swait.ge [sflag:s7], $0x2000  }
0x1b4: {  	[sflag:s7] =	ssyncset.done $0x0  }
0x1b5: {  	[sflag:s7] =	ssyncadd.s32 $0xFFFFE000  }
0x1b6: {  	_ =	swait.ge [sflag:s8], $0x2000  }
0x1b7: {  	[sflag:s8] =	ssyncset.done $0x0  }
0x1b8: {  	[sflag:s8] =	ssyncadd.s32 $0xFFFFE000  }
0x1b9: {  	_ =	sfence.sel $0x180000  }
0x1ba: {  	[bflag:$0x0] =	sbarrier.arrive $0xFFFF  }
0x1bb: {  	_ =	strace $0x9000004A  }
0x1bc: {  	[bflag:$0x2] =	sbarrier.arrive $0xFFFF  }
0x1bd: {  	p0 =	sne.s32 s18, $0x0;
	s0 =	rddreg [dreg:$0x2]  }
0x1be: {  	s0 =	sadd.s32 @!p0 $0x100000, s0  }
0x1bf: {  	[sflag:s0] =	ssyncadd.tile.s32 @!p0 $0x1;
	_ =	shalt  }
.LBB2_1:
.Ltmp3:
0x1c0: {  	(pc) =	sbr.rel .LBB2_6-.Ltmp3, $4  }
0x1c1: {  	s19 =	simm.s32 $0x280  }
0x1c2: {  	s30 =	simm.s32 $0x300;
	s29 =	simm.s32 $0x380;
	s28 =	simm.s32 $0x400  }
0x1c3: {  	s26 =	simm.s32 $0x480;
	s25 =	simm.s32 $0x500;
	s24 =	simm.s32 $0x580  }
0x1c4: {  	s22 =	simm.s32 $0x600;
	s21 =	simm.s32 $0x680;
	s20 =	simm.s32 $0x700  }
.LBB2_3:
.Ltmp4:
0x1c5: {  	(pc) =	sbr.rel .LBB2_6-.Ltmp4, $4  }
0x1c6: {  	s19 =	simm.s32 $0x280;
	s30 =	simm.s32 $0x300  }
0x1c7: {  	s29 =	simm.s32 $0x380;
	s28 =	simm.s32 $0x400;
	s26 =	simm.s32 $0x480  }
0x1c8: {  	s25 =	simm.s32 $0x500;
	s24 =	simm.s32 $0x580;
	s22 =	simm.s32 $0x600  }
0x1c9: {  	s21 =	simm.s32 $0x680;
	s20 =	simm.s32 $0x700;
	s18 =	stileid.u32  }
.Lfunc_end2:
_tile_overlayer_lowered:
.L_overlay_start_2:
0x1ca: {  	(tag) =	ssettag $0x2  }
0x1cb: {  	s0 =	rddreg [dreg:$0x0];
	s2 =	stileid.u32  }
0x1cc: {  	s1 =	rddreg [dreg:$0x1];
	p0 =	sne.s32 s2, $0x0  }
0x1cd: {  	s3 =	rddreg [dreg:$0x2];
	[bflag:$0x3] =	sbarrier.arrive $0xFFFF;
	s2 =	simm.s32 @!p0 $0x1C09  }
0x1ce: {  	[timem:s3], [sflag:s2] =	dma.local @!p0 [hbm:s0], s1  }
0x1cf: {  	s0 =	simm.s32 @!p0 $0x9  }
0x1d0: {  	_ =	swait.ge @!p0 [sflag:s0], s1  }
0x1d1: {  	s1 =	ssub.s32 @!p0 $0x0, s1;
	[sflag:s0] =	ssyncset.done @!p0 $0x0  }
0x1d2: {  	[sflag:s0] =	ssyncadd.s32 @!p0 s1  }
0x1d3: {  	[bflag:$0x3] =	sbarrier.arrive $0xFFFF  }
0x1d4: {  	_ =	shalt  }

</sc_bundles>
